<compile_context>
chip_gen: v7x
topology: tpu7x:2x2x1
jax: 0.10.2.dev20260603
libtpu: 0.0.44.dev20260713+nightly
codegen_flags: <defaults>
</compile_context>

<pallas_src>
import dataclasses
import functools

import jax
import jax.numpy as jnp
from jax import lax
from jax.experimental import pallas as pl
from jax.experimental.pallas import tpu as pltpu
from jax.experimental.pallas import tpu_sc as plsc

N_NODES = 10000
N_EDGES = 320000
NINP = 128
NOUT = 128
K = 4

NC = 2
NS = 16
NW = NC * NS
L = 16

E_PAD = 327680
EB = 32
BLK_PER_CHUNK = 32
NCHUNK = E_PAD // (NW * EB * BLK_PER_CHUNK)
NPAIR = BLK_PER_CHUNK // 2
ZSTRIPE = 640
ZCHUNK = 40



def _matmul_body(x_ref, w_ref, o_ref):
    o_ref[...] = jnp.dot(x_ref[...], w_ref[...],
                         preferred_element_type=jnp.float32)


def _matmul(x, w, block_rows=2000):
    m, k = x.shape
    _, n = w.shape
    return pl.pallas_call(
        _matmul_body,
        grid=(m // block_rows,),
        in_specs=[
            pl.BlockSpec((block_rows, k), lambda i: (i, 0)),
            pl.BlockSpec((k, n), lambda i: (0, 0)),
        ],
        out_specs=pl.BlockSpec((block_rows, n), lambda i: (i, 0)),
        out_shape=jax.ShapeDtypeStruct((m, n), jnp.float32),
    )(x, w)


def _addrelu_body(a_ref, b_ref, o_ref):
    o_ref[...] = jnp.maximum(a_ref[...] + b_ref[...], 0.0)


def _addrelu(a, b, block_rows=2000):
    m, n = a.shape
    return pl.pallas_call(
        _addrelu_body,
        grid=(m // block_rows,),
        in_specs=[pl.BlockSpec((block_rows, n), lambda i: (i, 0)),
                  pl.BlockSpec((block_rows, n), lambda i: (i, 0))],
        out_specs=pl.BlockSpec((block_rows, n), lambda i: (i, 0)),
        out_shape=jax.ShapeDtypeStruct((m, n), jnp.float32),
    )(a, b)



def _sc_body(z_hbm, src_hbm, dst_hbm, sp0_hbm, sp1_hbm, sp2_hbm, sp3_hbm,
             zeros_hbm, out_hbm,
             src_s, dst_s, sp0_s, sp1_s, sp2_s, sp3_s,
             zr_a, zr_b, out_a, out_b, acc_sh, gs_a, gs_b, ss_a, ss_b):
    cid = lax.axis_index("c")
    sid = lax.axis_index("s")
    wid = cid * NS + sid
    sp_ss = (sp0_s, sp1_s, sp2_s, sp3_s)

    row_base = sid * ZSTRIPE
    nz = jnp.where(sid == NS - 1, (N_NODES - 15 * ZSTRIPE) // ZCHUNK,
                   ZSTRIPE // ZCHUNK)

    @pl.loop(0, nz)
    def _zero(t):
        row0 = pl.multiple_of(row_base + t * ZCHUNK, 8)
        pltpu.sync_copy(zeros_hbm, acc_sh.at[pl.ds(row0, ZCHUNK)])

    plsc.subcore_barrier()

    iota = lax.iota(jnp.int32, L)

    def _compute(zr, out_v, j):
        for g in range(EB // L):
            fo = j * EB + g * L
            sps = [sp_ss[i][fo // 128, pl.ds(fo % 128, L)] for i in range(K)]

            dnums = lax.GatherDimensionNumbers(
                offset_dims=(), collapsed_slice_dims=(0,),
                start_index_map=(0,))

            NE = 4

            @pl.loop(0, L, step=NE)
            def _edge(l0):
                spb = []
                es = []
                for dl in range(NE):
                    l = l0 + dl
                    lvec = jnp.full((L, 1), l, jnp.int32)
                    spb.append([lax.gather(
                        sps[i], lvec, dnums, (1,),
                        mode=lax.GatherScatterMode.PROMISE_IN_BOUNDS)
                        for i in range(K)])
                    es.append(g * L + l)
                for cb in range(NOUT // L):
                    zz = [[zr[es[d], pl.ds(i * NOUT + cb * L, L)]
                           for i in range(K)] for d in range(NE)]
                    accs = [((spb[d][0] * zz[d][0] + spb[d][1] * zz[d][1])
                             + (spb[d][2] * zz[d][2] + spb[d][3] * zz[d][3]))
                            for d in range(NE)]
                    for d in range(NE):
                        out_v[es[d], pl.ds(cb * L, L)] = accs[d]

    def _gslice(j):
        return src_s.at[j // 4, pl.ds((j % 4) * EB, EB)]

    def _swait(out_v, j, sem):
        pltpu.make_async_copy(out_v, acc_sh.at[dst_s.at[j]], sem).wait()

    @pl.loop(0, NCHUNK)
    def _chunk(t):
        @pl.when(t > 0)
        def _():
            _swait(out_a, 0, ss_a)
            _swait(out_b, 1, ss_b)

        cflat = wid * (NCHUNK * BLK_PER_CHUNK) + t * BLK_PER_CHUNK
        sl8 = pl.ds(pl.multiple_of(cflat // 4, 8), 8)
        sl32 = pl.ds(pl.multiple_of(cflat, 8), BLK_PER_CHUNK)
        pltpu.sync_copy(src_hbm.at[sl8], src_s)
        pltpu.sync_copy(dst_hbm.at[sl32], dst_s)
        pltpu.sync_copy(sp0_hbm.at[sl8], sp0_s)
        pltpu.sync_copy(sp1_hbm.at[sl8], sp1_s)
        pltpu.sync_copy(sp2_hbm.at[sl8], sp2_s)
        pltpu.sync_copy(sp3_hbm.at[sl8], sp3_s)

        pltpu.async_copy(z_hbm.at[_gslice(0)], zr_a, gs_a)

        @pl.loop(0, NPAIR)
        def _pair(u):
            ja = 2 * u
            jb = 2 * u + 1
            pltpu.async_copy(z_hbm.at[_gslice(jb)], zr_b, gs_b)
            pltpu.make_async_copy(z_hbm.at[_gslice(ja)], zr_a, gs_a).wait()

            @pl.when(u > 0)
            def _():
                _swait(out_a, ja, ss_a)

            _compute(zr_a, out_a, ja)
            pltpu.async_copy(out_a, acc_sh.at[dst_s.at[ja]], ss_a, add=True)

            @pl.when(u < NPAIR - 1)
            def _():
                pltpu.async_copy(z_hbm.at[_gslice(ja + 2)], zr_a, gs_a)

            pltpu.make_async_copy(z_hbm.at[_gslice(jb)], zr_b, gs_b).wait()

            @pl.when(u > 0)
            def _():
                _swait(out_b, jb, ss_b)

            _compute(zr_b, out_b, jb)
            pltpu.async_copy(out_b, acc_sh.at[dst_s.at[jb]], ss_b, add=True)

    _swait(out_a, 0, ss_a)
    _swait(out_b, 1, ss_b)

    plsc.subcore_barrier()

    @pl.loop(0, nz)
    def _drain(t):
        row0 = pl.multiple_of(row_base + t * ZCHUNK, 8)
        pltpu.sync_copy(acc_sh.at[pl.ds(row0, ZCHUNK)],
                        out_hbm.at[cid, pl.ds(row0, ZCHUNK)])


def _sc_scatter(z, src2, dst2, sps2, zeros):
    mesh = plsc.VectorSubcoreMesh(core_axis_name="c", subcore_axis_name="s")
    cp = pltpu.CompilerParams()
    if "needs_layout_passes" in pltpu.CompilerParams.__dataclass_fields__:
        cp = dataclasses.replace(cp, needs_layout_passes=False)
    kern = pl.kernel(
        _sc_body,
        mesh=mesh,
        compiler_params=cp,
        out_type=jax.ShapeDtypeStruct((NC, N_NODES, NOUT), jnp.float32),
        scratch_types=[
            pltpu.VMEM((8, 128), jnp.int32),
            pltpu.VMEM((BLK_PER_CHUNK, EB), jnp.int32),
            pltpu.VMEM((8, 128), jnp.float32),
            pltpu.VMEM((8, 128), jnp.float32),
            pltpu.VMEM((8, 128), jnp.float32),
            pltpu.VMEM((8, 128), jnp.float32),
            pltpu.VMEM((EB, K * NOUT), jnp.float32),
            pltpu.VMEM((EB, K * NOUT), jnp.float32),
            pltpu.VMEM((EB, NOUT), jnp.float32),
            pltpu.VMEM((EB, NOUT), jnp.float32),
            pltpu.VMEM_SHARED((N_NODES, NOUT), jnp.float32),
            pltpu.SemaphoreType.DMA,
            pltpu.SemaphoreType.DMA,
            pltpu.SemaphoreType.DMA,
            pltpu.SemaphoreType.DMA,
        ],
    )
    return kern(z, src2, dst2, *sps2, zeros)


def kernel(x, edge_index, SP, W):
    src = edge_index[0]
    dst = edge_index[1]
    wcat = jnp.transpose(W, (1, 0, 2)).reshape(NINP, K * NOUT)
    z = _matmul(x, wcat)
    pad = E_PAD - N_EDGES
    src2 = jnp.concatenate([src, jnp.zeros((pad,), src.dtype)]
                           ).reshape(-1, 128)
    dst2 = jnp.concatenate([dst, jnp.zeros((pad,), dst.dtype)]
                           ).reshape(-1, EB)
    sp_pad = jnp.concatenate([SP, jnp.zeros((pad, K), SP.dtype)], axis=0)
    sps2 = [sp_pad[:, i].reshape(-1, 128) for i in range(K)]
    zeros = jnp.zeros((ZCHUNK, NOUT), jnp.float32)
    partial = _sc_scatter(z, src2, dst2, sps2, zeros)
    return _addrelu(partial[0], partial[1])

# --- scband reference (transcript-rebuilt; emitter-appended) ---
"""Pipeline reference for scband-gmnlayer-84112639525110 (READ-ONLY COPY).

The authoritative reference and input builder live on the scoring server;
editing this copy changes nothing except your own understanding.
"""

import jax, jax.numpy as jnp
import numpy as np
import math

N_NODES = 10000
N_EDGES = 320000
NINP = 128
NOUT1 = 128
K = 4  # nedgeinput; learnedge=False => nedgeoutput = nedgeinput = K supports, selfconn=False


def setup_inputs(seed: int = 0) -> dict:
    key = jax.random.key(seed)
    k1, k2, k3, k4 = jax.random.split(key, 4)
    x = jax.random.normal(k1, (N_NODES, NINP), dtype=jnp.float32)
    edge_index = jax.random.randint(k2, (2, N_EDGES), 0, N_NODES)
    SP = jax.random.normal(k3, (N_EDGES, K), dtype=jnp.float32)
    # SpectConv weight [K, in_channels, out_channels], glorot uniform init, bias=False
    stdv = math.sqrt(6.0 / (NINP + NOUT1))
    W = jax.random.uniform(k4, (K, NINP, NOUT1), dtype=jnp.float32, minval=-stdv, maxval=stdv)
    return {"x": x, "edge_index": edge_index, "SP": SP, "W": W}


def reference(x, edge_index, SP, W):
    # GMNLayer with learnedge=False, nout2=0:
    # out = relu(SpectConv(x, edge_index, SP))
    # SpectConv (selfconn=False, bias=False, aggr='add'):
    #   out = sum_i segment_sum(SP[:, i] * x[src], dst) @ W[i]
    src = edge_index[0]
    dst = edge_index[1]
    x_j = jnp.take(x, src, axis=0)  # gather source node features per edge
    out = jnp.zeros((x.shape[0], W.shape[2]), dtype=x.dtype)
    for i in range(W.shape[0]):
        msg = SP[:, i:i + 1] * x_j                      # norm.view(-1,1) * x_j
        h = jax.ops.segment_sum(msg, dst, num_segments=x.shape[0])  # scatter-add to dst
        out = out + jnp.matmul(h, W[i])
    return jax.nn.relu(out)

if __name__ == "__main__":
    import jax
    _d = setup_inputs()
    print(jax.jit(kernel)(*tuple(_d.values())))

</pallas_src>

<mosaic_0001>
#map = affine_map<(d0, d1) -> (0, 0)>
#map1 = affine_map<(d0, d1) -> (0, 0, 0)>
module attributes {stable_mosaic.version = 14 : i64} {
  func.func @_sc_body(%arg0: i32, %arg1: i32, %arg2: memref<10000x512xf32, #tpu.memory_space<hbm>>, %arg3: memref<2560x128xi32, #tpu.memory_space<hbm>>, %arg4: memref<10240x32xi32, #tpu.memory_space<hbm>>, %arg5: memref<2560x128xf32, #tpu.memory_space<hbm>>, %arg6: memref<2560x128xf32, #tpu.memory_space<hbm>>, %arg7: memref<2560x128xf32, #tpu.memory_space<hbm>>, %arg8: memref<2560x128xf32, #tpu.memory_space<hbm>>, %arg9: memref<40x128xf32, #tpu.memory_space<hbm>>, %arg10: memref<2x10000x128xf32, #tpu.memory_space<hbm>>, %arg11: memref<8x128xi32, #tpu.memory_space<vmem>>, %arg12: memref<32x32xi32, #tpu.memory_space<vmem>>, %arg13: memref<8x128xf32, #tpu.memory_space<vmem>>, %arg14: memref<8x128xf32, #tpu.memory_space<vmem>>, %arg15: memref<8x128xf32, #tpu.memory_space<vmem>>, %arg16: memref<8x128xf32, #tpu.memory_space<vmem>>, %arg17: memref<32x512xf32, #tpu.memory_space<vmem>>, %arg18: memref<32x512xf32, #tpu.memory_space<vmem>>, %arg19: memref<32x128xf32, #tpu.memory_space<vmem>>, %arg20: memref<32x128xf32, #tpu.memory_space<vmem>>, %arg21: memref<10000x128xf32, #tpu.memory_space<vmem_shared>>, %arg22: memref<!tpu.dma_semaphore, #tpu.memory_space<semaphore_mem>>, %arg23: memref<!tpu.dma_semaphore, #tpu.memory_space<semaphore_mem>>, %arg24: memref<!tpu.dma_semaphore, #tpu.memory_space<semaphore_mem>>, %arg25: memref<!tpu.dma_semaphore, #tpu.memory_space<semaphore_mem>>) attributes {dimension_semantics = [#tpu.dimension_semantics<core_parallel>, #tpu.dimension_semantics<subcore_parallel>], iteration_bounds = array<i64: 2, 16>, scalar_prefetch = 0 : i64, scratch_operands = 15 : i64, tpu.core_type = #tpu.core_type<sc_vector_subcore>, window_params = [{transform_indices = #map}, {transform_indices = #map}, {transform_indices = #map}, {transform_indices = #map}, {transform_indices = #map}, {transform_indices = #map}, {transform_indices = #map}, {transform_indices = #map}, {transform_indices = #map1}]} {
    %mul3A = arith.constant 16 : i32
    %mul3A_0 = arith.muli %arg0, %mul3A : i32
    %add3A = arith.addi %mul3A_0, %arg1 : i32
    %mul3A_1 = arith.constant 640 : i32
    %mul3A_2 = arith.muli %arg1, %mul3A_1 : i32
    %eq3A = arith.constant 15 : i32
    %eq3A_3 = arith.cmpi eq, %arg1, %eq3A : i32
    %jit3A = arith.constant 10 : i32
    %jit3A_4 = arith.constant 16 : i32
    %select_n3A = arith.select %eq3A_3, %jit3A, %jit3A_4 : i32
    %sub3A = arith.constant 0 : i32
    %sub3A_5 = arith.subi %select_n3A, %sub3A : i32
    %sub3A_6 = arith.constant 1 : i32
    %sub3A_7 = arith.constant 1 : i32
    %sub3A_8 = arith.subi %sub3A_6, %sub3A_7 : i32
    %add3A_9 = arith.addi %sub3A_5, %sub3A_8 : i32
    %div3A = arith.constant 1 : i32
    %div3A_10 = arith.divsi %add3A_9, %div3A : i32
    %while3A = arith.constant 1 : i32
    %while3A_11 = arith.constant 0 : i32
    %while3A_12 = arith.constant 0 : i32
    %while3A_13 = arith.subi %div3A_10, %while3A_12 : i32
    %while3A_14 = arith.addi %while3A_12, %while3A_13 : i32
    %while3A_15 = arith.constant 1 : i32
    %while3A_16 = arith.divsi %while3A_13, %while3A_15 : i32
    %while3A_17 = arith.muli %while3A_16, %while3A_15 : i32
    %while3A_18 = arith.addi %while3A_12, %while3A_17 : i32
    %while3A_19 = arith.constant 1 : i32
    scf.for %while3A_58 = %while3A_12 to %while3A_18 step %while3A_19  : i32 {
      %mul3A_59 = arith.muli %while3A_58, %while3A : i32
      %add3A_60 = arith.addi %while3A_11, %mul3A_59 : i32
      %mul3A_61 = arith.constant 40 : i32
      %mul3A_62 = arith.muli %add3A_60, %mul3A_61 : i32
      %add3A_63 = arith.addi %mul3A_2, %mul3A_62 : i32
      %multiple_of3A = tpu.assume_multiple %add3A_63, 8 : i32
      "tpu.region"() ({
        %run_scoped3A = tpu.sem_alloc : memref<!tpu.dma_semaphore, #tpu.memory_space<semaphore_mem>>
        %dma_start3A = arith.constant 0 : i32
        %dma_start3A_64 = tpu.memref_slice %arg21[%multiple_of3A, %dma_start3A] : memref<10000x128xf32, #tpu.memory_space<vmem_shared>> -> memref<40x128xf32, #tpu.memory_space<vmem_shared>>
        tpu.enqueue_dma source(%arg9 : memref<40x128xf32, #tpu.memory_space<hbm>>) target(%dma_start3A_64 : memref<40x128xf32, #tpu.memory_space<vmem_shared>>) target_semaphore(%run_scoped3A : memref<!tpu.dma_semaphore, #tpu.memory_space<semaphore_mem>>)
        %dma_wait3A_65 = arith.constant 0 : i32
        %dma_wait3A_66 = tpu.memref_slice %arg21[%multiple_of3A, %dma_wait3A_65] : memref<10000x128xf32, #tpu.memory_space<vmem_shared>> -> memref<40x128xf32, #tpu.memory_space<vmem_shared>>
        tpu.wait_dma2 semaphore(%run_scoped3A : memref<!tpu.dma_semaphore, #tpu.memory_space<semaphore_mem>>) src(%arg9 : memref<40x128xf32, #tpu.memory_space<hbm>>) dst(%dma_wait3A_66 : memref<40x128xf32, #tpu.memory_space<vmem_shared>>)
        tpu.yield
      }) : () -> ()
    }
    %while3A_20 = arith.constant 1 : i32
    scf.for %while3A_58 = %while3A_18 to %while3A_14 step %while3A_20  : i32 {
      %mul3A_59 = arith.muli %while3A_58, %while3A : i32
      %add3A_60 = arith.addi %while3A_11, %mul3A_59 : i32
      %mul3A_61 = arith.constant 40 : i32
      %mul3A_62 = arith.muli %add3A_60, %mul3A_61 : i32
      %add3A_63 = arith.addi %mul3A_2, %mul3A_62 : i32
      %multiple_of3A = tpu.assume_multiple %add3A_63, 8 : i32
      "tpu.region"() ({
        %run_scoped3A = tpu.sem_alloc : memref<!tpu.dma_semaphore, #tpu.memory_space<semaphore_mem>>
        %dma_start3A = arith.constant 0 : i32
        %dma_start3A_64 = tpu.memref_slice %arg21[%multiple_of3A, %dma_start3A] : memref<10000x128xf32, #tpu.memory_space<vmem_shared>> -> memref<40x128xf32, #tpu.memory_space<vmem_shared>>
        tpu.enqueue_dma source(%arg9 : memref<40x128xf32, #tpu.memory_space<hbm>>) target(%dma_start3A_64 : memref<40x128xf32, #tpu.memory_space<vmem_shared>>) target_semaphore(%run_scoped3A : memref<!tpu.dma_semaphore, #tpu.memory_space<semaphore_mem>>)
        %dma_wait3A_65 = arith.constant 0 : i32
        %dma_wait3A_66 = tpu.memref_slice %arg21[%multiple_of3A, %dma_wait3A_65] : memref<10000x128xf32, #tpu.memory_space<vmem_shared>> -> memref<40x128xf32, #tpu.memory_space<vmem_shared>>
        tpu.wait_dma2 semaphore(%run_scoped3A : memref<!tpu.dma_semaphore, #tpu.memory_space<semaphore_mem>>) src(%arg9 : memref<40x128xf32, #tpu.memory_space<hbm>>) dst(%dma_wait3A_66 : memref<40x128xf32, #tpu.memory_space<vmem_shared>>)
        tpu.yield
      }) : () -> ()
    }
    %barrier3A = arith.constant 0 : index
    tpu.barrier barrier_id(%barrier3A)
    %iota3A = tpu.iota {dimensions = array<i32: 0>} : vector<16xi32>
    %scan3A = arith.constant 0 : i32
    %scan3A_21 = arith.constant 10 : i32
    %scan3A_22 = arith.addi %scan3A, %scan3A_21 : i32
    %scan3A_23 = arith.constant 1 : i32
    scf.for %scan3A_58 = %scan3A to %scan3A_22 step %scan3A_23  : i32 {
      %mul3A_59 = arith.constant 1 : i32
      %mul3A_60 = arith.muli %scan3A_58, %mul3A_59 : i32
      %add3A_61 = arith.constant 0 : i32
      %add3A_62 = arith.addi %add3A_61, %mul3A_60 : i32
      %gt3A = arith.constant 0 : i32
      %gt3A_63 = arith.cmpi sgt, %add3A_62, %gt3A : i32
      %convert_element_type3A = arith.extui %gt3A_63 : i1 to i32
      %cond3A = arith.constant 0 : i32
      %cond3A_64 = arith.cmpi ne, %convert_element_type3A, %cond3A : i32
      scf.if %cond3A_64 {
        %dma_wait3A_102 = arith.constant 0 : i32
        %dma_wait3A_103 = arith.constant 0 : i32
        %dma_wait3A_104 = tpu.memref_slice %arg12[%dma_wait3A_102, %dma_wait3A_103] : memref<32x32xi32, #tpu.memory_space<vmem>> -> memref<1x32xi32, #tpu.memory_space<vmem>>
        %dma_wait3A_105 = tpu.memref_squeeze %dma_wait3A_104 : memref<1x32xi32, #tpu.memory_space<vmem>> -> memref<32xi32, #tpu.memory_space<vmem>>
        %dma_wait3A_106 = arith.constant 0 : i32
        %dma_wait3A_107 = arith.constant 0 : i32
        %dma_wait3A_108 = tpu.memref_slice %arg21[%dma_wait3A_106, %dma_wait3A_107] : memref<10000x128xf32, #tpu.memory_space<vmem_shared>> -> memref<10000x128xf32, #tpu.memory_space<vmem_shared>>
        tpu.wait_indirect_dma semaphore(%arg24 : memref<!tpu.dma_semaphore, #tpu.memory_space<semaphore_mem>>) src(%arg19 : memref<32x128xf32, #tpu.memory_space<vmem>>) dst(%dma_wait3A_108 : memref<10000x128xf32, #tpu.memory_space<vmem_shared>>)
        %dma_wait3A_109 = arith.constant 1 : i32
        %dma_wait3A_110 = arith.constant 0 : i32
        %dma_wait3A_111 = tpu.memref_slice %arg12[%dma_wait3A_109, %dma_wait3A_110] : memref<32x32xi32, #tpu.memory_space<vmem>> -> memref<1x32xi32, #tpu.memory_space<vmem>>
        %dma_wait3A_112 = tpu.memref_squeeze %dma_wait3A_111 : memref<1x32xi32, #tpu.memory_space<vmem>> -> memref<32xi32, #tpu.memory_space<vmem>>
        %dma_wait3A_113 = arith.constant 0 : i32
        %dma_wait3A_114 = arith.constant 0 : i32
        %dma_wait3A_115 = tpu.memref_slice %arg21[%dma_wait3A_113, %dma_wait3A_114] : memref<10000x128xf32, #tpu.memory_space<vmem_shared>> -> memref<10000x128xf32, #tpu.memory_space<vmem_shared>>
        tpu.wait_indirect_dma semaphore(%arg25 : memref<!tpu.dma_semaphore, #tpu.memory_space<semaphore_mem>>) src(%arg20 : memref<32x128xf32, #tpu.memory_space<vmem>>) dst(%dma_wait3A_115 : memref<10000x128xf32, #tpu.memory_space<vmem_shared>>)
      } else {
      }
      %mul3A_65 = arith.constant 320 : i32
      %mul3A_66 = arith.muli %add3A, %mul3A_65 : i32
      %mul3A_67 = arith.constant 32 : i32
      %mul3A_68 = arith.muli %add3A_62, %mul3A_67 : i32
      %add3A_69 = arith.addi %mul3A_66, %mul3A_68 : i32
      %jit3A_70 = arith.constant 4 : i32
      %div3A_71 = arith.divsi %add3A_69, %jit3A_70 : i32
      %sign3A = arith.constant 0 : i32
      %sign3A_72 = arith.cmpi sgt, %add3A_69, %sign3A : i32
      %sign3A_73 = arith.extui %sign3A_72 : i1 to i32
      %sign3A_74 = arith.constant 0 : i32
      %sign3A_75 = arith.cmpi slt, %add3A_69, %sign3A_74 : i32
      %sign3A_76 = arith.extui %sign3A_75 : i1 to i32
      %sign3A_77 = arith.subi %sign3A_73, %sign3A_76 : i32
      %sign3A_78 = arith.constant 0 : i32
      %sign3A_79 = arith.cmpi sgt, %jit3A_70, %sign3A_78 : i32
      %sign3A_80 = arith.extui %sign3A_79 : i1 to i32
      %sign3A_81 = arith.constant 0 : i32
      %sign3A_82 = arith.cmpi slt, %jit3A_70, %sign3A_81 : i32
      %sign3A_83 = arith.extui %sign3A_82 : i1 to i32
      %sign3A_84 = arith.subi %sign3A_80, %sign3A_83 : i32
      %ne3A = arith.cmpi ne, %sign3A_77, %sign3A_84 : i32
      %rem3A = arith.remsi %add3A_69, %jit3A_70 : i32
      %ne3A_85 = arith.constant 0 : i32
      %ne3A_86 = arith.cmpi ne, %rem3A, %ne3A_85 : i32
      %and3A = arith.andi %ne3A, %ne3A_86 : i1
      %sub3A_87 = arith.constant 1 : i32
      %sub3A_88 = arith.subi %div3A_71, %sub3A_87 : i32
      %select_n3A_89 = arith.select %and3A, %sub3A_88, %div3A_71 : i32
      %multiple_of3A = tpu.assume_multiple %select_n3A_89, 8 : i32
      %multiple_of3A_90 = tpu.assume_multiple %add3A_69, 8 : i32
      "tpu.region"() ({
        %run_scoped3A = tpu.sem_alloc : memref<!tpu.dma_semaphore, #tpu.memory_space<semaphore_mem>>
        %dma_start3A_102 = arith.constant 0 : i32
        %dma_start3A_103 = tpu.memref_slice %arg3[%multiple_of3A, %dma_start3A_102] : memref<2560x128xi32, #tpu.memory_space<hbm>> -> memref<8x128xi32, #tpu.memory_space<hbm>>
        %dma_start3A_104 = arith.constant 0 : i32
        %dma_start3A_105 = tpu.memref_slice %arg3[%multiple_of3A, %dma_start3A_104] : memref<2560x128xi32, #tpu.memory_space<hbm>> -> memref<8x128xi32, #tpu.memory_space<hbm>>
        tpu.enqueue_dma source(%dma_start3A_105 : memref<8x128xi32, #tpu.memory_space<hbm>>) target(%arg11 : memref<8x128xi32, #tpu.memory_space<vmem>>) target_semaphore(%run_scoped3A : memref<!tpu.dma_semaphore, #tpu.memory_space<semaphore_mem>>)
        %dma_wait3A_106 = arith.constant 0 : i32
        %dma_wait3A_107 = tpu.memref_slice %arg3[%multiple_of3A, %dma_wait3A_106] : memref<2560x128xi32, #tpu.memory_space<hbm>> -> memref<8x128xi32, #tpu.memory_space<hbm>>
        %dma_wait3A_108 = arith.constant 0 : i32
        %dma_wait3A_109 = tpu.memref_slice %arg3[%multiple_of3A, %dma_wait3A_108] : memref<2560x128xi32, #tpu.memory_space<hbm>> -> memref<8x128xi32, #tpu.memory_space<hbm>>
        tpu.wait_dma2 semaphore(%run_scoped3A : memref<!tpu.dma_semaphore, #tpu.memory_space<semaphore_mem>>) src(%dma_wait3A_109 : memref<8x128xi32, #tpu.memory_space<hbm>>) dst(%arg11 : memref<8x128xi32, #tpu.memory_space<vmem>>)
        tpu.yield
      }) : () -> ()
      "tpu.region"() ({
        %run_scoped3A = tpu.sem_alloc : memref<!tpu.dma_semaphore, #tpu.memory_space<semaphore_mem>>
        %dma_start3A_102 = arith.constant 0 : i32
        %dma_start3A_103 = tpu.memref_slice %arg4[%multiple_of3A_90, %dma_start3A_102] : memref<10240x32xi32, #tpu.memory_space<hbm>> -> memref<32x32xi32, #tpu.memory_space<hbm>>
        %dma_start3A_104 = arith.constant 0 : i32
        %dma_start3A_105 = tpu.memref_slice %arg4[%multiple_of3A_90, %dma_start3A_104] : memref<10240x32xi32, #tpu.memory_space<hbm>> -> memref<32x32xi32, #tpu.memory_space<hbm>>
        tpu.enqueue_dma source(%dma_start3A_105 : memref<32x32xi32, #tpu.memory_space<hbm>>) target(%arg12 : memref<32x32xi32, #tpu.memory_space<vmem>>) target_semaphore(%run_scoped3A : memref<!tpu.dma_semaphore, #tpu.memory_space<semaphore_mem>>)
        %dma_wait3A_106 = arith.constant 0 : i32
        %dma_wait3A_107 = tpu.memref_slice %arg4[%multiple_of3A_90, %dma_wait3A_106] : memref<10240x32xi32, #tpu.memory_space<hbm>> -> memref<32x32xi32, #tpu.memory_space<hbm>>
        %dma_wait3A_108 = arith.constant 0 : i32
        %dma_wait3A_109 = tpu.memref_slice %arg4[%multiple_of3A_90, %dma_wait3A_108] : memref<10240x32xi32, #tpu.memory_space<hbm>> -> memref<32x32xi32, #tpu.memory_space<hbm>>
        tpu.wait_dma2 semaphore(%run_scoped3A : memref<!tpu.dma_semaphore, #tpu.memory_space<semaphore_mem>>) src(%dma_wait3A_109 : memref<32x32xi32, #tpu.memory_space<hbm>>) dst(%arg12 : memref<32x32xi32, #tpu.memory_space<vmem>>)
        tpu.yield
      }) : () -> ()
      "tpu.region"() ({
        %run_scoped3A = tpu.sem_alloc : memref<!tpu.dma_semaphore, #tpu.memory_space<semaphore_mem>>
        %dma_start3A_102 = arith.constant 0 : i32
        %dma_start3A_103 = tpu.memref_slice %arg5[%multiple_of3A, %dma_start3A_102] : memref<2560x128xf32, #tpu.memory_space<hbm>> -> memref<8x128xf32, #tpu.memory_space<hbm>>
        %dma_start3A_104 = arith.constant 0 : i32
        %dma_start3A_105 = tpu.memref_slice %arg5[%multiple_of3A, %dma_start3A_104] : memref<2560x128xf32, #tpu.memory_space<hbm>> -> memref<8x128xf32, #tpu.memory_space<hbm>>
        tpu.enqueue_dma source(%dma_start3A_105 : memref<8x128xf32, #tpu.memory_space<hbm>>) target(%arg13 : memref<8x128xf32, #tpu.memory_space<vmem>>) target_semaphore(%run_scoped3A : memref<!tpu.dma_semaphore, #tpu.memory_space<semaphore_mem>>)
        %dma_wait3A_106 = arith.constant 0 : i32
        %dma_wait3A_107 = tpu.memref_slice %arg5[%multiple_of3A, %dma_wait3A_106] : memref<2560x128xf32, #tpu.memory_space<hbm>> -> memref<8x128xf32, #tpu.memory_space<hbm>>
        %dma_wait3A_108 = arith.constant 0 : i32
        %dma_wait3A_109 = tpu.memref_slice %arg5[%multiple_of3A, %dma_wait3A_108] : memref<2560x128xf32, #tpu.memory_space<hbm>> -> memref<8x128xf32, #tpu.memory_space<hbm>>
        tpu.wait_dma2 semaphore(%run_scoped3A : memref<!tpu.dma_semaphore, #tpu.memory_space<semaphore_mem>>) src(%dma_wait3A_109 : memref<8x128xf32, #tpu.memory_space<hbm>>) dst(%arg13 : memref<8x128xf32, #tpu.memory_space<vmem>>)
        tpu.yield
      }) : () -> ()
      "tpu.region"() ({
        %run_scoped3A = tpu.sem_alloc : memref<!tpu.dma_semaphore, #tpu.memory_space<semaphore_mem>>
        %dma_start3A_102 = arith.constant 0 : i32
        %dma_start3A_103 = tpu.memref_slice %arg6[%multiple_of3A, %dma_start3A_102] : memref<2560x128xf32, #tpu.memory_space<hbm>> -> memref<8x128xf32, #tpu.memory_space<hbm>>
        %dma_start3A_104 = arith.constant 0 : i32
        %dma_start3A_105 = tpu.memref_slice %arg6[%multiple_of3A, %dma_start3A_104] : memref<2560x128xf32, #tpu.memory_space<hbm>> -> memref<8x128xf32, #tpu.memory_space<hbm>>
        tpu.enqueue_dma source(%dma_start3A_105 : memref<8x128xf32, #tpu.memory_space<hbm>>) target(%arg14 : memref<8x128xf32, #tpu.memory_space<vmem>>) target_semaphore(%run_scoped3A : memref<!tpu.dma_semaphore, #tpu.memory_space<semaphore_mem>>)
        %dma_wait3A_106 = arith.constant 0 : i32
        %dma_wait3A_107 = tpu.memref_slice %arg6[%multiple_of3A, %dma_wait3A_106] : memref<2560x128xf32, #tpu.memory_space<hbm>> -> memref<8x128xf32, #tpu.memory_space<hbm>>
        %dma_wait3A_108 = arith.constant 0 : i32
        %dma_wait3A_109 = tpu.memref_slice %arg6[%multiple_of3A, %dma_wait3A_108] : memref<2560x128xf32, #tpu.memory_space<hbm>> -> memref<8x128xf32, #tpu.memory_space<hbm>>
        tpu.wait_dma2 semaphore(%run_scoped3A : memref<!tpu.dma_semaphore, #tpu.memory_space<semaphore_mem>>) src(%dma_wait3A_109 : memref<8x128xf32, #tpu.memory_space<hbm>>) dst(%arg14 : memref<8x128xf32, #tpu.memory_space<vmem>>)
        tpu.yield
      }) : () -> ()
      "tpu.region"() ({
        %run_scoped3A = tpu.sem_alloc : memref<!tpu.dma_semaphore, #tpu.memory_space<semaphore_mem>>
        %dma_start3A_102 = arith.constant 0 : i32
        %dma_start3A_103 = tpu.memref_slice %arg7[%multiple_of3A, %dma_start3A_102] : memref<2560x128xf32, #tpu.memory_space<hbm>> -> memref<8x128xf32, #tpu.memory_space<hbm>>
        %dma_start3A_104 = arith.constant 0 : i32
        %dma_start3A_105 = tpu.memref_slice %arg7[%multiple_of3A, %dma_start3A_104] : memref<2560x128xf32, #tpu.memory_space<hbm>> -> memref<8x128xf32, #tpu.memory_space<hbm>>
        tpu.enqueue_dma source(%dma_start3A_105 : memref<8x128xf32, #tpu.memory_space<hbm>>) target(%arg15 : memref<8x128xf32, #tpu.memory_space<vmem>>) target_semaphore(%run_scoped3A : memref<!tpu.dma_semaphore, #tpu.memory_space<semaphore_mem>>)
        %dma_wait3A_106 = arith.constant 0 : i32
        %dma_wait3A_107 = tpu.memref_slice %arg7[%multiple_of3A, %dma_wait3A_106] : memref<2560x128xf32, #tpu.memory_space<hbm>> -> memref<8x128xf32, #tpu.memory_space<hbm>>
        %dma_wait3A_108 = arith.constant 0 : i32
        %dma_wait3A_109 = tpu.memref_slice %arg7[%multiple_of3A, %dma_wait3A_108] : memref<2560x128xf32, #tpu.memory_space<hbm>> -> memref<8x128xf32, #tpu.memory_space<hbm>>
        tpu.wait_dma2 semaphore(%run_scoped3A : memref<!tpu.dma_semaphore, #tpu.memory_space<semaphore_mem>>) src(%dma_wait3A_109 : memref<8x128xf32, #tpu.memory_space<hbm>>) dst(%arg15 : memref<8x128xf32, #tpu.memory_space<vmem>>)
        tpu.yield
      }) : () -> ()
      "tpu.region"() ({
        %run_scoped3A = tpu.sem_alloc : memref<!tpu.dma_semaphore, #tpu.memory_space<semaphore_mem>>
        %dma_start3A_102 = arith.constant 0 : i32
        %dma_start3A_103 = tpu.memref_slice %arg8[%multiple_of3A, %dma_start3A_102] : memref<2560x128xf32, #tpu.memory_space<hbm>> -> memref<8x128xf32, #tpu.memory_space<hbm>>
        %dma_start3A_104 = arith.constant 0 : i32
        %dma_start3A_105 = tpu.memref_slice %arg8[%multiple_of3A, %dma_start3A_104] : memref<2560x128xf32, #tpu.memory_space<hbm>> -> memref<8x128xf32, #tpu.memory_space<hbm>>
        tpu.enqueue_dma source(%dma_start3A_105 : memref<8x128xf32, #tpu.memory_space<hbm>>) target(%arg16 : memref<8x128xf32, #tpu.memory_space<vmem>>) target_semaphore(%run_scoped3A : memref<!tpu.dma_semaphore, #tpu.memory_space<semaphore_mem>>)
        %dma_wait3A_106 = arith.constant 0 : i32
        %dma_wait3A_107 = tpu.memref_slice %arg8[%multiple_of3A, %dma_wait3A_106] : memref<2560x128xf32, #tpu.memory_space<hbm>> -> memref<8x128xf32, #tpu.memory_space<hbm>>
        %dma_wait3A_108 = arith.constant 0 : i32
        %dma_wait3A_109 = tpu.memref_slice %arg8[%multiple_of3A, %dma_wait3A_108] : memref<2560x128xf32, #tpu.memory_space<hbm>> -> memref<8x128xf32, #tpu.memory_space<hbm>>
        tpu.wait_dma2 semaphore(%run_scoped3A : memref<!tpu.dma_semaphore, #tpu.memory_space<semaphore_mem>>) src(%dma_wait3A_109 : memref<8x128xf32, #tpu.memory_space<hbm>>) dst(%arg16 : memref<8x128xf32, #tpu.memory_space<vmem>>)
        tpu.yield
      }) : () -> ()
      %dma_start3A = arith.constant 0 : i32
      %dma_start3A_91 = arith.constant 0 : i32
      %dma_start3A_92 = tpu.memref_slice %arg11[%dma_start3A, %dma_start3A_91] : memref<8x128xi32, #tpu.memory_space<vmem>> -> memref<1x32xi32, #tpu.memory_space<vmem>>
      %dma_start3A_93 = tpu.memref_squeeze %dma_start3A_92 : memref<1x32xi32, #tpu.memory_space<vmem>> -> memref<32xi32, #tpu.memory_space<vmem>>
      %dma_start3A_94 = arith.constant 0 : i32
      %dma_start3A_95 = arith.constant 0 : i32
      %dma_start3A_96 = tpu.memref_slice %arg2[%dma_start3A_94, %dma_start3A_95] : memref<10000x512xf32, #tpu.memory_space<hbm>> -> memref<10000x512xf32, #tpu.memory_space<hbm>>
      tpu.enqueue_indirect_dma source(%dma_start3A_96 : memref<10000x512xf32, #tpu.memory_space<hbm>>) target(%arg17 : memref<32x512xf32, #tpu.memory_space<vmem>>) offsets(%dma_start3A_93 : memref<32xi32, #tpu.memory_space<vmem>>) semaphore(%arg22 : memref<!tpu.dma_semaphore, #tpu.memory_space<semaphore_mem>>)
      %scan3A_97 = arith.constant 0 : i32
      %scan3A_98 = arith.constant 16 : i32
      %scan3A_99 = arith.addi %scan3A_97, %scan3A_98 : i32
      %scan3A_100 = arith.constant 1 : i32
      scf.for %scan3A_102 = %scan3A_97 to %scan3A_99 step %scan3A_100  : i32 {
        %mul3A_103 = arith.constant 1 : i32
        %mul3A_104 = arith.muli %scan3A_102, %mul3A_103 : i32
        %add3A_105 = arith.constant 0 : i32
        %add3A_106 = arith.addi %add3A_105, %mul3A_104 : i32
        %mul3A_107 = arith.constant 2 : i32
        %mul3A_108 = arith.muli %mul3A_107, %add3A_106 : i32
        %mul3A_109 = arith.constant 2 : i32
        %mul3A_110 = arith.muli %mul3A_109, %add3A_106 : i32
        %add3A_111 = arith.constant 1 : i32
        %add3A_112 = arith.addi %mul3A_110, %add3A_111 : i32
        %jit3A_113 = arith.constant 4 : i32
        %div3A_114 = arith.divsi %add3A_112, %jit3A_113 : i32
        %sign3A_115 = arith.constant 0 : i32
        %sign3A_116 = arith.cmpi sgt, %add3A_112, %sign3A_115 : i32
        %sign3A_117 = arith.extui %sign3A_116 : i1 to i32
        %sign3A_118 = arith.constant 0 : i32
        %sign3A_119 = arith.cmpi slt, %add3A_112, %sign3A_118 : i32
        %sign3A_120 = arith.extui %sign3A_119 : i1 to i32
        %sign3A_121 = arith.subi %sign3A_117, %sign3A_120 : i32
        %sign3A_122 = arith.constant 0 : i32
        %sign3A_123 = arith.cmpi sgt, %jit3A_113, %sign3A_122 : i32
        %sign3A_124 = arith.extui %sign3A_123 : i1 to i32
        %sign3A_125 = arith.constant 0 : i32
        %sign3A_126 = arith.cmpi slt, %jit3A_113, %sign3A_125 : i32
        %sign3A_127 = arith.extui %sign3A_126 : i1 to i32
        %sign3A_128 = arith.subi %sign3A_124, %sign3A_127 : i32
        %ne3A_129 = arith.cmpi ne, %sign3A_121, %sign3A_128 : i32
        %rem3A_130 = arith.remsi %add3A_112, %jit3A_113 : i32
        %ne3A_131 = arith.constant 0 : i32
        %ne3A_132 = arith.cmpi ne, %rem3A_130, %ne3A_131 : i32
        %and3A_133 = arith.andi %ne3A_129, %ne3A_132 : i1
        %sub3A_134 = arith.constant 1 : i32
        %sub3A_135 = arith.subi %div3A_114, %sub3A_134 : i32
        %select_n3A_136 = arith.select %and3A_133, %sub3A_135, %div3A_114 : i32
        %jit3A_137 = arith.constant 4 : i32
        %eq3A_138 = arith.constant 0 : i32
        %eq3A_139 = arith.cmpi eq, %jit3A_137, %eq3A_138 : i32
        %jit3A_140 = arith.constant 1 : i32
        %select_n3A_141 = arith.select %eq3A_139, %jit3A_140, %jit3A_137 : i32
        %rem3A_142 = arith.remsi %add3A_112, %select_n3A_141 : i32
        %ne3A_143 = arith.constant 0 : i32
        %ne3A_144 = arith.cmpi ne, %rem3A_142, %ne3A_143 : i32
        %lt3A = arith.constant 0 : i32
        %lt3A_145 = arith.cmpi slt, %rem3A_142, %lt3A : i32
        %lt3A_146 = arith.constant 0 : i32
        %lt3A_147 = arith.cmpi slt, %select_n3A_141, %lt3A_146 : i32
        %ne3A_148 = arith.xori %lt3A_145, %lt3A_147 : i1
        %and3A_149 = arith.andi %ne3A_148, %ne3A_144 : i1
        %add3A_150 = arith.addi %rem3A_142, %select_n3A_141 : i32
        %select_n3A_151 = arith.select %and3A_149, %add3A_150, %rem3A_142 : i32
        %mul3A_152 = arith.constant 32 : i32
        %mul3A_153 = arith.muli %select_n3A_151, %mul3A_152 : i32
        %dma_start3A_154 = tpu.memref_slice %arg11[%select_n3A_136, %mul3A_153] : memref<8x128xi32, #tpu.memory_space<vmem>> -> memref<1x32xi32, #tpu.memory_space<vmem>>
        %dma_start3A_155 = tpu.memref_squeeze %dma_start3A_154 : memref<1x32xi32, #tpu.memory_space<vmem>> -> memref<32xi32, #tpu.memory_space<vmem>>
        %dma_start3A_156 = arith.constant 0 : i32
        %dma_start3A_157 = arith.constant 0 : i32
        %dma_start3A_158 = tpu.memref_slice %arg2[%dma_start3A_156, %dma_start3A_157] : memref<10000x512xf32, #tpu.memory_space<hbm>> -> memref<10000x512xf32, #tpu.memory_space<hbm>>
        tpu.enqueue_indirect_dma source(%dma_start3A_158 : memref<10000x512xf32, #tpu.memory_space<hbm>>) target(%arg18 : memref<32x512xf32, #tpu.memory_space<vmem>>) offsets(%dma_start3A_155 : memref<32xi32, #tpu.memory_space<vmem>>) semaphore(%arg23 : memref<!tpu.dma_semaphore, #tpu.memory_space<semaphore_mem>>)
        %jit3A_159 = arith.constant 4 : i32
        %div3A_160 = arith.divsi %mul3A_108, %jit3A_159 : i32
        %sign3A_161 = arith.constant 0 : i32
        %sign3A_162 = arith.cmpi sgt, %mul3A_108, %sign3A_161 : i32
        %sign3A_163 = arith.extui %sign3A_162 : i1 to i32
        %sign3A_164 = arith.constant 0 : i32
        %sign3A_165 = arith.cmpi slt, %mul3A_108, %sign3A_164 : i32
        %sign3A_166 = arith.extui %sign3A_165 : i1 to i32
        %sign3A_167 = arith.subi %sign3A_163, %sign3A_166 : i32
        %sign3A_168 = arith.constant 0 : i32
        %sign3A_169 = arith.cmpi sgt, %jit3A_159, %sign3A_168 : i32
        %sign3A_170 = arith.extui %sign3A_169 : i1 to i32
        %sign3A_171 = arith.constant 0 : i32
        %sign3A_172 = arith.cmpi slt, %jit3A_159, %sign3A_171 : i32
        %sign3A_173 = arith.extui %sign3A_172 : i1 to i32
        %sign3A_174 = arith.subi %sign3A_170, %sign3A_173 : i32
        %ne3A_175 = arith.cmpi ne, %sign3A_167, %sign3A_174 : i32
        %rem3A_176 = arith.remsi %mul3A_108, %jit3A_159 : i32
        %ne3A_177 = arith.constant 0 : i32
        %ne3A_178 = arith.cmpi ne, %rem3A_176, %ne3A_177 : i32
        %and3A_179 = arith.andi %ne3A_175, %ne3A_178 : i1
        %sub3A_180 = arith.constant 1 : i32
        %sub3A_181 = arith.subi %div3A_160, %sub3A_180 : i32
        %select_n3A_182 = arith.select %and3A_179, %sub3A_181, %div3A_160 : i32
        %jit3A_183 = arith.constant 4 : i32
        %eq3A_184 = arith.constant 0 : i32
        %eq3A_185 = arith.cmpi eq, %jit3A_183, %eq3A_184 : i32
        %jit3A_186 = arith.constant 1 : i32
        %select_n3A_187 = arith.select %eq3A_185, %jit3A_186, %jit3A_183 : i32
        %rem3A_188 = arith.remsi %mul3A_108, %select_n3A_187 : i32
        %ne3A_189 = arith.constant 0 : i32
        %ne3A_190 = arith.cmpi ne, %rem3A_188, %ne3A_189 : i32
        %lt3A_191 = arith.constant 0 : i32
        %lt3A_192 = arith.cmpi slt, %rem3A_188, %lt3A_191 : i32
        %lt3A_193 = arith.constant 0 : i32
        %lt3A_194 = arith.cmpi slt, %select_n3A_187, %lt3A_193 : i32
        %ne3A_195 = arith.xori %lt3A_192, %lt3A_194 : i1
        %and3A_196 = arith.andi %ne3A_195, %ne3A_190 : i1
        %add3A_197 = arith.addi %rem3A_188, %select_n3A_187 : i32
        %select_n3A_198 = arith.select %and3A_196, %add3A_197, %rem3A_188 : i32
        %mul3A_199 = arith.constant 32 : i32
        %mul3A_200 = arith.muli %select_n3A_198, %mul3A_199 : i32
        %dma_wait3A_201 = tpu.memref_slice %arg11[%select_n3A_182, %mul3A_200] : memref<8x128xi32, #tpu.memory_space<vmem>> -> memref<1x32xi32, #tpu.memory_space<vmem>>
        %dma_wait3A_202 = tpu.memref_squeeze %dma_wait3A_201 : memref<1x32xi32, #tpu.memory_space<vmem>> -> memref<32xi32, #tpu.memory_space<vmem>>
        %dma_wait3A_203 = arith.constant 0 : i32
        %dma_wait3A_204 = arith.constant 0 : i32
        %dma_wait3A_205 = tpu.memref_slice %arg2[%dma_wait3A_203, %dma_wait3A_204] : memref<10000x512xf32, #tpu.memory_space<hbm>> -> memref<10000x512xf32, #tpu.memory_space<hbm>>
        tpu.wait_indirect_dma semaphore(%arg22 : memref<!tpu.dma_semaphore, #tpu.memory_space<semaphore_mem>>) src(%dma_wait3A_205 : memref<10000x512xf32, #tpu.memory_space<hbm>>) dst(%arg17 : memref<32x512xf32, #tpu.memory_space<vmem>>)
        %gt3A_206 = arith.constant 0 : i32
        %gt3A_207 = arith.cmpi sgt, %add3A_106, %gt3A_206 : i32
        %convert_element_type3A_208 = arith.extui %gt3A_207 : i1 to i32
        %cond3A_209 = arith.constant 0 : i32
        %cond3A_210 = arith.cmpi ne, %convert_element_type3A_208, %cond3A_209 : i32
        scf.if %cond3A_210 {
          %dma_wait3A_1003 = arith.constant 0 : i32
          %dma_wait3A_1004 = tpu.memref_slice %arg12[%mul3A_108, %dma_wait3A_1003] : memref<32x32xi32, #tpu.memory_space<vmem>> -> memref<1x32xi32, #tpu.memory_space<vmem>>
          %dma_wait3A_1005 = tpu.memref_squeeze %dma_wait3A_1004 : memref<1x32xi32, #tpu.memory_space<vmem>> -> memref<32xi32, #tpu.memory_space<vmem>>
          %dma_wait3A_1006 = arith.constant 0 : i32
          %dma_wait3A_1007 = arith.constant 0 : i32
          %dma_wait3A_1008 = tpu.memref_slice %arg21[%dma_wait3A_1006, %dma_wait3A_1007] : memref<10000x128xf32, #tpu.memory_space<vmem_shared>> -> memref<10000x128xf32, #tpu.memory_space<vmem_shared>>
          tpu.wait_indirect_dma semaphore(%arg24 : memref<!tpu.dma_semaphore, #tpu.memory_space<semaphore_mem>>) src(%arg19 : memref<32x128xf32, #tpu.memory_space<vmem>>) dst(%dma_wait3A_1008 : memref<10000x128xf32, #tpu.memory_space<vmem_shared>>)
        } else {
        }
        %mul3A_211 = arith.constant 32 : i32
        %mul3A_212 = arith.muli %mul3A_108, %mul3A_211 : i32
        %add3A_213 = arith.constant 0 : i32
        %add3A_214 = arith.addi %mul3A_212, %add3A_213 : i32
        %jit3A_215 = arith.constant 128 : i32
        %div3A_216 = arith.divsi %add3A_214, %jit3A_215 : i32
        %sign3A_217 = arith.constant 0 : i32
        %sign3A_218 = arith.cmpi sgt, %add3A_214, %sign3A_217 : i32
        %sign3A_219 = arith.extui %sign3A_218 : i1 to i32
        %sign3A_220 = arith.constant 0 : i32
        %sign3A_221 = arith.cmpi slt, %add3A_214, %sign3A_220 : i32
        %sign3A_222 = arith.extui %sign3A_221 : i1 to i32
        %sign3A_223 = arith.subi %sign3A_219, %sign3A_222 : i32
        %sign3A_224 = arith.constant 0 : i32
        %sign3A_225 = arith.cmpi sgt, %jit3A_215, %sign3A_224 : i32
        %sign3A_226 = arith.extui %sign3A_225 : i1 to i32
        %sign3A_227 = arith.constant 0 : i32
        %sign3A_228 = arith.cmpi slt, %jit3A_215, %sign3A_227 : i32
        %sign3A_229 = arith.extui %sign3A_228 : i1 to i32
        %sign3A_230 = arith.subi %sign3A_226, %sign3A_229 : i32
        %ne3A_231 = arith.cmpi ne, %sign3A_223, %sign3A_230 : i32
        %rem3A_232 = arith.remsi %add3A_214, %jit3A_215 : i32
        %ne3A_233 = arith.constant 0 : i32
        %ne3A_234 = arith.cmpi ne, %rem3A_232, %ne3A_233 : i32
        %and3A_235 = arith.andi %ne3A_231, %ne3A_234 : i1
        %sub3A_236 = arith.constant 1 : i32
        %sub3A_237 = arith.subi %div3A_216, %sub3A_236 : i32
        %select_n3A_238 = arith.select %and3A_235, %sub3A_237, %div3A_216 : i32
        %jit3A_239 = arith.constant 128 : i32
        %eq3A_240 = arith.constant 0 : i32
        %eq3A_241 = arith.cmpi eq, %jit3A_239, %eq3A_240 : i32
        %jit3A_242 = arith.constant 1 : i32
        %select_n3A_243 = arith.select %eq3A_241, %jit3A_242, %jit3A_239 : i32
        %rem3A_244 = arith.remsi %add3A_214, %select_n3A_243 : i32
        %ne3A_245 = arith.constant 0 : i32
        %ne3A_246 = arith.cmpi ne, %rem3A_244, %ne3A_245 : i32
        %lt3A_247 = arith.constant 0 : i32
        %lt3A_248 = arith.cmpi slt, %rem3A_244, %lt3A_247 : i32
        %lt3A_249 = arith.constant 0 : i32
        %lt3A_250 = arith.cmpi slt, %select_n3A_243, %lt3A_249 : i32
        %ne3A_251 = arith.xori %lt3A_248, %lt3A_250 : i1
        %and3A_252 = arith.andi %ne3A_251, %ne3A_246 : i1
        %add3A_253 = arith.addi %rem3A_244, %select_n3A_243 : i32
        %select_n3A_254 = arith.select %and3A_252, %add3A_253, %rem3A_244 : i32
        %get3A = arith.index_cast %select_n3A_238 : i32 to index
        %get3A_255 = arith.index_cast %select_n3A_254 : i32 to index
        %get3A_256 = tpu.vector_load %arg13[%get3A, %get3A_255] {strides = array<i32>} : memref<8x128xf32, #tpu.memory_space<vmem>>, vector<16xf32>,
        %jit3A_257 = arith.constant 128 : i32
        %div3A_258 = arith.divsi %add3A_214, %jit3A_257 : i32
        %sign3A_259 = arith.constant 0 : i32
        %sign3A_260 = arith.cmpi sgt, %add3A_214, %sign3A_259 : i32
        %sign3A_261 = arith.extui %sign3A_260 : i1 to i32
        %sign3A_262 = arith.constant 0 : i32
        %sign3A_263 = arith.cmpi slt, %add3A_214, %sign3A_262 : i32
        %sign3A_264 = arith.extui %sign3A_263 : i1 to i32
        %sign3A_265 = arith.subi %sign3A_261, %sign3A_264 : i32
        %sign3A_266 = arith.constant 0 : i32
        %sign3A_267 = arith.cmpi sgt, %jit3A_257, %sign3A_266 : i32
        %sign3A_268 = arith.extui %sign3A_267 : i1 to i32
        %sign3A_269 = arith.constant 0 : i32
        %sign3A_270 = arith.cmpi slt, %jit3A_257, %sign3A_269 : i32
        %sign3A_271 = arith.extui %sign3A_270 : i1 to i32
        %sign3A_272 = arith.subi %sign3A_268, %sign3A_271 : i32
        %ne3A_273 = arith.cmpi ne, %sign3A_265, %sign3A_272 : i32
        %rem3A_274 = arith.remsi %add3A_214, %jit3A_257 : i32
        %ne3A_275 = arith.constant 0 : i32
        %ne3A_276 = arith.cmpi ne, %rem3A_274, %ne3A_275 : i32
        %and3A_277 = arith.andi %ne3A_273, %ne3A_276 : i1
        %sub3A_278 = arith.constant 1 : i32
        %sub3A_279 = arith.subi %div3A_258, %sub3A_278 : i32
        %select_n3A_280 = arith.select %and3A_277, %sub3A_279, %div3A_258 : i32
        %jit3A_281 = arith.constant 128 : i32
        %eq3A_282 = arith.constant 0 : i32
        %eq3A_283 = arith.cmpi eq, %jit3A_281, %eq3A_282 : i32
        %jit3A_284 = arith.constant 1 : i32
        %select_n3A_285 = arith.select %eq3A_283, %jit3A_284, %jit3A_281 : i32
        %rem3A_286 = arith.remsi %add3A_214, %select_n3A_285 : i32
        %ne3A_287 = arith.constant 0 : i32
        %ne3A_288 = arith.cmpi ne, %rem3A_286, %ne3A_287 : i32
        %lt3A_289 = arith.constant 0 : i32
        %lt3A_290 = arith.cmpi slt, %rem3A_286, %lt3A_289 : i32
        %lt3A_291 = arith.constant 0 : i32
        %lt3A_292 = arith.cmpi slt, %select_n3A_285, %lt3A_291 : i32
        %ne3A_293 = arith.xori %lt3A_290, %lt3A_292 : i1
        %and3A_294 = arith.andi %ne3A_293, %ne3A_288 : i1
        %add3A_295 = arith.addi %rem3A_286, %select_n3A_285 : i32
        %select_n3A_296 = arith.select %and3A_294, %add3A_295, %rem3A_286 : i32
        %get3A_297 = arith.index_cast %select_n3A_280 : i32 to index
        %get3A_298 = arith.index_cast %select_n3A_296 : i32 to index
        %get3A_299 = tpu.vector_load %arg14[%get3A_297, %get3A_298] {strides = array<i32>} : memref<8x128xf32, #tpu.memory_space<vmem>>, vector<16xf32>,
        %jit3A_300 = arith.constant 128 : i32
        %div3A_301 = arith.divsi %add3A_214, %jit3A_300 : i32
        %sign3A_302 = arith.constant 0 : i32
        %sign3A_303 = arith.cmpi sgt, %add3A_214, %sign3A_302 : i32
        %sign3A_304 = arith.extui %sign3A_303 : i1 to i32
        %sign3A_305 = arith.constant 0 : i32
        %sign3A_306 = arith.cmpi slt, %add3A_214, %sign3A_305 : i32
        %sign3A_307 = arith.extui %sign3A_306 : i1 to i32
        %sign3A_308 = arith.subi %sign3A_304, %sign3A_307 : i32
        %sign3A_309 = arith.constant 0 : i32
        %sign3A_310 = arith.cmpi sgt, %jit3A_300, %sign3A_309 : i32
        %sign3A_311 = arith.extui %sign3A_310 : i1 to i32
        %sign3A_312 = arith.constant 0 : i32
        %sign3A_313 = arith.cmpi slt, %jit3A_300, %sign3A_312 : i32
        %sign3A_314 = arith.extui %sign3A_313 : i1 to i32
        %sign3A_315 = arith.subi %sign3A_311, %sign3A_314 : i32
        %ne3A_316 = arith.cmpi ne, %sign3A_308, %sign3A_315 : i32
        %rem3A_317 = arith.remsi %add3A_214, %jit3A_300 : i32
        %ne3A_318 = arith.constant 0 : i32
        %ne3A_319 = arith.cmpi ne, %rem3A_317, %ne3A_318 : i32
        %and3A_320 = arith.andi %ne3A_316, %ne3A_319 : i1
        %sub3A_321 = arith.constant 1 : i32
        %sub3A_322 = arith.subi %div3A_301, %sub3A_321 : i32
        %select_n3A_323 = arith.select %and3A_320, %sub3A_322, %div3A_301 : i32
        %jit3A_324 = arith.constant 128 : i32
        %eq3A_325 = arith.constant 0 : i32
        %eq3A_326 = arith.cmpi eq, %jit3A_324, %eq3A_325 : i32
        %jit3A_327 = arith.constant 1 : i32
        %select_n3A_328 = arith.select %eq3A_326, %jit3A_327, %jit3A_324 : i32
        %rem3A_329 = arith.remsi %add3A_214, %select_n3A_328 : i32
        %ne3A_330 = arith.constant 0 : i32
        %ne3A_331 = arith.cmpi ne, %rem3A_329, %ne3A_330 : i32
        %lt3A_332 = arith.constant 0 : i32
        %lt3A_333 = arith.cmpi slt, %rem3A_329, %lt3A_332 : i32
        %lt3A_334 = arith.constant 0 : i32
        %lt3A_335 = arith.cmpi slt, %select_n3A_328, %lt3A_334 : i32
        %ne3A_336 = arith.xori %lt3A_333, %lt3A_335 : i1
        %and3A_337 = arith.andi %ne3A_336, %ne3A_331 : i1
        %add3A_338 = arith.addi %rem3A_329, %select_n3A_328 : i32
        %select_n3A_339 = arith.select %and3A_337, %add3A_338, %rem3A_329 : i32
        %get3A_340 = arith.index_cast %select_n3A_323 : i32 to index
        %get3A_341 = arith.index_cast %select_n3A_339 : i32 to index
        %get3A_342 = tpu.vector_load %arg15[%get3A_340, %get3A_341] {strides = array<i32>} : memref<8x128xf32, #tpu.memory_space<vmem>>, vector<16xf32>,
        %jit3A_343 = arith.constant 128 : i32
        %div3A_344 = arith.divsi %add3A_214, %jit3A_343 : i32
        %sign3A_345 = arith.constant 0 : i32
        %sign3A_346 = arith.cmpi sgt, %add3A_214, %sign3A_345 : i32
        %sign3A_347 = arith.extui %sign3A_346 : i1 to i32
        %sign3A_348 = arith.constant 0 : i32
        %sign3A_349 = arith.cmpi slt, %add3A_214, %sign3A_348 : i32
        %sign3A_350 = arith.extui %sign3A_349 : i1 to i32
        %sign3A_351 = arith.subi %sign3A_347, %sign3A_350 : i32
        %sign3A_352 = arith.constant 0 : i32
        %sign3A_353 = arith.cmpi sgt, %jit3A_343, %sign3A_352 : i32
        %sign3A_354 = arith.extui %sign3A_353 : i1 to i32
        %sign3A_355 = arith.constant 0 : i32
        %sign3A_356 = arith.cmpi slt, %jit3A_343, %sign3A_355 : i32
        %sign3A_357 = arith.extui %sign3A_356 : i1 to i32
        %sign3A_358 = arith.subi %sign3A_354, %sign3A_357 : i32
        %ne3A_359 = arith.cmpi ne, %sign3A_351, %sign3A_358 : i32
        %rem3A_360 = arith.remsi %add3A_214, %jit3A_343 : i32
        %ne3A_361 = arith.constant 0 : i32
        %ne3A_362 = arith.cmpi ne, %rem3A_360, %ne3A_361 : i32
        %and3A_363 = arith.andi %ne3A_359, %ne3A_362 : i1
        %sub3A_364 = arith.constant 1 : i32
        %sub3A_365 = arith.subi %div3A_344, %sub3A_364 : i32
        %select_n3A_366 = arith.select %and3A_363, %sub3A_365, %div3A_344 : i32
        %jit3A_367 = arith.constant 128 : i32
        %eq3A_368 = arith.constant 0 : i32
        %eq3A_369 = arith.cmpi eq, %jit3A_367, %eq3A_368 : i32
        %jit3A_370 = arith.constant 1 : i32
        %select_n3A_371 = arith.select %eq3A_369, %jit3A_370, %jit3A_367 : i32
        %rem3A_372 = arith.remsi %add3A_214, %select_n3A_371 : i32
        %ne3A_373 = arith.constant 0 : i32
        %ne3A_374 = arith.cmpi ne, %rem3A_372, %ne3A_373 : i32
        %lt3A_375 = arith.constant 0 : i32
        %lt3A_376 = arith.cmpi slt, %rem3A_372, %lt3A_375 : i32
        %lt3A_377 = arith.constant 0 : i32
        %lt3A_378 = arith.cmpi slt, %select_n3A_371, %lt3A_377 : i32
        %ne3A_379 = arith.xori %lt3A_376, %lt3A_378 : i1
        %and3A_380 = arith.andi %ne3A_379, %ne3A_374 : i1
        %add3A_381 = arith.addi %rem3A_372, %select_n3A_371 : i32
        %select_n3A_382 = arith.select %and3A_380, %add3A_381, %rem3A_372 : i32
        %get3A_383 = arith.index_cast %select_n3A_366 : i32 to index
        %get3A_384 = arith.index_cast %select_n3A_382 : i32 to index
        %get3A_385 = tpu.vector_load %arg16[%get3A_383, %get3A_384] {strides = array<i32>} : memref<8x128xf32, #tpu.memory_space<vmem>>, vector<16xf32>,
        %scan3A_386 = arith.constant 0 : i32
        %scan3A_387 = arith.constant 4 : i32
        %scan3A_388 = arith.addi %scan3A_386, %scan3A_387 : i32
        %scan3A_389 = arith.constant 1 : i32
        scf.for %scan3A_1003 = %scan3A_386 to %scan3A_388 step %scan3A_389  : i32 {
          %mul3A_1004 = arith.constant 4 : i32
          %mul3A_1005 = arith.muli %scan3A_1003, %mul3A_1004 : i32
          %add3A_1006 = arith.constant 0 : i32
          %add3A_1007 = arith.addi %add3A_1006, %mul3A_1005 : i32
          %add3A_1008 = arith.constant 0 : i32
          %add3A_1009 = arith.addi %add3A_1007, %add3A_1008 : i32
          %broadcast_in_dim3A = vector.broadcast %add3A_1009 : i32 to vector<16x1xi32>
          %gather3A = vector.shape_cast %broadcast_in_dim3A : vector<16x1xi32> to vector<16xi32>
          %gather3A_1010 = tpu.dynamic_gather %get3A_256[%gather3A] in [0] : vector<16xf32>, vector<16xi32> -> vector<16xf32>
          %gather3A_1011 = vector.shape_cast %broadcast_in_dim3A : vector<16x1xi32> to vector<16xi32>
          %gather3A_1012 = tpu.dynamic_gather %get3A_299[%gather3A_1011] in [0] : vector<16xf32>, vector<16xi32> -> vector<16xf32>
          %gather3A_1013 = vector.shape_cast %broadcast_in_dim3A : vector<16x1xi32> to vector<16xi32>
          %gather3A_1014 = tpu.dynamic_gather %get3A_342[%gather3A_1013] in [0] : vector<16xf32>, vector<16xi32> -> vector<16xf32>
          %gather3A_1015 = vector.shape_cast %broadcast_in_dim3A : vector<16x1xi32> to vector<16xi32>
          %gather3A_1016 = tpu.dynamic_gather %get3A_385[%gather3A_1015] in [0] : vector<16xf32>, vector<16xi32> -> vector<16xf32>
          %add3A_1017 = arith.constant 0 : i32
          %add3A_1018 = arith.addi %add3A_1017, %add3A_1009 : i32
          %add3A_1019 = arith.constant 1 : i32
          %add3A_1020 = arith.addi %add3A_1007, %add3A_1019 : i32
          %broadcast_in_dim3A_1021 = vector.broadcast %add3A_1020 : i32 to vector<16x1xi32>
          %gather3A_1022 = vector.shape_cast %broadcast_in_dim3A_1021 : vector<16x1xi32> to vector<16xi32>
          %gather3A_1023 = tpu.dynamic_gather %get3A_256[%gather3A_1022] in [0] : vector<16xf32>, vector<16xi32> -> vector<16xf32>
          %gather3A_1024 = vector.shape_cast %broadcast_in_dim3A_1021 : vector<16x1xi32> to vector<16xi32>
          %gather3A_1025 = tpu.dynamic_gather %get3A_299[%gather3A_1024] in [0] : vector<16xf32>, vector<16xi32> -> vector<16xf32>
          %gather3A_1026 = vector.shape_cast %broadcast_in_dim3A_1021 : vector<16x1xi32> to vector<16xi32>
          %gather3A_1027 = tpu.dynamic_gather %get3A_342[%gather3A_1026] in [0] : vector<16xf32>, vector<16xi32> -> vector<16xf32>
          %gather3A_1028 = vector.shape_cast %broadcast_in_dim3A_1021 : vector<16x1xi32> to vector<16xi32>
          %gather3A_1029 = tpu.dynamic_gather %get3A_385[%gather3A_1028] in [0] : vector<16xf32>, vector<16xi32> -> vector<16xf32>
          %add3A_1030 = arith.constant 0 : i32
          %add3A_1031 = arith.addi %add3A_1030, %add3A_1020 : i32
          %add3A_1032 = arith.constant 2 : i32
          %add3A_1033 = arith.addi %add3A_1007, %add3A_1032 : i32
          %broadcast_in_dim3A_1034 = vector.broadcast %add3A_1033 : i32 to vector<16x1xi32>
          %gather3A_1035 = vector.shape_cast %broadcast_in_dim3A_1034 : vector<16x1xi32> to vector<16xi32>
          %gather3A_1036 = tpu.dynamic_gather %get3A_256[%gather3A_1035] in [0] : vector<16xf32>, vector<16xi32> -> vector<16xf32>
          %gather3A_1037 = vector.shape_cast %broadcast_in_dim3A_1034 : vector<16x1xi32> to vector<16xi32>
          %gather3A_1038 = tpu.dynamic_gather %get3A_299[%gather3A_1037] in [0] : vector<16xf32>, vector<16xi32> -> vector<16xf32>
          %gather3A_1039 = vector.shape_cast %broadcast_in_dim3A_1034 : vector<16x1xi32> to vector<16xi32>
          %gather3A_1040 = tpu.dynamic_gather %get3A_342[%gather3A_1039] in [0] : vector<16xf32>, vector<16xi32> -> vector<16xf32>
          %gather3A_1041 = vector.shape_cast %broadcast_in_dim3A_1034 : vector<16x1xi32> to vector<16xi32>
          %gather3A_1042 = tpu.dynamic_gather %get3A_385[%gather3A_1041] in [0] : vector<16xf32>, vector<16xi32> -> vector<16xf32>
          %add3A_1043 = arith.constant 0 : i32
          %add3A_1044 = arith.addi %add3A_1043, %add3A_1033 : i32
          %add3A_1045 = arith.constant 3 : i32
          %add3A_1046 = arith.addi %add3A_1007, %add3A_1045 : i32
          %broadcast_in_dim3A_1047 = vector.broadcast %add3A_1046 : i32 to vector<16x1xi32>
          %gather3A_1048 = vector.shape_cast %broadcast_in_dim3A_1047 : vector<16x1xi32> to vector<16xi32>
          %gather3A_1049 = tpu.dynamic_gather %get3A_256[%gather3A_1048] in [0] : vector<16xf32>, vector<16xi32> -> vector<16xf32>
          %gather3A_1050 = vector.shape_cast %broadcast_in_dim3A_1047 : vector<16x1xi32> to vector<16xi32>
          %gather3A_1051 = tpu.dynamic_gather %get3A_299[%gather3A_1050] in [0] : vector<16xf32>, vector<16xi32> -> vector<16xf32>
          %gather3A_1052 = vector.shape_cast %broadcast_in_dim3A_1047 : vector<16x1xi32> to vector<16xi32>
          %gather3A_1053 = tpu.dynamic_gather %get3A_342[%gather3A_1052] in [0] : vector<16xf32>, vector<16xi32> -> vector<16xf32>
          %gather3A_1054 = vector.shape_cast %broadcast_in_dim3A_1047 : vector<16x1xi32> to vector<16xi32>
          %gather3A_1055 = tpu.dynamic_gather %get3A_385[%gather3A_1054] in [0] : vector<16xf32>, vector<16xi32> -> vector<16xf32>
          %add3A_1056 = arith.constant 0 : i32
          %add3A_1057 = arith.addi %add3A_1056, %add3A_1046 : i32
          %get3A_1058 = arith.index_cast %add3A_1018 : i32 to index
          %get3A_1059 = arith.constant 0 : index
          %get3A_1060 = tpu.vector_load %arg17[%get3A_1058, %get3A_1059] {strides = array<i32>} : memref<32x512xf32, #tpu.memory_space<vmem>>, vector<16xf32>,
          %get3A_1061 = arith.index_cast %add3A_1018 : i32 to index
          %get3A_1062 = arith.constant 128 : index
          %get3A_1063 = tpu.vector_load %arg17[%get3A_1061, %get3A_1062] {strides = array<i32>} : memref<32x512xf32, #tpu.memory_space<vmem>>, vector<16xf32>,
          %get3A_1064 = arith.index_cast %add3A_1018 : i32 to index
          %get3A_1065 = arith.constant 256 : index
          %get3A_1066 = tpu.vector_load %arg17[%get3A_1064, %get3A_1065] {strides = array<i32>} : memref<32x512xf32, #tpu.memory_space<vmem>>, vector<16xf32>,
          %get3A_1067 = arith.index_cast %add3A_1018 : i32 to index
          %get3A_1068 = arith.constant 384 : index
          %get3A_1069 = tpu.vector_load %arg17[%get3A_1067, %get3A_1068] {strides = array<i32>} : memref<32x512xf32, #tpu.memory_space<vmem>>, vector<16xf32>,
          %get3A_1070 = arith.index_cast %add3A_1031 : i32 to index
          %get3A_1071 = arith.constant 0 : index
          %get3A_1072 = tpu.vector_load %arg17[%get3A_1070, %get3A_1071] {strides = array<i32>} : memref<32x512xf32, #tpu.memory_space<vmem>>, vector<16xf32>,
          %get3A_1073 = arith.index_cast %add3A_1031 : i32 to index
          %get3A_1074 = arith.constant 128 : index
          %get3A_1075 = tpu.vector_load %arg17[%get3A_1073, %get3A_1074] {strides = array<i32>} : memref<32x512xf32, #tpu.memory_space<vmem>>, vector<16xf32>,
          %get3A_1076 = arith.index_cast %add3A_1031 : i32 to index
          %get3A_1077 = arith.constant 256 : index
          %get3A_1078 = tpu.vector_load %arg17[%get3A_1076, %get3A_1077] {strides = array<i32>} : memref<32x512xf32, #tpu.memory_space<vmem>>, vector<16xf32>,
          %get3A_1079 = arith.index_cast %add3A_1031 : i32 to index
          %get3A_1080 = arith.constant 384 : index
          %get3A_1081 = tpu.vector_load %arg17[%get3A_1079, %get3A_1080] {strides = array<i32>} : memref<32x512xf32, #tpu.memory_space<vmem>>, vector<16xf32>,
          %get3A_1082 = arith.index_cast %add3A_1044 : i32 to index
          %get3A_1083 = arith.constant 0 : index
          %get3A_1084 = tpu.vector_load %arg17[%get3A_1082, %get3A_1083] {strides = array<i32>} : memref<32x512xf32, #tpu.memory_space<vmem>>, vector<16xf32>,
          %get3A_1085 = arith.index_cast %add3A_1044 : i32 to index
          %get3A_1086 = arith.constant 128 : index
          %get3A_1087 = tpu.vector_load %arg17[%get3A_1085, %get3A_1086] {strides = array<i32>} : memref<32x512xf32, #tpu.memory_space<vmem>>, vector<16xf32>,
          %get3A_1088 = arith.index_cast %add3A_1044 : i32 to index
          %get3A_1089 = arith.constant 256 : index
          %get3A_1090 = tpu.vector_load %arg17[%get3A_1088, %get3A_1089] {strides = array<i32>} : memref<32x512xf32, #tpu.memory_space<vmem>>, vector<16xf32>,
          %get3A_1091 = arith.index_cast %add3A_1044 : i32 to index
          %get3A_1092 = arith.constant 384 : index
          %get3A_1093 = tpu.vector_load %arg17[%get3A_1091, %get3A_1092] {strides = array<i32>} : memref<32x512xf32, #tpu.memory_space<vmem>>, vector<16xf32>,
          %get3A_1094 = arith.index_cast %add3A_1057 : i32 to index
          %get3A_1095 = arith.constant 0 : index
          %get3A_1096 = tpu.vector_load %arg17[%get3A_1094, %get3A_1095] {strides = array<i32>} : memref<32x512xf32, #tpu.memory_space<vmem>>, vector<16xf32>,
          %get3A_1097 = arith.index_cast %add3A_1057 : i32 to index
          %get3A_1098 = arith.constant 128 : index
          %get3A_1099 = tpu.vector_load %arg17[%get3A_1097, %get3A_1098] {strides = array<i32>} : memref<32x512xf32, #tpu.memory_space<vmem>>, vector<16xf32>,
          %get3A_1100 = arith.index_cast %add3A_1057 : i32 to index
          %get3A_1101 = arith.constant 256 : index
          %get3A_1102 = tpu.vector_load %arg17[%get3A_1100, %get3A_1101] {strides = array<i32>} : memref<32x512xf32, #tpu.memory_space<vmem>>, vector<16xf32>,
          %get3A_1103 = arith.index_cast %add3A_1057 : i32 to index
          %get3A_1104 = arith.constant 384 : index
          %get3A_1105 = tpu.vector_load %arg17[%get3A_1103, %get3A_1104] {strides = array<i32>} : memref<32x512xf32, #tpu.memory_space<vmem>>, vector<16xf32>,
          %mul3A_1106 = arith.mulf %gather3A_1010, %get3A_1060 : vector<16xf32>
          %mul3A_1107 = arith.mulf %gather3A_1012, %get3A_1063 : vector<16xf32>
          %add3A_1108 = arith.addf %mul3A_1106, %mul3A_1107 : vector<16xf32>
          %mul3A_1109 = arith.mulf %gather3A_1014, %get3A_1066 : vector<16xf32>
          %mul3A_1110 = arith.mulf %gather3A_1016, %get3A_1069 : vector<16xf32>
          %add3A_1111 = arith.addf %mul3A_1109, %mul3A_1110 : vector<16xf32>
          %add3A_1112 = arith.addf %add3A_1108, %add3A_1111 : vector<16xf32>
          %mul3A_1113 = arith.mulf %gather3A_1023, %get3A_1072 : vector<16xf32>
          %mul3A_1114 = arith.mulf %gather3A_1025, %get3A_1075 : vector<16xf32>
          %add3A_1115 = arith.addf %mul3A_1113, %mul3A_1114 : vector<16xf32>
          %mul3A_1116 = arith.mulf %gather3A_1027, %get3A_1078 : vector<16xf32>
          %mul3A_1117 = arith.mulf %gather3A_1029, %get3A_1081 : vector<16xf32>
          %add3A_1118 = arith.addf %mul3A_1116, %mul3A_1117 : vector<16xf32>
          %add3A_1119 = arith.addf %add3A_1115, %add3A_1118 : vector<16xf32>
          %mul3A_1120 = arith.mulf %gather3A_1036, %get3A_1084 : vector<16xf32>
          %mul3A_1121 = arith.mulf %gather3A_1038, %get3A_1087 : vector<16xf32>
          %add3A_1122 = arith.addf %mul3A_1120, %mul3A_1121 : vector<16xf32>
          %mul3A_1123 = arith.mulf %gather3A_1040, %get3A_1090 : vector<16xf32>
          %mul3A_1124 = arith.mulf %gather3A_1042, %get3A_1093 : vector<16xf32>
          %add3A_1125 = arith.addf %mul3A_1123, %mul3A_1124 : vector<16xf32>
          %add3A_1126 = arith.addf %add3A_1122, %add3A_1125 : vector<16xf32>
          %mul3A_1127 = arith.mulf %gather3A_1049, %get3A_1096 : vector<16xf32>
          %mul3A_1128 = arith.mulf %gather3A_1051, %get3A_1099 : vector<16xf32>
          %add3A_1129 = arith.addf %mul3A_1127, %mul3A_1128 : vector<16xf32>
          %mul3A_1130 = arith.mulf %gather3A_1053, %get3A_1102 : vector<16xf32>
          %mul3A_1131 = arith.mulf %gather3A_1055, %get3A_1105 : vector<16xf32>
          %add3A_1132 = arith.addf %mul3A_1130, %mul3A_1131 : vector<16xf32>
          %add3A_1133 = arith.addf %add3A_1129, %add3A_1132 : vector<16xf32>
          %swap3A = arith.index_cast %add3A_1018 : i32 to index
          %swap3A_1134 = arith.constant 0 : index
          %swap3A_1135 = tpu.vector_load %arg19[%swap3A, %swap3A_1134] {strides = array<i32>} : memref<32x128xf32, #tpu.memory_space<vmem>>, vector<16xf32>,
          tpu.vector_store %arg19[%swap3A, %swap3A_1134], %add3A_1112 {strides = array<i32>} : memref<32x128xf32, #tpu.memory_space<vmem>>, vector<16xf32>,
          %swap3A_1136 = arith.index_cast %add3A_1031 : i32 to index
          %swap3A_1137 = arith.constant 0 : index
          %swap3A_1138 = tpu.vector_load %arg19[%swap3A_1136, %swap3A_1137] {strides = array<i32>} : memref<32x128xf32, #tpu.memory_space<vmem>>, vector<16xf32>,
          tpu.vector_store %arg19[%swap3A_1136, %swap3A_1137], %add3A_1119 {strides = array<i32>} : memref<32x128xf32, #tpu.memory_space<vmem>>, vector<16xf32>,
          %swap3A_1139 = arith.index_cast %add3A_1044 : i32 to index
          %swap3A_1140 = arith.constant 0 : index
          %swap3A_1141 = tpu.vector_load %arg19[%swap3A_1139, %swap3A_1140] {strides = array<i32>} : memref<32x128xf32, #tpu.memory_space<vmem>>, vector<16xf32>,
          tpu.vector_store %arg19[%swap3A_1139, %swap3A_1140], %add3A_1126 {strides = array<i32>} : memref<32x128xf32, #tpu.memory_space<vmem>>, vector<16xf32>,
          %swap3A_1142 = arith.index_cast %add3A_1057 : i32 to index
          %swap3A_1143 = arith.constant 0 : index
          %swap3A_1144 = tpu.vector_load %arg19[%swap3A_1142, %swap3A_1143] {strides = array<i32>} : memref<32x128xf32, #tpu.memory_space<vmem>>, vector<16xf32>,
          tpu.vector_store %arg19[%swap3A_1142, %swap3A_1143], %add3A_1133 {strides = array<i32>} : memref<32x128xf32, #tpu.memory_space<vmem>>, vector<16xf32>,
          %get3A_1145 = arith.index_cast %add3A_1018 : i32 to index
          %get3A_1146 = arith.constant 16 : index
          %get3A_1147 = tpu.vector_load %arg17[%get3A_1145, %get3A_1146] {strides = array<i32>} : memref<32x512xf32, #tpu.memory_space<vmem>>, vector<16xf32>,
          %get3A_1148 = arith.index_cast %add3A_1018 : i32 to index
          %get3A_1149 = arith.constant 144 : index
          %get3A_1150 = tpu.vector_load %arg17[%get3A_1148, %get3A_1149] {strides = array<i32>} : memref<32x512xf32, #tpu.memory_space<vmem>>, vector<16xf32>,
          %get3A_1151 = arith.index_cast %add3A_1018 : i32 to index
          %get3A_1152 = arith.constant 272 : index
          %get3A_1153 = tpu.vector_load %arg17[%get3A_1151, %get3A_1152] {strides = array<i32>} : memref<32x512xf32, #tpu.memory_space<vmem>>, vector<16xf32>,
          %get3A_1154 = arith.index_cast %add3A_1018 : i32 to index
          %get3A_1155 = arith.constant 400 : index
          %get3A_1156 = tpu.vector_load %arg17[%get3A_1154, %get3A_1155] {strides = array<i32>} : memref<32x512xf32, #tpu.memory_space<vmem>>, vector<16xf32>,
          %get3A_1157 = arith.index_cast %add3A_1031 : i32 to index
          %get3A_1158 = arith.constant 16 : index
          %get3A_1159 = tpu.vector_load %arg17[%get3A_1157, %get3A_1158] {strides = array<i32>} : memref<32x512xf32, #tpu.memory_space<vmem>>, vector<16xf32>,
          %get3A_1160 = arith.index_cast %add3A_1031 : i32 to index
          %get3A_1161 = arith.constant 144 : index
          %get3A_1162 = tpu.vector_load %arg17[%get3A_1160, %get3A_1161] {strides = array<i32>} : memref<32x512xf32, #tpu.memory_space<vmem>>, vector<16xf32>,
          %get3A_1163 = arith.index_cast %add3A_1031 : i32 to index
          %get3A_1164 = arith.constant 272 : index
          %get3A_1165 = tpu.vector_load %arg17[%get3A_1163, %get3A_1164] {strides = array<i32>} : memref<32x512xf32, #tpu.memory_space<vmem>>, vector<16xf32>,
          %get3A_1166 = arith.index_cast %add3A_1031 : i32 to index
          %get3A_1167 = arith.constant 400 : index
          %get3A_1168 = tpu.vector_load %arg17[%get3A_1166, %get3A_1167] {strides = array<i32>} : memref<32x512xf32, #tpu.memory_space<vmem>>, vector<16xf32>,
          %get3A_1169 = arith.index_cast %add3A_1044 : i32 to index
          %get3A_1170 = arith.constant 16 : index
          %get3A_1171 = tpu.vector_load %arg17[%get3A_1169, %get3A_1170] {strides = array<i32>} : memref<32x512xf32, #tpu.memory_space<vmem>>, vector<16xf32>,
          %get3A_1172 = arith.index_cast %add3A_1044 : i32 to index
          %get3A_1173 = arith.constant 144 : index
          %get3A_1174 = tpu.vector_load %arg17[%get3A_1172, %get3A_1173] {strides = array<i32>} : memref<32x512xf32, #tpu.memory_space<vmem>>, vector<16xf32>,
          %get3A_1175 = arith.index_cast %add3A_1044 : i32 to index
          %get3A_1176 = arith.constant 272 : index
          %get3A_1177 = tpu.vector_load %arg17[%get3A_1175, %get3A_1176] {strides = array<i32>} : memref<32x512xf32, #tpu.memory_space<vmem>>, vector<16xf32>,
          %get3A_1178 = arith.index_cast %add3A_1044 : i32 to index
          %get3A_1179 = arith.constant 400 : index
          %get3A_1180 = tpu.vector_load %arg17[%get3A_1178, %get3A_1179] {strides = array<i32>} : memref<32x512xf32, #tpu.memory_space<vmem>>, vector<16xf32>,
          %get3A_1181 = arith.index_cast %add3A_1057 : i32 to index
          %get3A_1182 = arith.constant 16 : index
          %get3A_1183 = tpu.vector_load %arg17[%get3A_1181, %get3A_1182] {strides = array<i32>} : memref<32x512xf32, #tpu.memory_space<vmem>>, vector<16xf32>,
          %get3A_1184 = arith.index_cast %add3A_1057 : i32 to index
          %get3A_1185 = arith.constant 144 : index
          %get3A_1186 = tpu.vector_load %arg17[%get3A_1184, %get3A_1185] {strides = array<i32>} : memref<32x512xf32, #tpu.memory_space<vmem>>, vector<16xf32>,
          %get3A_1187 = arith.index_cast %add3A_1057 : i32 to index
          %get3A_1188 = arith.constant 272 : index
          %get3A_1189 = tpu.vector_load %arg17[%get3A_1187, %get3A_1188] {strides = array<i32>} : memref<32x512xf32, #tpu.memory_space<vmem>>, vector<16xf32>,
          %get3A_1190 = arith.index_cast %add3A_1057 : i32 to index
          %get3A_1191 = arith.constant 400 : index
          %get3A_1192 = tpu.vector_load %arg17[%get3A_1190, %get3A_1191] {strides = array<i32>} : memref<32x512xf32, #tpu.memory_space<vmem>>, vector<16xf32>,
          %mul3A_1193 = arith.mulf %gather3A_1010, %get3A_1147 : vector<16xf32>
          %mul3A_1194 = arith.mulf %gather3A_1012, %get3A_1150 : vector<16xf32>
          %add3A_1195 = arith.addf %mul3A_1193, %mul3A_1194 : vector<16xf32>
          %mul3A_1196 = arith.mulf %gather3A_1014, %get3A_1153 : vector<16xf32>
          %mul3A_1197 = arith.mulf %gather3A_1016, %get3A_1156 : vector<16xf32>
          %add3A_1198 = arith.addf %mul3A_1196, %mul3A_1197 : vector<16xf32>
          %add3A_1199 = arith.addf %add3A_1195, %add3A_1198 : vector<16xf32>
          %mul3A_1200 = arith.mulf %gather3A_1023, %get3A_1159 : vector<16xf32>
          %mul3A_1201 = arith.mulf %gather3A_1025, %get3A_1162 : vector<16xf32>
          %add3A_1202 = arith.addf %mul3A_1200, %mul3A_1201 : vector<16xf32>
          %mul3A_1203 = arith.mulf %gather3A_1027, %get3A_1165 : vector<16xf32>
          %mul3A_1204 = arith.mulf %gather3A_1029, %get3A_1168 : vector<16xf32>
          %add3A_1205 = arith.addf %mul3A_1203, %mul3A_1204 : vector<16xf32>
          %add3A_1206 = arith.addf %add3A_1202, %add3A_1205 : vector<16xf32>
          %mul3A_1207 = arith.mulf %gather3A_1036, %get3A_1171 : vector<16xf32>
          %mul3A_1208 = arith.mulf %gather3A_1038, %get3A_1174 : vector<16xf32>
          %add3A_1209 = arith.addf %mul3A_1207, %mul3A_1208 : vector<16xf32>
          %mul3A_1210 = arith.mulf %gather3A_1040, %get3A_1177 : vector<16xf32>
          %mul3A_1211 = arith.mulf %gather3A_1042, %get3A_1180 : vector<16xf32>
          %add3A_1212 = arith.addf %mul3A_1210, %mul3A_1211 : vector<16xf32>
          %add3A_1213 = arith.addf %add3A_1209, %add3A_1212 : vector<16xf32>
          %mul3A_1214 = arith.mulf %gather3A_1049, %get3A_1183 : vector<16xf32>
          %mul3A_1215 = arith.mulf %gather3A_1051, %get3A_1186 : vector<16xf32>
          %add3A_1216 = arith.addf %mul3A_1214, %mul3A_1215 : vector<16xf32>
          %mul3A_1217 = arith.mulf %gather3A_1053, %get3A_1189 : vector<16xf32>
          %mul3A_1218 = arith.mulf %gather3A_1055, %get3A_1192 : vector<16xf32>
          %add3A_1219 = arith.addf %mul3A_1217, %mul3A_1218 : vector<16xf32>
          %add3A_1220 = arith.addf %add3A_1216, %add3A_1219 : vector<16xf32>
          %swap3A_1221 = arith.index_cast %add3A_1018 : i32 to index
          %swap3A_1222 = arith.constant 16 : index
          %swap3A_1223 = tpu.vector_load %arg19[%swap3A_1221, %swap3A_1222] {strides = array<i32>} : memref<32x128xf32, #tpu.memory_space<vmem>>, vector<16xf32>,
          tpu.vector_store %arg19[%swap3A_1221, %swap3A_1222], %add3A_1199 {strides = array<i32>} : memref<32x128xf32, #tpu.memory_space<vmem>>, vector<16xf32>,
          %swap3A_1224 = arith.index_cast %add3A_1031 : i32 to index
          %swap3A_1225 = arith.constant 16 : index
          %swap3A_1226 = tpu.vector_load %arg19[%swap3A_1224, %swap3A_1225] {strides = array<i32>} : memref<32x128xf32, #tpu.memory_space<vmem>>, vector<16xf32>,
          tpu.vector_store %arg19[%swap3A_1224, %swap3A_1225], %add3A_1206 {strides = array<i32>} : memref<32x128xf32, #tpu.memory_space<vmem>>, vector<16xf32>,
          %swap3A_1227 = arith.index_cast %add3A_1044 : i32 to index
          %swap3A_1228 = arith.constant 16 : index
          %swap3A_1229 = tpu.vector_load %arg19[%swap3A_1227, %swap3A_1228] {strides = array<i32>} : memref<32x128xf32, #tpu.memory_space<vmem>>, vector<16xf32>,
          tpu.vector_store %arg19[%swap3A_1227, %swap3A_1228], %add3A_1213 {strides = array<i32>} : memref<32x128xf32, #tpu.memory_space<vmem>>, vector<16xf32>,
          %swap3A_1230 = arith.index_cast %add3A_1057 : i32 to index
          %swap3A_1231 = arith.constant 16 : index
          %swap3A_1232 = tpu.vector_load %arg19[%swap3A_1230, %swap3A_1231] {strides = array<i32>} : memref<32x128xf32, #tpu.memory_space<vmem>>, vector<16xf32>,
          tpu.vector_store %arg19[%swap3A_1230, %swap3A_1231], %add3A_1220 {strides = array<i32>} : memref<32x128xf32, #tpu.memory_space<vmem>>, vector<16xf32>,
          %get3A_1233 = arith.index_cast %add3A_1018 : i32 to index
          %get3A_1234 = arith.constant 32 : index
          %get3A_1235 = tpu.vector_load %arg17[%get3A_1233, %get3A_1234] {strides = array<i32>} : memref<32x512xf32, #tpu.memory_space<vmem>>, vector<16xf32>,
          %get3A_1236 = arith.index_cast %add3A_1018 : i32 to index
          %get3A_1237 = arith.constant 160 : index
          %get3A_1238 = tpu.vector_load %arg17[%get3A_1236, %get3A_1237] {strides = array<i32>} : memref<32x512xf32, #tpu.memory_space<vmem>>, vector<16xf32>,
          %get3A_1239 = arith.index_cast %add3A_1018 : i32 to index
          %get3A_1240 = arith.constant 288 : index
          %get3A_1241 = tpu.vector_load %arg17[%get3A_1239, %get3A_1240] {strides = array<i32>} : memref<32x512xf32, #tpu.memory_space<vmem>>, vector<16xf32>,
          %get3A_1242 = arith.index_cast %add3A_1018 : i32 to index
          %get3A_1243 = arith.constant 416 : index
          %get3A_1244 = tpu.vector_load %arg17[%get3A_1242, %get3A_1243] {strides = array<i32>} : memref<32x512xf32, #tpu.memory_space<vmem>>, vector<16xf32>,
          %get3A_1245 = arith.index_cast %add3A_1031 : i32 to index
          %get3A_1246 = arith.constant 32 : index
          %get3A_1247 = tpu.vector_load %arg17[%get3A_1245, %get3A_1246] {strides = array<i32>} : memref<32x512xf32, #tpu.memory_space<vmem>>, vector<16xf32>,
          %get3A_1248 = arith.index_cast %add3A_1031 : i32 to index
          %get3A_1249 = arith.constant 160 : index
          %get3A_1250 = tpu.vector_load %arg17[%get3A_1248, %get3A_1249] {strides = array<i32>} : memref<32x512xf32, #tpu.memory_space<vmem>>, vector<16xf32>,
          %get3A_1251 = arith.index_cast %add3A_1031 : i32 to index
          %get3A_1252 = arith.constant 288 : index
          %get3A_1253 = tpu.vector_load %arg17[%get3A_1251, %get3A_1252] {strides = array<i32>} : memref<32x512xf32, #tpu.memory_space<vmem>>, vector<16xf32>,
          %get3A_1254 = arith.index_cast %add3A_1031 : i32 to index
          %get3A_1255 = arith.constant 416 : index
          %get3A_1256 = tpu.vector_load %arg17[%get3A_1254, %get3A_1255] {strides = array<i32>} : memref<32x512xf32, #tpu.memory_space<vmem>>, vector<16xf32>,
          %get3A_1257 = arith.index_cast %add3A_1044 : i32 to index
          %get3A_1258 = arith.constant 32 : index
          %get3A_1259 = tpu.vector_load %arg17[%get3A_1257, %get3A_1258] {strides = array<i32>} : memref<32x512xf32, #tpu.memory_space<vmem>>, vector<16xf32>,
          %get3A_1260 = arith.index_cast %add3A_1044 : i32 to index
          %get3A_1261 = arith.constant 160 : index
          %get3A_1262 = tpu.vector_load %arg17[%get3A_1260, %get3A_1261] {strides = array<i32>} : memref<32x512xf32, #tpu.memory_space<vmem>>, vector<16xf32>,
          %get3A_1263 = arith.index_cast %add3A_1044 : i32 to index
          %get3A_1264 = arith.constant 288 : index
          %get3A_1265 = tpu.vector_load %arg17[%get3A_1263, %get3A_1264] {strides = array<i32>} : memref<32x512xf32, #tpu.memory_space<vmem>>, vector<16xf32>,
          %get3A_1266 = arith.index_cast %add3A_1044 : i32 to index
          %get3A_1267 = arith.constant 416 : index
          %get3A_1268 = tpu.vector_load %arg17[%get3A_1266, %get3A_1267] {strides = array<i32>} : memref<32x512xf32, #tpu.memory_space<vmem>>, vector<16xf32>,
          %get3A_1269 = arith.index_cast %add3A_1057 : i32 to index
          %get3A_1270 = arith.constant 32 : index
          %get3A_1271 = tpu.vector_load %arg17[%get3A_1269, %get3A_1270] {strides = array<i32>} : memref<32x512xf32, #tpu.memory_space<vmem>>, vector<16xf32>,
          %get3A_1272 = arith.index_cast %add3A_1057 : i32 to index
          %get3A_1273 = arith.constant 160 : index
          %get3A_1274 = tpu.vector_load %arg17[%get3A_1272, %get3A_1273] {strides = array<i32>} : memref<32x512xf32, #tpu.memory_space<vmem>>, vector<16xf32>,
          %get3A_1275 = arith.index_cast %add3A_1057 : i32 to index
          %get3A_1276 = arith.constant 288 : index
          %get3A_1277 = tpu.vector_load %arg17[%get3A_1275, %get3A_1276] {strides = array<i32>} : memref<32x512xf32, #tpu.memory_space<vmem>>, vector<16xf32>,
          %get3A_1278 = arith.index_cast %add3A_1057 : i32 to index
          %get3A_1279 = arith.constant 416 : index
          %get3A_1280 = tpu.vector_load %arg17[%get3A_1278, %get3A_1279] {strides = array<i32>} : memref<32x512xf32, #tpu.memory_space<vmem>>, vector<16xf32>,
          %mul3A_1281 = arith.mulf %gather3A_1010, %get3A_1235 : vector<16xf32>
          %mul3A_1282 = arith.mulf %gather3A_1012, %get3A_1238 : vector<16xf32>
          %add3A_1283 = arith.addf %mul3A_1281, %mul3A_1282 : vector<16xf32>
          %mul3A_1284 = arith.mulf %gather3A_1014, %get3A_1241 : vector<16xf32>
          %mul3A_1285 = arith.mulf %gather3A_1016, %get3A_1244 : vector<16xf32>
          %add3A_1286 = arith.addf %mul3A_1284, %mul3A_1285 : vector<16xf32>
          %add3A_1287 = arith.addf %add3A_1283, %add3A_1286 : vector<16xf32>
          %mul3A_1288 = arith.mulf %gather3A_1023, %get3A_1247 : vector<16xf32>
          %mul3A_1289 = arith.mulf %gather3A_1025, %get3A_1250 : vector<16xf32>
          %add3A_1290 = arith.addf %mul3A_1288, %mul3A_1289 : vector<16xf32>
          %mul3A_1291 = arith.mulf %gather3A_1027, %get3A_1253 : vector<16xf32>
          %mul3A_1292 = arith.mulf %gather3A_1029, %get3A_1256 : vector<16xf32>
          %add3A_1293 = arith.addf %mul3A_1291, %mul3A_1292 : vector<16xf32>
          %add3A_1294 = arith.addf %add3A_1290, %add3A_1293 : vector<16xf32>
          %mul3A_1295 = arith.mulf %gather3A_1036, %get3A_1259 : vector<16xf32>
          %mul3A_1296 = arith.mulf %gather3A_1038, %get3A_1262 : vector<16xf32>
          %add3A_1297 = arith.addf %mul3A_1295, %mul3A_1296 : vector<16xf32>
          %mul3A_1298 = arith.mulf %gather3A_1040, %get3A_1265 : vector<16xf32>
          %mul3A_1299 = arith.mulf %gather3A_1042, %get3A_1268 : vector<16xf32>
          %add3A_1300 = arith.addf %mul3A_1298, %mul3A_1299 : vector<16xf32>
          %add3A_1301 = arith.addf %add3A_1297, %add3A_1300 : vector<16xf32>
          %mul3A_1302 = arith.mulf %gather3A_1049, %get3A_1271 : vector<16xf32>
          %mul3A_1303 = arith.mulf %gather3A_1051, %get3A_1274 : vector<16xf32>
          %add3A_1304 = arith.addf %mul3A_1302, %mul3A_1303 : vector<16xf32>
          %mul3A_1305 = arith.mulf %gather3A_1053, %get3A_1277 : vector<16xf32>
          %mul3A_1306 = arith.mulf %gather3A_1055, %get3A_1280 : vector<16xf32>
          %add3A_1307 = arith.addf %mul3A_1305, %mul3A_1306 : vector<16xf32>
          %add3A_1308 = arith.addf %add3A_1304, %add3A_1307 : vector<16xf32>
          %swap3A_1309 = arith.index_cast %add3A_1018 : i32 to index
          %swap3A_1310 = arith.constant 32 : index
          %swap3A_1311 = tpu.vector_load %arg19[%swap3A_1309, %swap3A_1310] {strides = array<i32>} : memref<32x128xf32, #tpu.memory_space<vmem>>, vector<16xf32>,
          tpu.vector_store %arg19[%swap3A_1309, %swap3A_1310], %add3A_1287 {strides = array<i32>} : memref<32x128xf32, #tpu.memory_space<vmem>>, vector<16xf32>,
          %swap3A_1312 = arith.index_cast %add3A_1031 : i32 to index
          %swap3A_1313 = arith.constant 32 : index
          %swap3A_1314 = tpu.vector_load %arg19[%swap3A_1312, %swap3A_1313] {strides = array<i32>} : memref<32x128xf32, #tpu.memory_space<vmem>>, vector<16xf32>,
          tpu.vector_store %arg19[%swap3A_1312, %swap3A_1313], %add3A_1294 {strides = array<i32>} : memref<32x128xf32, #tpu.memory_space<vmem>>, vector<16xf32>,
          %swap3A_1315 = arith.index_cast %add3A_1044 : i32 to index
          %swap3A_1316 = arith.constant 32 : index
          %swap3A_1317 = tpu.vector_load %arg19[%swap3A_1315, %swap3A_1316] {strides = array<i32>} : memref<32x128xf32, #tpu.memory_space<vmem>>, vector<16xf32>,
          tpu.vector_store %arg19[%swap3A_1315, %swap3A_1316], %add3A_1301 {strides = array<i32>} : memref<32x128xf32, #tpu.memory_space<vmem>>, vector<16xf32>,
          %swap3A_1318 = arith.index_cast %add3A_1057 : i32 to index
          %swap3A_1319 = arith.constant 32 : index
          %swap3A_1320 = tpu.vector_load %arg19[%swap3A_1318, %swap3A_1319] {strides = array<i32>} : memref<32x128xf32, #tpu.memory_space<vmem>>, vector<16xf32>,
          tpu.vector_store %arg19[%swap3A_1318, %swap3A_1319], %add3A_1308 {strides = array<i32>} : memref<32x128xf32, #tpu.memory_space<vmem>>, vector<16xf32>,
          %get3A_1321 = arith.index_cast %add3A_1018 : i32 to index
          %get3A_1322 = arith.constant 48 : index
          %get3A_1323 = tpu.vector_load %arg17[%get3A_1321, %get3A_1322] {strides = array<i32>} : memref<32x512xf32, #tpu.memory_space<vmem>>, vector<16xf32>,
          %get3A_1324 = arith.index_cast %add3A_1018 : i32 to index
          %get3A_1325 = arith.constant 176 : index
          %get3A_1326 = tpu.vector_load %arg17[%get3A_1324, %get3A_1325] {strides = array<i32>} : memref<32x512xf32, #tpu.memory_space<vmem>>, vector<16xf32>,
          %get3A_1327 = arith.index_cast %add3A_1018 : i32 to index
          %get3A_1328 = arith.constant 304 : index
          %get3A_1329 = tpu.vector_load %arg17[%get3A_1327, %get3A_1328] {strides = array<i32>} : memref<32x512xf32, #tpu.memory_space<vmem>>, vector<16xf32>,
          %get3A_1330 = arith.index_cast %add3A_1018 : i32 to index
          %get3A_1331 = arith.constant 432 : index
          %get3A_1332 = tpu.vector_load %arg17[%get3A_1330, %get3A_1331] {strides = array<i32>} : memref<32x512xf32, #tpu.memory_space<vmem>>, vector<16xf32>,
          %get3A_1333 = arith.index_cast %add3A_1031 : i32 to index
          %get3A_1334 = arith.constant 48 : index
          %get3A_1335 = tpu.vector_load %arg17[%get3A_1333, %get3A_1334] {strides = array<i32>} : memref<32x512xf32, #tpu.memory_space<vmem>>, vector<16xf32>,
          %get3A_1336 = arith.index_cast %add3A_1031 : i32 to index
          %get3A_1337 = arith.constant 176 : index
          %get3A_1338 = tpu.vector_load %arg17[%get3A_1336, %get3A_1337] {strides = array<i32>} : memref<32x512xf32, #tpu.memory_space<vmem>>, vector<16xf32>,
          %get3A_1339 = arith.index_cast %add3A_1031 : i32 to index
          %get3A_1340 = arith.constant 304 : index
          %get3A_1341 = tpu.vector_load %arg17[%get3A_1339, %get3A_1340] {strides = array<i32>} : memref<32x512xf32, #tpu.memory_space<vmem>>, vector<16xf32>,
          %get3A_1342 = arith.index_cast %add3A_1031 : i32 to index
          %get3A_1343 = arith.constant 432 : index
          %get3A_1344 = tpu.vector_load %arg17[%get3A_1342, %get3A_1343] {strides = array<i32>} : memref<32x512xf32, #tpu.memory_space<vmem>>, vector<16xf32>,
          %get3A_1345 = arith.index_cast %add3A_1044 : i32 to index
          %get3A_1346 = arith.constant 48 : index
          %get3A_1347 = tpu.vector_load %arg17[%get3A_1345, %get3A_1346] {strides = array<i32>} : memref<32x512xf32, #tpu.memory_space<vmem>>, vector<16xf32>,
          %get3A_1348 = arith.index_cast %add3A_1044 : i32 to index
          %get3A_1349 = arith.constant 176 : index
          %get3A_1350 = tpu.vector_load %arg17[%get3A_1348, %get3A_1349] {strides = array<i32>} : memref<32x512xf32, #tpu.memory_space<vmem>>, vector<16xf32>,
          %get3A_1351 = arith.index_cast %add3A_1044 : i32 to index
          %get3A_1352 = arith.constant 304 : index
          %get3A_1353 = tpu.vector_load %arg17[%get3A_1351, %get3A_1352] {strides = array<i32>} : memref<32x512xf32, #tpu.memory_space<vmem>>, vector<16xf32>,
          %get3A_1354 = arith.index_cast %add3A_1044 : i32 to index
          %get3A_1355 = arith.constant 432 : index
          %get3A_1356 = tpu.vector_load %arg17[%get3A_1354, %get3A_1355] {strides = array<i32>} : memref<32x512xf32, #tpu.memory_space<vmem>>, vector<16xf32>,
          %get3A_1357 = arith.index_cast %add3A_1057 : i32 to index
          %get3A_1358 = arith.constant 48 : index
          %get3A_1359 = tpu.vector_load %arg17[%get3A_1357, %get3A_1358] {strides = array<i32>} : memref<32x512xf32, #tpu.memory_space<vmem>>, vector<16xf32>,
          %get3A_1360 = arith.index_cast %add3A_1057 : i32 to index
          %get3A_1361 = arith.constant 176 : index
          %get3A_1362 = tpu.vector_load %arg17[%get3A_1360, %get3A_1361] {strides = array<i32>} : memref<32x512xf32, #tpu.memory_space<vmem>>, vector<16xf32>,
          %get3A_1363 = arith.index_cast %add3A_1057 : i32 to index
          %get3A_1364 = arith.constant 304 : index
          %get3A_1365 = tpu.vector_load %arg17[%get3A_1363, %get3A_1364] {strides = array<i32>} : memref<32x512xf32, #tpu.memory_space<vmem>>, vector<16xf32>,
          %get3A_1366 = arith.index_cast %add3A_1057 : i32 to index
          %get3A_1367 = arith.constant 432 : index
          %get3A_1368 = tpu.vector_load %arg17[%get3A_1366, %get3A_1367] {strides = array<i32>} : memref<32x512xf32, #tpu.memory_space<vmem>>, vector<16xf32>,
          %mul3A_1369 = arith.mulf %gather3A_1010, %get3A_1323 : vector<16xf32>
          %mul3A_1370 = arith.mulf %gather3A_1012, %get3A_1326 : vector<16xf32>
          %add3A_1371 = arith.addf %mul3A_1369, %mul3A_1370 : vector<16xf32>
          %mul3A_1372 = arith.mulf %gather3A_1014, %get3A_1329 : vector<16xf32>
          %mul3A_1373 = arith.mulf %gather3A_1016, %get3A_1332 : vector<16xf32>
          %add3A_1374 = arith.addf %mul3A_1372, %mul3A_1373 : vector<16xf32>
          %add3A_1375 = arith.addf %add3A_1371, %add3A_1374 : vector<16xf32>
          %mul3A_1376 = arith.mulf %gather3A_1023, %get3A_1335 : vector<16xf32>
          %mul3A_1377 = arith.mulf %gather3A_1025, %get3A_1338 : vector<16xf32>
          %add3A_1378 = arith.addf %mul3A_1376, %mul3A_1377 : vector<16xf32>
          %mul3A_1379 = arith.mulf %gather3A_1027, %get3A_1341 : vector<16xf32>
          %mul3A_1380 = arith.mulf %gather3A_1029, %get3A_1344 : vector<16xf32>
          %add3A_1381 = arith.addf %mul3A_1379, %mul3A_1380 : vector<16xf32>
          %add3A_1382 = arith.addf %add3A_1378, %add3A_1381 : vector<16xf32>
          %mul3A_1383 = arith.mulf %gather3A_1036, %get3A_1347 : vector<16xf32>
          %mul3A_1384 = arith.mulf %gather3A_1038, %get3A_1350 : vector<16xf32>
          %add3A_1385 = arith.addf %mul3A_1383, %mul3A_1384 : vector<16xf32>
          %mul3A_1386 = arith.mulf %gather3A_1040, %get3A_1353 : vector<16xf32>
          %mul3A_1387 = arith.mulf %gather3A_1042, %get3A_1356 : vector<16xf32>
          %add3A_1388 = arith.addf %mul3A_1386, %mul3A_1387 : vector<16xf32>
          %add3A_1389 = arith.addf %add3A_1385, %add3A_1388 : vector<16xf32>
          %mul3A_1390 = arith.mulf %gather3A_1049, %get3A_1359 : vector<16xf32>
          %mul3A_1391 = arith.mulf %gather3A_1051, %get3A_1362 : vector<16xf32>
          %add3A_1392 = arith.addf %mul3A_1390, %mul3A_1391 : vector<16xf32>
          %mul3A_1393 = arith.mulf %gather3A_1053, %get3A_1365 : vector<16xf32>
          %mul3A_1394 = arith.mulf %gather3A_1055, %get3A_1368 : vector<16xf32>
          %add3A_1395 = arith.addf %mul3A_1393, %mul3A_1394 : vector<16xf32>
          %add3A_1396 = arith.addf %add3A_1392, %add3A_1395 : vector<16xf32>
          %swap3A_1397 = arith.index_cast %add3A_1018 : i32 to index
          %swap3A_1398 = arith.constant 48 : index
          %swap3A_1399 = tpu.vector_load %arg19[%swap3A_1397, %swap3A_1398] {strides = array<i32>} : memref<32x128xf32, #tpu.memory_space<vmem>>, vector<16xf32>,
          tpu.vector_store %arg19[%swap3A_1397, %swap3A_1398], %add3A_1375 {strides = array<i32>} : memref<32x128xf32, #tpu.memory_space<vmem>>, vector<16xf32>,
          %swap3A_1400 = arith.index_cast %add3A_1031 : i32 to index
          %swap3A_1401 = arith.constant 48 : index
          %swap3A_1402 = tpu.vector_load %arg19[%swap3A_1400, %swap3A_1401] {strides = array<i32>} : memref<32x128xf32, #tpu.memory_space<vmem>>, vector<16xf32>,
          tpu.vector_store %arg19[%swap3A_1400, %swap3A_1401], %add3A_1382 {strides = array<i32>} : memref<32x128xf32, #tpu.memory_space<vmem>>, vector<16xf32>,
          %swap3A_1403 = arith.index_cast %add3A_1044 : i32 to index
          %swap3A_1404 = arith.constant 48 : index
          %swap3A_1405 = tpu.vector_load %arg19[%swap3A_1403, %swap3A_1404] {strides = array<i32>} : memref<32x128xf32, #tpu.memory_space<vmem>>, vector<16xf32>,
          tpu.vector_store %arg19[%swap3A_1403, %swap3A_1404], %add3A_1389 {strides = array<i32>} : memref<32x128xf32, #tpu.memory_space<vmem>>, vector<16xf32>,
          %swap3A_1406 = arith.index_cast %add3A_1057 : i32 to index
          %swap3A_1407 = arith.constant 48 : index
          %swap3A_1408 = tpu.vector_load %arg19[%swap3A_1406, %swap3A_1407] {strides = array<i32>} : memref<32x128xf32, #tpu.memory_space<vmem>>, vector<16xf32>,
          tpu.vector_store %arg19[%swap3A_1406, %swap3A_1407], %add3A_1396 {strides = array<i32>} : memref<32x128xf32, #tpu.memory_space<vmem>>, vector<16xf32>,
          %get3A_1409 = arith.index_cast %add3A_1018 : i32 to index
          %get3A_1410 = arith.constant 64 : index
          %get3A_1411 = tpu.vector_load %arg17[%get3A_1409, %get3A_1410] {strides = array<i32>} : memref<32x512xf32, #tpu.memory_space<vmem>>, vector<16xf32>,
          %get3A_1412 = arith.index_cast %add3A_1018 : i32 to index
          %get3A_1413 = arith.constant 192 : index
          %get3A_1414 = tpu.vector_load %arg17[%get3A_1412, %get3A_1413] {strides = array<i32>} : memref<32x512xf32, #tpu.memory_space<vmem>>, vector<16xf32>,
          %get3A_1415 = arith.index_cast %add3A_1018 : i32 to index
          %get3A_1416 = arith.constant 320 : index
          %get3A_1417 = tpu.vector_load %arg17[%get3A_1415, %get3A_1416] {strides = array<i32>} : memref<32x512xf32, #tpu.memory_space<vmem>>, vector<16xf32>,
          %get3A_1418 = arith.index_cast %add3A_1018 : i32 to index
          %get3A_1419 = arith.constant 448 : index
          %get3A_1420 = tpu.vector_load %arg17[%get3A_1418, %get3A_1419] {strides = array<i32>} : memref<32x512xf32, #tpu.memory_space<vmem>>, vector<16xf32>,
          %get3A_1421 = arith.index_cast %add3A_1031 : i32 to index
          %get3A_1422 = arith.constant 64 : index
          %get3A_1423 = tpu.vector_load %arg17[%get3A_1421, %get3A_1422] {strides = array<i32>} : memref<32x512xf32, #tpu.memory_space<vmem>>, vector<16xf32>,
          %get3A_1424 = arith.index_cast %add3A_1031 : i32 to index
          %get3A_1425 = arith.constant 192 : index
          %get3A_1426 = tpu.vector_load %arg17[%get3A_1424, %get3A_1425] {strides = array<i32>} : memref<32x512xf32, #tpu.memory_space<vmem>>, vector<16xf32>,
          %get3A_1427 = arith.index_cast %add3A_1031 : i32 to index
          %get3A_1428 = arith.constant 320 : index
          %get3A_1429 = tpu.vector_load %arg17[%get3A_1427, %get3A_1428] {strides = array<i32>} : memref<32x512xf32, #tpu.memory_space<vmem>>, vector<16xf32>,
          %get3A_1430 = arith.index_cast %add3A_1031 : i32 to index
          %get3A_1431 = arith.constant 448 : index
          %get3A_1432 = tpu.vector_load %arg17[%get3A_1430, %get3A_1431] {strides = array<i32>} : memref<32x512xf32, #tpu.memory_space<vmem>>, vector<16xf32>,
          %get3A_1433 = arith.index_cast %add3A_1044 : i32 to index
          %get3A_1434 = arith.constant 64 : index
          %get3A_1435 = tpu.vector_load %arg17[%get3A_1433, %get3A_1434] {strides = array<i32>} : memref<32x512xf32, #tpu.memory_space<vmem>>, vector<16xf32>,
          %get3A_1436 = arith.index_cast %add3A_1044 : i32 to index
          %get3A_1437 = arith.constant 192 : index
          %get3A_1438 = tpu.vector_load %arg17[%get3A_1436, %get3A_1437] {strides = array<i32>} : memref<32x512xf32, #tpu.memory_space<vmem>>, vector<16xf32>,
          %get3A_1439 = arith.index_cast %add3A_1044 : i32 to index
          %get3A_1440 = arith.constant 320 : index
          %get3A_1441 = tpu.vector_load %arg17[%get3A_1439, %get3A_1440] {strides = array<i32>} : memref<32x512xf32, #tpu.memory_space<vmem>>, vector<16xf32>,
          %get3A_1442 = arith.index_cast %add3A_1044 : i32 to index
          %get3A_1443 = arith.constant 448 : index
          %get3A_1444 = tpu.vector_load %arg17[%get3A_1442, %get3A_1443] {strides = array<i32>} : memref<32x512xf32, #tpu.memory_space<vmem>>, vector<16xf32>,
          %get3A_1445 = arith.index_cast %add3A_1057 : i32 to index
          %get3A_1446 = arith.constant 64 : index
          %get3A_1447 = tpu.vector_load %arg17[%get3A_1445, %get3A_1446] {strides = array<i32>} : memref<32x512xf32, #tpu.memory_space<vmem>>, vector<16xf32>,
          %get3A_1448 = arith.index_cast %add3A_1057 : i32 to index
          %get3A_1449 = arith.constant 192 : index
          %get3A_1450 = tpu.vector_load %arg17[%get3A_1448, %get3A_1449] {strides = array<i32>} : memref<32x512xf32, #tpu.memory_space<vmem>>, vector<16xf32>,
          %get3A_1451 = arith.index_cast %add3A_1057 : i32 to index
          %get3A_1452 = arith.constant 320 : index
          %get3A_1453 = tpu.vector_load %arg17[%get3A_1451, %get3A_1452] {strides = array<i32>} : memref<32x512xf32, #tpu.memory_space<vmem>>, vector<16xf32>,
          %get3A_1454 = arith.index_cast %add3A_1057 : i32 to index
          %get3A_1455 = arith.constant 448 : index
          %get3A_1456 = tpu.vector_load %arg17[%get3A_1454, %get3A_1455] {strides = array<i32>} : memref<32x512xf32, #tpu.memory_space<vmem>>, vector<16xf32>,
          %mul3A_1457 = arith.mulf %gather3A_1010, %get3A_1411 : vector<16xf32>
          %mul3A_1458 = arith.mulf %gather3A_1012, %get3A_1414 : vector<16xf32>
          %add3A_1459 = arith.addf %mul3A_1457, %mul3A_1458 : vector<16xf32>
          %mul3A_1460 = arith.mulf %gather3A_1014, %get3A_1417 : vector<16xf32>
          %mul3A_1461 = arith.mulf %gather3A_1016, %get3A_1420 : vector<16xf32>
          %add3A_1462 = arith.addf %mul3A_1460, %mul3A_1461 : vector<16xf32>
          %add3A_1463 = arith.addf %add3A_1459, %add3A_1462 : vector<16xf32>
          %mul3A_1464 = arith.mulf %gather3A_1023, %get3A_1423 : vector<16xf32>
          %mul3A_1465 = arith.mulf %gather3A_1025, %get3A_1426 : vector<16xf32>
          %add3A_1466 = arith.addf %mul3A_1464, %mul3A_1465 : vector<16xf32>
          %mul3A_1467 = arith.mulf %gather3A_1027, %get3A_1429 : vector<16xf32>
          %mul3A_1468 = arith.mulf %gather3A_1029, %get3A_1432 : vector<16xf32>
          %add3A_1469 = arith.addf %mul3A_1467, %mul3A_1468 : vector<16xf32>
          %add3A_1470 = arith.addf %add3A_1466, %add3A_1469 : vector<16xf32>
          %mul3A_1471 = arith.mulf %gather3A_1036, %get3A_1435 : vector<16xf32>
          %mul3A_1472 = arith.mulf %gather3A_1038, %get3A_1438 : vector<16xf32>
          %add3A_1473 = arith.addf %mul3A_1471, %mul3A_1472 : vector<16xf32>
          %mul3A_1474 = arith.mulf %gather3A_1040, %get3A_1441 : vector<16xf32>
          %mul3A_1475 = arith.mulf %gather3A_1042, %get3A_1444 : vector<16xf32>
          %add3A_1476 = arith.addf %mul3A_1474, %mul3A_1475 : vector<16xf32>
          %add3A_1477 = arith.addf %add3A_1473, %add3A_1476 : vector<16xf32>
          %mul3A_1478 = arith.mulf %gather3A_1049, %get3A_1447 : vector<16xf32>
          %mul3A_1479 = arith.mulf %gather3A_1051, %get3A_1450 : vector<16xf32>
          %add3A_1480 = arith.addf %mul3A_1478, %mul3A_1479 : vector<16xf32>
          %mul3A_1481 = arith.mulf %gather3A_1053, %get3A_1453 : vector<16xf32>
          %mul3A_1482 = arith.mulf %gather3A_1055, %get3A_1456 : vector<16xf32>
          %add3A_1483 = arith.addf %mul3A_1481, %mul3A_1482 : vector<16xf32>
          %add3A_1484 = arith.addf %add3A_1480, %add3A_1483 : vector<16xf32>
          %swap3A_1485 = arith.index_cast %add3A_1018 : i32 to index
          %swap3A_1486 = arith.constant 64 : index
          %swap3A_1487 = tpu.vector_load %arg19[%swap3A_1485, %swap3A_1486] {strides = array<i32>} : memref<32x128xf32, #tpu.memory_space<vmem>>, vector<16xf32>,
          tpu.vector_store %arg19[%swap3A_1485, %swap3A_1486], %add3A_1463 {strides = array<i32>} : memref<32x128xf32, #tpu.memory_space<vmem>>, vector<16xf32>,
          %swap3A_1488 = arith.index_cast %add3A_1031 : i32 to index
          %swap3A_1489 = arith.constant 64 : index
          %swap3A_1490 = tpu.vector_load %arg19[%swap3A_1488, %swap3A_1489] {strides = array<i32>} : memref<32x128xf32, #tpu.memory_space<vmem>>, vector<16xf32>,
          tpu.vector_store %arg19[%swap3A_1488, %swap3A_1489], %add3A_1470 {strides = array<i32>} : memref<32x128xf32, #tpu.memory_space<vmem>>, vector<16xf32>,
          %swap3A_1491 = arith.index_cast %add3A_1044 : i32 to index
          %swap3A_1492 = arith.constant 64 : index
          %swap3A_1493 = tpu.vector_load %arg19[%swap3A_1491, %swap3A_1492] {strides = array<i32>} : memref<32x128xf32, #tpu.memory_space<vmem>>, vector<16xf32>,
          tpu.vector_store %arg19[%swap3A_1491, %swap3A_1492], %add3A_1477 {strides = array<i32>} : memref<32x128xf32, #tpu.memory_space<vmem>>, vector<16xf32>,
          %swap3A_1494 = arith.index_cast %add3A_1057 : i32 to index
          %swap3A_1495 = arith.constant 64 : index
          %swap3A_1496 = tpu.vector_load %arg19[%swap3A_1494, %swap3A_1495] {strides = array<i32>} : memref<32x128xf32, #tpu.memory_space<vmem>>, vector<16xf32>,
          tpu.vector_store %arg19[%swap3A_1494, %swap3A_1495], %add3A_1484 {strides = array<i32>} : memref<32x128xf32, #tpu.memory_space<vmem>>, vector<16xf32>,
          %get3A_1497 = arith.index_cast %add3A_1018 : i32 to index
          %get3A_1498 = arith.constant 80 : index
          %get3A_1499 = tpu.vector_load %arg17[%get3A_1497, %get3A_1498] {strides = array<i32>} : memref<32x512xf32, #tpu.memory_space<vmem>>, vector<16xf32>,
          %get3A_1500 = arith.index_cast %add3A_1018 : i32 to index
          %get3A_1501 = arith.constant 208 : index
          %get3A_1502 = tpu.vector_load %arg17[%get3A_1500, %get3A_1501] {strides = array<i32>} : memref<32x512xf32, #tpu.memory_space<vmem>>, vector<16xf32>,
          %get3A_1503 = arith.index_cast %add3A_1018 : i32 to index
          %get3A_1504 = arith.constant 336 : index
          %get3A_1505 = tpu.vector_load %arg17[%get3A_1503, %get3A_1504] {strides = array<i32>} : memref<32x512xf32, #tpu.memory_space<vmem>>, vector<16xf32>,
          %get3A_1506 = arith.index_cast %add3A_1018 : i32 to index
          %get3A_1507 = arith.constant 464 : index
          %get3A_1508 = tpu.vector_load %arg17[%get3A_1506, %get3A_1507] {strides = array<i32>} : memref<32x512xf32, #tpu.memory_space<vmem>>, vector<16xf32>,
          %get3A_1509 = arith.index_cast %add3A_1031 : i32 to index
          %get3A_1510 = arith.constant 80 : index
          %get3A_1511 = tpu.vector_load %arg17[%get3A_1509, %get3A_1510] {strides = array<i32>} : memref<32x512xf32, #tpu.memory_space<vmem>>, vector<16xf32>,
          %get3A_1512 = arith.index_cast %add3A_1031 : i32 to index
          %get3A_1513 = arith.constant 208 : index
          %get3A_1514 = tpu.vector_load %arg17[%get3A_1512, %get3A_1513] {strides = array<i32>} : memref<32x512xf32, #tpu.memory_space<vmem>>, vector<16xf32>,
          %get3A_1515 = arith.index_cast %add3A_1031 : i32 to index
          %get3A_1516 = arith.constant 336 : index
          %get3A_1517 = tpu.vector_load %arg17[%get3A_1515, %get3A_1516] {strides = array<i32>} : memref<32x512xf32, #tpu.memory_space<vmem>>, vector<16xf32>,
          %get3A_1518 = arith.index_cast %add3A_1031 : i32 to index
          %get3A_1519 = arith.constant 464 : index
          %get3A_1520 = tpu.vector_load %arg17[%get3A_1518, %get3A_1519] {strides = array<i32>} : memref<32x512xf32, #tpu.memory_space<vmem>>, vector<16xf32>,
          %get3A_1521 = arith.index_cast %add3A_1044 : i32 to index
          %get3A_1522 = arith.constant 80 : index
          %get3A_1523 = tpu.vector_load %arg17[%get3A_1521, %get3A_1522] {strides = array<i32>} : memref<32x512xf32, #tpu.memory_space<vmem>>, vector<16xf32>,
          %get3A_1524 = arith.index_cast %add3A_1044 : i32 to index
          %get3A_1525 = arith.constant 208 : index
          %get3A_1526 = tpu.vector_load %arg17[%get3A_1524, %get3A_1525] {strides = array<i32>} : memref<32x512xf32, #tpu.memory_space<vmem>>, vector<16xf32>,
          %get3A_1527 = arith.index_cast %add3A_1044 : i32 to index
          %get3A_1528 = arith.constant 336 : index
          %get3A_1529 = tpu.vector_load %arg17[%get3A_1527, %get3A_1528] {strides = array<i32>} : memref<32x512xf32, #tpu.memory_space<vmem>>, vector<16xf32>,
          %get3A_1530 = arith.index_cast %add3A_1044 : i32 to index
          %get3A_1531 = arith.constant 464 : index
          %get3A_1532 = tpu.vector_load %arg17[%get3A_1530, %get3A_1531] {strides = array<i32>} : memref<32x512xf32, #tpu.memory_space<vmem>>, vector<16xf32>,
          %get3A_1533 = arith.index_cast %add3A_1057 : i32 to index
          %get3A_1534 = arith.constant 80 : index
          %get3A_1535 = tpu.vector_load %arg17[%get3A_1533, %get3A_1534] {strides = array<i32>} : memref<32x512xf32, #tpu.memory_space<vmem>>, vector<16xf32>,
          %get3A_1536 = arith.index_cast %add3A_1057 : i32 to index
          %get3A_1537 = arith.constant 208 : index
          %get3A_1538 = tpu.vector_load %arg17[%get3A_1536, %get3A_1537] {strides = array<i32>} : memref<32x512xf32, #tpu.memory_space<vmem>>, vector<16xf32>,
          %get3A_1539 = arith.index_cast %add3A_1057 : i32 to index
          %get3A_1540 = arith.constant 336 : index
          %get3A_1541 = tpu.vector_load %arg17[%get3A_1539, %get3A_1540] {strides = array<i32>} : memref<32x512xf32, #tpu.memory_space<vmem>>, vector<16xf32>,
          %get3A_1542 = arith.index_cast %add3A_1057 : i32 to index
          %get3A_1543 = arith.constant 464 : index
          %get3A_1544 = tpu.vector_load %arg17[%get3A_1542, %get3A_1543] {strides = array<i32>} : memref<32x512xf32, #tpu.memory_space<vmem>>, vector<16xf32>,
          %mul3A_1545 = arith.mulf %gather3A_1010, %get3A_1499 : vector<16xf32>
          %mul3A_1546 = arith.mulf %gather3A_1012, %get3A_1502 : vector<16xf32>
          %add3A_1547 = arith.addf %mul3A_1545, %mul3A_1546 : vector<16xf32>
          %mul3A_1548 = arith.mulf %gather3A_1014, %get3A_1505 : vector<16xf32>
          %mul3A_1549 = arith.mulf %gather3A_1016, %get3A_1508 : vector<16xf32>
          %add3A_1550 = arith.addf %mul3A_1548, %mul3A_1549 : vector<16xf32>
          %add3A_1551 = arith.addf %add3A_1547, %add3A_1550 : vector<16xf32>
          %mul3A_1552 = arith.mulf %gather3A_1023, %get3A_1511 : vector<16xf32>
          %mul3A_1553 = arith.mulf %gather3A_1025, %get3A_1514 : vector<16xf32>
          %add3A_1554 = arith.addf %mul3A_1552, %mul3A_1553 : vector<16xf32>
          %mul3A_1555 = arith.mulf %gather3A_1027, %get3A_1517 : vector<16xf32>
          %mul3A_1556 = arith.mulf %gather3A_1029, %get3A_1520 : vector<16xf32>
          %add3A_1557 = arith.addf %mul3A_1555, %mul3A_1556 : vector<16xf32>
          %add3A_1558 = arith.addf %add3A_1554, %add3A_1557 : vector<16xf32>
          %mul3A_1559 = arith.mulf %gather3A_1036, %get3A_1523 : vector<16xf32>
          %mul3A_1560 = arith.mulf %gather3A_1038, %get3A_1526 : vector<16xf32>
          %add3A_1561 = arith.addf %mul3A_1559, %mul3A_1560 : vector<16xf32>
          %mul3A_1562 = arith.mulf %gather3A_1040, %get3A_1529 : vector<16xf32>
          %mul3A_1563 = arith.mulf %gather3A_1042, %get3A_1532 : vector<16xf32>
          %add3A_1564 = arith.addf %mul3A_1562, %mul3A_1563 : vector<16xf32>
          %add3A_1565 = arith.addf %add3A_1561, %add3A_1564 : vector<16xf32>
          %mul3A_1566 = arith.mulf %gather3A_1049, %get3A_1535 : vector<16xf32>
          %mul3A_1567 = arith.mulf %gather3A_1051, %get3A_1538 : vector<16xf32>
          %add3A_1568 = arith.addf %mul3A_1566, %mul3A_1567 : vector<16xf32>
          %mul3A_1569 = arith.mulf %gather3A_1053, %get3A_1541 : vector<16xf32>
          %mul3A_1570 = arith.mulf %gather3A_1055, %get3A_1544 : vector<16xf32>
          %add3A_1571 = arith.addf %mul3A_1569, %mul3A_1570 : vector<16xf32>
          %add3A_1572 = arith.addf %add3A_1568, %add3A_1571 : vector<16xf32>
          %swap3A_1573 = arith.index_cast %add3A_1018 : i32 to index
          %swap3A_1574 = arith.constant 80 : index
          %swap3A_1575 = tpu.vector_load %arg19[%swap3A_1573, %swap3A_1574] {strides = array<i32>} : memref<32x128xf32, #tpu.memory_space<vmem>>, vector<16xf32>,
          tpu.vector_store %arg19[%swap3A_1573, %swap3A_1574], %add3A_1551 {strides = array<i32>} : memref<32x128xf32, #tpu.memory_space<vmem>>, vector<16xf32>,
          %swap3A_1576 = arith.index_cast %add3A_1031 : i32 to index
          %swap3A_1577 = arith.constant 80 : index
          %swap3A_1578 = tpu.vector_load %arg19[%swap3A_1576, %swap3A_1577] {strides = array<i32>} : memref<32x128xf32, #tpu.memory_space<vmem>>, vector<16xf32>,
          tpu.vector_store %arg19[%swap3A_1576, %swap3A_1577], %add3A_1558 {strides = array<i32>} : memref<32x128xf32, #tpu.memory_space<vmem>>, vector<16xf32>,
          %swap3A_1579 = arith.index_cast %add3A_1044 : i32 to index
          %swap3A_1580 = arith.constant 80 : index
          %swap3A_1581 = tpu.vector_load %arg19[%swap3A_1579, %swap3A_1580] {strides = array<i32>} : memref<32x128xf32, #tpu.memory_space<vmem>>, vector<16xf32>,
          tpu.vector_store %arg19[%swap3A_1579, %swap3A_1580], %add3A_1565 {strides = array<i32>} : memref<32x128xf32, #tpu.memory_space<vmem>>, vector<16xf32>,
          %swap3A_1582 = arith.index_cast %add3A_1057 : i32 to index
          %swap3A_1583 = arith.constant 80 : index
          %swap3A_1584 = tpu.vector_load %arg19[%swap3A_1582, %swap3A_1583] {strides = array<i32>} : memref<32x128xf32, #tpu.memory_space<vmem>>, vector<16xf32>,
          tpu.vector_store %arg19[%swap3A_1582, %swap3A_1583], %add3A_1572 {strides = array<i32>} : memref<32x128xf32, #tpu.memory_space<vmem>>, vector<16xf32>,
          %get3A_1585 = arith.index_cast %add3A_1018 : i32 to index
          %get3A_1586 = arith.constant 96 : index
          %get3A_1587 = tpu.vector_load %arg17[%get3A_1585, %get3A_1586] {strides = array<i32>} : memref<32x512xf32, #tpu.memory_space<vmem>>, vector<16xf32>,
          %get3A_1588 = arith.index_cast %add3A_1018 : i32 to index
          %get3A_1589 = arith.constant 224 : index
          %get3A_1590 = tpu.vector_load %arg17[%get3A_1588, %get3A_1589] {strides = array<i32>} : memref<32x512xf32, #tpu.memory_space<vmem>>, vector<16xf32>,
          %get3A_1591 = arith.index_cast %add3A_1018 : i32 to index
          %get3A_1592 = arith.constant 352 : index
          %get3A_1593 = tpu.vector_load %arg17[%get3A_1591, %get3A_1592] {strides = array<i32>} : memref<32x512xf32, #tpu.memory_space<vmem>>, vector<16xf32>,
          %get3A_1594 = arith.index_cast %add3A_1018 : i32 to index
          %get3A_1595 = arith.constant 480 : index
          %get3A_1596 = tpu.vector_load %arg17[%get3A_1594, %get3A_1595] {strides = array<i32>} : memref<32x512xf32, #tpu.memory_space<vmem>>, vector<16xf32>,
          %get3A_1597 = arith.index_cast %add3A_1031 : i32 to index
          %get3A_1598 = arith.constant 96 : index
          %get3A_1599 = tpu.vector_load %arg17[%get3A_1597, %get3A_1598] {strides = array<i32>} : memref<32x512xf32, #tpu.memory_space<vmem>>, vector<16xf32>,
          %get3A_1600 = arith.index_cast %add3A_1031 : i32 to index
          %get3A_1601 = arith.constant 224 : index
          %get3A_1602 = tpu.vector_load %arg17[%get3A_1600, %get3A_1601] {strides = array<i32>} : memref<32x512xf32, #tpu.memory_space<vmem>>, vector<16xf32>,
          %get3A_1603 = arith.index_cast %add3A_1031 : i32 to index
          %get3A_1604 = arith.constant 352 : index
          %get3A_1605 = tpu.vector_load %arg17[%get3A_1603, %get3A_1604] {strides = array<i32>} : memref<32x512xf32, #tpu.memory_space<vmem>>, vector<16xf32>,
          %get3A_1606 = arith.index_cast %add3A_1031 : i32 to index
          %get3A_1607 = arith.constant 480 : index
          %get3A_1608 = tpu.vector_load %arg17[%get3A_1606, %get3A_1607] {strides = array<i32>} : memref<32x512xf32, #tpu.memory_space<vmem>>, vector<16xf32>,
          %get3A_1609 = arith.index_cast %add3A_1044 : i32 to index
          %get3A_1610 = arith.constant 96 : index
          %get3A_1611 = tpu.vector_load %arg17[%get3A_1609, %get3A_1610] {strides = array<i32>} : memref<32x512xf32, #tpu.memory_space<vmem>>, vector<16xf32>,
          %get3A_1612 = arith.index_cast %add3A_1044 : i32 to index
          %get3A_1613 = arith.constant 224 : index
          %get3A_1614 = tpu.vector_load %arg17[%get3A_1612, %get3A_1613] {strides = array<i32>} : memref<32x512xf32, #tpu.memory_space<vmem>>, vector<16xf32>,
          %get3A_1615 = arith.index_cast %add3A_1044 : i32 to index
          %get3A_1616 = arith.constant 352 : index
          %get3A_1617 = tpu.vector_load %arg17[%get3A_1615, %get3A_1616] {strides = array<i32>} : memref<32x512xf32, #tpu.memory_space<vmem>>, vector<16xf32>,
          %get3A_1618 = arith.index_cast %add3A_1044 : i32 to index
          %get3A_1619 = arith.constant 480 : index
          %get3A_1620 = tpu.vector_load %arg17[%get3A_1618, %get3A_1619] {strides = array<i32>} : memref<32x512xf32, #tpu.memory_space<vmem>>, vector<16xf32>,
          %get3A_1621 = arith.index_cast %add3A_1057 : i32 to index
          %get3A_1622 = arith.constant 96 : index
          %get3A_1623 = tpu.vector_load %arg17[%get3A_1621, %get3A_1622] {strides = array<i32>} : memref<32x512xf32, #tpu.memory_space<vmem>>, vector<16xf32>,
          %get3A_1624 = arith.index_cast %add3A_1057 : i32 to index
          %get3A_1625 = arith.constant 224 : index
          %get3A_1626 = tpu.vector_load %arg17[%get3A_1624, %get3A_1625] {strides = array<i32>} : memref<32x512xf32, #tpu.memory_space<vmem>>, vector<16xf32>,
          %get3A_1627 = arith.index_cast %add3A_1057 : i32 to index
          %get3A_1628 = arith.constant 352 : index
          %get3A_1629 = tpu.vector_load %arg17[%get3A_1627, %get3A_1628] {strides = array<i32>} : memref<32x512xf32, #tpu.memory_space<vmem>>, vector<16xf32>,
          %get3A_1630 = arith.index_cast %add3A_1057 : i32 to index
          %get3A_1631 = arith.constant 480 : index
          %get3A_1632 = tpu.vector_load %arg17[%get3A_1630, %get3A_1631] {strides = array<i32>} : memref<32x512xf32, #tpu.memory_space<vmem>>, vector<16xf32>,
          %mul3A_1633 = arith.mulf %gather3A_1010, %get3A_1587 : vector<16xf32>
          %mul3A_1634 = arith.mulf %gather3A_1012, %get3A_1590 : vector<16xf32>
          %add3A_1635 = arith.addf %mul3A_1633, %mul3A_1634 : vector<16xf32>
          %mul3A_1636 = arith.mulf %gather3A_1014, %get3A_1593 : vector<16xf32>
          %mul3A_1637 = arith.mulf %gather3A_1016, %get3A_1596 : vector<16xf32>
          %add3A_1638 = arith.addf %mul3A_1636, %mul3A_1637 : vector<16xf32>
          %add3A_1639 = arith.addf %add3A_1635, %add3A_1638 : vector<16xf32>
          %mul3A_1640 = arith.mulf %gather3A_1023, %get3A_1599 : vector<16xf32>
          %mul3A_1641 = arith.mulf %gather3A_1025, %get3A_1602 : vector<16xf32>
          %add3A_1642 = arith.addf %mul3A_1640, %mul3A_1641 : vector<16xf32>
          %mul3A_1643 = arith.mulf %gather3A_1027, %get3A_1605 : vector<16xf32>
          %mul3A_1644 = arith.mulf %gather3A_1029, %get3A_1608 : vector<16xf32>
          %add3A_1645 = arith.addf %mul3A_1643, %mul3A_1644 : vector<16xf32>
          %add3A_1646 = arith.addf %add3A_1642, %add3A_1645 : vector<16xf32>
          %mul3A_1647 = arith.mulf %gather3A_1036, %get3A_1611 : vector<16xf32>
          %mul3A_1648 = arith.mulf %gather3A_1038, %get3A_1614 : vector<16xf32>
          %add3A_1649 = arith.addf %mul3A_1647, %mul3A_1648 : vector<16xf32>
          %mul3A_1650 = arith.mulf %gather3A_1040, %get3A_1617 : vector<16xf32>
          %mul3A_1651 = arith.mulf %gather3A_1042, %get3A_1620 : vector<16xf32>
          %add3A_1652 = arith.addf %mul3A_1650, %mul3A_1651 : vector<16xf32>
          %add3A_1653 = arith.addf %add3A_1649, %add3A_1652 : vector<16xf32>
          %mul3A_1654 = arith.mulf %gather3A_1049, %get3A_1623 : vector<16xf32>
          %mul3A_1655 = arith.mulf %gather3A_1051, %get3A_1626 : vector<16xf32>
          %add3A_1656 = arith.addf %mul3A_1654, %mul3A_1655 : vector<16xf32>
          %mul3A_1657 = arith.mulf %gather3A_1053, %get3A_1629 : vector<16xf32>
          %mul3A_1658 = arith.mulf %gather3A_1055, %get3A_1632 : vector<16xf32>
          %add3A_1659 = arith.addf %mul3A_1657, %mul3A_1658 : vector<16xf32>
          %add3A_1660 = arith.addf %add3A_1656, %add3A_1659 : vector<16xf32>
          %swap3A_1661 = arith.index_cast %add3A_1018 : i32 to index
          %swap3A_1662 = arith.constant 96 : index
          %swap3A_1663 = tpu.vector_load %arg19[%swap3A_1661, %swap3A_1662] {strides = array<i32>} : memref<32x128xf32, #tpu.memory_space<vmem>>, vector<16xf32>,
          tpu.vector_store %arg19[%swap3A_1661, %swap3A_1662], %add3A_1639 {strides = array<i32>} : memref<32x128xf32, #tpu.memory_space<vmem>>, vector<16xf32>,
          %swap3A_1664 = arith.index_cast %add3A_1031 : i32 to index
          %swap3A_1665 = arith.constant 96 : index
          %swap3A_1666 = tpu.vector_load %arg19[%swap3A_1664, %swap3A_1665] {strides = array<i32>} : memref<32x128xf32, #tpu.memory_space<vmem>>, vector<16xf32>,
          tpu.vector_store %arg19[%swap3A_1664, %swap3A_1665], %add3A_1646 {strides = array<i32>} : memref<32x128xf32, #tpu.memory_space<vmem>>, vector<16xf32>,
          %swap3A_1667 = arith.index_cast %add3A_1044 : i32 to index
          %swap3A_1668 = arith.constant 96 : index
          %swap3A_1669 = tpu.vector_load %arg19[%swap3A_1667, %swap3A_1668] {strides = array<i32>} : memref<32x128xf32, #tpu.memory_space<vmem>>, vector<16xf32>,
          tpu.vector_store %arg19[%swap3A_1667, %swap3A_1668], %add3A_1653 {strides = array<i32>} : memref<32x128xf32, #tpu.memory_space<vmem>>, vector<16xf32>,
          %swap3A_1670 = arith.index_cast %add3A_1057 : i32 to index
          %swap3A_1671 = arith.constant 96 : index
          %swap3A_1672 = tpu.vector_load %arg19[%swap3A_1670, %swap3A_1671] {strides = array<i32>} : memref<32x128xf32, #tpu.memory_space<vmem>>, vector<16xf32>,
          tpu.vector_store %arg19[%swap3A_1670, %swap3A_1671], %add3A_1660 {strides = array<i32>} : memref<32x128xf32, #tpu.memory_space<vmem>>, vector<16xf32>,
          %get3A_1673 = arith.index_cast %add3A_1018 : i32 to index
          %get3A_1674 = arith.constant 112 : index
          %get3A_1675 = tpu.vector_load %arg17[%get3A_1673, %get3A_1674] {strides = array<i32>} : memref<32x512xf32, #tpu.memory_space<vmem>>, vector<16xf32>,
          %get3A_1676 = arith.index_cast %add3A_1018 : i32 to index
          %get3A_1677 = arith.constant 240 : index
          %get3A_1678 = tpu.vector_load %arg17[%get3A_1676, %get3A_1677] {strides = array<i32>} : memref<32x512xf32, #tpu.memory_space<vmem>>, vector<16xf32>,
          %get3A_1679 = arith.index_cast %add3A_1018 : i32 to index
          %get3A_1680 = arith.constant 368 : index
          %get3A_1681 = tpu.vector_load %arg17[%get3A_1679, %get3A_1680] {strides = array<i32>} : memref<32x512xf32, #tpu.memory_space<vmem>>, vector<16xf32>,
          %get3A_1682 = arith.index_cast %add3A_1018 : i32 to index
          %get3A_1683 = arith.constant 496 : index
          %get3A_1684 = tpu.vector_load %arg17[%get3A_1682, %get3A_1683] {strides = array<i32>} : memref<32x512xf32, #tpu.memory_space<vmem>>, vector<16xf32>,
          %get3A_1685 = arith.index_cast %add3A_1031 : i32 to index
          %get3A_1686 = arith.constant 112 : index
          %get3A_1687 = tpu.vector_load %arg17[%get3A_1685, %get3A_1686] {strides = array<i32>} : memref<32x512xf32, #tpu.memory_space<vmem>>, vector<16xf32>,
          %get3A_1688 = arith.index_cast %add3A_1031 : i32 to index
          %get3A_1689 = arith.constant 240 : index
          %get3A_1690 = tpu.vector_load %arg17[%get3A_1688, %get3A_1689] {strides = array<i32>} : memref<32x512xf32, #tpu.memory_space<vmem>>, vector<16xf32>,
          %get3A_1691 = arith.index_cast %add3A_1031 : i32 to index
          %get3A_1692 = arith.constant 368 : index
          %get3A_1693 = tpu.vector_load %arg17[%get3A_1691, %get3A_1692] {strides = array<i32>} : memref<32x512xf32, #tpu.memory_space<vmem>>, vector<16xf32>,
          %get3A_1694 = arith.index_cast %add3A_1031 : i32 to index
          %get3A_1695 = arith.constant 496 : index
          %get3A_1696 = tpu.vector_load %arg17[%get3A_1694, %get3A_1695] {strides = array<i32>} : memref<32x512xf32, #tpu.memory_space<vmem>>, vector<16xf32>,
          %get3A_1697 = arith.index_cast %add3A_1044 : i32 to index
          %get3A_1698 = arith.constant 112 : index
          %get3A_1699 = tpu.vector_load %arg17[%get3A_1697, %get3A_1698] {strides = array<i32>} : memref<32x512xf32, #tpu.memory_space<vmem>>, vector<16xf32>,
          %get3A_1700 = arith.index_cast %add3A_1044 : i32 to index
          %get3A_1701 = arith.constant 240 : index
          %get3A_1702 = tpu.vector_load %arg17[%get3A_1700, %get3A_1701] {strides = array<i32>} : memref<32x512xf32, #tpu.memory_space<vmem>>, vector<16xf32>,
          %get3A_1703 = arith.index_cast %add3A_1044 : i32 to index
          %get3A_1704 = arith.constant 368 : index
          %get3A_1705 = tpu.vector_load %arg17[%get3A_1703, %get3A_1704] {strides = array<i32>} : memref<32x512xf32, #tpu.memory_space<vmem>>, vector<16xf32>,
          %get3A_1706 = arith.index_cast %add3A_1044 : i32 to index
          %get3A_1707 = arith.constant 496 : index
          %get3A_1708 = tpu.vector_load %arg17[%get3A_1706, %get3A_1707] {strides = array<i32>} : memref<32x512xf32, #tpu.memory_space<vmem>>, vector<16xf32>,
          %get3A_1709 = arith.index_cast %add3A_1057 : i32 to index
          %get3A_1710 = arith.constant 112 : index
          %get3A_1711 = tpu.vector_load %arg17[%get3A_1709, %get3A_1710] {strides = array<i32>} : memref<32x512xf32, #tpu.memory_space<vmem>>, vector<16xf32>,
          %get3A_1712 = arith.index_cast %add3A_1057 : i32 to index
          %get3A_1713 = arith.constant 240 : index
          %get3A_1714 = tpu.vector_load %arg17[%get3A_1712, %get3A_1713] {strides = array<i32>} : memref<32x512xf32, #tpu.memory_space<vmem>>, vector<16xf32>,
          %get3A_1715 = arith.index_cast %add3A_1057 : i32 to index
          %get3A_1716 = arith.constant 368 : index
          %get3A_1717 = tpu.vector_load %arg17[%get3A_1715, %get3A_1716] {strides = array<i32>} : memref<32x512xf32, #tpu.memory_space<vmem>>, vector<16xf32>,
          %get3A_1718 = arith.index_cast %add3A_1057 : i32 to index
          %get3A_1719 = arith.constant 496 : index
          %get3A_1720 = tpu.vector_load %arg17[%get3A_1718, %get3A_1719] {strides = array<i32>} : memref<32x512xf32, #tpu.memory_space<vmem>>, vector<16xf32>,
          %mul3A_1721 = arith.mulf %gather3A_1010, %get3A_1675 : vector<16xf32>
          %mul3A_1722 = arith.mulf %gather3A_1012, %get3A_1678 : vector<16xf32>
          %add3A_1723 = arith.addf %mul3A_1721, %mul3A_1722 : vector<16xf32>
          %mul3A_1724 = arith.mulf %gather3A_1014, %get3A_1681 : vector<16xf32>
          %mul3A_1725 = arith.mulf %gather3A_1016, %get3A_1684 : vector<16xf32>
          %add3A_1726 = arith.addf %mul3A_1724, %mul3A_1725 : vector<16xf32>
          %add3A_1727 = arith.addf %add3A_1723, %add3A_1726 : vector<16xf32>
          %mul3A_1728 = arith.mulf %gather3A_1023, %get3A_1687 : vector<16xf32>
          %mul3A_1729 = arith.mulf %gather3A_1025, %get3A_1690 : vector<16xf32>
          %add3A_1730 = arith.addf %mul3A_1728, %mul3A_1729 : vector<16xf32>
          %mul3A_1731 = arith.mulf %gather3A_1027, %get3A_1693 : vector<16xf32>
          %mul3A_1732 = arith.mulf %gather3A_1029, %get3A_1696 : vector<16xf32>
          %add3A_1733 = arith.addf %mul3A_1731, %mul3A_1732 : vector<16xf32>
          %add3A_1734 = arith.addf %add3A_1730, %add3A_1733 : vector<16xf32>
          %mul3A_1735 = arith.mulf %gather3A_1036, %get3A_1699 : vector<16xf32>
          %mul3A_1736 = arith.mulf %gather3A_1038, %get3A_1702 : vector<16xf32>
          %add3A_1737 = arith.addf %mul3A_1735, %mul3A_1736 : vector<16xf32>
          %mul3A_1738 = arith.mulf %gather3A_1040, %get3A_1705 : vector<16xf32>
          %mul3A_1739 = arith.mulf %gather3A_1042, %get3A_1708 : vector<16xf32>
          %add3A_1740 = arith.addf %mul3A_1738, %mul3A_1739 : vector<16xf32>
          %add3A_1741 = arith.addf %add3A_1737, %add3A_1740 : vector<16xf32>
          %mul3A_1742 = arith.mulf %gather3A_1049, %get3A_1711 : vector<16xf32>
          %mul3A_1743 = arith.mulf %gather3A_1051, %get3A_1714 : vector<16xf32>
          %add3A_1744 = arith.addf %mul3A_1742, %mul3A_1743 : vector<16xf32>
          %mul3A_1745 = arith.mulf %gather3A_1053, %get3A_1717 : vector<16xf32>
          %mul3A_1746 = arith.mulf %gather3A_1055, %get3A_1720 : vector<16xf32>
          %add3A_1747 = arith.addf %mul3A_1745, %mul3A_1746 : vector<16xf32>
          %add3A_1748 = arith.addf %add3A_1744, %add3A_1747 : vector<16xf32>
          %swap3A_1749 = arith.index_cast %add3A_1018 : i32 to index
          %swap3A_1750 = arith.constant 112 : index
          %swap3A_1751 = tpu.vector_load %arg19[%swap3A_1749, %swap3A_1750] {strides = array<i32>} : memref<32x128xf32, #tpu.memory_space<vmem>>, vector<16xf32>,
          tpu.vector_store %arg19[%swap3A_1749, %swap3A_1750], %add3A_1727 {strides = array<i32>} : memref<32x128xf32, #tpu.memory_space<vmem>>, vector<16xf32>,
          %swap3A_1752 = arith.index_cast %add3A_1031 : i32 to index
          %swap3A_1753 = arith.constant 112 : index
          %swap3A_1754 = tpu.vector_load %arg19[%swap3A_1752, %swap3A_1753] {strides = array<i32>} : memref<32x128xf32, #tpu.memory_space<vmem>>, vector<16xf32>,
          tpu.vector_store %arg19[%swap3A_1752, %swap3A_1753], %add3A_1734 {strides = array<i32>} : memref<32x128xf32, #tpu.memory_space<vmem>>, vector<16xf32>,
          %swap3A_1755 = arith.index_cast %add3A_1044 : i32 to index
          %swap3A_1756 = arith.constant 112 : index
          %swap3A_1757 = tpu.vector_load %arg19[%swap3A_1755, %swap3A_1756] {strides = array<i32>} : memref<32x128xf32, #tpu.memory_space<vmem>>, vector<16xf32>,
          tpu.vector_store %arg19[%swap3A_1755, %swap3A_1756], %add3A_1741 {strides = array<i32>} : memref<32x128xf32, #tpu.memory_space<vmem>>, vector<16xf32>,
          %swap3A_1758 = arith.index_cast %add3A_1057 : i32 to index
          %swap3A_1759 = arith.constant 112 : index
          %swap3A_1760 = tpu.vector_load %arg19[%swap3A_1758, %swap3A_1759] {strides = array<i32>} : memref<32x128xf32, #tpu.memory_space<vmem>>, vector<16xf32>,
          tpu.vector_store %arg19[%swap3A_1758, %swap3A_1759], %add3A_1748 {strides = array<i32>} : memref<32x128xf32, #tpu.memory_space<vmem>>, vector<16xf32>,
        }
        %scan3A_390 = arith.constant 4 : i32
        %mul3A_391 = arith.constant 32 : i32
        %mul3A_392 = arith.muli %mul3A_108, %mul3A_391 : i32
        %add3A_393 = arith.constant 16 : i32
        %add3A_394 = arith.addi %mul3A_392, %add3A_393 : i32
        %jit3A_395 = arith.constant 128 : i32
        %div3A_396 = arith.divsi %add3A_394, %jit3A_395 : i32
        %sign3A_397 = arith.constant 0 : i32
        %sign3A_398 = arith.cmpi sgt, %add3A_394, %sign3A_397 : i32
        %sign3A_399 = arith.extui %sign3A_398 : i1 to i32
        %sign3A_400 = arith.constant 0 : i32
        %sign3A_401 = arith.cmpi slt, %add3A_394, %sign3A_400 : i32
        %sign3A_402 = arith.extui %sign3A_401 : i1 to i32
        %sign3A_403 = arith.subi %sign3A_399, %sign3A_402 : i32
        %sign3A_404 = arith.constant 0 : i32
        %sign3A_405 = arith.cmpi sgt, %jit3A_395, %sign3A_404 : i32
        %sign3A_406 = arith.extui %sign3A_405 : i1 to i32
        %sign3A_407 = arith.constant 0 : i32
        %sign3A_408 = arith.cmpi slt, %jit3A_395, %sign3A_407 : i32
        %sign3A_409 = arith.extui %sign3A_408 : i1 to i32
        %sign3A_410 = arith.subi %sign3A_406, %sign3A_409 : i32
        %ne3A_411 = arith.cmpi ne, %sign3A_403, %sign3A_410 : i32
        %rem3A_412 = arith.remsi %add3A_394, %jit3A_395 : i32
        %ne3A_413 = arith.constant 0 : i32
        %ne3A_414 = arith.cmpi ne, %rem3A_412, %ne3A_413 : i32
        %and3A_415 = arith.andi %ne3A_411, %ne3A_414 : i1
        %sub3A_416 = arith.constant 1 : i32
        %sub3A_417 = arith.subi %div3A_396, %sub3A_416 : i32
        %select_n3A_418 = arith.select %and3A_415, %sub3A_417, %div3A_396 : i32
        %jit3A_419 = arith.constant 128 : i32
        %eq3A_420 = arith.constant 0 : i32
        %eq3A_421 = arith.cmpi eq, %jit3A_419, %eq3A_420 : i32
        %jit3A_422 = arith.constant 1 : i32
        %select_n3A_423 = arith.select %eq3A_421, %jit3A_422, %jit3A_419 : i32
        %rem3A_424 = arith.remsi %add3A_394, %select_n3A_423 : i32
        %ne3A_425 = arith.constant 0 : i32
        %ne3A_426 = arith.cmpi ne, %rem3A_424, %ne3A_425 : i32
        %lt3A_427 = arith.constant 0 : i32
        %lt3A_428 = arith.cmpi slt, %rem3A_424, %lt3A_427 : i32
        %lt3A_429 = arith.constant 0 : i32
        %lt3A_430 = arith.cmpi slt, %select_n3A_423, %lt3A_429 : i32
        %ne3A_431 = arith.xori %lt3A_428, %lt3A_430 : i1
        %and3A_432 = arith.andi %ne3A_431, %ne3A_426 : i1
        %add3A_433 = arith.addi %rem3A_424, %select_n3A_423 : i32
        %select_n3A_434 = arith.select %and3A_432, %add3A_433, %rem3A_424 : i32
        %get3A_435 = arith.index_cast %select_n3A_418 : i32 to index
        %get3A_436 = arith.index_cast %select_n3A_434 : i32 to index
        %get3A_437 = tpu.vector_load %arg13[%get3A_435, %get3A_436] {strides = array<i32>} : memref<8x128xf32, #tpu.memory_space<vmem>>, vector<16xf32>,
        %jit3A_438 = arith.constant 128 : i32
        %div3A_439 = arith.divsi %add3A_394, %jit3A_438 : i32
        %sign3A_440 = arith.constant 0 : i32
        %sign3A_441 = arith.cmpi sgt, %add3A_394, %sign3A_440 : i32
        %sign3A_442 = arith.extui %sign3A_441 : i1 to i32
        %sign3A_443 = arith.constant 0 : i32
        %sign3A_444 = arith.cmpi slt, %add3A_394, %sign3A_443 : i32
        %sign3A_445 = arith.extui %sign3A_444 : i1 to i32
        %sign3A_446 = arith.subi %sign3A_442, %sign3A_445 : i32
        %sign3A_447 = arith.constant 0 : i32
        %sign3A_448 = arith.cmpi sgt, %jit3A_438, %sign3A_447 : i32
        %sign3A_449 = arith.extui %sign3A_448 : i1 to i32
        %sign3A_450 = arith.constant 0 : i32
        %sign3A_451 = arith.cmpi slt, %jit3A_438, %sign3A_450 : i32
        %sign3A_452 = arith.extui %sign3A_451 : i1 to i32
        %sign3A_453 = arith.subi %sign3A_449, %sign3A_452 : i32
        %ne3A_454 = arith.cmpi ne, %sign3A_446, %sign3A_453 : i32
        %rem3A_455 = arith.remsi %add3A_394, %jit3A_438 : i32
        %ne3A_456 = arith.constant 0 : i32
        %ne3A_457 = arith.cmpi ne, %rem3A_455, %ne3A_456 : i32
        %and3A_458 = arith.andi %ne3A_454, %ne3A_457 : i1
        %sub3A_459 = arith.constant 1 : i32
        %sub3A_460 = arith.subi %div3A_439, %sub3A_459 : i32
        %select_n3A_461 = arith.select %and3A_458, %sub3A_460, %div3A_439 : i32
        %jit3A_462 = arith.constant 128 : i32
        %eq3A_463 = arith.constant 0 : i32
        %eq3A_464 = arith.cmpi eq, %jit3A_462, %eq3A_463 : i32
        %jit3A_465 = arith.constant 1 : i32
        %select_n3A_466 = arith.select %eq3A_464, %jit3A_465, %jit3A_462 : i32
        %rem3A_467 = arith.remsi %add3A_394, %select_n3A_466 : i32
        %ne3A_468 = arith.constant 0 : i32
        %ne3A_469 = arith.cmpi ne, %rem3A_467, %ne3A_468 : i32
        %lt3A_470 = arith.constant 0 : i32
        %lt3A_471 = arith.cmpi slt, %rem3A_467, %lt3A_470 : i32
        %lt3A_472 = arith.constant 0 : i32
        %lt3A_473 = arith.cmpi slt, %select_n3A_466, %lt3A_472 : i32
        %ne3A_474 = arith.xori %lt3A_471, %lt3A_473 : i1
        %and3A_475 = arith.andi %ne3A_474, %ne3A_469 : i1
        %add3A_476 = arith.addi %rem3A_467, %select_n3A_466 : i32
        %select_n3A_477 = arith.select %and3A_475, %add3A_476, %rem3A_467 : i32
        %get3A_478 = arith.index_cast %select_n3A_461 : i32 to index
        %get3A_479 = arith.index_cast %select_n3A_477 : i32 to index
        %get3A_480 = tpu.vector_load %arg14[%get3A_478, %get3A_479] {strides = array<i32>} : memref<8x128xf32, #tpu.memory_space<vmem>>, vector<16xf32>,
        %jit3A_481 = arith.constant 128 : i32
        %div3A_482 = arith.divsi %add3A_394, %jit3A_481 : i32
        %sign3A_483 = arith.constant 0 : i32
        %sign3A_484 = arith.cmpi sgt, %add3A_394, %sign3A_483 : i32
        %sign3A_485 = arith.extui %sign3A_484 : i1 to i32
        %sign3A_486 = arith.constant 0 : i32
        %sign3A_487 = arith.cmpi slt, %add3A_394, %sign3A_486 : i32
        %sign3A_488 = arith.extui %sign3A_487 : i1 to i32
        %sign3A_489 = arith.subi %sign3A_485, %sign3A_488 : i32
        %sign3A_490 = arith.constant 0 : i32
        %sign3A_491 = arith.cmpi sgt, %jit3A_481, %sign3A_490 : i32
        %sign3A_492 = arith.extui %sign3A_491 : i1 to i32
        %sign3A_493 = arith.constant 0 : i32
        %sign3A_494 = arith.cmpi slt, %jit3A_481, %sign3A_493 : i32
        %sign3A_495 = arith.extui %sign3A_494 : i1 to i32
        %sign3A_496 = arith.subi %sign3A_492, %sign3A_495 : i32
        %ne3A_497 = arith.cmpi ne, %sign3A_489, %sign3A_496 : i32
        %rem3A_498 = arith.remsi %add3A_394, %jit3A_481 : i32
        %ne3A_499 = arith.constant 0 : i32
        %ne3A_500 = arith.cmpi ne, %rem3A_498, %ne3A_499 : i32
        %and3A_501 = arith.andi %ne3A_497, %ne3A_500 : i1
        %sub3A_502 = arith.constant 1 : i32
        %sub3A_503 = arith.subi %div3A_482, %sub3A_502 : i32
        %select_n3A_504 = arith.select %and3A_501, %sub3A_503, %div3A_482 : i32
        %jit3A_505 = arith.constant 128 : i32
        %eq3A_506 = arith.constant 0 : i32
        %eq3A_507 = arith.cmpi eq, %jit3A_505, %eq3A_506 : i32
        %jit3A_508 = arith.constant 1 : i32
        %select_n3A_509 = arith.select %eq3A_507, %jit3A_508, %jit3A_505 : i32
        %rem3A_510 = arith.remsi %add3A_394, %select_n3A_509 : i32
        %ne3A_511 = arith.constant 0 : i32
        %ne3A_512 = arith.cmpi ne, %rem3A_510, %ne3A_511 : i32
        %lt3A_513 = arith.constant 0 : i32
        %lt3A_514 = arith.cmpi slt, %rem3A_510, %lt3A_513 : i32
        %lt3A_515 = arith.constant 0 : i32
        %lt3A_516 = arith.cmpi slt, %select_n3A_509, %lt3A_515 : i32
        %ne3A_517 = arith.xori %lt3A_514, %lt3A_516 : i1
        %and3A_518 = arith.andi %ne3A_517, %ne3A_512 : i1
        %add3A_519 = arith.addi %rem3A_510, %select_n3A_509 : i32
        %select_n3A_520 = arith.select %and3A_518, %add3A_519, %rem3A_510 : i32
        %get3A_521 = arith.index_cast %select_n3A_504 : i32 to index
        %get3A_522 = arith.index_cast %select_n3A_520 : i32 to index
        %get3A_523 = tpu.vector_load %arg15[%get3A_521, %get3A_522] {strides = array<i32>} : memref<8x128xf32, #tpu.memory_space<vmem>>, vector<16xf32>,
        %jit3A_524 = arith.constant 128 : i32
        %div3A_525 = arith.divsi %add3A_394, %jit3A_524 : i32
        %sign3A_526 = arith.constant 0 : i32
        %sign3A_527 = arith.cmpi sgt, %add3A_394, %sign3A_526 : i32
        %sign3A_528 = arith.extui %sign3A_527 : i1 to i32
        %sign3A_529 = arith.constant 0 : i32
        %sign3A_530 = arith.cmpi slt, %add3A_394, %sign3A_529 : i32
        %sign3A_531 = arith.extui %sign3A_530 : i1 to i32
        %sign3A_532 = arith.subi %sign3A_528, %sign3A_531 : i32
        %sign3A_533 = arith.constant 0 : i32
        %sign3A_534 = arith.cmpi sgt, %jit3A_524, %sign3A_533 : i32
        %sign3A_535 = arith.extui %sign3A_534 : i1 to i32
        %sign3A_536 = arith.constant 0 : i32
        %sign3A_537 = arith.cmpi slt, %jit3A_524, %sign3A_536 : i32
        %sign3A_538 = arith.extui %sign3A_537 : i1 to i32
        %sign3A_539 = arith.subi %sign3A_535, %sign3A_538 : i32
        %ne3A_540 = arith.cmpi ne, %sign3A_532, %sign3A_539 : i32
        %rem3A_541 = arith.remsi %add3A_394, %jit3A_524 : i32
        %ne3A_542 = arith.constant 0 : i32
        %ne3A_543 = arith.cmpi ne, %rem3A_541, %ne3A_542 : i32
        %and3A_544 = arith.andi %ne3A_540, %ne3A_543 : i1
        %sub3A_545 = arith.constant 1 : i32
        %sub3A_546 = arith.subi %div3A_525, %sub3A_545 : i32
        %select_n3A_547 = arith.select %and3A_544, %sub3A_546, %div3A_525 : i32
        %jit3A_548 = arith.constant 128 : i32
        %eq3A_549 = arith.constant 0 : i32
        %eq3A_550 = arith.cmpi eq, %jit3A_548, %eq3A_549 : i32
        %jit3A_551 = arith.constant 1 : i32
        %select_n3A_552 = arith.select %eq3A_550, %jit3A_551, %jit3A_548 : i32
        %rem3A_553 = arith.remsi %add3A_394, %select_n3A_552 : i32
        %ne3A_554 = arith.constant 0 : i32
        %ne3A_555 = arith.cmpi ne, %rem3A_553, %ne3A_554 : i32
        %lt3A_556 = arith.constant 0 : i32
        %lt3A_557 = arith.cmpi slt, %rem3A_553, %lt3A_556 : i32
        %lt3A_558 = arith.constant 0 : i32
        %lt3A_559 = arith.cmpi slt, %select_n3A_552, %lt3A_558 : i32
        %ne3A_560 = arith.xori %lt3A_557, %lt3A_559 : i1
        %and3A_561 = arith.andi %ne3A_560, %ne3A_555 : i1
        %add3A_562 = arith.addi %rem3A_553, %select_n3A_552 : i32
        %select_n3A_563 = arith.select %and3A_561, %add3A_562, %rem3A_553 : i32
        %get3A_564 = arith.index_cast %select_n3A_547 : i32 to index
        %get3A_565 = arith.index_cast %select_n3A_563 : i32 to index
        %get3A_566 = tpu.vector_load %arg16[%get3A_564, %get3A_565] {strides = array<i32>} : memref<8x128xf32, #tpu.memory_space<vmem>>, vector<16xf32>,
        %scan3A_567 = arith.constant 0 : i32
        %scan3A_568 = arith.constant 4 : i32
        %scan3A_569 = arith.addi %scan3A_567, %scan3A_568 : i32
        %scan3A_570 = arith.constant 1 : i32
        scf.for %scan3A_1003 = %scan3A_567 to %scan3A_569 step %scan3A_570  : i32 {
          %mul3A_1004 = arith.constant 4 : i32
          %mul3A_1005 = arith.muli %scan3A_1003, %mul3A_1004 : i32
          %add3A_1006 = arith.constant 0 : i32
          %add3A_1007 = arith.addi %add3A_1006, %mul3A_1005 : i32
          %add3A_1008 = arith.constant 0 : i32
          %add3A_1009 = arith.addi %add3A_1007, %add3A_1008 : i32
          %broadcast_in_dim3A = vector.broadcast %add3A_1009 : i32 to vector<16x1xi32>
          %gather3A = vector.shape_cast %broadcast_in_dim3A : vector<16x1xi32> to vector<16xi32>
          %gather3A_1010 = tpu.dynamic_gather %get3A_437[%gather3A] in [0] : vector<16xf32>, vector<16xi32> -> vector<16xf32>
          %gather3A_1011 = vector.shape_cast %broadcast_in_dim3A : vector<16x1xi32> to vector<16xi32>
          %gather3A_1012 = tpu.dynamic_gather %get3A_480[%gather3A_1011] in [0] : vector<16xf32>, vector<16xi32> -> vector<16xf32>
          %gather3A_1013 = vector.shape_cast %broadcast_in_dim3A : vector<16x1xi32> to vector<16xi32>
          %gather3A_1014 = tpu.dynamic_gather %get3A_523[%gather3A_1013] in [0] : vector<16xf32>, vector<16xi32> -> vector<16xf32>
          %gather3A_1015 = vector.shape_cast %broadcast_in_dim3A : vector<16x1xi32> to vector<16xi32>
          %gather3A_1016 = tpu.dynamic_gather %get3A_566[%gather3A_1015] in [0] : vector<16xf32>, vector<16xi32> -> vector<16xf32>
          %add3A_1017 = arith.constant 16 : i32
          %add3A_1018 = arith.addi %add3A_1017, %add3A_1009 : i32
          %add3A_1019 = arith.constant 1 : i32
          %add3A_1020 = arith.addi %add3A_1007, %add3A_1019 : i32
          %broadcast_in_dim3A_1021 = vector.broadcast %add3A_1020 : i32 to vector<16x1xi32>
          %gather3A_1022 = vector.shape_cast %broadcast_in_dim3A_1021 : vector<16x1xi32> to vector<16xi32>
          %gather3A_1023 = tpu.dynamic_gather %get3A_437[%gather3A_1022] in [0] : vector<16xf32>, vector<16xi32> -> vector<16xf32>
          %gather3A_1024 = vector.shape_cast %broadcast_in_dim3A_1021 : vector<16x1xi32> to vector<16xi32>
          %gather3A_1025 = tpu.dynamic_gather %get3A_480[%gather3A_1024] in [0] : vector<16xf32>, vector<16xi32> -> vector<16xf32>
          %gather3A_1026 = vector.shape_cast %broadcast_in_dim3A_1021 : vector<16x1xi32> to vector<16xi32>
          %gather3A_1027 = tpu.dynamic_gather %get3A_523[%gather3A_1026] in [0] : vector<16xf32>, vector<16xi32> -> vector<16xf32>
          %gather3A_1028 = vector.shape_cast %broadcast_in_dim3A_1021 : vector<16x1xi32> to vector<16xi32>
          %gather3A_1029 = tpu.dynamic_gather %get3A_566[%gather3A_1028] in [0] : vector<16xf32>, vector<16xi32> -> vector<16xf32>
          %add3A_1030 = arith.constant 16 : i32
          %add3A_1031 = arith.addi %add3A_1030, %add3A_1020 : i32
          %add3A_1032 = arith.constant 2 : i32
          %add3A_1033 = arith.addi %add3A_1007, %add3A_1032 : i32
          %broadcast_in_dim3A_1034 = vector.broadcast %add3A_1033 : i32 to vector<16x1xi32>
          %gather3A_1035 = vector.shape_cast %broadcast_in_dim3A_1034 : vector<16x1xi32> to vector<16xi32>
          %gather3A_1036 = tpu.dynamic_gather %get3A_437[%gather3A_1035] in [0] : vector<16xf32>, vector<16xi32> -> vector<16xf32>
          %gather3A_1037 = vector.shape_cast %broadcast_in_dim3A_1034 : vector<16x1xi32> to vector<16xi32>
          %gather3A_1038 = tpu.dynamic_gather %get3A_480[%gather3A_1037] in [0] : vector<16xf32>, vector<16xi32> -> vector<16xf32>
          %gather3A_1039 = vector.shape_cast %broadcast_in_dim3A_1034 : vector<16x1xi32> to vector<16xi32>
          %gather3A_1040 = tpu.dynamic_gather %get3A_523[%gather3A_1039] in [0] : vector<16xf32>, vector<16xi32> -> vector<16xf32>
          %gather3A_1041 = vector.shape_cast %broadcast_in_dim3A_1034 : vector<16x1xi32> to vector<16xi32>
          %gather3A_1042 = tpu.dynamic_gather %get3A_566[%gather3A_1041] in [0] : vector<16xf32>, vector<16xi32> -> vector<16xf32>
          %add3A_1043 = arith.constant 16 : i32
          %add3A_1044 = arith.addi %add3A_1043, %add3A_1033 : i32
          %add3A_1045 = arith.constant 3 : i32
          %add3A_1046 = arith.addi %add3A_1007, %add3A_1045 : i32
          %broadcast_in_dim3A_1047 = vector.broadcast %add3A_1046 : i32 to vector<16x1xi32>
          %gather3A_1048 = vector.shape_cast %broadcast_in_dim3A_1047 : vector<16x1xi32> to vector<16xi32>
          %gather3A_1049 = tpu.dynamic_gather %get3A_437[%gather3A_1048] in [0] : vector<16xf32>, vector<16xi32> -> vector<16xf32>
          %gather3A_1050 = vector.shape_cast %broadcast_in_dim3A_1047 : vector<16x1xi32> to vector<16xi32>
          %gather3A_1051 = tpu.dynamic_gather %get3A_480[%gather3A_1050] in [0] : vector<16xf32>, vector<16xi32> -> vector<16xf32>
          %gather3A_1052 = vector.shape_cast %broadcast_in_dim3A_1047 : vector<16x1xi32> to vector<16xi32>
          %gather3A_1053 = tpu.dynamic_gather %get3A_523[%gather3A_1052] in [0] : vector<16xf32>, vector<16xi32> -> vector<16xf32>
          %gather3A_1054 = vector.shape_cast %broadcast_in_dim3A_1047 : vector<16x1xi32> to vector<16xi32>
          %gather3A_1055 = tpu.dynamic_gather %get3A_566[%gather3A_1054] in [0] : vector<16xf32>, vector<16xi32> -> vector<16xf32>
          %add3A_1056 = arith.constant 16 : i32
          %add3A_1057 = arith.addi %add3A_1056, %add3A_1046 : i32
          %get3A_1058 = arith.index_cast %add3A_1018 : i32 to index
          %get3A_1059 = arith.constant 0 : index
          %get3A_1060 = tpu.vector_load %arg17[%get3A_1058, %get3A_1059] {strides = array<i32>} : memref<32x512xf32, #tpu.memory_space<vmem>>, vector<16xf32>,
          %get3A_1061 = arith.index_cast %add3A_1018 : i32 to index
          %get3A_1062 = arith.constant 128 : index
          %get3A_1063 = tpu.vector_load %arg17[%get3A_1061, %get3A_1062] {strides = array<i32>} : memref<32x512xf32, #tpu.memory_space<vmem>>, vector<16xf32>,
          %get3A_1064 = arith.index_cast %add3A_1018 : i32 to index
          %get3A_1065 = arith.constant 256 : index
          %get3A_1066 = tpu.vector_load %arg17[%get3A_1064, %get3A_1065] {strides = array<i32>} : memref<32x512xf32, #tpu.memory_space<vmem>>, vector<16xf32>,
          %get3A_1067 = arith.index_cast %add3A_1018 : i32 to index
          %get3A_1068 = arith.constant 384 : index
          %get3A_1069 = tpu.vector_load %arg17[%get3A_1067, %get3A_1068] {strides = array<i32>} : memref<32x512xf32, #tpu.memory_space<vmem>>, vector<16xf32>,
          %get3A_1070 = arith.index_cast %add3A_1031 : i32 to index
          %get3A_1071 = arith.constant 0 : index
          %get3A_1072 = tpu.vector_load %arg17[%get3A_1070, %get3A_1071] {strides = array<i32>} : memref<32x512xf32, #tpu.memory_space<vmem>>, vector<16xf32>,
          %get3A_1073 = arith.index_cast %add3A_1031 : i32 to index
          %get3A_1074 = arith.constant 128 : index
          %get3A_1075 = tpu.vector_load %arg17[%get3A_1073, %get3A_1074] {strides = array<i32>} : memref<32x512xf32, #tpu.memory_space<vmem>>, vector<16xf32>,
          %get3A_1076 = arith.index_cast %add3A_1031 : i32 to index
          %get3A_1077 = arith.constant 256 : index
          %get3A_1078 = tpu.vector_load %arg17[%get3A_1076, %get3A_1077] {strides = array<i32>} : memref<32x512xf32, #tpu.memory_space<vmem>>, vector<16xf32>,
          %get3A_1079 = arith.index_cast %add3A_1031 : i32 to index
          %get3A_1080 = arith.constant 384 : index
          %get3A_1081 = tpu.vector_load %arg17[%get3A_1079, %get3A_1080] {strides = array<i32>} : memref<32x512xf32, #tpu.memory_space<vmem>>, vector<16xf32>,
          %get3A_1082 = arith.index_cast %add3A_1044 : i32 to index
          %get3A_1083 = arith.constant 0 : index
          %get3A_1084 = tpu.vector_load %arg17[%get3A_1082, %get3A_1083] {strides = array<i32>} : memref<32x512xf32, #tpu.memory_space<vmem>>, vector<16xf32>,
          %get3A_1085 = arith.index_cast %add3A_1044 : i32 to index
          %get3A_1086 = arith.constant 128 : index
          %get3A_1087 = tpu.vector_load %arg17[%get3A_1085, %get3A_1086] {strides = array<i32>} : memref<32x512xf32, #tpu.memory_space<vmem>>, vector<16xf32>,
          %get3A_1088 = arith.index_cast %add3A_1044 : i32 to index
          %get3A_1089 = arith.constant 256 : index
          %get3A_1090 = tpu.vector_load %arg17[%get3A_1088, %get3A_1089] {strides = array<i32>} : memref<32x512xf32, #tpu.memory_space<vmem>>, vector<16xf32>,
          %get3A_1091 = arith.index_cast %add3A_1044 : i32 to index
          %get3A_1092 = arith.constant 384 : index
          %get3A_1093 = tpu.vector_load %arg17[%get3A_1091, %get3A_1092] {strides = array<i32>} : memref<32x512xf32, #tpu.memory_space<vmem>>, vector<16xf32>,
          %get3A_1094 = arith.index_cast %add3A_1057 : i32 to index
          %get3A_1095 = arith.constant 0 : index
          %get3A_1096 = tpu.vector_load %arg17[%get3A_1094, %get3A_1095] {strides = array<i32>} : memref<32x512xf32, #tpu.memory_space<vmem>>, vector<16xf32>,
          %get3A_1097 = arith.index_cast %add3A_1057 : i32 to index
          %get3A_1098 = arith.constant 128 : index
          %get3A_1099 = tpu.vector_load %arg17[%get3A_1097, %get3A_1098] {strides = array<i32>} : memref<32x512xf32, #tpu.memory_space<vmem>>, vector<16xf32>,
          %get3A_1100 = arith.index_cast %add3A_1057 : i32 to index
          %get3A_1101 = arith.constant 256 : index
          %get3A_1102 = tpu.vector_load %arg17[%get3A_1100, %get3A_1101] {strides = array<i32>} : memref<32x512xf32, #tpu.memory_space<vmem>>, vector<16xf32>,
          %get3A_1103 = arith.index_cast %add3A_1057 : i32 to index
          %get3A_1104 = arith.constant 384 : index
          %get3A_1105 = tpu.vector_load %arg17[%get3A_1103, %get3A_1104] {strides = array<i32>} : memref<32x512xf32, #tpu.memory_space<vmem>>, vector<16xf32>,
          %mul3A_1106 = arith.mulf %gather3A_1010, %get3A_1060 : vector<16xf32>
          %mul3A_1107 = arith.mulf %gather3A_1012, %get3A_1063 : vector<16xf32>
          %add3A_1108 = arith.addf %mul3A_1106, %mul3A_1107 : vector<16xf32>
          %mul3A_1109 = arith.mulf %gather3A_1014, %get3A_1066 : vector<16xf32>
          %mul3A_1110 = arith.mulf %gather3A_1016, %get3A_1069 : vector<16xf32>
          %add3A_1111 = arith.addf %mul3A_1109, %mul3A_1110 : vector<16xf32>
          %add3A_1112 = arith.addf %add3A_1108, %add3A_1111 : vector<16xf32>
          %mul3A_1113 = arith.mulf %gather3A_1023, %get3A_1072 : vector<16xf32>
          %mul3A_1114 = arith.mulf %gather3A_1025, %get3A_1075 : vector<16xf32>
          %add3A_1115 = arith.addf %mul3A_1113, %mul3A_1114 : vector<16xf32>
          %mul3A_1116 = arith.mulf %gather3A_1027, %get3A_1078 : vector<16xf32>
          %mul3A_1117 = arith.mulf %gather3A_1029, %get3A_1081 : vector<16xf32>
          %add3A_1118 = arith.addf %mul3A_1116, %mul3A_1117 : vector<16xf32>
          %add3A_1119 = arith.addf %add3A_1115, %add3A_1118 : vector<16xf32>
          %mul3A_1120 = arith.mulf %gather3A_1036, %get3A_1084 : vector<16xf32>
          %mul3A_1121 = arith.mulf %gather3A_1038, %get3A_1087 : vector<16xf32>
          %add3A_1122 = arith.addf %mul3A_1120, %mul3A_1121 : vector<16xf32>
          %mul3A_1123 = arith.mulf %gather3A_1040, %get3A_1090 : vector<16xf32>
          %mul3A_1124 = arith.mulf %gather3A_1042, %get3A_1093 : vector<16xf32>
          %add3A_1125 = arith.addf %mul3A_1123, %mul3A_1124 : vector<16xf32>
          %add3A_1126 = arith.addf %add3A_1122, %add3A_1125 : vector<16xf32>
          %mul3A_1127 = arith.mulf %gather3A_1049, %get3A_1096 : vector<16xf32>
          %mul3A_1128 = arith.mulf %gather3A_1051, %get3A_1099 : vector<16xf32>
          %add3A_1129 = arith.addf %mul3A_1127, %mul3A_1128 : vector<16xf32>
          %mul3A_1130 = arith.mulf %gather3A_1053, %get3A_1102 : vector<16xf32>
          %mul3A_1131 = arith.mulf %gather3A_1055, %get3A_1105 : vector<16xf32>
          %add3A_1132 = arith.addf %mul3A_1130, %mul3A_1131 : vector<16xf32>
          %add3A_1133 = arith.addf %add3A_1129, %add3A_1132 : vector<16xf32>
          %swap3A = arith.index_cast %add3A_1018 : i32 to index
          %swap3A_1134 = arith.constant 0 : index
          %swap3A_1135 = tpu.vector_load %arg19[%swap3A, %swap3A_1134] {strides = array<i32>} : memref<32x128xf32, #tpu.memory_space<vmem>>, vector<16xf32>,
          tpu.vector_store %arg19[%swap3A, %swap3A_1134], %add3A_1112 {strides = array<i32>} : memref<32x128xf32, #tpu.memory_space<vmem>>, vector<16xf32>,
          %swap3A_1136 = arith.index_cast %add3A_1031 : i32 to index
          %swap3A_1137 = arith.constant 0 : index
          %swap3A_1138 = tpu.vector_load %arg19[%swap3A_1136, %swap3A_1137] {strides = array<i32>} : memref<32x128xf32, #tpu.memory_space<vmem>>, vector<16xf32>,
          tpu.vector_store %arg19[%swap3A_1136, %swap3A_1137], %add3A_1119 {strides = array<i32>} : memref<32x128xf32, #tpu.memory_space<vmem>>, vector<16xf32>,
          %swap3A_1139 = arith.index_cast %add3A_1044 : i32 to index
          %swap3A_1140 = arith.constant 0 : index
          %swap3A_1141 = tpu.vector_load %arg19[%swap3A_1139, %swap3A_1140] {strides = array<i32>} : memref<32x128xf32, #tpu.memory_space<vmem>>, vector<16xf32>,
          tpu.vector_store %arg19[%swap3A_1139, %swap3A_1140], %add3A_1126 {strides = array<i32>} : memref<32x128xf32, #tpu.memory_space<vmem>>, vector<16xf32>,
          %swap3A_1142 = arith.index_cast %add3A_1057 : i32 to index
          %swap3A_1143 = arith.constant 0 : index
          %swap3A_1144 = tpu.vector_load %arg19[%swap3A_1142, %swap3A_1143] {strides = array<i32>} : memref<32x128xf32, #tpu.memory_space<vmem>>, vector<16xf32>,
          tpu.vector_store %arg19[%swap3A_1142, %swap3A_1143], %add3A_1133 {strides = array<i32>} : memref<32x128xf32, #tpu.memory_space<vmem>>, vector<16xf32>,
          %get3A_1145 = arith.index_cast %add3A_1018 : i32 to index
          %get3A_1146 = arith.constant 16 : index
          %get3A_1147 = tpu.vector_load %arg17[%get3A_1145, %get3A_1146] {strides = array<i32>} : memref<32x512xf32, #tpu.memory_space<vmem>>, vector<16xf32>,
          %get3A_1148 = arith.index_cast %add3A_1018 : i32 to index
          %get3A_1149 = arith.constant 144 : index
          %get3A_1150 = tpu.vector_load %arg17[%get3A_1148, %get3A_1149] {strides = array<i32>} : memref<32x512xf32, #tpu.memory_space<vmem>>, vector<16xf32>,
          %get3A_1151 = arith.index_cast %add3A_1018 : i32 to index
          %get3A_1152 = arith.constant 272 : index
          %get3A_1153 = tpu.vector_load %arg17[%get3A_1151, %get3A_1152] {strides = array<i32>} : memref<32x512xf32, #tpu.memory_space<vmem>>, vector<16xf32>,
          %get3A_1154 = arith.index_cast %add3A_1018 : i32 to index
          %get3A_1155 = arith.constant 400 : index
          %get3A_1156 = tpu.vector_load %arg17[%get3A_1154, %get3A_1155] {strides = array<i32>} : memref<32x512xf32, #tpu.memory_space<vmem>>, vector<16xf32>,
          %get3A_1157 = arith.index_cast %add3A_1031 : i32 to index
          %get3A_1158 = arith.constant 16 : index
          %get3A_1159 = tpu.vector_load %arg17[%get3A_1157, %get3A_1158] {strides = array<i32>} : memref<32x512xf32, #tpu.memory_space<vmem>>, vector<16xf32>,
          %get3A_1160 = arith.index_cast %add3A_1031 : i32 to index
          %get3A_1161 = arith.constant 144 : index
          %get3A_1162 = tpu.vector_load %arg17[%get3A_1160, %get3A_1161] {strides = array<i32>} : memref<32x512xf32, #tpu.memory_space<vmem>>, vector<16xf32>,
          %get3A_1163 = arith.index_cast %add3A_1031 : i32 to index
          %get3A_1164 = arith.constant 272 : index
          %get3A_1165 = tpu.vector_load %arg17[%get3A_1163, %get3A_1164] {strides = array<i32>} : memref<32x512xf32, #tpu.memory_space<vmem>>, vector<16xf32>,
          %get3A_1166 = arith.index_cast %add3A_1031 : i32 to index
          %get3A_1167 = arith.constant 400 : index
          %get3A_1168 = tpu.vector_load %arg17[%get3A_1166, %get3A_1167] {strides = array<i32>} : memref<32x512xf32, #tpu.memory_space<vmem>>, vector<16xf32>,
          %get3A_1169 = arith.index_cast %add3A_1044 : i32 to index
          %get3A_1170 = arith.constant 16 : index
          %get3A_1171 = tpu.vector_load %arg17[%get3A_1169, %get3A_1170] {strides = array<i32>} : memref<32x512xf32, #tpu.memory_space<vmem>>, vector<16xf32>,
          %get3A_1172 = arith.index_cast %add3A_1044 : i32 to index
          %get3A_1173 = arith.constant 144 : index
          %get3A_1174 = tpu.vector_load %arg17[%get3A_1172, %get3A_1173] {strides = array<i32>} : memref<32x512xf32, #tpu.memory_space<vmem>>, vector<16xf32>,
          %get3A_1175 = arith.index_cast %add3A_1044 : i32 to index
          %get3A_1176 = arith.constant 272 : index
          %get3A_1177 = tpu.vector_load %arg17[%get3A_1175, %get3A_1176] {strides = array<i32>} : memref<32x512xf32, #tpu.memory_space<vmem>>, vector<16xf32>,
          %get3A_1178 = arith.index_cast %add3A_1044 : i32 to index
          %get3A_1179 = arith.constant 400 : index
          %get3A_1180 = tpu.vector_load %arg17[%get3A_1178, %get3A_1179] {strides = array<i32>} : memref<32x512xf32, #tpu.memory_space<vmem>>, vector<16xf32>,
          %get3A_1181 = arith.index_cast %add3A_1057 : i32 to index
          %get3A_1182 = arith.constant 16 : index
          %get3A_1183 = tpu.vector_load %arg17[%get3A_1181, %get3A_1182] {strides = array<i32>} : memref<32x512xf32, #tpu.memory_space<vmem>>, vector<16xf32>,
          %get3A_1184 = arith.index_cast %add3A_1057 : i32 to index
          %get3A_1185 = arith.constant 144 : index
          %get3A_1186 = tpu.vector_load %arg17[%get3A_1184, %get3A_1185] {strides = array<i32>} : memref<32x512xf32, #tpu.memory_space<vmem>>, vector<16xf32>,
          %get3A_1187 = arith.index_cast %add3A_1057 : i32 to index
          %get3A_1188 = arith.constant 272 : index
          %get3A_1189 = tpu.vector_load %arg17[%get3A_1187, %get3A_1188] {strides = array<i32>} : memref<32x512xf32, #tpu.memory_space<vmem>>, vector<16xf32>,
          %get3A_1190 = arith.index_cast %add3A_1057 : i32 to index
          %get3A_1191 = arith.constant 400 : index
          %get3A_1192 = tpu.vector_load %arg17[%get3A_1190, %get3A_1191] {strides = array<i32>} : memref<32x512xf32, #tpu.memory_space<vmem>>, vector<16xf32>,
          %mul3A_1193 = arith.mulf %gather3A_1010, %get3A_1147 : vector<16xf32>
          %mul3A_1194 = arith.mulf %gather3A_1012, %get3A_1150 : vector<16xf32>
          %add3A_1195 = arith.addf %mul3A_1193, %mul3A_1194 : vector<16xf32>
          %mul3A_1196 = arith.mulf %gather3A_1014, %get3A_1153 : vector<16xf32>
          %mul3A_1197 = arith.mulf %gather3A_1016, %get3A_1156 : vector<16xf32>
          %add3A_1198 = arith.addf %mul3A_1196, %mul3A_1197 : vector<16xf32>
          %add3A_1199 = arith.addf %add3A_1195, %add3A_1198 : vector<16xf32>
          %mul3A_1200 = arith.mulf %gather3A_1023, %get3A_1159 : vector<16xf32>
          %mul3A_1201 = arith.mulf %gather3A_1025, %get3A_1162 : vector<16xf32>
          %add3A_1202 = arith.addf %mul3A_1200, %mul3A_1201 : vector<16xf32>
          %mul3A_1203 = arith.mulf %gather3A_1027, %get3A_1165 : vector<16xf32>
          %mul3A_1204 = arith.mulf %gather3A_1029, %get3A_1168 : vector<16xf32>
          %add3A_1205 = arith.addf %mul3A_1203, %mul3A_1204 : vector<16xf32>
          %add3A_1206 = arith.addf %add3A_1202, %add3A_1205 : vector<16xf32>
          %mul3A_1207 = arith.mulf %gather3A_1036, %get3A_1171 : vector<16xf32>
          %mul3A_1208 = arith.mulf %gather3A_1038, %get3A_1174 : vector<16xf32>
          %add3A_1209 = arith.addf %mul3A_1207, %mul3A_1208 : vector<16xf32>
          %mul3A_1210 = arith.mulf %gather3A_1040, %get3A_1177 : vector<16xf32>
          %mul3A_1211 = arith.mulf %gather3A_1042, %get3A_1180 : vector<16xf32>
          %add3A_1212 = arith.addf %mul3A_1210, %mul3A_1211 : vector<16xf32>
          %add3A_1213 = arith.addf %add3A_1209, %add3A_1212 : vector<16xf32>
          %mul3A_1214 = arith.mulf %gather3A_1049, %get3A_1183 : vector<16xf32>
          %mul3A_1215 = arith.mulf %gather3A_1051, %get3A_1186 : vector<16xf32>
          %add3A_1216 = arith.addf %mul3A_1214, %mul3A_1215 : vector<16xf32>
          %mul3A_1217 = arith.mulf %gather3A_1053, %get3A_1189 : vector<16xf32>
          %mul3A_1218 = arith.mulf %gather3A_1055, %get3A_1192 : vector<16xf32>
          %add3A_1219 = arith.addf %mul3A_1217, %mul3A_1218 : vector<16xf32>
          %add3A_1220 = arith.addf %add3A_1216, %add3A_1219 : vector<16xf32>
          %swap3A_1221 = arith.index_cast %add3A_1018 : i32 to index
          %swap3A_1222 = arith.constant 16 : index
          %swap3A_1223 = tpu.vector_load %arg19[%swap3A_1221, %swap3A_1222] {strides = array<i32>} : memref<32x128xf32, #tpu.memory_space<vmem>>, vector<16xf32>,
          tpu.vector_store %arg19[%swap3A_1221, %swap3A_1222], %add3A_1199 {strides = array<i32>} : memref<32x128xf32, #tpu.memory_space<vmem>>, vector<16xf32>,
          %swap3A_1224 = arith.index_cast %add3A_1031 : i32 to index
          %swap3A_1225 = arith.constant 16 : index
          %swap3A_1226 = tpu.vector_load %arg19[%swap3A_1224, %swap3A_1225] {strides = array<i32>} : memref<32x128xf32, #tpu.memory_space<vmem>>, vector<16xf32>,
          tpu.vector_store %arg19[%swap3A_1224, %swap3A_1225], %add3A_1206 {strides = array<i32>} : memref<32x128xf32, #tpu.memory_space<vmem>>, vector<16xf32>,
          %swap3A_1227 = arith.index_cast %add3A_1044 : i32 to index
          %swap3A_1228 = arith.constant 16 : index
          %swap3A_1229 = tpu.vector_load %arg19[%swap3A_1227, %swap3A_1228] {strides = array<i32>} : memref<32x128xf32, #tpu.memory_space<vmem>>, vector<16xf32>,
          tpu.vector_store %arg19[%swap3A_1227, %swap3A_1228], %add3A_1213 {strides = array<i32>} : memref<32x128xf32, #tpu.memory_space<vmem>>, vector<16xf32>,
          %swap3A_1230 = arith.index_cast %add3A_1057 : i32 to index
          %swap3A_1231 = arith.constant 16 : index
          %swap3A_1232 = tpu.vector_load %arg19[%swap3A_1230, %swap3A_1231] {strides = array<i32>} : memref<32x128xf32, #tpu.memory_space<vmem>>, vector<16xf32>,
          tpu.vector_store %arg19[%swap3A_1230, %swap3A_1231], %add3A_1220 {strides = array<i32>} : memref<32x128xf32, #tpu.memory_space<vmem>>, vector<16xf32>,
          %get3A_1233 = arith.index_cast %add3A_1018 : i32 to index
          %get3A_1234 = arith.constant 32 : index
          %get3A_1235 = tpu.vector_load %arg17[%get3A_1233, %get3A_1234] {strides = array<i32>} : memref<32x512xf32, #tpu.memory_space<vmem>>, vector<16xf32>,
          %get3A_1236 = arith.index_cast %add3A_1018 : i32 to index
          %get3A_1237 = arith.constant 160 : index
          %get3A_1238 = tpu.vector_load %arg17[%get3A_1236, %get3A_1237] {strides = array<i32>} : memref<32x512xf32, #tpu.memory_space<vmem>>, vector<16xf32>,
          %get3A_1239 = arith.index_cast %add3A_1018 : i32 to index
          %get3A_1240 = arith.constant 288 : index
          %get3A_1241 = tpu.vector_load %arg17[%get3A_1239, %get3A_1240] {strides = array<i32>} : memref<32x512xf32, #tpu.memory_space<vmem>>, vector<16xf32>,
          %get3A_1242 = arith.index_cast %add3A_1018 : i32 to index
          %get3A_1243 = arith.constant 416 : index
          %get3A_1244 = tpu.vector_load %arg17[%get3A_1242, %get3A_1243] {strides = array<i32>} : memref<32x512xf32, #tpu.memory_space<vmem>>, vector<16xf32>,
          %get3A_1245 = arith.index_cast %add3A_1031 : i32 to index
          %get3A_1246 = arith.constant 32 : index
          %get3A_1247 = tpu.vector_load %arg17[%get3A_1245, %get3A_1246] {strides = array<i32>} : memref<32x512xf32, #tpu.memory_space<vmem>>, vector<16xf32>,
          %get3A_1248 = arith.index_cast %add3A_1031 : i32 to index
          %get3A_1249 = arith.constant 160 : index
          %get3A_1250 = tpu.vector_load %arg17[%get3A_1248, %get3A_1249] {strides = array<i32>} : memref<32x512xf32, #tpu.memory_space<vmem>>, vector<16xf32>,
          %get3A_1251 = arith.index_cast %add3A_1031 : i32 to index
          %get3A_1252 = arith.constant 288 : index
          %get3A_1253 = tpu.vector_load %arg17[%get3A_1251, %get3A_1252] {strides = array<i32>} : memref<32x512xf32, #tpu.memory_space<vmem>>, vector<16xf32>,
          %get3A_1254 = arith.index_cast %add3A_1031 : i32 to index
          %get3A_1255 = arith.constant 416 : index
          %get3A_1256 = tpu.vector_load %arg17[%get3A_1254, %get3A_1255] {strides = array<i32>} : memref<32x512xf32, #tpu.memory_space<vmem>>, vector<16xf32>,
          %get3A_1257 = arith.index_cast %add3A_1044 : i32 to index
          %get3A_1258 = arith.constant 32 : index
          %get3A_1259 = tpu.vector_load %arg17[%get3A_1257, %get3A_1258] {strides = array<i32>} : memref<32x512xf32, #tpu.memory_space<vmem>>, vector<16xf32>,
          %get3A_1260 = arith.index_cast %add3A_1044 : i32 to index
          %get3A_1261 = arith.constant 160 : index
          %get3A_1262 = tpu.vector_load %arg17[%get3A_1260, %get3A_1261] {strides = array<i32>} : memref<32x512xf32, #tpu.memory_space<vmem>>, vector<16xf32>,
          %get3A_1263 = arith.index_cast %add3A_1044 : i32 to index
          %get3A_1264 = arith.constant 288 : index
          %get3A_1265 = tpu.vector_load %arg17[%get3A_1263, %get3A_1264] {strides = array<i32>} : memref<32x512xf32, #tpu.memory_space<vmem>>, vector<16xf32>,
          %get3A_1266 = arith.index_cast %add3A_1044 : i32 to index
          %get3A_1267 = arith.constant 416 : index
          %get3A_1268 = tpu.vector_load %arg17[%get3A_1266, %get3A_1267] {strides = array<i32>} : memref<32x512xf32, #tpu.memory_space<vmem>>, vector<16xf32>,
          %get3A_1269 = arith.index_cast %add3A_1057 : i32 to index
          %get3A_1270 = arith.constant 32 : index
          %get3A_1271 = tpu.vector_load %arg17[%get3A_1269, %get3A_1270] {strides = array<i32>} : memref<32x512xf32, #tpu.memory_space<vmem>>, vector<16xf32>,
          %get3A_1272 = arith.index_cast %add3A_1057 : i32 to index
          %get3A_1273 = arith.constant 160 : index
          %get3A_1274 = tpu.vector_load %arg17[%get3A_1272, %get3A_1273] {strides = array<i32>} : memref<32x512xf32, #tpu.memory_space<vmem>>, vector<16xf32>,
          %get3A_1275 = arith.index_cast %add3A_1057 : i32 to index
          %get3A_1276 = arith.constant 288 : index
          %get3A_1277 = tpu.vector_load %arg17[%get3A_1275, %get3A_1276] {strides = array<i32>} : memref<32x512xf32, #tpu.memory_space<vmem>>, vector<16xf32>,
          %get3A_1278 = arith.index_cast %add3A_1057 : i32 to index
          %get3A_1279 = arith.constant 416 : index
          %get3A_1280 = tpu.vector_load %arg17[%get3A_1278, %get3A_1279] {strides = array<i32>} : memref<32x512xf32, #tpu.memory_space<vmem>>, vector<16xf32>,
          %mul3A_1281 = arith.mulf %gather3A_1010, %get3A_1235 : vector<16xf32>
          %mul3A_1282 = arith.mulf %gather3A_1012, %get3A_1238 : vector<16xf32>
          %add3A_1283 = arith.addf %mul3A_1281, %mul3A_1282 : vector<16xf32>
          %mul3A_1284 = arith.mulf %gather3A_1014, %get3A_1241 : vector<16xf32>
          %mul3A_1285 = arith.mulf %gather3A_1016, %get3A_1244 : vector<16xf32>
          %add3A_1286 = arith.addf %mul3A_1284, %mul3A_1285 : vector<16xf32>
          %add3A_1287 = arith.addf %add3A_1283, %add3A_1286 : vector<16xf32>
          %mul3A_1288 = arith.mulf %gather3A_1023, %get3A_1247 : vector<16xf32>
          %mul3A_1289 = arith.mulf %gather3A_1025, %get3A_1250 : vector<16xf32>
          %add3A_1290 = arith.addf %mul3A_1288, %mul3A_1289 : vector<16xf32>
          %mul3A_1291 = arith.mulf %gather3A_1027, %get3A_1253 : vector<16xf32>
          %mul3A_1292 = arith.mulf %gather3A_1029, %get3A_1256 : vector<16xf32>
          %add3A_1293 = arith.addf %mul3A_1291, %mul3A_1292 : vector<16xf32>
          %add3A_1294 = arith.addf %add3A_1290, %add3A_1293 : vector<16xf32>
          %mul3A_1295 = arith.mulf %gather3A_1036, %get3A_1259 : vector<16xf32>
          %mul3A_1296 = arith.mulf %gather3A_1038, %get3A_1262 : vector<16xf32>
          %add3A_1297 = arith.addf %mul3A_1295, %mul3A_1296 : vector<16xf32>
          %mul3A_1298 = arith.mulf %gather3A_1040, %get3A_1265 : vector<16xf32>
          %mul3A_1299 = arith.mulf %gather3A_1042, %get3A_1268 : vector<16xf32>
          %add3A_1300 = arith.addf %mul3A_1298, %mul3A_1299 : vector<16xf32>
          %add3A_1301 = arith.addf %add3A_1297, %add3A_1300 : vector<16xf32>
          %mul3A_1302 = arith.mulf %gather3A_1049, %get3A_1271 : vector<16xf32>
          %mul3A_1303 = arith.mulf %gather3A_1051, %get3A_1274 : vector<16xf32>
          %add3A_1304 = arith.addf %mul3A_1302, %mul3A_1303 : vector<16xf32>
          %mul3A_1305 = arith.mulf %gather3A_1053, %get3A_1277 : vector<16xf32>
          %mul3A_1306 = arith.mulf %gather3A_1055, %get3A_1280 : vector<16xf32>
          %add3A_1307 = arith.addf %mul3A_1305, %mul3A_1306 : vector<16xf32>
          %add3A_1308 = arith.addf %add3A_1304, %add3A_1307 : vector<16xf32>
          %swap3A_1309 = arith.index_cast %add3A_1018 : i32 to index
          %swap3A_1310 = arith.constant 32 : index
          %swap3A_1311 = tpu.vector_load %arg19[%swap3A_1309, %swap3A_1310] {strides = array<i32>} : memref<32x128xf32, #tpu.memory_space<vmem>>, vector<16xf32>,
          tpu.vector_store %arg19[%swap3A_1309, %swap3A_1310], %add3A_1287 {strides = array<i32>} : memref<32x128xf32, #tpu.memory_space<vmem>>, vector<16xf32>,
          %swap3A_1312 = arith.index_cast %add3A_1031 : i32 to index
          %swap3A_1313 = arith.constant 32 : index
          %swap3A_1314 = tpu.vector_load %arg19[%swap3A_1312, %swap3A_1313] {strides = array<i32>} : memref<32x128xf32, #tpu.memory_space<vmem>>, vector<16xf32>,
          tpu.vector_store %arg19[%swap3A_1312, %swap3A_1313], %add3A_1294 {strides = array<i32>} : memref<32x128xf32, #tpu.memory_space<vmem>>, vector<16xf32>,
          %swap3A_1315 = arith.index_cast %add3A_1044 : i32 to index
          %swap3A_1316 = arith.constant 32 : index
          %swap3A_1317 = tpu.vector_load %arg19[%swap3A_1315, %swap3A_1316] {strides = array<i32>} : memref<32x128xf32, #tpu.memory_space<vmem>>, vector<16xf32>,
          tpu.vector_store %arg19[%swap3A_1315, %swap3A_1316], %add3A_1301 {strides = array<i32>} : memref<32x128xf32, #tpu.memory_space<vmem>>, vector<16xf32>,
          %swap3A_1318 = arith.index_cast %add3A_1057 : i32 to index
          %swap3A_1319 = arith.constant 32 : index
          %swap3A_1320 = tpu.vector_load %arg19[%swap3A_1318, %swap3A_1319] {strides = array<i32>} : memref<32x128xf32, #tpu.memory_space<vmem>>, vector<16xf32>,
          tpu.vector_store %arg19[%swap3A_1318, %swap3A_1319], %add3A_1308 {strides = array<i32>} : memref<32x128xf32, #tpu.memory_space<vmem>>, vector<16xf32>,
          %get3A_1321 = arith.index_cast %add3A_1018 : i32 to index
          %get3A_1322 = arith.constant 48 : index
          %get3A_1323 = tpu.vector_load %arg17[%get3A_1321, %get3A_1322] {strides = array<i32>} : memref<32x512xf32, #tpu.memory_space<vmem>>, vector<16xf32>,
          %get3A_1324 = arith.index_cast %add3A_1018 : i32 to index
          %get3A_1325 = arith.constant 176 : index
          %get3A_1326 = tpu.vector_load %arg17[%get3A_1324, %get3A_1325] {strides = array<i32>} : memref<32x512xf32, #tpu.memory_space<vmem>>, vector<16xf32>,
          %get3A_1327 = arith.index_cast %add3A_1018 : i32 to index
          %get3A_1328 = arith.constant 304 : index
          %get3A_1329 = tpu.vector_load %arg17[%get3A_1327, %get3A_1328] {strides = array<i32>} : memref<32x512xf32, #tpu.memory_space<vmem>>, vector<16xf32>,
          %get3A_1330 = arith.index_cast %add3A_1018 : i32 to index
          %get3A_1331 = arith.constant 432 : index
          %get3A_1332 = tpu.vector_load %arg17[%get3A_1330, %get3A_1331] {strides = array<i32>} : memref<32x512xf32, #tpu.memory_space<vmem>>, vector<16xf32>,
          %get3A_1333 = arith.index_cast %add3A_1031 : i32 to index
          %get3A_1334 = arith.constant 48 : index
          %get3A_1335 = tpu.vector_load %arg17[%get3A_1333, %get3A_1334] {strides = array<i32>} : memref<32x512xf32, #tpu.memory_space<vmem>>, vector<16xf32>,
          %get3A_1336 = arith.index_cast %add3A_1031 : i32 to index
          %get3A_1337 = arith.constant 176 : index
          %get3A_1338 = tpu.vector_load %arg17[%get3A_1336, %get3A_1337] {strides = array<i32>} : memref<32x512xf32, #tpu.memory_space<vmem>>, vector<16xf32>,
          %get3A_1339 = arith.index_cast %add3A_1031 : i32 to index
          %get3A_1340 = arith.constant 304 : index
          %get3A_1341 = tpu.vector_load %arg17[%get3A_1339, %get3A_1340] {strides = array<i32>} : memref<32x512xf32, #tpu.memory_space<vmem>>, vector<16xf32>,
          %get3A_1342 = arith.index_cast %add3A_1031 : i32 to index
          %get3A_1343 = arith.constant 432 : index
          %get3A_1344 = tpu.vector_load %arg17[%get3A_1342, %get3A_1343] {strides = array<i32>} : memref<32x512xf32, #tpu.memory_space<vmem>>, vector<16xf32>,
          %get3A_1345 = arith.index_cast %add3A_1044 : i32 to index
          %get3A_1346 = arith.constant 48 : index
          %get3A_1347 = tpu.vector_load %arg17[%get3A_1345, %get3A_1346] {strides = array<i32>} : memref<32x512xf32, #tpu.memory_space<vmem>>, vector<16xf32>,
          %get3A_1348 = arith.index_cast %add3A_1044 : i32 to index
          %get3A_1349 = arith.constant 176 : index
          %get3A_1350 = tpu.vector_load %arg17[%get3A_1348, %get3A_1349] {strides = array<i32>} : memref<32x512xf32, #tpu.memory_space<vmem>>, vector<16xf32>,
          %get3A_1351 = arith.index_cast %add3A_1044 : i32 to index
          %get3A_1352 = arith.constant 304 : index
          %get3A_1353 = tpu.vector_load %arg17[%get3A_1351, %get3A_1352] {strides = array<i32>} : memref<32x512xf32, #tpu.memory_space<vmem>>, vector<16xf32>,
          %get3A_1354 = arith.index_cast %add3A_1044 : i32 to index
          %get3A_1355 = arith.constant 432 : index
          %get3A_1356 = tpu.vector_load %arg17[%get3A_1354, %get3A_1355] {strides = array<i32>} : memref<32x512xf32, #tpu.memory_space<vmem>>, vector<16xf32>,
          %get3A_1357 = arith.index_cast %add3A_1057 : i32 to index
          %get3A_1358 = arith.constant 48 : index
          %get3A_1359 = tpu.vector_load %arg17[%get3A_1357, %get3A_1358] {strides = array<i32>} : memref<32x512xf32, #tpu.memory_space<vmem>>, vector<16xf32>,
          %get3A_1360 = arith.index_cast %add3A_1057 : i32 to index
          %get3A_1361 = arith.constant 176 : index
          %get3A_1362 = tpu.vector_load %arg17[%get3A_1360, %get3A_1361] {strides = array<i32>} : memref<32x512xf32, #tpu.memory_space<vmem>>, vector<16xf32>,
          %get3A_1363 = arith.index_cast %add3A_1057 : i32 to index
          %get3A_1364 = arith.constant 304 : index
          %get3A_1365 = tpu.vector_load %arg17[%get3A_1363, %get3A_1364] {strides = array<i32>} : memref<32x512xf32, #tpu.memory_space<vmem>>, vector<16xf32>,
          %get3A_1366 = arith.index_cast %add3A_1057 : i32 to index
          %get3A_1367 = arith.constant 432 : index
          %get3A_1368 = tpu.vector_load %arg17[%get3A_1366, %get3A_1367] {strides = array<i32>} : memref<32x512xf32, #tpu.memory_space<vmem>>, vector<16xf32>,
          %mul3A_1369 = arith.mulf %gather3A_1010, %get3A_1323 : vector<16xf32>
          %mul3A_1370 = arith.mulf %gather3A_1012, %get3A_1326 : vector<16xf32>
          %add3A_1371 = arith.addf %mul3A_1369, %mul3A_1370 : vector<16xf32>
          %mul3A_1372 = arith.mulf %gather3A_1014, %get3A_1329 : vector<16xf32>
          %mul3A_1373 = arith.mulf %gather3A_1016, %get3A_1332 : vector<16xf32>
          %add3A_1374 = arith.addf %mul3A_1372, %mul3A_1373 : vector<16xf32>
          %add3A_1375 = arith.addf %add3A_1371, %add3A_1374 : vector<16xf32>
          %mul3A_1376 = arith.mulf %gather3A_1023, %get3A_1335 : vector<16xf32>
          %mul3A_1377 = arith.mulf %gather3A_1025, %get3A_1338 : vector<16xf32>
          %add3A_1378 = arith.addf %mul3A_1376, %mul3A_1377 : vector<16xf32>
          %mul3A_1379 = arith.mulf %gather3A_1027, %get3A_1341 : vector<16xf32>
          %mul3A_1380 = arith.mulf %gather3A_1029, %get3A_1344 : vector<16xf32>
          %add3A_1381 = arith.addf %mul3A_1379, %mul3A_1380 : vector<16xf32>
          %add3A_1382 = arith.addf %add3A_1378, %add3A_1381 : vector<16xf32>
          %mul3A_1383 = arith.mulf %gather3A_1036, %get3A_1347 : vector<16xf32>
          %mul3A_1384 = arith.mulf %gather3A_1038, %get3A_1350 : vector<16xf32>
          %add3A_1385 = arith.addf %mul3A_1383, %mul3A_1384 : vector<16xf32>
          %mul3A_1386 = arith.mulf %gather3A_1040, %get3A_1353 : vector<16xf32>
          %mul3A_1387 = arith.mulf %gather3A_1042, %get3A_1356 : vector<16xf32>
          %add3A_1388 = arith.addf %mul3A_1386, %mul3A_1387 : vector<16xf32>
          %add3A_1389 = arith.addf %add3A_1385, %add3A_1388 : vector<16xf32>
          %mul3A_1390 = arith.mulf %gather3A_1049, %get3A_1359 : vector<16xf32>
          %mul3A_1391 = arith.mulf %gather3A_1051, %get3A_1362 : vector<16xf32>
          %add3A_1392 = arith.addf %mul3A_1390, %mul3A_1391 : vector<16xf32>
          %mul3A_1393 = arith.mulf %gather3A_1053, %get3A_1365 : vector<16xf32>
          %mul3A_1394 = arith.mulf %gather3A_1055, %get3A_1368 : vector<16xf32>
          %add3A_1395 = arith.addf %mul3A_1393, %mul3A_1394 : vector<16xf32>
          %add3A_1396 = arith.addf %add3A_1392, %add3A_1395 : vector<16xf32>
          %swap3A_1397 = arith.index_cast %add3A_1018 : i32 to index
          %swap3A_1398 = arith.constant 48 : index
          %swap3A_1399 = tpu.vector_load %arg19[%swap3A_1397, %swap3A_1398] {strides = array<i32>} : memref<32x128xf32, #tpu.memory_space<vmem>>, vector<16xf32>,
          tpu.vector_store %arg19[%swap3A_1397, %swap3A_1398], %add3A_1375 {strides = array<i32>} : memref<32x128xf32, #tpu.memory_space<vmem>>, vector<16xf32>,
          %swap3A_1400 = arith.index_cast %add3A_1031 : i32 to index
          %swap3A_1401 = arith.constant 48 : index
          %swap3A_1402 = tpu.vector_load %arg19[%swap3A_1400, %swap3A_1401] {strides = array<i32>} : memref<32x128xf32, #tpu.memory_space<vmem>>, vector<16xf32>,
          tpu.vector_store %arg19[%swap3A_1400, %swap3A_1401], %add3A_1382 {strides = array<i32>} : memref<32x128xf32, #tpu.memory_space<vmem>>, vector<16xf32>,
          %swap3A_1403 = arith.index_cast %add3A_1044 : i32 to index
          %swap3A_1404 = arith.constant 48 : index
          %swap3A_1405 = tpu.vector_load %arg19[%swap3A_1403, %swap3A_1404] {strides = array<i32>} : memref<32x128xf32, #tpu.memory_space<vmem>>, vector<16xf32>,
          tpu.vector_store %arg19[%swap3A_1403, %swap3A_1404], %add3A_1389 {strides = array<i32>} : memref<32x128xf32, #tpu.memory_space<vmem>>, vector<16xf32>,
          %swap3A_1406 = arith.index_cast %add3A_1057 : i32 to index
          %swap3A_1407 = arith.constant 48 : index
          %swap3A_1408 = tpu.vector_load %arg19[%swap3A_1406, %swap3A_1407] {strides = array<i32>} : memref<32x128xf32, #tpu.memory_space<vmem>>, vector<16xf32>,
          tpu.vector_store %arg19[%swap3A_1406, %swap3A_1407], %add3A_1396 {strides = array<i32>} : memref<32x128xf32, #tpu.memory_space<vmem>>, vector<16xf32>,
          %get3A_1409 = arith.index_cast %add3A_1018 : i32 to index
          %get3A_1410 = arith.constant 64 : index
          %get3A_1411 = tpu.vector_load %arg17[%get3A_1409, %get3A_1410] {strides = array<i32>} : memref<32x512xf32, #tpu.memory_space<vmem>>, vector<16xf32>,
          %get3A_1412 = arith.index_cast %add3A_1018 : i32 to index
          %get3A_1413 = arith.constant 192 : index
          %get3A_1414 = tpu.vector_load %arg17[%get3A_1412, %get3A_1413] {strides = array<i32>} : memref<32x512xf32, #tpu.memory_space<vmem>>, vector<16xf32>,
          %get3A_1415 = arith.index_cast %add3A_1018 : i32 to index
          %get3A_1416 = arith.constant 320 : index
          %get3A_1417 = tpu.vector_load %arg17[%get3A_1415, %get3A_1416] {strides = array<i32>} : memref<32x512xf32, #tpu.memory_space<vmem>>, vector<16xf32>,
          %get3A_1418 = arith.index_cast %add3A_1018 : i32 to index
          %get3A_1419 = arith.constant 448 : index
          %get3A_1420 = tpu.vector_load %arg17[%get3A_1418, %get3A_1419] {strides = array<i32>} : memref<32x512xf32, #tpu.memory_space<vmem>>, vector<16xf32>,
          %get3A_1421 = arith.index_cast %add3A_1031 : i32 to index
          %get3A_1422 = arith.constant 64 : index
          %get3A_1423 = tpu.vector_load %arg17[%get3A_1421, %get3A_1422] {strides = array<i32>} : memref<32x512xf32, #tpu.memory_space<vmem>>, vector<16xf32>,
          %get3A_1424 = arith.index_cast %add3A_1031 : i32 to index
          %get3A_1425 = arith.constant 192 : index
          %get3A_1426 = tpu.vector_load %arg17[%get3A_1424, %get3A_1425] {strides = array<i32>} : memref<32x512xf32, #tpu.memory_space<vmem>>, vector<16xf32>,
          %get3A_1427 = arith.index_cast %add3A_1031 : i32 to index
          %get3A_1428 = arith.constant 320 : index
          %get3A_1429 = tpu.vector_load %arg17[%get3A_1427, %get3A_1428] {strides = array<i32>} : memref<32x512xf32, #tpu.memory_space<vmem>>, vector<16xf32>,
          %get3A_1430 = arith.index_cast %add3A_1031 : i32 to index
          %get3A_1431 = arith.constant 448 : index
          %get3A_1432 = tpu.vector_load %arg17[%get3A_1430, %get3A_1431] {strides = array<i32>} : memref<32x512xf32, #tpu.memory_space<vmem>>, vector<16xf32>,
          %get3A_1433 = arith.index_cast %add3A_1044 : i32 to index
          %get3A_1434 = arith.constant 64 : index
          %get3A_1435 = tpu.vector_load %arg17[%get3A_1433, %get3A_1434] {strides = array<i32>} : memref<32x512xf32, #tpu.memory_space<vmem>>, vector<16xf32>,
          %get3A_1436 = arith.index_cast %add3A_1044 : i32 to index
          %get3A_1437 = arith.constant 192 : index
          %get3A_1438 = tpu.vector_load %arg17[%get3A_1436, %get3A_1437] {strides = array<i32>} : memref<32x512xf32, #tpu.memory_space<vmem>>, vector<16xf32>,
          %get3A_1439 = arith.index_cast %add3A_1044 : i32 to index
          %get3A_1440 = arith.constant 320 : index
          %get3A_1441 = tpu.vector_load %arg17[%get3A_1439, %get3A_1440] {strides = array<i32>} : memref<32x512xf32, #tpu.memory_space<vmem>>, vector<16xf32>,
          %get3A_1442 = arith.index_cast %add3A_1044 : i32 to index
          %get3A_1443 = arith.constant 448 : index
          %get3A_1444 = tpu.vector_load %arg17[%get3A_1442, %get3A_1443] {strides = array<i32>} : memref<32x512xf32, #tpu.memory_space<vmem>>, vector<16xf32>,
          %get3A_1445 = arith.index_cast %add3A_1057 : i32 to index
          %get3A_1446 = arith.constant 64 : index
          %get3A_1447 = tpu.vector_load %arg17[%get3A_1445, %get3A_1446] {strides = array<i32>} : memref<32x512xf32, #tpu.memory_space<vmem>>, vector<16xf32>,
          %get3A_1448 = arith.index_cast %add3A_1057 : i32 to index
          %get3A_1449 = arith.constant 192 : index
          %get3A_1450 = tpu.vector_load %arg17[%get3A_1448, %get3A_1449] {strides = array<i32>} : memref<32x512xf32, #tpu.memory_space<vmem>>, vector<16xf32>,
          %get3A_1451 = arith.index_cast %add3A_1057 : i32 to index
          %get3A_1452 = arith.constant 320 : index
          %get3A_1453 = tpu.vector_load %arg17[%get3A_1451, %get3A_1452] {strides = array<i32>} : memref<32x512xf32, #tpu.memory_space<vmem>>, vector<16xf32>,
          %get3A_1454 = arith.index_cast %add3A_1057 : i32 to index
          %get3A_1455 = arith.constant 448 : index
          %get3A_1456 = tpu.vector_load %arg17[%get3A_1454, %get3A_1455] {strides = array<i32>} : memref<32x512xf32, #tpu.memory_space<vmem>>, vector<16xf32>,
          %mul3A_1457 = arith.mulf %gather3A_1010, %get3A_1411 : vector<16xf32>
          %mul3A_1458 = arith.mulf %gather3A_1012, %get3A_1414 : vector<16xf32>
          %add3A_1459 = arith.addf %mul3A_1457, %mul3A_1458 : vector<16xf32>
          %mul3A_1460 = arith.mulf %gather3A_1014, %get3A_1417 : vector<16xf32>
          %mul3A_1461 = arith.mulf %gather3A_1016, %get3A_1420 : vector<16xf32>
          %add3A_1462 = arith.addf %mul3A_1460, %mul3A_1461 : vector<16xf32>
          %add3A_1463 = arith.addf %add3A_1459, %add3A_1462 : vector<16xf32>
          %mul3A_1464 = arith.mulf %gather3A_1023, %get3A_1423 : vector<16xf32>
          %mul3A_1465 = arith.mulf %gather3A_1025, %get3A_1426 : vector<16xf32>
          %add3A_1466 = arith.addf %mul3A_1464, %mul3A_1465 : vector<16xf32>
          %mul3A_1467 = arith.mulf %gather3A_1027, %get3A_1429 : vector<16xf32>
          %mul3A_1468 = arith.mulf %gather3A_1029, %get3A_1432 : vector<16xf32>
          %add3A_1469 = arith.addf %mul3A_1467, %mul3A_1468 : vector<16xf32>
          %add3A_1470 = arith.addf %add3A_1466, %add3A_1469 : vector<16xf32>
          %mul3A_1471 = arith.mulf %gather3A_1036, %get3A_1435 : vector<16xf32>
          %mul3A_1472 = arith.mulf %gather3A_1038, %get3A_1438 : vector<16xf32>
          %add3A_1473 = arith.addf %mul3A_1471, %mul3A_1472 : vector<16xf32>
          %mul3A_1474 = arith.mulf %gather3A_1040, %get3A_1441 : vector<16xf32>
          %mul3A_1475 = arith.mulf %gather3A_1042, %get3A_1444 : vector<16xf32>
          %add3A_1476 = arith.addf %mul3A_1474, %mul3A_1475 : vector<16xf32>
          %add3A_1477 = arith.addf %add3A_1473, %add3A_1476 : vector<16xf32>
          %mul3A_1478 = arith.mulf %gather3A_1049, %get3A_1447 : vector<16xf32>
          %mul3A_1479 = arith.mulf %gather3A_1051, %get3A_1450 : vector<16xf32>
          %add3A_1480 = arith.addf %mul3A_1478, %mul3A_1479 : vector<16xf32>
          %mul3A_1481 = arith.mulf %gather3A_1053, %get3A_1453 : vector<16xf32>
          %mul3A_1482 = arith.mulf %gather3A_1055, %get3A_1456 : vector<16xf32>
          %add3A_1483 = arith.addf %mul3A_1481, %mul3A_1482 : vector<16xf32>
          %add3A_1484 = arith.addf %add3A_1480, %add3A_1483 : vector<16xf32>
          %swap3A_1485 = arith.index_cast %add3A_1018 : i32 to index
          %swap3A_1486 = arith.constant 64 : index
          %swap3A_1487 = tpu.vector_load %arg19[%swap3A_1485, %swap3A_1486] {strides = array<i32>} : memref<32x128xf32, #tpu.memory_space<vmem>>, vector<16xf32>,
          tpu.vector_store %arg19[%swap3A_1485, %swap3A_1486], %add3A_1463 {strides = array<i32>} : memref<32x128xf32, #tpu.memory_space<vmem>>, vector<16xf32>,
          %swap3A_1488 = arith.index_cast %add3A_1031 : i32 to index
          %swap3A_1489 = arith.constant 64 : index
          %swap3A_1490 = tpu.vector_load %arg19[%swap3A_1488, %swap3A_1489] {strides = array<i32>} : memref<32x128xf32, #tpu.memory_space<vmem>>, vector<16xf32>,
          tpu.vector_store %arg19[%swap3A_1488, %swap3A_1489], %add3A_1470 {strides = array<i32>} : memref<32x128xf32, #tpu.memory_space<vmem>>, vector<16xf32>,
          %swap3A_1491 = arith.index_cast %add3A_1044 : i32 to index
          %swap3A_1492 = arith.constant 64 : index
          %swap3A_1493 = tpu.vector_load %arg19[%swap3A_1491, %swap3A_1492] {strides = array<i32>} : memref<32x128xf32, #tpu.memory_space<vmem>>, vector<16xf32>,
          tpu.vector_store %arg19[%swap3A_1491, %swap3A_1492], %add3A_1477 {strides = array<i32>} : memref<32x128xf32, #tpu.memory_space<vmem>>, vector<16xf32>,
          %swap3A_1494 = arith.index_cast %add3A_1057 : i32 to index
          %swap3A_1495 = arith.constant 64 : index
          %swap3A_1496 = tpu.vector_load %arg19[%swap3A_1494, %swap3A_1495] {strides = array<i32>} : memref<32x128xf32, #tpu.memory_space<vmem>>, vector<16xf32>,
          tpu.vector_store %arg19[%swap3A_1494, %swap3A_1495], %add3A_1484 {strides = array<i32>} : memref<32x128xf32, #tpu.memory_space<vmem>>, vector<16xf32>,
          %get3A_1497 = arith.index_cast %add3A_1018 : i32 to index
          %get3A_1498 = arith.constant 80 : index
          %get3A_1499 = tpu.vector_load %arg17[%get3A_1497, %get3A_1498] {strides = array<i32>} : memref<32x512xf32, #tpu.memory_space<vmem>>, vector<16xf32>,
          %get3A_1500 = arith.index_cast %add3A_1018 : i32 to index
          %get3A_1501 = arith.constant 208 : index
          %get3A_1502 = tpu.vector_load %arg17[%get3A_1500, %get3A_1501] {strides = array<i32>} : memref<32x512xf32, #tpu.memory_space<vmem>>, vector<16xf32>,
          %get3A_1503 = arith.index_cast %add3A_1018 : i32 to index
          %get3A_1504 = arith.constant 336 : index
          %get3A_1505 = tpu.vector_load %arg17[%get3A_1503, %get3A_1504] {strides = array<i32>} : memref<32x512xf32, #tpu.memory_space<vmem>>, vector<16xf32>,
          %get3A_1506 = arith.index_cast %add3A_1018 : i32 to index
          %get3A_1507 = arith.constant 464 : index
          %get3A_1508 = tpu.vector_load %arg17[%get3A_1506, %get3A_1507] {strides = array<i32>} : memref<32x512xf32, #tpu.memory_space<vmem>>, vector<16xf32>,
          %get3A_1509 = arith.index_cast %add3A_1031 : i32 to index
          %get3A_1510 = arith.constant 80 : index
          %get3A_1511 = tpu.vector_load %arg17[%get3A_1509, %get3A_1510] {strides = array<i32>} : memref<32x512xf32, #tpu.memory_space<vmem>>, vector<16xf32>,
          %get3A_1512 = arith.index_cast %add3A_1031 : i32 to index
          %get3A_1513 = arith.constant 208 : index
          %get3A_1514 = tpu.vector_load %arg17[%get3A_1512, %get3A_1513] {strides = array<i32>} : memref<32x512xf32, #tpu.memory_space<vmem>>, vector<16xf32>,
          %get3A_1515 = arith.index_cast %add3A_1031 : i32 to index
          %get3A_1516 = arith.constant 336 : index
          %get3A_1517 = tpu.vector_load %arg17[%get3A_1515, %get3A_1516] {strides = array<i32>} : memref<32x512xf32, #tpu.memory_space<vmem>>, vector<16xf32>,
          %get3A_1518 = arith.index_cast %add3A_1031 : i32 to index
          %get3A_1519 = arith.constant 464 : index
          %get3A_1520 = tpu.vector_load %arg17[%get3A_1518, %get3A_1519] {strides = array<i32>} : memref<32x512xf32, #tpu.memory_space<vmem>>, vector<16xf32>,
          %get3A_1521 = arith.index_cast %add3A_1044 : i32 to index
          %get3A_1522 = arith.constant 80 : index
          %get3A_1523 = tpu.vector_load %arg17[%get3A_1521, %get3A_1522] {strides = array<i32>} : memref<32x512xf32, #tpu.memory_space<vmem>>, vector<16xf32>,
          %get3A_1524 = arith.index_cast %add3A_1044 : i32 to index
          %get3A_1525 = arith.constant 208 : index
          %get3A_1526 = tpu.vector_load %arg17[%get3A_1524, %get3A_1525] {strides = array<i32>} : memref<32x512xf32, #tpu.memory_space<vmem>>, vector<16xf32>,
          %get3A_1527 = arith.index_cast %add3A_1044 : i32 to index
          %get3A_1528 = arith.constant 336 : index
          %get3A_1529 = tpu.vector_load %arg17[%get3A_1527, %get3A_1528] {strides = array<i32>} : memref<32x512xf32, #tpu.memory_space<vmem>>, vector<16xf32>,
          %get3A_1530 = arith.index_cast %add3A_1044 : i32 to index
          %get3A_1531 = arith.constant 464 : index
          %get3A_1532 = tpu.vector_load %arg17[%get3A_1530, %get3A_1531] {strides = array<i32>} : memref<32x512xf32, #tpu.memory_space<vmem>>, vector<16xf32>,
          %get3A_1533 = arith.index_cast %add3A_1057 : i32 to index
          %get3A_1534 = arith.constant 80 : index
          %get3A_1535 = tpu.vector_load %arg17[%get3A_1533, %get3A_1534] {strides = array<i32>} : memref<32x512xf32, #tpu.memory_space<vmem>>, vector<16xf32>,
          %get3A_1536 = arith.index_cast %add3A_1057 : i32 to index
          %get3A_1537 = arith.constant 208 : index
          %get3A_1538 = tpu.vector_load %arg17[%get3A_1536, %get3A_1537] {strides = array<i32>} : memref<32x512xf32, #tpu.memory_space<vmem>>, vector<16xf32>,
          %get3A_1539 = arith.index_cast %add3A_1057 : i32 to index
          %get3A_1540 = arith.constant 336 : index
          %get3A_1541 = tpu.vector_load %arg17[%get3A_1539, %get3A_1540] {strides = array<i32>} : memref<32x512xf32, #tpu.memory_space<vmem>>, vector<16xf32>,
          %get3A_1542 = arith.index_cast %add3A_1057 : i32 to index
          %get3A_1543 = arith.constant 464 : index
          %get3A_1544 = tpu.vector_load %arg17[%get3A_1542, %get3A_1543] {strides = array<i32>} : memref<32x512xf32, #tpu.memory_space<vmem>>, vector<16xf32>,
          %mul3A_1545 = arith.mulf %gather3A_1010, %get3A_1499 : vector<16xf32>
          %mul3A_1546 = arith.mulf %gather3A_1012, %get3A_1502 : vector<16xf32>
          %add3A_1547 = arith.addf %mul3A_1545, %mul3A_1546 : vector<16xf32>
          %mul3A_1548 = arith.mulf %gather3A_1014, %get3A_1505 : vector<16xf32>
          %mul3A_1549 = arith.mulf %gather3A_1016, %get3A_1508 : vector<16xf32>
          %add3A_1550 = arith.addf %mul3A_1548, %mul3A_1549 : vector<16xf32>
          %add3A_1551 = arith.addf %add3A_1547, %add3A_1550 : vector<16xf32>
          %mul3A_1552 = arith.mulf %gather3A_1023, %get3A_1511 : vector<16xf32>
          %mul3A_1553 = arith.mulf %gather3A_1025, %get3A_1514 : vector<16xf32>
          %add3A_1554 = arith.addf %mul3A_1552, %mul3A_1553 : vector<16xf32>
          %mul3A_1555 = arith.mulf %gather3A_1027, %get3A_1517 : vector<16xf32>
          %mul3A_1556 = arith.mulf %gather3A_1029, %get3A_1520 : vector<16xf32>
          %add3A_1557 = arith.addf %mul3A_1555, %mul3A_1556 : vector<16xf32>
          %add3A_1558 = arith.addf %add3A_1554, %add3A_1557 : vector<16xf32>
          %mul3A_1559 = arith.mulf %gather3A_1036, %get3A_1523 : vector<16xf32>
          %mul3A_1560 = arith.mulf %gather3A_1038, %get3A_1526 : vector<16xf32>
          %add3A_1561 = arith.addf %mul3A_1559, %mul3A_1560 : vector<16xf32>
          %mul3A_1562 = arith.mulf %gather3A_1040, %get3A_1529 : vector<16xf32>
          %mul3A_1563 = arith.mulf %gather3A_1042, %get3A_1532 : vector<16xf32>
          %add3A_1564 = arith.addf %mul3A_1562, %mul3A_1563 : vector<16xf32>
          %add3A_1565 = arith.addf %add3A_1561, %add3A_1564 : vector<16xf32>
          %mul3A_1566 = arith.mulf %gather3A_1049, %get3A_1535 : vector<16xf32>
          %mul3A_1567 = arith.mulf %gather3A_1051, %get3A_1538 : vector<16xf32>
          %add3A_1568 = arith.addf %mul3A_1566, %mul3A_1567 : vector<16xf32>
          %mul3A_1569 = arith.mulf %gather3A_1053, %get3A_1541 : vector<16xf32>
          %mul3A_1570 = arith.mulf %gather3A_1055, %get3A_1544 : vector<16xf32>
          %add3A_1571 = arith.addf %mul3A_1569, %mul3A_1570 : vector<16xf32>
          %add3A_1572 = arith.addf %add3A_1568, %add3A_1571 : vector<16xf32>
          %swap3A_1573 = arith.index_cast %add3A_1018 : i32 to index
          %swap3A_1574 = arith.constant 80 : index
          %swap3A_1575 = tpu.vector_load %arg19[%swap3A_1573, %swap3A_1574] {strides = array<i32>} : memref<32x128xf32, #tpu.memory_space<vmem>>, vector<16xf32>,
          tpu.vector_store %arg19[%swap3A_1573, %swap3A_1574], %add3A_1551 {strides = array<i32>} : memref<32x128xf32, #tpu.memory_space<vmem>>, vector<16xf32>,
          %swap3A_1576 = arith.index_cast %add3A_1031 : i32 to index
          %swap3A_1577 = arith.constant 80 : index
          %swap3A_1578 = tpu.vector_load %arg19[%swap3A_1576, %swap3A_1577] {strides = array<i32>} : memref<32x128xf32, #tpu.memory_space<vmem>>, vector<16xf32>,
          tpu.vector_store %arg19[%swap3A_1576, %swap3A_1577], %add3A_1558 {strides = array<i32>} : memref<32x128xf32, #tpu.memory_space<vmem>>, vector<16xf32>,
          %swap3A_1579 = arith.index_cast %add3A_1044 : i32 to index
          %swap3A_1580 = arith.constant 80 : index
          %swap3A_1581 = tpu.vector_load %arg19[%swap3A_1579, %swap3A_1580] {strides = array<i32>} : memref<32x128xf32, #tpu.memory_space<vmem>>, vector<16xf32>,
          tpu.vector_store %arg19[%swap3A_1579, %swap3A_1580], %add3A_1565 {strides = array<i32>} : memref<32x128xf32, #tpu.memory_space<vmem>>, vector<16xf32>,
          %swap3A_1582 = arith.index_cast %add3A_1057 : i32 to index
          %swap3A_1583 = arith.constant 80 : index
          %swap3A_1584 = tpu.vector_load %arg19[%swap3A_1582, %swap3A_1583] {strides = array<i32>} : memref<32x128xf32, #tpu.memory_space<vmem>>, vector<16xf32>,
          tpu.vector_store %arg19[%swap3A_1582, %swap3A_1583], %add3A_1572 {strides = array<i32>} : memref<32x128xf32, #tpu.memory_space<vmem>>, vector<16xf32>,
          %get3A_1585 = arith.index_cast %add3A_1018 : i32 to index
          %get3A_1586 = arith.constant 96 : index
          %get3A_1587 = tpu.vector_load %arg17[%get3A_1585, %get3A_1586] {strides = array<i32>} : memref<32x512xf32, #tpu.memory_space<vmem>>, vector<16xf32>,
          %get3A_1588 = arith.index_cast %add3A_1018 : i32 to index
          %get3A_1589 = arith.constant 224 : index
          %get3A_1590 = tpu.vector_load %arg17[%get3A_1588, %get3A_1589] {strides = array<i32>} : memref<32x512xf32, #tpu.memory_space<vmem>>, vector<16xf32>,
          %get3A_1591 = arith.index_cast %add3A_1018 : i32 to index
          %get3A_1592 = arith.constant 352 : index
          %get3A_1593 = tpu.vector_load %arg17[%get3A_1591, %get3A_1592] {strides = array<i32>} : memref<32x512xf32, #tpu.memory_space<vmem>>, vector<16xf32>,
          %get3A_1594 = arith.index_cast %add3A_1018 : i32 to index
          %get3A_1595 = arith.constant 480 : index
          %get3A_1596 = tpu.vector_load %arg17[%get3A_1594, %get3A_1595] {strides = array<i32>} : memref<32x512xf32, #tpu.memory_space<vmem>>, vector<16xf32>,
          %get3A_1597 = arith.index_cast %add3A_1031 : i32 to index
          %get3A_1598 = arith.constant 96 : index
          %get3A_1599 = tpu.vector_load %arg17[%get3A_1597, %get3A_1598] {strides = array<i32>} : memref<32x512xf32, #tpu.memory_space<vmem>>, vector<16xf32>,
          %get3A_1600 = arith.index_cast %add3A_1031 : i32 to index
          %get3A_1601 = arith.constant 224 : index
          %get3A_1602 = tpu.vector_load %arg17[%get3A_1600, %get3A_1601] {strides = array<i32>} : memref<32x512xf32, #tpu.memory_space<vmem>>, vector<16xf32>,
          %get3A_1603 = arith.index_cast %add3A_1031 : i32 to index
          %get3A_1604 = arith.constant 352 : index
          %get3A_1605 = tpu.vector_load %arg17[%get3A_1603, %get3A_1604] {strides = array<i32>} : memref<32x512xf32, #tpu.memory_space<vmem>>, vector<16xf32>,
          %get3A_1606 = arith.index_cast %add3A_1031 : i32 to index
          %get3A_1607 = arith.constant 480 : index
          %get3A_1608 = tpu.vector_load %arg17[%get3A_1606, %get3A_1607] {strides = array<i32>} : memref<32x512xf32, #tpu.memory_space<vmem>>, vector<16xf32>,
          %get3A_1609 = arith.index_cast %add3A_1044 : i32 to index
          %get3A_1610 = arith.constant 96 : index
          %get3A_1611 = tpu.vector_load %arg17[%get3A_1609, %get3A_1610] {strides = array<i32>} : memref<32x512xf32, #tpu.memory_space<vmem>>, vector<16xf32>,
          %get3A_1612 = arith.index_cast %add3A_1044 : i32 to index
          %get3A_1613 = arith.constant 224 : index
          %get3A_1614 = tpu.vector_load %arg17[%get3A_1612, %get3A_1613] {strides = array<i32>} : memref<32x512xf32, #tpu.memory_space<vmem>>, vector<16xf32>,
          %get3A_1615 = arith.index_cast %add3A_1044 : i32 to index
          %get3A_1616 = arith.constant 352 : index
          %get3A_1617 = tpu.vector_load %arg17[%get3A_1615, %get3A_1616] {strides = array<i32>} : memref<32x512xf32, #tpu.memory_space<vmem>>, vector<16xf32>,
          %get3A_1618 = arith.index_cast %add3A_1044 : i32 to index
          %get3A_1619 = arith.constant 480 : index
          %get3A_1620 = tpu.vector_load %arg17[%get3A_1618, %get3A_1619] {strides = array<i32>} : memref<32x512xf32, #tpu.memory_space<vmem>>, vector<16xf32>,
          %get3A_1621 = arith.index_cast %add3A_1057 : i32 to index
          %get3A_1622 = arith.constant 96 : index
          %get3A_1623 = tpu.vector_load %arg17[%get3A_1621, %get3A_1622] {strides = array<i32>} : memref<32x512xf32, #tpu.memory_space<vmem>>, vector<16xf32>,
          %get3A_1624 = arith.index_cast %add3A_1057 : i32 to index
          %get3A_1625 = arith.constant 224 : index
          %get3A_1626 = tpu.vector_load %arg17[%get3A_1624, %get3A_1625] {strides = array<i32>} : memref<32x512xf32, #tpu.memory_space<vmem>>, vector<16xf32>,
          %get3A_1627 = arith.index_cast %add3A_1057 : i32 to index
          %get3A_1628 = arith.constant 352 : index
          %get3A_1629 = tpu.vector_load %arg17[%get3A_1627, %get3A_1628] {strides = array<i32>} : memref<32x512xf32, #tpu.memory_space<vmem>>, vector<16xf32>,
          %get3A_1630 = arith.index_cast %add3A_1057 : i32 to index
          %get3A_1631 = arith.constant 480 : index
          %get3A_1632 = tpu.vector_load %arg17[%get3A_1630, %get3A_1631] {strides = array<i32>} : memref<32x512xf32, #tpu.memory_space<vmem>>, vector<16xf32>,
          %mul3A_1633 = arith.mulf %gather3A_1010, %get3A_1587 : vector<16xf32>
          %mul3A_1634 = arith.mulf %gather3A_1012, %get3A_1590 : vector<16xf32>
          %add3A_1635 = arith.addf %mul3A_1633, %mul3A_1634 : vector<16xf32>
          %mul3A_1636 = arith.mulf %gather3A_1014, %get3A_1593 : vector<16xf32>
          %mul3A_1637 = arith.mulf %gather3A_1016, %get3A_1596 : vector<16xf32>
          %add3A_1638 = arith.addf %mul3A_1636, %mul3A_1637 : vector<16xf32>
          %add3A_1639 = arith.addf %add3A_1635, %add3A_1638 : vector<16xf32>
          %mul3A_1640 = arith.mulf %gather3A_1023, %get3A_1599 : vector<16xf32>
          %mul3A_1641 = arith.mulf %gather3A_1025, %get3A_1602 : vector<16xf32>
          %add3A_1642 = arith.addf %mul3A_1640, %mul3A_1641 : vector<16xf32>
          %mul3A_1643 = arith.mulf %gather3A_1027, %get3A_1605 : vector<16xf32>
          %mul3A_1644 = arith.mulf %gather3A_1029, %get3A_1608 : vector<16xf32>
          %add3A_1645 = arith.addf %mul3A_1643, %mul3A_1644 : vector<16xf32>
          %add3A_1646 = arith.addf %add3A_1642, %add3A_1645 : vector<16xf32>
          %mul3A_1647 = arith.mulf %gather3A_1036, %get3A_1611 : vector<16xf32>
          %mul3A_1648 = arith.mulf %gather3A_1038, %get3A_1614 : vector<16xf32>
          %add3A_1649 = arith.addf %mul3A_1647, %mul3A_1648 : vector<16xf32>
          %mul3A_1650 = arith.mulf %gather3A_1040, %get3A_1617 : vector<16xf32>
          %mul3A_1651 = arith.mulf %gather3A_1042, %get3A_1620 : vector<16xf32>
          %add3A_1652 = arith.addf %mul3A_1650, %mul3A_1651 : vector<16xf32>
          %add3A_1653 = arith.addf %add3A_1649, %add3A_1652 : vector<16xf32>
          %mul3A_1654 = arith.mulf %gather3A_1049, %get3A_1623 : vector<16xf32>
          %mul3A_1655 = arith.mulf %gather3A_1051, %get3A_1626 : vector<16xf32>
          %add3A_1656 = arith.addf %mul3A_1654, %mul3A_1655 : vector<16xf32>
          %mul3A_1657 = arith.mulf %gather3A_1053, %get3A_1629 : vector<16xf32>
          %mul3A_1658 = arith.mulf %gather3A_1055, %get3A_1632 : vector<16xf32>
          %add3A_1659 = arith.addf %mul3A_1657, %mul3A_1658 : vector<16xf32>
          %add3A_1660 = arith.addf %add3A_1656, %add3A_1659 : vector<16xf32>
          %swap3A_1661 = arith.index_cast %add3A_1018 : i32 to index
          %swap3A_1662 = arith.constant 96 : index
          %swap3A_1663 = tpu.vector_load %arg19[%swap3A_1661, %swap3A_1662] {strides = array<i32>} : memref<32x128xf32, #tpu.memory_space<vmem>>, vector<16xf32>,
          tpu.vector_store %arg19[%swap3A_1661, %swap3A_1662], %add3A_1639 {strides = array<i32>} : memref<32x128xf32, #tpu.memory_space<vmem>>, vector<16xf32>,
          %swap3A_1664 = arith.index_cast %add3A_1031 : i32 to index
          %swap3A_1665 = arith.constant 96 : index
          %swap3A_1666 = tpu.vector_load %arg19[%swap3A_1664, %swap3A_1665] {strides = array<i32>} : memref<32x128xf32, #tpu.memory_space<vmem>>, vector<16xf32>,
          tpu.vector_store %arg19[%swap3A_1664, %swap3A_1665], %add3A_1646 {strides = array<i32>} : memref<32x128xf32, #tpu.memory_space<vmem>>, vector<16xf32>,
          %swap3A_1667 = arith.index_cast %add3A_1044 : i32 to index
          %swap3A_1668 = arith.constant 96 : index
          %swap3A_1669 = tpu.vector_load %arg19[%swap3A_1667, %swap3A_1668] {strides = array<i32>} : memref<32x128xf32, #tpu.memory_space<vmem>>, vector<16xf32>,
          tpu.vector_store %arg19[%swap3A_1667, %swap3A_1668], %add3A_1653 {strides = array<i32>} : memref<32x128xf32, #tpu.memory_space<vmem>>, vector<16xf32>,
          %swap3A_1670 = arith.index_cast %add3A_1057 : i32 to index
          %swap3A_1671 = arith.constant 96 : index
          %swap3A_1672 = tpu.vector_load %arg19[%swap3A_1670, %swap3A_1671] {strides = array<i32>} : memref<32x128xf32, #tpu.memory_space<vmem>>, vector<16xf32>,
          tpu.vector_store %arg19[%swap3A_1670, %swap3A_1671], %add3A_1660 {strides = array<i32>} : memref<32x128xf32, #tpu.memory_space<vmem>>, vector<16xf32>,
          %get3A_1673 = arith.index_cast %add3A_1018 : i32 to index
          %get3A_1674 = arith.constant 112 : index
          %get3A_1675 = tpu.vector_load %arg17[%get3A_1673, %get3A_1674] {strides = array<i32>} : memref<32x512xf32, #tpu.memory_space<vmem>>, vector<16xf32>,
          %get3A_1676 = arith.index_cast %add3A_1018 : i32 to index
          %get3A_1677 = arith.constant 240 : index
          %get3A_1678 = tpu.vector_load %arg17[%get3A_1676, %get3A_1677] {strides = array<i32>} : memref<32x512xf32, #tpu.memory_space<vmem>>, vector<16xf32>,
          %get3A_1679 = arith.index_cast %add3A_1018 : i32 to index
          %get3A_1680 = arith.constant 368 : index
          %get3A_1681 = tpu.vector_load %arg17[%get3A_1679, %get3A_1680] {strides = array<i32>} : memref<32x512xf32, #tpu.memory_space<vmem>>, vector<16xf32>,
          %get3A_1682 = arith.index_cast %add3A_1018 : i32 to index
          %get3A_1683 = arith.constant 496 : index
          %get3A_1684 = tpu.vector_load %arg17[%get3A_1682, %get3A_1683] {strides = array<i32>} : memref<32x512xf32, #tpu.memory_space<vmem>>, vector<16xf32>,
          %get3A_1685 = arith.index_cast %add3A_1031 : i32 to index
          %get3A_1686 = arith.constant 112 : index
          %get3A_1687 = tpu.vector_load %arg17[%get3A_1685, %get3A_1686] {strides = array<i32>} : memref<32x512xf32, #tpu.memory_space<vmem>>, vector<16xf32>,
          %get3A_1688 = arith.index_cast %add3A_1031 : i32 to index
          %get3A_1689 = arith.constant 240 : index
          %get3A_1690 = tpu.vector_load %arg17[%get3A_1688, %get3A_1689] {strides = array<i32>} : memref<32x512xf32, #tpu.memory_space<vmem>>, vector<16xf32>,
          %get3A_1691 = arith.index_cast %add3A_1031 : i32 to index
          %get3A_1692 = arith.constant 368 : index
          %get3A_1693 = tpu.vector_load %arg17[%get3A_1691, %get3A_1692] {strides = array<i32>} : memref<32x512xf32, #tpu.memory_space<vmem>>, vector<16xf32>,
          %get3A_1694 = arith.index_cast %add3A_1031 : i32 to index
          %get3A_1695 = arith.constant 496 : index
          %get3A_1696 = tpu.vector_load %arg17[%get3A_1694, %get3A_1695] {strides = array<i32>} : memref<32x512xf32, #tpu.memory_space<vmem>>, vector<16xf32>,
          %get3A_1697 = arith.index_cast %add3A_1044 : i32 to index
          %get3A_1698 = arith.constant 112 : index
          %get3A_1699 = tpu.vector_load %arg17[%get3A_1697, %get3A_1698] {strides = array<i32>} : memref<32x512xf32, #tpu.memory_space<vmem>>, vector<16xf32>,
          %get3A_1700 = arith.index_cast %add3A_1044 : i32 to index
          %get3A_1701 = arith.constant 240 : index
          %get3A_1702 = tpu.vector_load %arg17[%get3A_1700, %get3A_1701] {strides = array<i32>} : memref<32x512xf32, #tpu.memory_space<vmem>>, vector<16xf32>,
          %get3A_1703 = arith.index_cast %add3A_1044 : i32 to index
          %get3A_1704 = arith.constant 368 : index
          %get3A_1705 = tpu.vector_load %arg17[%get3A_1703, %get3A_1704] {strides = array<i32>} : memref<32x512xf32, #tpu.memory_space<vmem>>, vector<16xf32>,
          %get3A_1706 = arith.index_cast %add3A_1044 : i32 to index
          %get3A_1707 = arith.constant 496 : index
          %get3A_1708 = tpu.vector_load %arg17[%get3A_1706, %get3A_1707] {strides = array<i32>} : memref<32x512xf32, #tpu.memory_space<vmem>>, vector<16xf32>,
          %get3A_1709 = arith.index_cast %add3A_1057 : i32 to index
          %get3A_1710 = arith.constant 112 : index
          %get3A_1711 = tpu.vector_load %arg17[%get3A_1709, %get3A_1710] {strides = array<i32>} : memref<32x512xf32, #tpu.memory_space<vmem>>, vector<16xf32>,
          %get3A_1712 = arith.index_cast %add3A_1057 : i32 to index
          %get3A_1713 = arith.constant 240 : index
          %get3A_1714 = tpu.vector_load %arg17[%get3A_1712, %get3A_1713] {strides = array<i32>} : memref<32x512xf32, #tpu.memory_space<vmem>>, vector<16xf32>,
          %get3A_1715 = arith.index_cast %add3A_1057 : i32 to index
          %get3A_1716 = arith.constant 368 : index
          %get3A_1717 = tpu.vector_load %arg17[%get3A_1715, %get3A_1716] {strides = array<i32>} : memref<32x512xf32, #tpu.memory_space<vmem>>, vector<16xf32>,
          %get3A_1718 = arith.index_cast %add3A_1057 : i32 to index
          %get3A_1719 = arith.constant 496 : index
          %get3A_1720 = tpu.vector_load %arg17[%get3A_1718, %get3A_1719] {strides = array<i32>} : memref<32x512xf32, #tpu.memory_space<vmem>>, vector<16xf32>,
          %mul3A_1721 = arith.mulf %gather3A_1010, %get3A_1675 : vector<16xf32>
          %mul3A_1722 = arith.mulf %gather3A_1012, %get3A_1678 : vector<16xf32>
          %add3A_1723 = arith.addf %mul3A_1721, %mul3A_1722 : vector<16xf32>
          %mul3A_1724 = arith.mulf %gather3A_1014, %get3A_1681 : vector<16xf32>
          %mul3A_1725 = arith.mulf %gather3A_1016, %get3A_1684 : vector<16xf32>
          %add3A_1726 = arith.addf %mul3A_1724, %mul3A_1725 : vector<16xf32>
          %add3A_1727 = arith.addf %add3A_1723, %add3A_1726 : vector<16xf32>
          %mul3A_1728 = arith.mulf %gather3A_1023, %get3A_1687 : vector<16xf32>
          %mul3A_1729 = arith.mulf %gather3A_1025, %get3A_1690 : vector<16xf32>
          %add3A_1730 = arith.addf %mul3A_1728, %mul3A_1729 : vector<16xf32>
          %mul3A_1731 = arith.mulf %gather3A_1027, %get3A_1693 : vector<16xf32>
          %mul3A_1732 = arith.mulf %gather3A_1029, %get3A_1696 : vector<16xf32>
          %add3A_1733 = arith.addf %mul3A_1731, %mul3A_1732 : vector<16xf32>
          %add3A_1734 = arith.addf %add3A_1730, %add3A_1733 : vector<16xf32>
          %mul3A_1735 = arith.mulf %gather3A_1036, %get3A_1699 : vector<16xf32>
          %mul3A_1736 = arith.mulf %gather3A_1038, %get3A_1702 : vector<16xf32>
          %add3A_1737 = arith.addf %mul3A_1735, %mul3A_1736 : vector<16xf32>
          %mul3A_1738 = arith.mulf %gather3A_1040, %get3A_1705 : vector<16xf32>
          %mul3A_1739 = arith.mulf %gather3A_1042, %get3A_1708 : vector<16xf32>
          %add3A_1740 = arith.addf %mul3A_1738, %mul3A_1739 : vector<16xf32>
          %add3A_1741 = arith.addf %add3A_1737, %add3A_1740 : vector<16xf32>
          %mul3A_1742 = arith.mulf %gather3A_1049, %get3A_1711 : vector<16xf32>
          %mul3A_1743 = arith.mulf %gather3A_1051, %get3A_1714 : vector<16xf32>
          %add3A_1744 = arith.addf %mul3A_1742, %mul3A_1743 : vector<16xf32>
          %mul3A_1745 = arith.mulf %gather3A_1053, %get3A_1717 : vector<16xf32>
          %mul3A_1746 = arith.mulf %gather3A_1055, %get3A_1720 : vector<16xf32>
          %add3A_1747 = arith.addf %mul3A_1745, %mul3A_1746 : vector<16xf32>
          %add3A_1748 = arith.addf %add3A_1744, %add3A_1747 : vector<16xf32>
          %swap3A_1749 = arith.index_cast %add3A_1018 : i32 to index
          %swap3A_1750 = arith.constant 112 : index
          %swap3A_1751 = tpu.vector_load %arg19[%swap3A_1749, %swap3A_1750] {strides = array<i32>} : memref<32x128xf32, #tpu.memory_space<vmem>>, vector<16xf32>,
          tpu.vector_store %arg19[%swap3A_1749, %swap3A_1750], %add3A_1727 {strides = array<i32>} : memref<32x128xf32, #tpu.memory_space<vmem>>, vector<16xf32>,
          %swap3A_1752 = arith.index_cast %add3A_1031 : i32 to index
          %swap3A_1753 = arith.constant 112 : index
          %swap3A_1754 = tpu.vector_load %arg19[%swap3A_1752, %swap3A_1753] {strides = array<i32>} : memref<32x128xf32, #tpu.memory_space<vmem>>, vector<16xf32>,
          tpu.vector_store %arg19[%swap3A_1752, %swap3A_1753], %add3A_1734 {strides = array<i32>} : memref<32x128xf32, #tpu.memory_space<vmem>>, vector<16xf32>,
          %swap3A_1755 = arith.index_cast %add3A_1044 : i32 to index
          %swap3A_1756 = arith.constant 112 : index
          %swap3A_1757 = tpu.vector_load %arg19[%swap3A_1755, %swap3A_1756] {strides = array<i32>} : memref<32x128xf32, #tpu.memory_space<vmem>>, vector<16xf32>,
          tpu.vector_store %arg19[%swap3A_1755, %swap3A_1756], %add3A_1741 {strides = array<i32>} : memref<32x128xf32, #tpu.memory_space<vmem>>, vector<16xf32>,
          %swap3A_1758 = arith.index_cast %add3A_1057 : i32 to index
          %swap3A_1759 = arith.constant 112 : index
          %swap3A_1760 = tpu.vector_load %arg19[%swap3A_1758, %swap3A_1759] {strides = array<i32>} : memref<32x128xf32, #tpu.memory_space<vmem>>, vector<16xf32>,
          tpu.vector_store %arg19[%swap3A_1758, %swap3A_1759], %add3A_1748 {strides = array<i32>} : memref<32x128xf32, #tpu.memory_space<vmem>>, vector<16xf32>,
        }
        %scan3A_571 = arith.constant 4 : i32
        %dma_start3A_572 = arith.constant 0 : i32
        %dma_start3A_573 = tpu.memref_slice %arg12[%mul3A_108, %dma_start3A_572] : memref<32x32xi32, #tpu.memory_space<vmem>> -> memref<1x32xi32, #tpu.memory_space<vmem>>
        %dma_start3A_574 = tpu.memref_squeeze %dma_start3A_573 : memref<1x32xi32, #tpu.memory_space<vmem>> -> memref<32xi32, #tpu.memory_space<vmem>>
        %dma_start3A_575 = arith.constant 0 : i32
        %dma_start3A_576 = arith.constant 0 : i32
        %dma_start3A_577 = tpu.memref_slice %arg21[%dma_start3A_575, %dma_start3A_576] : memref<10000x128xf32, #tpu.memory_space<vmem_shared>> -> memref<10000x128xf32, #tpu.memory_space<vmem_shared>>
        tpu.enqueue_indirect_dma source(%arg19 : memref<32x128xf32, #tpu.memory_space<vmem>>) target(%dma_start3A_577 : memref<10000x128xf32, #tpu.memory_space<vmem_shared>>) offsets(%dma_start3A_574 : memref<32xi32, #tpu.memory_space<vmem>>) semaphore(%arg24 : memref<!tpu.dma_semaphore, #tpu.memory_space<semaphore_mem>>) {add = true}
        %lt3A_578 = arith.constant 15 : i32
        %lt3A_579 = arith.cmpi slt, %add3A_106, %lt3A_578 : i32
        %convert_element_type3A_580 = arith.extui %lt3A_579 : i1 to i32
        %cond3A_581 = arith.constant 0 : i32
        %cond3A_582 = arith.cmpi ne, %convert_element_type3A_580, %cond3A_581 : i32
        scf.if %cond3A_582 {
          %add3A_1003 = arith.constant 2 : i32
          %add3A_1004 = arith.addi %mul3A_108, %add3A_1003 : i32
          %jit3A_1005 = arith.constant 4 : i32
          %div3A_1006 = arith.divsi %add3A_1004, %jit3A_1005 : i32
          %sign3A_1007 = arith.constant 0 : i32
          %sign3A_1008 = arith.cmpi sgt, %add3A_1004, %sign3A_1007 : i32
          %sign3A_1009 = arith.extui %sign3A_1008 : i1 to i32
          %sign3A_1010 = arith.constant 0 : i32
          %sign3A_1011 = arith.cmpi slt, %add3A_1004, %sign3A_1010 : i32
          %sign3A_1012 = arith.extui %sign3A_1011 : i1 to i32
          %sign3A_1013 = arith.subi %sign3A_1009, %sign3A_1012 : i32
          %sign3A_1014 = arith.constant 0 : i32
          %sign3A_1015 = arith.cmpi sgt, %jit3A_1005, %sign3A_1014 : i32
          %sign3A_1016 = arith.extui %sign3A_1015 : i1 to i32
          %sign3A_1017 = arith.constant 0 : i32
          %sign3A_1018 = arith.cmpi slt, %jit3A_1005, %sign3A_1017 : i32
          %sign3A_1019 = arith.extui %sign3A_1018 : i1 to i32
          %sign3A_1020 = arith.subi %sign3A_1016, %sign3A_1019 : i32
          %ne3A_1021 = arith.cmpi ne, %sign3A_1013, %sign3A_1020 : i32
          %rem3A_1022 = arith.remsi %add3A_1004, %jit3A_1005 : i32
          %ne3A_1023 = arith.constant 0 : i32
          %ne3A_1024 = arith.cmpi ne, %rem3A_1022, %ne3A_1023 : i32
          %and3A_1025 = arith.andi %ne3A_1021, %ne3A_1024 : i1
          %sub3A_1026 = arith.constant 1 : i32
          %sub3A_1027 = arith.subi %div3A_1006, %sub3A_1026 : i32
          %select_n3A_1028 = arith.select %and3A_1025, %sub3A_1027, %div3A_1006 : i32
          %jit3A_1029 = arith.constant 4 : i32
          %eq3A_1030 = arith.constant 0 : i32
          %eq3A_1031 = arith.cmpi eq, %jit3A_1029, %eq3A_1030 : i32
          %jit3A_1032 = arith.constant 1 : i32
          %select_n3A_1033 = arith.select %eq3A_1031, %jit3A_1032, %jit3A_1029 : i32
          %rem3A_1034 = arith.remsi %add3A_1004, %select_n3A_1033 : i32
          %ne3A_1035 = arith.constant 0 : i32
          %ne3A_1036 = arith.cmpi ne, %rem3A_1034, %ne3A_1035 : i32
          %lt3A_1037 = arith.constant 0 : i32
          %lt3A_1038 = arith.cmpi slt, %rem3A_1034, %lt3A_1037 : i32
          %lt3A_1039 = arith.constant 0 : i32
          %lt3A_1040 = arith.cmpi slt, %select_n3A_1033, %lt3A_1039 : i32
          %ne3A_1041 = arith.xori %lt3A_1038, %lt3A_1040 : i1
          %and3A_1042 = arith.andi %ne3A_1041, %ne3A_1036 : i1
          %add3A_1043 = arith.addi %rem3A_1034, %select_n3A_1033 : i32
          %select_n3A_1044 = arith.select %and3A_1042, %add3A_1043, %rem3A_1034 : i32
          %mul3A_1045 = arith.constant 32 : i32
          %mul3A_1046 = arith.muli %select_n3A_1044, %mul3A_1045 : i32
          %dma_start3A_1047 = tpu.memref_slice %arg11[%select_n3A_1028, %mul3A_1046] : memref<8x128xi32, #tpu.memory_space<vmem>> -> memref<1x32xi32, #tpu.memory_space<vmem>>
          %dma_start3A_1048 = tpu.memref_squeeze %dma_start3A_1047 : memref<1x32xi32, #tpu.memory_space<vmem>> -> memref<32xi32, #tpu.memory_space<vmem>>
          %dma_start3A_1049 = arith.constant 0 : i32
          %dma_start3A_1050 = arith.constant 0 : i32
          %dma_start3A_1051 = tpu.memref_slice %arg2[%dma_start3A_1049, %dma_start3A_1050] : memref<10000x512xf32, #tpu.memory_space<hbm>> -> memref<10000x512xf32, #tpu.memory_space<hbm>>
          tpu.enqueue_indirect_dma source(%dma_start3A_1051 : memref<10000x512xf32, #tpu.memory_space<hbm>>) target(%arg17 : memref<32x512xf32, #tpu.memory_space<vmem>>) offsets(%dma_start3A_1048 : memref<32xi32, #tpu.memory_space<vmem>>) semaphore(%arg22 : memref<!tpu.dma_semaphore, #tpu.memory_space<semaphore_mem>>)
        } else {
        }
        %jit3A_583 = arith.constant 4 : i32
        %div3A_584 = arith.divsi %add3A_112, %jit3A_583 : i32
        %sign3A_585 = arith.constant 0 : i32
        %sign3A_586 = arith.cmpi sgt, %add3A_112, %sign3A_585 : i32
        %sign3A_587 = arith.extui %sign3A_586 : i1 to i32
        %sign3A_588 = arith.constant 0 : i32
        %sign3A_589 = arith.cmpi slt, %add3A_112, %sign3A_588 : i32
        %sign3A_590 = arith.extui %sign3A_589 : i1 to i32
        %sign3A_591 = arith.subi %sign3A_587, %sign3A_590 : i32
        %sign3A_592 = arith.constant 0 : i32
        %sign3A_593 = arith.cmpi sgt, %jit3A_583, %sign3A_592 : i32
        %sign3A_594 = arith.extui %sign3A_593 : i1 to i32
        %sign3A_595 = arith.constant 0 : i32
        %sign3A_596 = arith.cmpi slt, %jit3A_583, %sign3A_595 : i32
        %sign3A_597 = arith.extui %sign3A_596 : i1 to i32
        %sign3A_598 = arith.subi %sign3A_594, %sign3A_597 : i32
        %ne3A_599 = arith.cmpi ne, %sign3A_591, %sign3A_598 : i32
        %rem3A_600 = arith.remsi %add3A_112, %jit3A_583 : i32
        %ne3A_601 = arith.constant 0 : i32
        %ne3A_602 = arith.cmpi ne, %rem3A_600, %ne3A_601 : i32
        %and3A_603 = arith.andi %ne3A_599, %ne3A_602 : i1
        %sub3A_604 = arith.constant 1 : i32
        %sub3A_605 = arith.subi %div3A_584, %sub3A_604 : i32
        %select_n3A_606 = arith.select %and3A_603, %sub3A_605, %div3A_584 : i32
        %jit3A_607 = arith.constant 4 : i32
        %eq3A_608 = arith.constant 0 : i32
        %eq3A_609 = arith.cmpi eq, %jit3A_607, %eq3A_608 : i32
        %jit3A_610 = arith.constant 1 : i32
        %select_n3A_611 = arith.select %eq3A_609, %jit3A_610, %jit3A_607 : i32
        %rem3A_612 = arith.remsi %add3A_112, %select_n3A_611 : i32
        %ne3A_613 = arith.constant 0 : i32
        %ne3A_614 = arith.cmpi ne, %rem3A_612, %ne3A_613 : i32
        %lt3A_615 = arith.constant 0 : i32
        %lt3A_616 = arith.cmpi slt, %rem3A_612, %lt3A_615 : i32
        %lt3A_617 = arith.constant 0 : i32
        %lt3A_618 = arith.cmpi slt, %select_n3A_611, %lt3A_617 : i32
        %ne3A_619 = arith.xori %lt3A_616, %lt3A_618 : i1
        %and3A_620 = arith.andi %ne3A_619, %ne3A_614 : i1
        %add3A_621 = arith.addi %rem3A_612, %select_n3A_611 : i32
        %select_n3A_622 = arith.select %and3A_620, %add3A_621, %rem3A_612 : i32
        %mul3A_623 = arith.constant 32 : i32
        %mul3A_624 = arith.muli %select_n3A_622, %mul3A_623 : i32
        %dma_wait3A_625 = tpu.memref_slice %arg11[%select_n3A_606, %mul3A_624] : memref<8x128xi32, #tpu.memory_space<vmem>> -> memref<1x32xi32, #tpu.memory_space<vmem>>
        %dma_wait3A_626 = tpu.memref_squeeze %dma_wait3A_625 : memref<1x32xi32, #tpu.memory_space<vmem>> -> memref<32xi32, #tpu.memory_space<vmem>>
        %dma_wait3A_627 = arith.constant 0 : i32
        %dma_wait3A_628 = arith.constant 0 : i32
        %dma_wait3A_629 = tpu.memref_slice %arg2[%dma_wait3A_627, %dma_wait3A_628] : memref<10000x512xf32, #tpu.memory_space<hbm>> -> memref<10000x512xf32, #tpu.memory_space<hbm>>
        tpu.wait_indirect_dma semaphore(%arg23 : memref<!tpu.dma_semaphore, #tpu.memory_space<semaphore_mem>>) src(%dma_wait3A_629 : memref<10000x512xf32, #tpu.memory_space<hbm>>) dst(%arg18 : memref<32x512xf32, #tpu.memory_space<vmem>>)
        %gt3A_630 = arith.constant 0 : i32
        %gt3A_631 = arith.cmpi sgt, %add3A_106, %gt3A_630 : i32
        %convert_element_type3A_632 = arith.extui %gt3A_631 : i1 to i32
        %cond3A_633 = arith.constant 0 : i32
        %cond3A_634 = arith.cmpi ne, %convert_element_type3A_632, %cond3A_633 : i32
        scf.if %cond3A_634 {
          %dma_wait3A_1003 = arith.constant 0 : i32
          %dma_wait3A_1004 = tpu.memref_slice %arg12[%add3A_112, %dma_wait3A_1003] : memref<32x32xi32, #tpu.memory_space<vmem>> -> memref<1x32xi32, #tpu.memory_space<vmem>>
          %dma_wait3A_1005 = tpu.memref_squeeze %dma_wait3A_1004 : memref<1x32xi32, #tpu.memory_space<vmem>> -> memref<32xi32, #tpu.memory_space<vmem>>
          %dma_wait3A_1006 = arith.constant 0 : i32
          %dma_wait3A_1007 = arith.constant 0 : i32
          %dma_wait3A_1008 = tpu.memref_slice %arg21[%dma_wait3A_1006, %dma_wait3A_1007] : memref<10000x128xf32, #tpu.memory_space<vmem_shared>> -> memref<10000x128xf32, #tpu.memory_space<vmem_shared>>
          tpu.wait_indirect_dma semaphore(%arg25 : memref<!tpu.dma_semaphore, #tpu.memory_space<semaphore_mem>>) src(%arg20 : memref<32x128xf32, #tpu.memory_space<vmem>>) dst(%dma_wait3A_1008 : memref<10000x128xf32, #tpu.memory_space<vmem_shared>>)
        } else {
        }
        %mul3A_635 = arith.constant 32 : i32
        %mul3A_636 = arith.muli %add3A_112, %mul3A_635 : i32
        %add3A_637 = arith.constant 0 : i32
        %add3A_638 = arith.addi %mul3A_636, %add3A_637 : i32
        %jit3A_639 = arith.constant 128 : i32
        %div3A_640 = arith.divsi %add3A_638, %jit3A_639 : i32
        %sign3A_641 = arith.constant 0 : i32
        %sign3A_642 = arith.cmpi sgt, %add3A_638, %sign3A_641 : i32
        %sign3A_643 = arith.extui %sign3A_642 : i1 to i32
        %sign3A_644 = arith.constant 0 : i32
        %sign3A_645 = arith.cmpi slt, %add3A_638, %sign3A_644 : i32
        %sign3A_646 = arith.extui %sign3A_645 : i1 to i32
        %sign3A_647 = arith.subi %sign3A_643, %sign3A_646 : i32
        %sign3A_648 = arith.constant 0 : i32
        %sign3A_649 = arith.cmpi sgt, %jit3A_639, %sign3A_648 : i32
        %sign3A_650 = arith.extui %sign3A_649 : i1 to i32
        %sign3A_651 = arith.constant 0 : i32
        %sign3A_652 = arith.cmpi slt, %jit3A_639, %sign3A_651 : i32
        %sign3A_653 = arith.extui %sign3A_652 : i1 to i32
        %sign3A_654 = arith.subi %sign3A_650, %sign3A_653 : i32
        %ne3A_655 = arith.cmpi ne, %sign3A_647, %sign3A_654 : i32
        %rem3A_656 = arith.remsi %add3A_638, %jit3A_639 : i32
        %ne3A_657 = arith.constant 0 : i32
        %ne3A_658 = arith.cmpi ne, %rem3A_656, %ne3A_657 : i32
        %and3A_659 = arith.andi %ne3A_655, %ne3A_658 : i1
        %sub3A_660 = arith.constant 1 : i32
        %sub3A_661 = arith.subi %div3A_640, %sub3A_660 : i32
        %select_n3A_662 = arith.select %and3A_659, %sub3A_661, %div3A_640 : i32
        %jit3A_663 = arith.constant 128 : i32
        %eq3A_664 = arith.constant 0 : i32
        %eq3A_665 = arith.cmpi eq, %jit3A_663, %eq3A_664 : i32
        %jit3A_666 = arith.constant 1 : i32
        %select_n3A_667 = arith.select %eq3A_665, %jit3A_666, %jit3A_663 : i32
        %rem3A_668 = arith.remsi %add3A_638, %select_n3A_667 : i32
        %ne3A_669 = arith.constant 0 : i32
        %ne3A_670 = arith.cmpi ne, %rem3A_668, %ne3A_669 : i32
        %lt3A_671 = arith.constant 0 : i32
        %lt3A_672 = arith.cmpi slt, %rem3A_668, %lt3A_671 : i32
        %lt3A_673 = arith.constant 0 : i32
        %lt3A_674 = arith.cmpi slt, %select_n3A_667, %lt3A_673 : i32
        %ne3A_675 = arith.xori %lt3A_672, %lt3A_674 : i1
        %and3A_676 = arith.andi %ne3A_675, %ne3A_670 : i1
        %add3A_677 = arith.addi %rem3A_668, %select_n3A_667 : i32
        %select_n3A_678 = arith.select %and3A_676, %add3A_677, %rem3A_668 : i32
        %get3A_679 = arith.index_cast %select_n3A_662 : i32 to index
        %get3A_680 = arith.index_cast %select_n3A_678 : i32 to index
        %get3A_681 = tpu.vector_load %arg13[%get3A_679, %get3A_680] {strides = array<i32>} : memref<8x128xf32, #tpu.memory_space<vmem>>, vector<16xf32>,
        %jit3A_682 = arith.constant 128 : i32
        %div3A_683 = arith.divsi %add3A_638, %jit3A_682 : i32
        %sign3A_684 = arith.constant 0 : i32
        %sign3A_685 = arith.cmpi sgt, %add3A_638, %sign3A_684 : i32
        %sign3A_686 = arith.extui %sign3A_685 : i1 to i32
        %sign3A_687 = arith.constant 0 : i32
        %sign3A_688 = arith.cmpi slt, %add3A_638, %sign3A_687 : i32
        %sign3A_689 = arith.extui %sign3A_688 : i1 to i32
        %sign3A_690 = arith.subi %sign3A_686, %sign3A_689 : i32
        %sign3A_691 = arith.constant 0 : i32
        %sign3A_692 = arith.cmpi sgt, %jit3A_682, %sign3A_691 : i32
        %sign3A_693 = arith.extui %sign3A_692 : i1 to i32
        %sign3A_694 = arith.constant 0 : i32
        %sign3A_695 = arith.cmpi slt, %jit3A_682, %sign3A_694 : i32
        %sign3A_696 = arith.extui %sign3A_695 : i1 to i32
        %sign3A_697 = arith.subi %sign3A_693, %sign3A_696 : i32
        %ne3A_698 = arith.cmpi ne, %sign3A_690, %sign3A_697 : i32
        %rem3A_699 = arith.remsi %add3A_638, %jit3A_682 : i32
        %ne3A_700 = arith.constant 0 : i32
        %ne3A_701 = arith.cmpi ne, %rem3A_699, %ne3A_700 : i32
        %and3A_702 = arith.andi %ne3A_698, %ne3A_701 : i1
        %sub3A_703 = arith.constant 1 : i32
        %sub3A_704 = arith.subi %div3A_683, %sub3A_703 : i32
        %select_n3A_705 = arith.select %and3A_702, %sub3A_704, %div3A_683 : i32
        %jit3A_706 = arith.constant 128 : i32
        %eq3A_707 = arith.constant 0 : i32
        %eq3A_708 = arith.cmpi eq, %jit3A_706, %eq3A_707 : i32
        %jit3A_709 = arith.constant 1 : i32
        %select_n3A_710 = arith.select %eq3A_708, %jit3A_709, %jit3A_706 : i32
        %rem3A_711 = arith.remsi %add3A_638, %select_n3A_710 : i32
        %ne3A_712 = arith.constant 0 : i32
        %ne3A_713 = arith.cmpi ne, %rem3A_711, %ne3A_712 : i32
        %lt3A_714 = arith.constant 0 : i32
        %lt3A_715 = arith.cmpi slt, %rem3A_711, %lt3A_714 : i32
        %lt3A_716 = arith.constant 0 : i32
        %lt3A_717 = arith.cmpi slt, %select_n3A_710, %lt3A_716 : i32
        %ne3A_718 = arith.xori %lt3A_715, %lt3A_717 : i1
        %and3A_719 = arith.andi %ne3A_718, %ne3A_713 : i1
        %add3A_720 = arith.addi %rem3A_711, %select_n3A_710 : i32
        %select_n3A_721 = arith.select %and3A_719, %add3A_720, %rem3A_711 : i32
        %get3A_722 = arith.index_cast %select_n3A_705 : i32 to index
        %get3A_723 = arith.index_cast %select_n3A_721 : i32 to index
        %get3A_724 = tpu.vector_load %arg14[%get3A_722, %get3A_723] {strides = array<i32>} : memref<8x128xf32, #tpu.memory_space<vmem>>, vector<16xf32>,
        %jit3A_725 = arith.constant 128 : i32
        %div3A_726 = arith.divsi %add3A_638, %jit3A_725 : i32
        %sign3A_727 = arith.constant 0 : i32
        %sign3A_728 = arith.cmpi sgt, %add3A_638, %sign3A_727 : i32
        %sign3A_729 = arith.extui %sign3A_728 : i1 to i32
        %sign3A_730 = arith.constant 0 : i32
        %sign3A_731 = arith.cmpi slt, %add3A_638, %sign3A_730 : i32
        %sign3A_732 = arith.extui %sign3A_731 : i1 to i32
        %sign3A_733 = arith.subi %sign3A_729, %sign3A_732 : i32
        %sign3A_734 = arith.constant 0 : i32
        %sign3A_735 = arith.cmpi sgt, %jit3A_725, %sign3A_734 : i32
        %sign3A_736 = arith.extui %sign3A_735 : i1 to i32
        %sign3A_737 = arith.constant 0 : i32
        %sign3A_738 = arith.cmpi slt, %jit3A_725, %sign3A_737 : i32
        %sign3A_739 = arith.extui %sign3A_738 : i1 to i32
        %sign3A_740 = arith.subi %sign3A_736, %sign3A_739 : i32
        %ne3A_741 = arith.cmpi ne, %sign3A_733, %sign3A_740 : i32
        %rem3A_742 = arith.remsi %add3A_638, %jit3A_725 : i32
        %ne3A_743 = arith.constant 0 : i32
        %ne3A_744 = arith.cmpi ne, %rem3A_742, %ne3A_743 : i32
        %and3A_745 = arith.andi %ne3A_741, %ne3A_744 : i1
        %sub3A_746 = arith.constant 1 : i32
        %sub3A_747 = arith.subi %div3A_726, %sub3A_746 : i32
        %select_n3A_748 = arith.select %and3A_745, %sub3A_747, %div3A_726 : i32
        %jit3A_749 = arith.constant 128 : i32
        %eq3A_750 = arith.constant 0 : i32
        %eq3A_751 = arith.cmpi eq, %jit3A_749, %eq3A_750 : i32
        %jit3A_752 = arith.constant 1 : i32
        %select_n3A_753 = arith.select %eq3A_751, %jit3A_752, %jit3A_749 : i32
        %rem3A_754 = arith.remsi %add3A_638, %select_n3A_753 : i32
        %ne3A_755 = arith.constant 0 : i32
        %ne3A_756 = arith.cmpi ne, %rem3A_754, %ne3A_755 : i32
        %lt3A_757 = arith.constant 0 : i32
        %lt3A_758 = arith.cmpi slt, %rem3A_754, %lt3A_757 : i32
        %lt3A_759 = arith.constant 0 : i32
        %lt3A_760 = arith.cmpi slt, %select_n3A_753, %lt3A_759 : i32
        %ne3A_761 = arith.xori %lt3A_758, %lt3A_760 : i1
        %and3A_762 = arith.andi %ne3A_761, %ne3A_756 : i1
        %add3A_763 = arith.addi %rem3A_754, %select_n3A_753 : i32
        %select_n3A_764 = arith.select %and3A_762, %add3A_763, %rem3A_754 : i32
        %get3A_765 = arith.index_cast %select_n3A_748 : i32 to index
        %get3A_766 = arith.index_cast %select_n3A_764 : i32 to index
        %get3A_767 = tpu.vector_load %arg15[%get3A_765, %get3A_766] {strides = array<i32>} : memref<8x128xf32, #tpu.memory_space<vmem>>, vector<16xf32>,
        %jit3A_768 = arith.constant 128 : i32
        %div3A_769 = arith.divsi %add3A_638, %jit3A_768 : i32
        %sign3A_770 = arith.constant 0 : i32
        %sign3A_771 = arith.cmpi sgt, %add3A_638, %sign3A_770 : i32
        %sign3A_772 = arith.extui %sign3A_771 : i1 to i32
        %sign3A_773 = arith.constant 0 : i32
        %sign3A_774 = arith.cmpi slt, %add3A_638, %sign3A_773 : i32
        %sign3A_775 = arith.extui %sign3A_774 : i1 to i32
        %sign3A_776 = arith.subi %sign3A_772, %sign3A_775 : i32
        %sign3A_777 = arith.constant 0 : i32
        %sign3A_778 = arith.cmpi sgt, %jit3A_768, %sign3A_777 : i32
        %sign3A_779 = arith.extui %sign3A_778 : i1 to i32
        %sign3A_780 = arith.constant 0 : i32
        %sign3A_781 = arith.cmpi slt, %jit3A_768, %sign3A_780 : i32
        %sign3A_782 = arith.extui %sign3A_781 : i1 to i32
        %sign3A_783 = arith.subi %sign3A_779, %sign3A_782 : i32
        %ne3A_784 = arith.cmpi ne, %sign3A_776, %sign3A_783 : i32
        %rem3A_785 = arith.remsi %add3A_638, %jit3A_768 : i32
        %ne3A_786 = arith.constant 0 : i32
        %ne3A_787 = arith.cmpi ne, %rem3A_785, %ne3A_786 : i32
        %and3A_788 = arith.andi %ne3A_784, %ne3A_787 : i1
        %sub3A_789 = arith.constant 1 : i32
        %sub3A_790 = arith.subi %div3A_769, %sub3A_789 : i32
        %select_n3A_791 = arith.select %and3A_788, %sub3A_790, %div3A_769 : i32
        %jit3A_792 = arith.constant 128 : i32
        %eq3A_793 = arith.constant 0 : i32
        %eq3A_794 = arith.cmpi eq, %jit3A_792, %eq3A_793 : i32
        %jit3A_795 = arith.constant 1 : i32
        %select_n3A_796 = arith.select %eq3A_794, %jit3A_795, %jit3A_792 : i32
        %rem3A_797 = arith.remsi %add3A_638, %select_n3A_796 : i32
        %ne3A_798 = arith.constant 0 : i32
        %ne3A_799 = arith.cmpi ne, %rem3A_797, %ne3A_798 : i32
        %lt3A_800 = arith.constant 0 : i32
        %lt3A_801 = arith.cmpi slt, %rem3A_797, %lt3A_800 : i32
        %lt3A_802 = arith.constant 0 : i32
        %lt3A_803 = arith.cmpi slt, %select_n3A_796, %lt3A_802 : i32
        %ne3A_804 = arith.xori %lt3A_801, %lt3A_803 : i1
        %and3A_805 = arith.andi %ne3A_804, %ne3A_799 : i1
        %add3A_806 = arith.addi %rem3A_797, %select_n3A_796 : i32
        %select_n3A_807 = arith.select %and3A_805, %add3A_806, %rem3A_797 : i32
        %get3A_808 = arith.index_cast %select_n3A_791 : i32 to index
        %get3A_809 = arith.index_cast %select_n3A_807 : i32 to index
        %get3A_810 = tpu.vector_load %arg16[%get3A_808, %get3A_809] {strides = array<i32>} : memref<8x128xf32, #tpu.memory_space<vmem>>, vector<16xf32>,
        %scan3A_811 = arith.constant 0 : i32
        %scan3A_812 = arith.constant 4 : i32
        %scan3A_813 = arith.addi %scan3A_811, %scan3A_812 : i32
        %scan3A_814 = arith.constant 1 : i32
        scf.for %scan3A_1003 = %scan3A_811 to %scan3A_813 step %scan3A_814  : i32 {
          %mul3A_1004 = arith.constant 4 : i32
          %mul3A_1005 = arith.muli %scan3A_1003, %mul3A_1004 : i32
          %add3A_1006 = arith.constant 0 : i32
          %add3A_1007 = arith.addi %add3A_1006, %mul3A_1005 : i32
          %add3A_1008 = arith.constant 0 : i32
          %add3A_1009 = arith.addi %add3A_1007, %add3A_1008 : i32
          %broadcast_in_dim3A = vector.broadcast %add3A_1009 : i32 to vector<16x1xi32>
          %gather3A = vector.shape_cast %broadcast_in_dim3A : vector<16x1xi32> to vector<16xi32>
          %gather3A_1010 = tpu.dynamic_gather %get3A_681[%gather3A] in [0] : vector<16xf32>, vector<16xi32> -> vector<16xf32>
          %gather3A_1011 = vector.shape_cast %broadcast_in_dim3A : vector<16x1xi32> to vector<16xi32>
          %gather3A_1012 = tpu.dynamic_gather %get3A_724[%gather3A_1011] in [0] : vector<16xf32>, vector<16xi32> -> vector<16xf32>
          %gather3A_1013 = vector.shape_cast %broadcast_in_dim3A : vector<16x1xi32> to vector<16xi32>
          %gather3A_1014 = tpu.dynamic_gather %get3A_767[%gather3A_1013] in [0] : vector<16xf32>, vector<16xi32> -> vector<16xf32>
          %gather3A_1015 = vector.shape_cast %broadcast_in_dim3A : vector<16x1xi32> to vector<16xi32>
          %gather3A_1016 = tpu.dynamic_gather %get3A_810[%gather3A_1015] in [0] : vector<16xf32>, vector<16xi32> -> vector<16xf32>
          %add3A_1017 = arith.constant 0 : i32
          %add3A_1018 = arith.addi %add3A_1017, %add3A_1009 : i32
          %add3A_1019 = arith.constant 1 : i32
          %add3A_1020 = arith.addi %add3A_1007, %add3A_1019 : i32
          %broadcast_in_dim3A_1021 = vector.broadcast %add3A_1020 : i32 to vector<16x1xi32>
          %gather3A_1022 = vector.shape_cast %broadcast_in_dim3A_1021 : vector<16x1xi32> to vector<16xi32>
          %gather3A_1023 = tpu.dynamic_gather %get3A_681[%gather3A_1022] in [0] : vector<16xf32>, vector<16xi32> -> vector<16xf32>
          %gather3A_1024 = vector.shape_cast %broadcast_in_dim3A_1021 : vector<16x1xi32> to vector<16xi32>
          %gather3A_1025 = tpu.dynamic_gather %get3A_724[%gather3A_1024] in [0] : vector<16xf32>, vector<16xi32> -> vector<16xf32>
          %gather3A_1026 = vector.shape_cast %broadcast_in_dim3A_1021 : vector<16x1xi32> to vector<16xi32>
          %gather3A_1027 = tpu.dynamic_gather %get3A_767[%gather3A_1026] in [0] : vector<16xf32>, vector<16xi32> -> vector<16xf32>
          %gather3A_1028 = vector.shape_cast %broadcast_in_dim3A_1021 : vector<16x1xi32> to vector<16xi32>
          %gather3A_1029 = tpu.dynamic_gather %get3A_810[%gather3A_1028] in [0] : vector<16xf32>, vector<16xi32> -> vector<16xf32>
          %add3A_1030 = arith.constant 0 : i32
          %add3A_1031 = arith.addi %add3A_1030, %add3A_1020 : i32
          %add3A_1032 = arith.constant 2 : i32
          %add3A_1033 = arith.addi %add3A_1007, %add3A_1032 : i32
          %broadcast_in_dim3A_1034 = vector.broadcast %add3A_1033 : i32 to vector<16x1xi32>
          %gather3A_1035 = vector.shape_cast %broadcast_in_dim3A_1034 : vector<16x1xi32> to vector<16xi32>
          %gather3A_1036 = tpu.dynamic_gather %get3A_681[%gather3A_1035] in [0] : vector<16xf32>, vector<16xi32> -> vector<16xf32>
          %gather3A_1037 = vector.shape_cast %broadcast_in_dim3A_1034 : vector<16x1xi32> to vector<16xi32>
          %gather3A_1038 = tpu.dynamic_gather %get3A_724[%gather3A_1037] in [0] : vector<16xf32>, vector<16xi32> -> vector<16xf32>
          %gather3A_1039 = vector.shape_cast %broadcast_in_dim3A_1034 : vector<16x1xi32> to vector<16xi32>
          %gather3A_1040 = tpu.dynamic_gather %get3A_767[%gather3A_1039] in [0] : vector<16xf32>, vector<16xi32> -> vector<16xf32>
          %gather3A_1041 = vector.shape_cast %broadcast_in_dim3A_1034 : vector<16x1xi32> to vector<16xi32>
          %gather3A_1042 = tpu.dynamic_gather %get3A_810[%gather3A_1041] in [0] : vector<16xf32>, vector<16xi32> -> vector<16xf32>
          %add3A_1043 = arith.constant 0 : i32
          %add3A_1044 = arith.addi %add3A_1043, %add3A_1033 : i32
          %add3A_1045 = arith.constant 3 : i32
          %add3A_1046 = arith.addi %add3A_1007, %add3A_1045 : i32
          %broadcast_in_dim3A_1047 = vector.broadcast %add3A_1046 : i32 to vector<16x1xi32>
          %gather3A_1048 = vector.shape_cast %broadcast_in_dim3A_1047 : vector<16x1xi32> to vector<16xi32>
          %gather3A_1049 = tpu.dynamic_gather %get3A_681[%gather3A_1048] in [0] : vector<16xf32>, vector<16xi32> -> vector<16xf32>
          %gather3A_1050 = vector.shape_cast %broadcast_in_dim3A_1047 : vector<16x1xi32> to vector<16xi32>
          %gather3A_1051 = tpu.dynamic_gather %get3A_724[%gather3A_1050] in [0] : vector<16xf32>, vector<16xi32> -> vector<16xf32>
          %gather3A_1052 = vector.shape_cast %broadcast_in_dim3A_1047 : vector<16x1xi32> to vector<16xi32>
          %gather3A_1053 = tpu.dynamic_gather %get3A_767[%gather3A_1052] in [0] : vector<16xf32>, vector<16xi32> -> vector<16xf32>
          %gather3A_1054 = vector.shape_cast %broadcast_in_dim3A_1047 : vector<16x1xi32> to vector<16xi32>
          %gather3A_1055 = tpu.dynamic_gather %get3A_810[%gather3A_1054] in [0] : vector<16xf32>, vector<16xi32> -> vector<16xf32>
          %add3A_1056 = arith.constant 0 : i32
          %add3A_1057 = arith.addi %add3A_1056, %add3A_1046 : i32
          %get3A_1058 = arith.index_cast %add3A_1018 : i32 to index
          %get3A_1059 = arith.constant 0 : index
          %get3A_1060 = tpu.vector_load %arg18[%get3A_1058, %get3A_1059] {strides = array<i32>} : memref<32x512xf32, #tpu.memory_space<vmem>>, vector<16xf32>,
          %get3A_1061 = arith.index_cast %add3A_1018 : i32 to index
          %get3A_1062 = arith.constant 128 : index
          %get3A_1063 = tpu.vector_load %arg18[%get3A_1061, %get3A_1062] {strides = array<i32>} : memref<32x512xf32, #tpu.memory_space<vmem>>, vector<16xf32>,
          %get3A_1064 = arith.index_cast %add3A_1018 : i32 to index
          %get3A_1065 = arith.constant 256 : index
          %get3A_1066 = tpu.vector_load %arg18[%get3A_1064, %get3A_1065] {strides = array<i32>} : memref<32x512xf32, #tpu.memory_space<vmem>>, vector<16xf32>,
          %get3A_1067 = arith.index_cast %add3A_1018 : i32 to index
          %get3A_1068 = arith.constant 384 : index
          %get3A_1069 = tpu.vector_load %arg18[%get3A_1067, %get3A_1068] {strides = array<i32>} : memref<32x512xf32, #tpu.memory_space<vmem>>, vector<16xf32>,
          %get3A_1070 = arith.index_cast %add3A_1031 : i32 to index
          %get3A_1071 = arith.constant 0 : index
          %get3A_1072 = tpu.vector_load %arg18[%get3A_1070, %get3A_1071] {strides = array<i32>} : memref<32x512xf32, #tpu.memory_space<vmem>>, vector<16xf32>,
          %get3A_1073 = arith.index_cast %add3A_1031 : i32 to index
          %get3A_1074 = arith.constant 128 : index
          %get3A_1075 = tpu.vector_load %arg18[%get3A_1073, %get3A_1074] {strides = array<i32>} : memref<32x512xf32, #tpu.memory_space<vmem>>, vector<16xf32>,
          %get3A_1076 = arith.index_cast %add3A_1031 : i32 to index
          %get3A_1077 = arith.constant 256 : index
          %get3A_1078 = tpu.vector_load %arg18[%get3A_1076, %get3A_1077] {strides = array<i32>} : memref<32x512xf32, #tpu.memory_space<vmem>>, vector<16xf32>,
          %get3A_1079 = arith.index_cast %add3A_1031 : i32 to index
          %get3A_1080 = arith.constant 384 : index
          %get3A_1081 = tpu.vector_load %arg18[%get3A_1079, %get3A_1080] {strides = array<i32>} : memref<32x512xf32, #tpu.memory_space<vmem>>, vector<16xf32>,
          %get3A_1082 = arith.index_cast %add3A_1044 : i32 to index
          %get3A_1083 = arith.constant 0 : index
          %get3A_1084 = tpu.vector_load %arg18[%get3A_1082, %get3A_1083] {strides = array<i32>} : memref<32x512xf32, #tpu.memory_space<vmem>>, vector<16xf32>,
          %get3A_1085 = arith.index_cast %add3A_1044 : i32 to index
          %get3A_1086 = arith.constant 128 : index
          %get3A_1087 = tpu.vector_load %arg18[%get3A_1085, %get3A_1086] {strides = array<i32>} : memref<32x512xf32, #tpu.memory_space<vmem>>, vector<16xf32>,
          %get3A_1088 = arith.index_cast %add3A_1044 : i32 to index
          %get3A_1089 = arith.constant 256 : index
          %get3A_1090 = tpu.vector_load %arg18[%get3A_1088, %get3A_1089] {strides = array<i32>} : memref<32x512xf32, #tpu.memory_space<vmem>>, vector<16xf32>,
          %get3A_1091 = arith.index_cast %add3A_1044 : i32 to index
          %get3A_1092 = arith.constant 384 : index
          %get3A_1093 = tpu.vector_load %arg18[%get3A_1091, %get3A_1092] {strides = array<i32>} : memref<32x512xf32, #tpu.memory_space<vmem>>, vector<16xf32>,
          %get3A_1094 = arith.index_cast %add3A_1057 : i32 to index
          %get3A_1095 = arith.constant 0 : index
          %get3A_1096 = tpu.vector_load %arg18[%get3A_1094, %get3A_1095] {strides = array<i32>} : memref<32x512xf32, #tpu.memory_space<vmem>>, vector<16xf32>,
          %get3A_1097 = arith.index_cast %add3A_1057 : i32 to index
          %get3A_1098 = arith.constant 128 : index
          %get3A_1099 = tpu.vector_load %arg18[%get3A_1097, %get3A_1098] {strides = array<i32>} : memref<32x512xf32, #tpu.memory_space<vmem>>, vector<16xf32>,
          %get3A_1100 = arith.index_cast %add3A_1057 : i32 to index
          %get3A_1101 = arith.constant 256 : index
          %get3A_1102 = tpu.vector_load %arg18[%get3A_1100, %get3A_1101] {strides = array<i32>} : memref<32x512xf32, #tpu.memory_space<vmem>>, vector<16xf32>,
          %get3A_1103 = arith.index_cast %add3A_1057 : i32 to index
          %get3A_1104 = arith.constant 384 : index
          %get3A_1105 = tpu.vector_load %arg18[%get3A_1103, %get3A_1104] {strides = array<i32>} : memref<32x512xf32, #tpu.memory_space<vmem>>, vector<16xf32>,
          %mul3A_1106 = arith.mulf %gather3A_1010, %get3A_1060 : vector<16xf32>
          %mul3A_1107 = arith.mulf %gather3A_1012, %get3A_1063 : vector<16xf32>
          %add3A_1108 = arith.addf %mul3A_1106, %mul3A_1107 : vector<16xf32>
          %mul3A_1109 = arith.mulf %gather3A_1014, %get3A_1066 : vector<16xf32>
          %mul3A_1110 = arith.mulf %gather3A_1016, %get3A_1069 : vector<16xf32>
          %add3A_1111 = arith.addf %mul3A_1109, %mul3A_1110 : vector<16xf32>
          %add3A_1112 = arith.addf %add3A_1108, %add3A_1111 : vector<16xf32>
          %mul3A_1113 = arith.mulf %gather3A_1023, %get3A_1072 : vector<16xf32>
          %mul3A_1114 = arith.mulf %gather3A_1025, %get3A_1075 : vector<16xf32>
          %add3A_1115 = arith.addf %mul3A_1113, %mul3A_1114 : vector<16xf32>
          %mul3A_1116 = arith.mulf %gather3A_1027, %get3A_1078 : vector<16xf32>
          %mul3A_1117 = arith.mulf %gather3A_1029, %get3A_1081 : vector<16xf32>
          %add3A_1118 = arith.addf %mul3A_1116, %mul3A_1117 : vector<16xf32>
          %add3A_1119 = arith.addf %add3A_1115, %add3A_1118 : vector<16xf32>
          %mul3A_1120 = arith.mulf %gather3A_1036, %get3A_1084 : vector<16xf32>
          %mul3A_1121 = arith.mulf %gather3A_1038, %get3A_1087 : vector<16xf32>
          %add3A_1122 = arith.addf %mul3A_1120, %mul3A_1121 : vector<16xf32>
          %mul3A_1123 = arith.mulf %gather3A_1040, %get3A_1090 : vector<16xf32>
          %mul3A_1124 = arith.mulf %gather3A_1042, %get3A_1093 : vector<16xf32>
          %add3A_1125 = arith.addf %mul3A_1123, %mul3A_1124 : vector<16xf32>
          %add3A_1126 = arith.addf %add3A_1122, %add3A_1125 : vector<16xf32>
          %mul3A_1127 = arith.mulf %gather3A_1049, %get3A_1096 : vector<16xf32>
          %mul3A_1128 = arith.mulf %gather3A_1051, %get3A_1099 : vector<16xf32>
          %add3A_1129 = arith.addf %mul3A_1127, %mul3A_1128 : vector<16xf32>
          %mul3A_1130 = arith.mulf %gather3A_1053, %get3A_1102 : vector<16xf32>
          %mul3A_1131 = arith.mulf %gather3A_1055, %get3A_1105 : vector<16xf32>
          %add3A_1132 = arith.addf %mul3A_1130, %mul3A_1131 : vector<16xf32>
          %add3A_1133 = arith.addf %add3A_1129, %add3A_1132 : vector<16xf32>
          %swap3A = arith.index_cast %add3A_1018 : i32 to index
          %swap3A_1134 = arith.constant 0 : index
          %swap3A_1135 = tpu.vector_load %arg20[%swap3A, %swap3A_1134] {strides = array<i32>} : memref<32x128xf32, #tpu.memory_space<vmem>>, vector<16xf32>,
          tpu.vector_store %arg20[%swap3A, %swap3A_1134], %add3A_1112 {strides = array<i32>} : memref<32x128xf32, #tpu.memory_space<vmem>>, vector<16xf32>,
          %swap3A_1136 = arith.index_cast %add3A_1031 : i32 to index
          %swap3A_1137 = arith.constant 0 : index
          %swap3A_1138 = tpu.vector_load %arg20[%swap3A_1136, %swap3A_1137] {strides = array<i32>} : memref<32x128xf32, #tpu.memory_space<vmem>>, vector<16xf32>,
          tpu.vector_store %arg20[%swap3A_1136, %swap3A_1137], %add3A_1119 {strides = array<i32>} : memref<32x128xf32, #tpu.memory_space<vmem>>, vector<16xf32>,
          %swap3A_1139 = arith.index_cast %add3A_1044 : i32 to index
          %swap3A_1140 = arith.constant 0 : index
          %swap3A_1141 = tpu.vector_load %arg20[%swap3A_1139, %swap3A_1140] {strides = array<i32>} : memref<32x128xf32, #tpu.memory_space<vmem>>, vector<16xf32>,
          tpu.vector_store %arg20[%swap3A_1139, %swap3A_1140], %add3A_1126 {strides = array<i32>} : memref<32x128xf32, #tpu.memory_space<vmem>>, vector<16xf32>,
          %swap3A_1142 = arith.index_cast %add3A_1057 : i32 to index
          %swap3A_1143 = arith.constant 0 : index
          %swap3A_1144 = tpu.vector_load %arg20[%swap3A_1142, %swap3A_1143] {strides = array<i32>} : memref<32x128xf32, #tpu.memory_space<vmem>>, vector<16xf32>,
          tpu.vector_store %arg20[%swap3A_1142, %swap3A_1143], %add3A_1133 {strides = array<i32>} : memref<32x128xf32, #tpu.memory_space<vmem>>, vector<16xf32>,
          %get3A_1145 = arith.index_cast %add3A_1018 : i32 to index
          %get3A_1146 = arith.constant 16 : index
          %get3A_1147 = tpu.vector_load %arg18[%get3A_1145, %get3A_1146] {strides = array<i32>} : memref<32x512xf32, #tpu.memory_space<vmem>>, vector<16xf32>,
          %get3A_1148 = arith.index_cast %add3A_1018 : i32 to index
          %get3A_1149 = arith.constant 144 : index
          %get3A_1150 = tpu.vector_load %arg18[%get3A_1148, %get3A_1149] {strides = array<i32>} : memref<32x512xf32, #tpu.memory_space<vmem>>, vector<16xf32>,
          %get3A_1151 = arith.index_cast %add3A_1018 : i32 to index
          %get3A_1152 = arith.constant 272 : index
          %get3A_1153 = tpu.vector_load %arg18[%get3A_1151, %get3A_1152] {strides = array<i32>} : memref<32x512xf32, #tpu.memory_space<vmem>>, vector<16xf32>,
          %get3A_1154 = arith.index_cast %add3A_1018 : i32 to index
          %get3A_1155 = arith.constant 400 : index
          %get3A_1156 = tpu.vector_load %arg18[%get3A_1154, %get3A_1155] {strides = array<i32>} : memref<32x512xf32, #tpu.memory_space<vmem>>, vector<16xf32>,
          %get3A_1157 = arith.index_cast %add3A_1031 : i32 to index
          %get3A_1158 = arith.constant 16 : index
          %get3A_1159 = tpu.vector_load %arg18[%get3A_1157, %get3A_1158] {strides = array<i32>} : memref<32x512xf32, #tpu.memory_space<vmem>>, vector<16xf32>,
          %get3A_1160 = arith.index_cast %add3A_1031 : i32 to index
          %get3A_1161 = arith.constant 144 : index
          %get3A_1162 = tpu.vector_load %arg18[%get3A_1160, %get3A_1161] {strides = array<i32>} : memref<32x512xf32, #tpu.memory_space<vmem>>, vector<16xf32>,
          %get3A_1163 = arith.index_cast %add3A_1031 : i32 to index
          %get3A_1164 = arith.constant 272 : index
          %get3A_1165 = tpu.vector_load %arg18[%get3A_1163, %get3A_1164] {strides = array<i32>} : memref<32x512xf32, #tpu.memory_space<vmem>>, vector<16xf32>,
          %get3A_1166 = arith.index_cast %add3A_1031 : i32 to index
          %get3A_1167 = arith.constant 400 : index
          %get3A_1168 = tpu.vector_load %arg18[%get3A_1166, %get3A_1167] {strides = array<i32>} : memref<32x512xf32, #tpu.memory_space<vmem>>, vector<16xf32>,
          %get3A_1169 = arith.index_cast %add3A_1044 : i32 to index
          %get3A_1170 = arith.constant 16 : index
          %get3A_1171 = tpu.vector_load %arg18[%get3A_1169, %get3A_1170] {strides = array<i32>} : memref<32x512xf32, #tpu.memory_space<vmem>>, vector<16xf32>,
          %get3A_1172 = arith.index_cast %add3A_1044 : i32 to index
          %get3A_1173 = arith.constant 144 : index
          %get3A_1174 = tpu.vector_load %arg18[%get3A_1172, %get3A_1173] {strides = array<i32>} : memref<32x512xf32, #tpu.memory_space<vmem>>, vector<16xf32>,
          %get3A_1175 = arith.index_cast %add3A_1044 : i32 to index
          %get3A_1176 = arith.constant 272 : index
          %get3A_1177 = tpu.vector_load %arg18[%get3A_1175, %get3A_1176] {strides = array<i32>} : memref<32x512xf32, #tpu.memory_space<vmem>>, vector<16xf32>,
          %get3A_1178 = arith.index_cast %add3A_1044 : i32 to index
          %get3A_1179 = arith.constant 400 : index
          %get3A_1180 = tpu.vector_load %arg18[%get3A_1178, %get3A_1179] {strides = array<i32>} : memref<32x512xf32, #tpu.memory_space<vmem>>, vector<16xf32>,
          %get3A_1181 = arith.index_cast %add3A_1057 : i32 to index
          %get3A_1182 = arith.constant 16 : index
          %get3A_1183 = tpu.vector_load %arg18[%get3A_1181, %get3A_1182] {strides = array<i32>} : memref<32x512xf32, #tpu.memory_space<vmem>>, vector<16xf32>,
          %get3A_1184 = arith.index_cast %add3A_1057 : i32 to index
          %get3A_1185 = arith.constant 144 : index
          %get3A_1186 = tpu.vector_load %arg18[%get3A_1184, %get3A_1185] {strides = array<i32>} : memref<32x512xf32, #tpu.memory_space<vmem>>, vector<16xf32>,
          %get3A_1187 = arith.index_cast %add3A_1057 : i32 to index
          %get3A_1188 = arith.constant 272 : index
          %get3A_1189 = tpu.vector_load %arg18[%get3A_1187, %get3A_1188] {strides = array<i32>} : memref<32x512xf32, #tpu.memory_space<vmem>>, vector<16xf32>,
          %get3A_1190 = arith.index_cast %add3A_1057 : i32 to index
          %get3A_1191 = arith.constant 400 : index
          %get3A_1192 = tpu.vector_load %arg18[%get3A_1190, %get3A_1191] {strides = array<i32>} : memref<32x512xf32, #tpu.memory_space<vmem>>, vector<16xf32>,
          %mul3A_1193 = arith.mulf %gather3A_1010, %get3A_1147 : vector<16xf32>
          %mul3A_1194 = arith.mulf %gather3A_1012, %get3A_1150 : vector<16xf32>
          %add3A_1195 = arith.addf %mul3A_1193, %mul3A_1194 : vector<16xf32>
          %mul3A_1196 = arith.mulf %gather3A_1014, %get3A_1153 : vector<16xf32>
          %mul3A_1197 = arith.mulf %gather3A_1016, %get3A_1156 : vector<16xf32>
          %add3A_1198 = arith.addf %mul3A_1196, %mul3A_1197 : vector<16xf32>
          %add3A_1199 = arith.addf %add3A_1195, %add3A_1198 : vector<16xf32>
          %mul3A_1200 = arith.mulf %gather3A_1023, %get3A_1159 : vector<16xf32>
          %mul3A_1201 = arith.mulf %gather3A_1025, %get3A_1162 : vector<16xf32>
          %add3A_1202 = arith.addf %mul3A_1200, %mul3A_1201 : vector<16xf32>
          %mul3A_1203 = arith.mulf %gather3A_1027, %get3A_1165 : vector<16xf32>
          %mul3A_1204 = arith.mulf %gather3A_1029, %get3A_1168 : vector<16xf32>
          %add3A_1205 = arith.addf %mul3A_1203, %mul3A_1204 : vector<16xf32>
          %add3A_1206 = arith.addf %add3A_1202, %add3A_1205 : vector<16xf32>
          %mul3A_1207 = arith.mulf %gather3A_1036, %get3A_1171 : vector<16xf32>
          %mul3A_1208 = arith.mulf %gather3A_1038, %get3A_1174 : vector<16xf32>
          %add3A_1209 = arith.addf %mul3A_1207, %mul3A_1208 : vector<16xf32>
          %mul3A_1210 = arith.mulf %gather3A_1040, %get3A_1177 : vector<16xf32>
          %mul3A_1211 = arith.mulf %gather3A_1042, %get3A_1180 : vector<16xf32>
          %add3A_1212 = arith.addf %mul3A_1210, %mul3A_1211 : vector<16xf32>
          %add3A_1213 = arith.addf %add3A_1209, %add3A_1212 : vector<16xf32>
          %mul3A_1214 = arith.mulf %gather3A_1049, %get3A_1183 : vector<16xf32>
          %mul3A_1215 = arith.mulf %gather3A_1051, %get3A_1186 : vector<16xf32>
          %add3A_1216 = arith.addf %mul3A_1214, %mul3A_1215 : vector<16xf32>
          %mul3A_1217 = arith.mulf %gather3A_1053, %get3A_1189 : vector<16xf32>
          %mul3A_1218 = arith.mulf %gather3A_1055, %get3A_1192 : vector<16xf32>
          %add3A_1219 = arith.addf %mul3A_1217, %mul3A_1218 : vector<16xf32>
          %add3A_1220 = arith.addf %add3A_1216, %add3A_1219 : vector<16xf32>
          %swap3A_1221 = arith.index_cast %add3A_1018 : i32 to index
          %swap3A_1222 = arith.constant 16 : index
          %swap3A_1223 = tpu.vector_load %arg20[%swap3A_1221, %swap3A_1222] {strides = array<i32>} : memref<32x128xf32, #tpu.memory_space<vmem>>, vector<16xf32>,
          tpu.vector_store %arg20[%swap3A_1221, %swap3A_1222], %add3A_1199 {strides = array<i32>} : memref<32x128xf32, #tpu.memory_space<vmem>>, vector<16xf32>,
          %swap3A_1224 = arith.index_cast %add3A_1031 : i32 to index
          %swap3A_1225 = arith.constant 16 : index
          %swap3A_1226 = tpu.vector_load %arg20[%swap3A_1224, %swap3A_1225] {strides = array<i32>} : memref<32x128xf32, #tpu.memory_space<vmem>>, vector<16xf32>,
          tpu.vector_store %arg20[%swap3A_1224, %swap3A_1225], %add3A_1206 {strides = array<i32>} : memref<32x128xf32, #tpu.memory_space<vmem>>, vector<16xf32>,
          %swap3A_1227 = arith.index_cast %add3A_1044 : i32 to index
          %swap3A_1228 = arith.constant 16 : index
          %swap3A_1229 = tpu.vector_load %arg20[%swap3A_1227, %swap3A_1228] {strides = array<i32>} : memref<32x128xf32, #tpu.memory_space<vmem>>, vector<16xf32>,
          tpu.vector_store %arg20[%swap3A_1227, %swap3A_1228], %add3A_1213 {strides = array<i32>} : memref<32x128xf32, #tpu.memory_space<vmem>>, vector<16xf32>,
          %swap3A_1230 = arith.index_cast %add3A_1057 : i32 to index
          %swap3A_1231 = arith.constant 16 : index
          %swap3A_1232 = tpu.vector_load %arg20[%swap3A_1230, %swap3A_1231] {strides = array<i32>} : memref<32x128xf32, #tpu.memory_space<vmem>>, vector<16xf32>,
          tpu.vector_store %arg20[%swap3A_1230, %swap3A_1231], %add3A_1220 {strides = array<i32>} : memref<32x128xf32, #tpu.memory_space<vmem>>, vector<16xf32>,
          %get3A_1233 = arith.index_cast %add3A_1018 : i32 to index
          %get3A_1234 = arith.constant 32 : index
          %get3A_1235 = tpu.vector_load %arg18[%get3A_1233, %get3A_1234] {strides = array<i32>} : memref<32x512xf32, #tpu.memory_space<vmem>>, vector<16xf32>,
          %get3A_1236 = arith.index_cast %add3A_1018 : i32 to index
          %get3A_1237 = arith.constant 160 : index
          %get3A_1238 = tpu.vector_load %arg18[%get3A_1236, %get3A_1237] {strides = array<i32>} : memref<32x512xf32, #tpu.memory_space<vmem>>, vector<16xf32>,
          %get3A_1239 = arith.index_cast %add3A_1018 : i32 to index
          %get3A_1240 = arith.constant 288 : index
          %get3A_1241 = tpu.vector_load %arg18[%get3A_1239, %get3A_1240] {strides = array<i32>} : memref<32x512xf32, #tpu.memory_space<vmem>>, vector<16xf32>,
          %get3A_1242 = arith.index_cast %add3A_1018 : i32 to index
          %get3A_1243 = arith.constant 416 : index
          %get3A_1244 = tpu.vector_load %arg18[%get3A_1242, %get3A_1243] {strides = array<i32>} : memref<32x512xf32, #tpu.memory_space<vmem>>, vector<16xf32>,
          %get3A_1245 = arith.index_cast %add3A_1031 : i32 to index
          %get3A_1246 = arith.constant 32 : index
          %get3A_1247 = tpu.vector_load %arg18[%get3A_1245, %get3A_1246] {strides = array<i32>} : memref<32x512xf32, #tpu.memory_space<vmem>>, vector<16xf32>,
          %get3A_1248 = arith.index_cast %add3A_1031 : i32 to index
          %get3A_1249 = arith.constant 160 : index
          %get3A_1250 = tpu.vector_load %arg18[%get3A_1248, %get3A_1249] {strides = array<i32>} : memref<32x512xf32, #tpu.memory_space<vmem>>, vector<16xf32>,
          %get3A_1251 = arith.index_cast %add3A_1031 : i32 to index
          %get3A_1252 = arith.constant 288 : index
          %get3A_1253 = tpu.vector_load %arg18[%get3A_1251, %get3A_1252] {strides = array<i32>} : memref<32x512xf32, #tpu.memory_space<vmem>>, vector<16xf32>,
          %get3A_1254 = arith.index_cast %add3A_1031 : i32 to index
          %get3A_1255 = arith.constant 416 : index
          %get3A_1256 = tpu.vector_load %arg18[%get3A_1254, %get3A_1255] {strides = array<i32>} : memref<32x512xf32, #tpu.memory_space<vmem>>, vector<16xf32>,
          %get3A_1257 = arith.index_cast %add3A_1044 : i32 to index
          %get3A_1258 = arith.constant 32 : index
          %get3A_1259 = tpu.vector_load %arg18[%get3A_1257, %get3A_1258] {strides = array<i32>} : memref<32x512xf32, #tpu.memory_space<vmem>>, vector<16xf32>,
          %get3A_1260 = arith.index_cast %add3A_1044 : i32 to index
          %get3A_1261 = arith.constant 160 : index
          %get3A_1262 = tpu.vector_load %arg18[%get3A_1260, %get3A_1261] {strides = array<i32>} : memref<32x512xf32, #tpu.memory_space<vmem>>, vector<16xf32>,
          %get3A_1263 = arith.index_cast %add3A_1044 : i32 to index
          %get3A_1264 = arith.constant 288 : index
          %get3A_1265 = tpu.vector_load %arg18[%get3A_1263, %get3A_1264] {strides = array<i32>} : memref<32x512xf32, #tpu.memory_space<vmem>>, vector<16xf32>,
          %get3A_1266 = arith.index_cast %add3A_1044 : i32 to index
          %get3A_1267 = arith.constant 416 : index
          %get3A_1268 = tpu.vector_load %arg18[%get3A_1266, %get3A_1267] {strides = array<i32>} : memref<32x512xf32, #tpu.memory_space<vmem>>, vector<16xf32>,
          %get3A_1269 = arith.index_cast %add3A_1057 : i32 to index
          %get3A_1270 = arith.constant 32 : index
          %get3A_1271 = tpu.vector_load %arg18[%get3A_1269, %get3A_1270] {strides = array<i32>} : memref<32x512xf32, #tpu.memory_space<vmem>>, vector<16xf32>,
          %get3A_1272 = arith.index_cast %add3A_1057 : i32 to index
          %get3A_1273 = arith.constant 160 : index
          %get3A_1274 = tpu.vector_load %arg18[%get3A_1272, %get3A_1273] {strides = array<i32>} : memref<32x512xf32, #tpu.memory_space<vmem>>, vector<16xf32>,
          %get3A_1275 = arith.index_cast %add3A_1057 : i32 to index
          %get3A_1276 = arith.constant 288 : index
          %get3A_1277 = tpu.vector_load %arg18[%get3A_1275, %get3A_1276] {strides = array<i32>} : memref<32x512xf32, #tpu.memory_space<vmem>>, vector<16xf32>,
          %get3A_1278 = arith.index_cast %add3A_1057 : i32 to index
          %get3A_1279 = arith.constant 416 : index
          %get3A_1280 = tpu.vector_load %arg18[%get3A_1278, %get3A_1279] {strides = array<i32>} : memref<32x512xf32, #tpu.memory_space<vmem>>, vector<16xf32>,
          %mul3A_1281 = arith.mulf %gather3A_1010, %get3A_1235 : vector<16xf32>
          %mul3A_1282 = arith.mulf %gather3A_1012, %get3A_1238 : vector<16xf32>
          %add3A_1283 = arith.addf %mul3A_1281, %mul3A_1282 : vector<16xf32>
          %mul3A_1284 = arith.mulf %gather3A_1014, %get3A_1241 : vector<16xf32>
          %mul3A_1285 = arith.mulf %gather3A_1016, %get3A_1244 : vector<16xf32>
          %add3A_1286 = arith.addf %mul3A_1284, %mul3A_1285 : vector<16xf32>
          %add3A_1287 = arith.addf %add3A_1283, %add3A_1286 : vector<16xf32>
          %mul3A_1288 = arith.mulf %gather3A_1023, %get3A_1247 : vector<16xf32>
          %mul3A_1289 = arith.mulf %gather3A_1025, %get3A_1250 : vector<16xf32>
          %add3A_1290 = arith.addf %mul3A_1288, %mul3A_1289 : vector<16xf32>
          %mul3A_1291 = arith.mulf %gather3A_1027, %get3A_1253 : vector<16xf32>
          %mul3A_1292 = arith.mulf %gather3A_1029, %get3A_1256 : vector<16xf32>
          %add3A_1293 = arith.addf %mul3A_1291, %mul3A_1292 : vector<16xf32>
          %add3A_1294 = arith.addf %add3A_1290, %add3A_1293 : vector<16xf32>
          %mul3A_1295 = arith.mulf %gather3A_1036, %get3A_1259 : vector<16xf32>
          %mul3A_1296 = arith.mulf %gather3A_1038, %get3A_1262 : vector<16xf32>
          %add3A_1297 = arith.addf %mul3A_1295, %mul3A_1296 : vector<16xf32>
          %mul3A_1298 = arith.mulf %gather3A_1040, %get3A_1265 : vector<16xf32>
          %mul3A_1299 = arith.mulf %gather3A_1042, %get3A_1268 : vector<16xf32>
          %add3A_1300 = arith.addf %mul3A_1298, %mul3A_1299 : vector<16xf32>
          %add3A_1301 = arith.addf %add3A_1297, %add3A_1300 : vector<16xf32>
          %mul3A_1302 = arith.mulf %gather3A_1049, %get3A_1271 : vector<16xf32>
          %mul3A_1303 = arith.mulf %gather3A_1051, %get3A_1274 : vector<16xf32>
          %add3A_1304 = arith.addf %mul3A_1302, %mul3A_1303 : vector<16xf32>
          %mul3A_1305 = arith.mulf %gather3A_1053, %get3A_1277 : vector<16xf32>
          %mul3A_1306 = arith.mulf %gather3A_1055, %get3A_1280 : vector<16xf32>
          %add3A_1307 = arith.addf %mul3A_1305, %mul3A_1306 : vector<16xf32>
          %add3A_1308 = arith.addf %add3A_1304, %add3A_1307 : vector<16xf32>
          %swap3A_1309 = arith.index_cast %add3A_1018 : i32 to index
          %swap3A_1310 = arith.constant 32 : index
          %swap3A_1311 = tpu.vector_load %arg20[%swap3A_1309, %swap3A_1310] {strides = array<i32>} : memref<32x128xf32, #tpu.memory_space<vmem>>, vector<16xf32>,
          tpu.vector_store %arg20[%swap3A_1309, %swap3A_1310], %add3A_1287 {strides = array<i32>} : memref<32x128xf32, #tpu.memory_space<vmem>>, vector<16xf32>,
          %swap3A_1312 = arith.index_cast %add3A_1031 : i32 to index
          %swap3A_1313 = arith.constant 32 : index
          %swap3A_1314 = tpu.vector_load %arg20[%swap3A_1312, %swap3A_1313] {strides = array<i32>} : memref<32x128xf32, #tpu.memory_space<vmem>>, vector<16xf32>,
          tpu.vector_store %arg20[%swap3A_1312, %swap3A_1313], %add3A_1294 {strides = array<i32>} : memref<32x128xf32, #tpu.memory_space<vmem>>, vector<16xf32>,
          %swap3A_1315 = arith.index_cast %add3A_1044 : i32 to index
          %swap3A_1316 = arith.constant 32 : index
          %swap3A_1317 = tpu.vector_load %arg20[%swap3A_1315, %swap3A_1316] {strides = array<i32>} : memref<32x128xf32, #tpu.memory_space<vmem>>, vector<16xf32>,
          tpu.vector_store %arg20[%swap3A_1315, %swap3A_1316], %add3A_1301 {strides = array<i32>} : memref<32x128xf32, #tpu.memory_space<vmem>>, vector<16xf32>,
          %swap3A_1318 = arith.index_cast %add3A_1057 : i32 to index
          %swap3A_1319 = arith.constant 32 : index
          %swap3A_1320 = tpu.vector_load %arg20[%swap3A_1318, %swap3A_1319] {strides = array<i32>} : memref<32x128xf32, #tpu.memory_space<vmem>>, vector<16xf32>,
          tpu.vector_store %arg20[%swap3A_1318, %swap3A_1319], %add3A_1308 {strides = array<i32>} : memref<32x128xf32, #tpu.memory_space<vmem>>, vector<16xf32>,
          %get3A_1321 = arith.index_cast %add3A_1018 : i32 to index
          %get3A_1322 = arith.constant 48 : index
          %get3A_1323 = tpu.vector_load %arg18[%get3A_1321, %get3A_1322] {strides = array<i32>} : memref<32x512xf32, #tpu.memory_space<vmem>>, vector<16xf32>,
          %get3A_1324 = arith.index_cast %add3A_1018 : i32 to index
          %get3A_1325 = arith.constant 176 : index
          %get3A_1326 = tpu.vector_load %arg18[%get3A_1324, %get3A_1325] {strides = array<i32>} : memref<32x512xf32, #tpu.memory_space<vmem>>, vector<16xf32>,
          %get3A_1327 = arith.index_cast %add3A_1018 : i32 to index
          %get3A_1328 = arith.constant 304 : index
          %get3A_1329 = tpu.vector_load %arg18[%get3A_1327, %get3A_1328] {strides = array<i32>} : memref<32x512xf32, #tpu.memory_space<vmem>>, vector<16xf32>,
          %get3A_1330 = arith.index_cast %add3A_1018 : i32 to index
          %get3A_1331 = arith.constant 432 : index
          %get3A_1332 = tpu.vector_load %arg18[%get3A_1330, %get3A_1331] {strides = array<i32>} : memref<32x512xf32, #tpu.memory_space<vmem>>, vector<16xf32>,
          %get3A_1333 = arith.index_cast %add3A_1031 : i32 to index
          %get3A_1334 = arith.constant 48 : index
          %get3A_1335 = tpu.vector_load %arg18[%get3A_1333, %get3A_1334] {strides = array<i32>} : memref<32x512xf32, #tpu.memory_space<vmem>>, vector<16xf32>,
          %get3A_1336 = arith.index_cast %add3A_1031 : i32 to index
          %get3A_1337 = arith.constant 176 : index
          %get3A_1338 = tpu.vector_load %arg18[%get3A_1336, %get3A_1337] {strides = array<i32>} : memref<32x512xf32, #tpu.memory_space<vmem>>, vector<16xf32>,
          %get3A_1339 = arith.index_cast %add3A_1031 : i32 to index
          %get3A_1340 = arith.constant 304 : index
          %get3A_1341 = tpu.vector_load %arg18[%get3A_1339, %get3A_1340] {strides = array<i32>} : memref<32x512xf32, #tpu.memory_space<vmem>>, vector<16xf32>,
          %get3A_1342 = arith.index_cast %add3A_1031 : i32 to index
          %get3A_1343 = arith.constant 432 : index
          %get3A_1344 = tpu.vector_load %arg18[%get3A_1342, %get3A_1343] {strides = array<i32>} : memref<32x512xf32, #tpu.memory_space<vmem>>, vector<16xf32>,
          %get3A_1345 = arith.index_cast %add3A_1044 : i32 to index
          %get3A_1346 = arith.constant 48 : index
          %get3A_1347 = tpu.vector_load %arg18[%get3A_1345, %get3A_1346] {strides = array<i32>} : memref<32x512xf32, #tpu.memory_space<vmem>>, vector<16xf32>,
          %get3A_1348 = arith.index_cast %add3A_1044 : i32 to index
          %get3A_1349 = arith.constant 176 : index
          %get3A_1350 = tpu.vector_load %arg18[%get3A_1348, %get3A_1349] {strides = array<i32>} : memref<32x512xf32, #tpu.memory_space<vmem>>, vector<16xf32>,
          %get3A_1351 = arith.index_cast %add3A_1044 : i32 to index
          %get3A_1352 = arith.constant 304 : index
          %get3A_1353 = tpu.vector_load %arg18[%get3A_1351, %get3A_1352] {strides = array<i32>} : memref<32x512xf32, #tpu.memory_space<vmem>>, vector<16xf32>,
          %get3A_1354 = arith.index_cast %add3A_1044 : i32 to index
          %get3A_1355 = arith.constant 432 : index
          %get3A_1356 = tpu.vector_load %arg18[%get3A_1354, %get3A_1355] {strides = array<i32>} : memref<32x512xf32, #tpu.memory_space<vmem>>, vector<16xf32>,
          %get3A_1357 = arith.index_cast %add3A_1057 : i32 to index
          %get3A_1358 = arith.constant 48 : index
          %get3A_1359 = tpu.vector_load %arg18[%get3A_1357, %get3A_1358] {strides = array<i32>} : memref<32x512xf32, #tpu.memory_space<vmem>>, vector<16xf32>,
          %get3A_1360 = arith.index_cast %add3A_1057 : i32 to index
          %get3A_1361 = arith.constant 176 : index
          %get3A_1362 = tpu.vector_load %arg18[%get3A_1360, %get3A_1361] {strides = array<i32>} : memref<32x512xf32, #tpu.memory_space<vmem>>, vector<16xf32>,
          %get3A_1363 = arith.index_cast %add3A_1057 : i32 to index
          %get3A_1364 = arith.constant 304 : index
          %get3A_1365 = tpu.vector_load %arg18[%get3A_1363, %get3A_1364] {strides = array<i32>} : memref<32x512xf32, #tpu.memory_space<vmem>>, vector<16xf32>,
          %get3A_1366 = arith.index_cast %add3A_1057 : i32 to index
          %get3A_1367 = arith.constant 432 : index
          %get3A_1368 = tpu.vector_load %arg18[%get3A_1366, %get3A_1367] {strides = array<i32>} : memref<32x512xf32, #tpu.memory_space<vmem>>, vector<16xf32>,
          %mul3A_1369 = arith.mulf %gather3A_1010, %get3A_1323 : vector<16xf32>
          %mul3A_1370 = arith.mulf %gather3A_1012, %get3A_1326 : vector<16xf32>
          %add3A_1371 = arith.addf %mul3A_1369, %mul3A_1370 : vector<16xf32>
          %mul3A_1372 = arith.mulf %gather3A_1014, %get3A_1329 : vector<16xf32>
          %mul3A_1373 = arith.mulf %gather3A_1016, %get3A_1332 : vector<16xf32>
          %add3A_1374 = arith.addf %mul3A_1372, %mul3A_1373 : vector<16xf32>
          %add3A_1375 = arith.addf %add3A_1371, %add3A_1374 : vector<16xf32>
          %mul3A_1376 = arith.mulf %gather3A_1023, %get3A_1335 : vector<16xf32>
          %mul3A_1377 = arith.mulf %gather3A_1025, %get3A_1338 : vector<16xf32>
          %add3A_1378 = arith.addf %mul3A_1376, %mul3A_1377 : vector<16xf32>
          %mul3A_1379 = arith.mulf %gather3A_1027, %get3A_1341 : vector<16xf32>
          %mul3A_1380 = arith.mulf %gather3A_1029, %get3A_1344 : vector<16xf32>
          %add3A_1381 = arith.addf %mul3A_1379, %mul3A_1380 : vector<16xf32>
          %add3A_1382 = arith.addf %add3A_1378, %add3A_1381 : vector<16xf32>
          %mul3A_1383 = arith.mulf %gather3A_1036, %get3A_1347 : vector<16xf32>
          %mul3A_1384 = arith.mulf %gather3A_1038, %get3A_1350 : vector<16xf32>
          %add3A_1385 = arith.addf %mul3A_1383, %mul3A_1384 : vector<16xf32>
          %mul3A_1386 = arith.mulf %gather3A_1040, %get3A_1353 : vector<16xf32>
          %mul3A_1387 = arith.mulf %gather3A_1042, %get3A_1356 : vector<16xf32>
          %add3A_1388 = arith.addf %mul3A_1386, %mul3A_1387 : vector<16xf32>
          %add3A_1389 = arith.addf %add3A_1385, %add3A_1388 : vector<16xf32>
          %mul3A_1390 = arith.mulf %gather3A_1049, %get3A_1359 : vector<16xf32>
          %mul3A_1391 = arith.mulf %gather3A_1051, %get3A_1362 : vector<16xf32>
          %add3A_1392 = arith.addf %mul3A_1390, %mul3A_1391 : vector<16xf32>
          %mul3A_1393 = arith.mulf %gather3A_1053, %get3A_1365 : vector<16xf32>
          %mul3A_1394 = arith.mulf %gather3A_1055, %get3A_1368 : vector<16xf32>
          %add3A_1395 = arith.addf %mul3A_1393, %mul3A_1394 : vector<16xf32>
          %add3A_1396 = arith.addf %add3A_1392, %add3A_1395 : vector<16xf32>
          %swap3A_1397 = arith.index_cast %add3A_1018 : i32 to index
          %swap3A_1398 = arith.constant 48 : index
          %swap3A_1399 = tpu.vector_load %arg20[%swap3A_1397, %swap3A_1398] {strides = array<i32>} : memref<32x128xf32, #tpu.memory_space<vmem>>, vector<16xf32>,
          tpu.vector_store %arg20[%swap3A_1397, %swap3A_1398], %add3A_1375 {strides = array<i32>} : memref<32x128xf32, #tpu.memory_space<vmem>>, vector<16xf32>,
          %swap3A_1400 = arith.index_cast %add3A_1031 : i32 to index
          %swap3A_1401 = arith.constant 48 : index
          %swap3A_1402 = tpu.vector_load %arg20[%swap3A_1400, %swap3A_1401] {strides = array<i32>} : memref<32x128xf32, #tpu.memory_space<vmem>>, vector<16xf32>,
          tpu.vector_store %arg20[%swap3A_1400, %swap3A_1401], %add3A_1382 {strides = array<i32>} : memref<32x128xf32, #tpu.memory_space<vmem>>, vector<16xf32>,
          %swap3A_1403 = arith.index_cast %add3A_1044 : i32 to index
          %swap3A_1404 = arith.constant 48 : index
          %swap3A_1405 = tpu.vector_load %arg20[%swap3A_1403, %swap3A_1404] {strides = array<i32>} : memref<32x128xf32, #tpu.memory_space<vmem>>, vector<16xf32>,
          tpu.vector_store %arg20[%swap3A_1403, %swap3A_1404], %add3A_1389 {strides = array<i32>} : memref<32x128xf32, #tpu.memory_space<vmem>>, vector<16xf32>,
          %swap3A_1406 = arith.index_cast %add3A_1057 : i32 to index
          %swap3A_1407 = arith.constant 48 : index
          %swap3A_1408 = tpu.vector_load %arg20[%swap3A_1406, %swap3A_1407] {strides = array<i32>} : memref<32x128xf32, #tpu.memory_space<vmem>>, vector<16xf32>,
          tpu.vector_store %arg20[%swap3A_1406, %swap3A_1407], %add3A_1396 {strides = array<i32>} : memref<32x128xf32, #tpu.memory_space<vmem>>, vector<16xf32>,
          %get3A_1409 = arith.index_cast %add3A_1018 : i32 to index
          %get3A_1410 = arith.constant 64 : index
          %get3A_1411 = tpu.vector_load %arg18[%get3A_1409, %get3A_1410] {strides = array<i32>} : memref<32x512xf32, #tpu.memory_space<vmem>>, vector<16xf32>,
          %get3A_1412 = arith.index_cast %add3A_1018 : i32 to index
          %get3A_1413 = arith.constant 192 : index
          %get3A_1414 = tpu.vector_load %arg18[%get3A_1412, %get3A_1413] {strides = array<i32>} : memref<32x512xf32, #tpu.memory_space<vmem>>, vector<16xf32>,
          %get3A_1415 = arith.index_cast %add3A_1018 : i32 to index
          %get3A_1416 = arith.constant 320 : index
          %get3A_1417 = tpu.vector_load %arg18[%get3A_1415, %get3A_1416] {strides = array<i32>} : memref<32x512xf32, #tpu.memory_space<vmem>>, vector<16xf32>,
          %get3A_1418 = arith.index_cast %add3A_1018 : i32 to index
          %get3A_1419 = arith.constant 448 : index
          %get3A_1420 = tpu.vector_load %arg18[%get3A_1418, %get3A_1419] {strides = array<i32>} : memref<32x512xf32, #tpu.memory_space<vmem>>, vector<16xf32>,
          %get3A_1421 = arith.index_cast %add3A_1031 : i32 to index
          %get3A_1422 = arith.constant 64 : index
          %get3A_1423 = tpu.vector_load %arg18[%get3A_1421, %get3A_1422] {strides = array<i32>} : memref<32x512xf32, #tpu.memory_space<vmem>>, vector<16xf32>,
          %get3A_1424 = arith.index_cast %add3A_1031 : i32 to index
          %get3A_1425 = arith.constant 192 : index
          %get3A_1426 = tpu.vector_load %arg18[%get3A_1424, %get3A_1425] {strides = array<i32>} : memref<32x512xf32, #tpu.memory_space<vmem>>, vector<16xf32>,
          %get3A_1427 = arith.index_cast %add3A_1031 : i32 to index
          %get3A_1428 = arith.constant 320 : index
          %get3A_1429 = tpu.vector_load %arg18[%get3A_1427, %get3A_1428] {strides = array<i32>} : memref<32x512xf32, #tpu.memory_space<vmem>>, vector<16xf32>,
          %get3A_1430 = arith.index_cast %add3A_1031 : i32 to index
          %get3A_1431 = arith.constant 448 : index
          %get3A_1432 = tpu.vector_load %arg18[%get3A_1430, %get3A_1431] {strides = array<i32>} : memref<32x512xf32, #tpu.memory_space<vmem>>, vector<16xf32>,
          %get3A_1433 = arith.index_cast %add3A_1044 : i32 to index
          %get3A_1434 = arith.constant 64 : index
          %get3A_1435 = tpu.vector_load %arg18[%get3A_1433, %get3A_1434] {strides = array<i32>} : memref<32x512xf32, #tpu.memory_space<vmem>>, vector<16xf32>,
          %get3A_1436 = arith.index_cast %add3A_1044 : i32 to index
          %get3A_1437 = arith.constant 192 : index
          %get3A_1438 = tpu.vector_load %arg18[%get3A_1436, %get3A_1437] {strides = array<i32>} : memref<32x512xf32, #tpu.memory_space<vmem>>, vector<16xf32>,
          %get3A_1439 = arith.index_cast %add3A_1044 : i32 to index
          %get3A_1440 = arith.constant 320 : index
          %get3A_1441 = tpu.vector_load %arg18[%get3A_1439, %get3A_1440] {strides = array<i32>} : memref<32x512xf32, #tpu.memory_space<vmem>>, vector<16xf32>,
          %get3A_1442 = arith.index_cast %add3A_1044 : i32 to index
          %get3A_1443 = arith.constant 448 : index
          %get3A_1444 = tpu.vector_load %arg18[%get3A_1442, %get3A_1443] {strides = array<i32>} : memref<32x512xf32, #tpu.memory_space<vmem>>, vector<16xf32>,
          %get3A_1445 = arith.index_cast %add3A_1057 : i32 to index
          %get3A_1446 = arith.constant 64 : index
          %get3A_1447 = tpu.vector_load %arg18[%get3A_1445, %get3A_1446] {strides = array<i32>} : memref<32x512xf32, #tpu.memory_space<vmem>>, vector<16xf32>,
          %get3A_1448 = arith.index_cast %add3A_1057 : i32 to index
          %get3A_1449 = arith.constant 192 : index
          %get3A_1450 = tpu.vector_load %arg18[%get3A_1448, %get3A_1449] {strides = array<i32>} : memref<32x512xf32, #tpu.memory_space<vmem>>, vector<16xf32>,
          %get3A_1451 = arith.index_cast %add3A_1057 : i32 to index
          %get3A_1452 = arith.constant 320 : index
          %get3A_1453 = tpu.vector_load %arg18[%get3A_1451, %get3A_1452] {strides = array<i32>} : memref<32x512xf32, #tpu.memory_space<vmem>>, vector<16xf32>,
          %get3A_1454 = arith.index_cast %add3A_1057 : i32 to index
          %get3A_1455 = arith.constant 448 : index
          %get3A_1456 = tpu.vector_load %arg18[%get3A_1454, %get3A_1455] {strides = array<i32>} : memref<32x512xf32, #tpu.memory_space<vmem>>, vector<16xf32>,
          %mul3A_1457 = arith.mulf %gather3A_1010, %get3A_1411 : vector<16xf32>
          %mul3A_1458 = arith.mulf %gather3A_1012, %get3A_1414 : vector<16xf32>
          %add3A_1459 = arith.addf %mul3A_1457, %mul3A_1458 : vector<16xf32>
          %mul3A_1460 = arith.mulf %gather3A_1014, %get3A_1417 : vector<16xf32>
          %mul3A_1461 = arith.mulf %gather3A_1016, %get3A_1420 : vector<16xf32>
          %add3A_1462 = arith.addf %mul3A_1460, %mul3A_1461 : vector<16xf32>
          %add3A_1463 = arith.addf %add3A_1459, %add3A_1462 : vector<16xf32>
          %mul3A_1464 = arith.mulf %gather3A_1023, %get3A_1423 : vector<16xf32>
          %mul3A_1465 = arith.mulf %gather3A_1025, %get3A_1426 : vector<16xf32>
          %add3A_1466 = arith.addf %mul3A_1464, %mul3A_1465 : vector<16xf32>
          %mul3A_1467 = arith.mulf %gather3A_1027, %get3A_1429 : vector<16xf32>
          %mul3A_1468 = arith.mulf %gather3A_1029, %get3A_1432 : vector<16xf32>
          %add3A_1469 = arith.addf %mul3A_1467, %mul3A_1468 : vector<16xf32>
          %add3A_1470 = arith.addf %add3A_1466, %add3A_1469 : vector<16xf32>
          %mul3A_1471 = arith.mulf %gather3A_1036, %get3A_1435 : vector<16xf32>
          %mul3A_1472 = arith.mulf %gather3A_1038, %get3A_1438 : vector<16xf32>
          %add3A_1473 = arith.addf %mul3A_1471, %mul3A_1472 : vector<16xf32>
          %mul3A_1474 = arith.mulf %gather3A_1040, %get3A_1441 : vector<16xf32>
          %mul3A_1475 = arith.mulf %gather3A_1042, %get3A_1444 : vector<16xf32>
          %add3A_1476 = arith.addf %mul3A_1474, %mul3A_1475 : vector<16xf32>
          %add3A_1477 = arith.addf %add3A_1473, %add3A_1476 : vector<16xf32>
          %mul3A_1478 = arith.mulf %gather3A_1049, %get3A_1447 : vector<16xf32>
          %mul3A_1479 = arith.mulf %gather3A_1051, %get3A_1450 : vector<16xf32>
          %add3A_1480 = arith.addf %mul3A_1478, %mul3A_1479 : vector<16xf32>
          %mul3A_1481 = arith.mulf %gather3A_1053, %get3A_1453 : vector<16xf32>
          %mul3A_1482 = arith.mulf %gather3A_1055, %get3A_1456 : vector<16xf32>
          %add3A_1483 = arith.addf %mul3A_1481, %mul3A_1482 : vector<16xf32>
          %add3A_1484 = arith.addf %add3A_1480, %add3A_1483 : vector<16xf32>
          %swap3A_1485 = arith.index_cast %add3A_1018 : i32 to index
          %swap3A_1486 = arith.constant 64 : index
          %swap3A_1487 = tpu.vector_load %arg20[%swap3A_1485, %swap3A_1486] {strides = array<i32>} : memref<32x128xf32, #tpu.memory_space<vmem>>, vector<16xf32>,
          tpu.vector_store %arg20[%swap3A_1485, %swap3A_1486], %add3A_1463 {strides = array<i32>} : memref<32x128xf32, #tpu.memory_space<vmem>>, vector<16xf32>,
          %swap3A_1488 = arith.index_cast %add3A_1031 : i32 to index
          %swap3A_1489 = arith.constant 64 : index
          %swap3A_1490 = tpu.vector_load %arg20[%swap3A_1488, %swap3A_1489] {strides = array<i32>} : memref<32x128xf32, #tpu.memory_space<vmem>>, vector<16xf32>,
          tpu.vector_store %arg20[%swap3A_1488, %swap3A_1489], %add3A_1470 {strides = array<i32>} : memref<32x128xf32, #tpu.memory_space<vmem>>, vector<16xf32>,
          %swap3A_1491 = arith.index_cast %add3A_1044 : i32 to index
          %swap3A_1492 = arith.constant 64 : index
          %swap3A_1493 = tpu.vector_load %arg20[%swap3A_1491, %swap3A_1492] {strides = array<i32>} : memref<32x128xf32, #tpu.memory_space<vmem>>, vector<16xf32>,
          tpu.vector_store %arg20[%swap3A_1491, %swap3A_1492], %add3A_1477 {strides = array<i32>} : memref<32x128xf32, #tpu.memory_space<vmem>>, vector<16xf32>,
          %swap3A_1494 = arith.index_cast %add3A_1057 : i32 to index
          %swap3A_1495 = arith.constant 64 : index
          %swap3A_1496 = tpu.vector_load %arg20[%swap3A_1494, %swap3A_1495] {strides = array<i32>} : memref<32x128xf32, #tpu.memory_space<vmem>>, vector<16xf32>,
          tpu.vector_store %arg20[%swap3A_1494, %swap3A_1495], %add3A_1484 {strides = array<i32>} : memref<32x128xf32, #tpu.memory_space<vmem>>, vector<16xf32>,
          %get3A_1497 = arith.index_cast %add3A_1018 : i32 to index
          %get3A_1498 = arith.constant 80 : index
          %get3A_1499 = tpu.vector_load %arg18[%get3A_1497, %get3A_1498] {strides = array<i32>} : memref<32x512xf32, #tpu.memory_space<vmem>>, vector<16xf32>,
          %get3A_1500 = arith.index_cast %add3A_1018 : i32 to index
          %get3A_1501 = arith.constant 208 : index
          %get3A_1502 = tpu.vector_load %arg18[%get3A_1500, %get3A_1501] {strides = array<i32>} : memref<32x512xf32, #tpu.memory_space<vmem>>, vector<16xf32>,
          %get3A_1503 = arith.index_cast %add3A_1018 : i32 to index
          %get3A_1504 = arith.constant 336 : index
          %get3A_1505 = tpu.vector_load %arg18[%get3A_1503, %get3A_1504] {strides = array<i32>} : memref<32x512xf32, #tpu.memory_space<vmem>>, vector<16xf32>,
          %get3A_1506 = arith.index_cast %add3A_1018 : i32 to index
          %get3A_1507 = arith.constant 464 : index
          %get3A_1508 = tpu.vector_load %arg18[%get3A_1506, %get3A_1507] {strides = array<i32>} : memref<32x512xf32, #tpu.memory_space<vmem>>, vector<16xf32>,
          %get3A_1509 = arith.index_cast %add3A_1031 : i32 to index
          %get3A_1510 = arith.constant 80 : index
          %get3A_1511 = tpu.vector_load %arg18[%get3A_1509, %get3A_1510] {strides = array<i32>} : memref<32x512xf32, #tpu.memory_space<vmem>>, vector<16xf32>,
          %get3A_1512 = arith.index_cast %add3A_1031 : i32 to index
          %get3A_1513 = arith.constant 208 : index
          %get3A_1514 = tpu.vector_load %arg18[%get3A_1512, %get3A_1513] {strides = array<i32>} : memref<32x512xf32, #tpu.memory_space<vmem>>, vector<16xf32>,
          %get3A_1515 = arith.index_cast %add3A_1031 : i32 to index
          %get3A_1516 = arith.constant 336 : index
          %get3A_1517 = tpu.vector_load %arg18[%get3A_1515, %get3A_1516] {strides = array<i32>} : memref<32x512xf32, #tpu.memory_space<vmem>>, vector<16xf32>,
          %get3A_1518 = arith.index_cast %add3A_1031 : i32 to index
          %get3A_1519 = arith.constant 464 : index
          %get3A_1520 = tpu.vector_load %arg18[%get3A_1518, %get3A_1519] {strides = array<i32>} : memref<32x512xf32, #tpu.memory_space<vmem>>, vector<16xf32>,
          %get3A_1521 = arith.index_cast %add3A_1044 : i32 to index
          %get3A_1522 = arith.constant 80 : index
          %get3A_1523 = tpu.vector_load %arg18[%get3A_1521, %get3A_1522] {strides = array<i32>} : memref<32x512xf32, #tpu.memory_space<vmem>>, vector<16xf32>,
          %get3A_1524 = arith.index_cast %add3A_1044 : i32 to index
          %get3A_1525 = arith.constant 208 : index
          %get3A_1526 = tpu.vector_load %arg18[%get3A_1524, %get3A_1525] {strides = array<i32>} : memref<32x512xf32, #tpu.memory_space<vmem>>, vector<16xf32>,
          %get3A_1527 = arith.index_cast %add3A_1044 : i32 to index
          %get3A_1528 = arith.constant 336 : index
          %get3A_1529 = tpu.vector_load %arg18[%get3A_1527, %get3A_1528] {strides = array<i32>} : memref<32x512xf32, #tpu.memory_space<vmem>>, vector<16xf32>,
          %get3A_1530 = arith.index_cast %add3A_1044 : i32 to index
          %get3A_1531 = arith.constant 464 : index
          %get3A_1532 = tpu.vector_load %arg18[%get3A_1530, %get3A_1531] {strides = array<i32>} : memref<32x512xf32, #tpu.memory_space<vmem>>, vector<16xf32>,
          %get3A_1533 = arith.index_cast %add3A_1057 : i32 to index
          %get3A_1534 = arith.constant 80 : index
          %get3A_1535 = tpu.vector_load %arg18[%get3A_1533, %get3A_1534] {strides = array<i32>} : memref<32x512xf32, #tpu.memory_space<vmem>>, vector<16xf32>,
          %get3A_1536 = arith.index_cast %add3A_1057 : i32 to index
          %get3A_1537 = arith.constant 208 : index
          %get3A_1538 = tpu.vector_load %arg18[%get3A_1536, %get3A_1537] {strides = array<i32>} : memref<32x512xf32, #tpu.memory_space<vmem>>, vector<16xf32>,
          %get3A_1539 = arith.index_cast %add3A_1057 : i32 to index
          %get3A_1540 = arith.constant 336 : index
          %get3A_1541 = tpu.vector_load %arg18[%get3A_1539, %get3A_1540] {strides = array<i32>} : memref<32x512xf32, #tpu.memory_space<vmem>>, vector<16xf32>,
          %get3A_1542 = arith.index_cast %add3A_1057 : i32 to index
          %get3A_1543 = arith.constant 464 : index
          %get3A_1544 = tpu.vector_load %arg18[%get3A_1542, %get3A_1543] {strides = array<i32>} : memref<32x512xf32, #tpu.memory_space<vmem>>, vector<16xf32>,
          %mul3A_1545 = arith.mulf %gather3A_1010, %get3A_1499 : vector<16xf32>
          %mul3A_1546 = arith.mulf %gather3A_1012, %get3A_1502 : vector<16xf32>
          %add3A_1547 = arith.addf %mul3A_1545, %mul3A_1546 : vector<16xf32>
          %mul3A_1548 = arith.mulf %gather3A_1014, %get3A_1505 : vector<16xf32>
          %mul3A_1549 = arith.mulf %gather3A_1016, %get3A_1508 : vector<16xf32>
          %add3A_1550 = arith.addf %mul3A_1548, %mul3A_1549 : vector<16xf32>
          %add3A_1551 = arith.addf %add3A_1547, %add3A_1550 : vector<16xf32>
          %mul3A_1552 = arith.mulf %gather3A_1023, %get3A_1511 : vector<16xf32>
          %mul3A_1553 = arith.mulf %gather3A_1025, %get3A_1514 : vector<16xf32>
          %add3A_1554 = arith.addf %mul3A_1552, %mul3A_1553 : vector<16xf32>
          %mul3A_1555 = arith.mulf %gather3A_1027, %get3A_1517 : vector<16xf32>
          %mul3A_1556 = arith.mulf %gather3A_1029, %get3A_1520 : vector<16xf32>
          %add3A_1557 = arith.addf %mul3A_1555, %mul3A_1556 : vector<16xf32>
          %add3A_1558 = arith.addf %add3A_1554, %add3A_1557 : vector<16xf32>
          %mul3A_1559 = arith.mulf %gather3A_1036, %get3A_1523 : vector<16xf32>
          %mul3A_1560 = arith.mulf %gather3A_1038, %get3A_1526 : vector<16xf32>
          %add3A_1561 = arith.addf %mul3A_1559, %mul3A_1560 : vector<16xf32>
          %mul3A_1562 = arith.mulf %gather3A_1040, %get3A_1529 : vector<16xf32>
          %mul3A_1563 = arith.mulf %gather3A_1042, %get3A_1532 : vector<16xf32>
          %add3A_1564 = arith.addf %mul3A_1562, %mul3A_1563 : vector<16xf32>
          %add3A_1565 = arith.addf %add3A_1561, %add3A_1564 : vector<16xf32>
          %mul3A_1566 = arith.mulf %gather3A_1049, %get3A_1535 : vector<16xf32>
          %mul3A_1567 = arith.mulf %gather3A_1051, %get3A_1538 : vector<16xf32>
          %add3A_1568 = arith.addf %mul3A_1566, %mul3A_1567 : vector<16xf32>
          %mul3A_1569 = arith.mulf %gather3A_1053, %get3A_1541 : vector<16xf32>
          %mul3A_1570 = arith.mulf %gather3A_1055, %get3A_1544 : vector<16xf32>
          %add3A_1571 = arith.addf %mul3A_1569, %mul3A_1570 : vector<16xf32>
          %add3A_1572 = arith.addf %add3A_1568, %add3A_1571 : vector<16xf32>
          %swap3A_1573 = arith.index_cast %add3A_1018 : i32 to index
          %swap3A_1574 = arith.constant 80 : index
          %swap3A_1575 = tpu.vector_load %arg20[%swap3A_1573, %swap3A_1574] {strides = array<i32>} : memref<32x128xf32, #tpu.memory_space<vmem>>, vector<16xf32>,
          tpu.vector_store %arg20[%swap3A_1573, %swap3A_1574], %add3A_1551 {strides = array<i32>} : memref<32x128xf32, #tpu.memory_space<vmem>>, vector<16xf32>,
          %swap3A_1576 = arith.index_cast %add3A_1031 : i32 to index
          %swap3A_1577 = arith.constant 80 : index
          %swap3A_1578 = tpu.vector_load %arg20[%swap3A_1576, %swap3A_1577] {strides = array<i32>} : memref<32x128xf32, #tpu.memory_space<vmem>>, vector<16xf32>,
          tpu.vector_store %arg20[%swap3A_1576, %swap3A_1577], %add3A_1558 {strides = array<i32>} : memref<32x128xf32, #tpu.memory_space<vmem>>, vector<16xf32>,
          %swap3A_1579 = arith.index_cast %add3A_1044 : i32 to index
          %swap3A_1580 = arith.constant 80 : index
          %swap3A_1581 = tpu.vector_load %arg20[%swap3A_1579, %swap3A_1580] {strides = array<i32>} : memref<32x128xf32, #tpu.memory_space<vmem>>, vector<16xf32>,
          tpu.vector_store %arg20[%swap3A_1579, %swap3A_1580], %add3A_1565 {strides = array<i32>} : memref<32x128xf32, #tpu.memory_space<vmem>>, vector<16xf32>,
          %swap3A_1582 = arith.index_cast %add3A_1057 : i32 to index
          %swap3A_1583 = arith.constant 80 : index
          %swap3A_1584 = tpu.vector_load %arg20[%swap3A_1582, %swap3A_1583] {strides = array<i32>} : memref<32x128xf32, #tpu.memory_space<vmem>>, vector<16xf32>,
          tpu.vector_store %arg20[%swap3A_1582, %swap3A_1583], %add3A_1572 {strides = array<i32>} : memref<32x128xf32, #tpu.memory_space<vmem>>, vector<16xf32>,
          %get3A_1585 = arith.index_cast %add3A_1018 : i32 to index
          %get3A_1586 = arith.constant 96 : index
          %get3A_1587 = tpu.vector_load %arg18[%get3A_1585, %get3A_1586] {strides = array<i32>} : memref<32x512xf32, #tpu.memory_space<vmem>>, vector<16xf32>,
          %get3A_1588 = arith.index_cast %add3A_1018 : i32 to index
          %get3A_1589 = arith.constant 224 : index
          %get3A_1590 = tpu.vector_load %arg18[%get3A_1588, %get3A_1589] {strides = array<i32>} : memref<32x512xf32, #tpu.memory_space<vmem>>, vector<16xf32>,
          %get3A_1591 = arith.index_cast %add3A_1018 : i32 to index
          %get3A_1592 = arith.constant 352 : index
          %get3A_1593 = tpu.vector_load %arg18[%get3A_1591, %get3A_1592] {strides = array<i32>} : memref<32x512xf32, #tpu.memory_space<vmem>>, vector<16xf32>,
          %get3A_1594 = arith.index_cast %add3A_1018 : i32 to index
          %get3A_1595 = arith.constant 480 : index
          %get3A_1596 = tpu.vector_load %arg18[%get3A_1594, %get3A_1595] {strides = array<i32>} : memref<32x512xf32, #tpu.memory_space<vmem>>, vector<16xf32>,
          %get3A_1597 = arith.index_cast %add3A_1031 : i32 to index
          %get3A_1598 = arith.constant 96 : index
          %get3A_1599 = tpu.vector_load %arg18[%get3A_1597, %get3A_1598] {strides = array<i32>} : memref<32x512xf32, #tpu.memory_space<vmem>>, vector<16xf32>,
          %get3A_1600 = arith.index_cast %add3A_1031 : i32 to index
          %get3A_1601 = arith.constant 224 : index
          %get3A_1602 = tpu.vector_load %arg18[%get3A_1600, %get3A_1601] {strides = array<i32>} : memref<32x512xf32, #tpu.memory_space<vmem>>, vector<16xf32>,
          %get3A_1603 = arith.index_cast %add3A_1031 : i32 to index
          %get3A_1604 = arith.constant 352 : index
          %get3A_1605 = tpu.vector_load %arg18[%get3A_1603, %get3A_1604] {strides = array<i32>} : memref<32x512xf32, #tpu.memory_space<vmem>>, vector<16xf32>,
          %get3A_1606 = arith.index_cast %add3A_1031 : i32 to index
          %get3A_1607 = arith.constant 480 : index
          %get3A_1608 = tpu.vector_load %arg18[%get3A_1606, %get3A_1607] {strides = array<i32>} : memref<32x512xf32, #tpu.memory_space<vmem>>, vector<16xf32>,
          %get3A_1609 = arith.index_cast %add3A_1044 : i32 to index
          %get3A_1610 = arith.constant 96 : index
          %get3A_1611 = tpu.vector_load %arg18[%get3A_1609, %get3A_1610] {strides = array<i32>} : memref<32x512xf32, #tpu.memory_space<vmem>>, vector<16xf32>,
          %get3A_1612 = arith.index_cast %add3A_1044 : i32 to index
          %get3A_1613 = arith.constant 224 : index
          %get3A_1614 = tpu.vector_load %arg18[%get3A_1612, %get3A_1613] {strides = array<i32>} : memref<32x512xf32, #tpu.memory_space<vmem>>, vector<16xf32>,
          %get3A_1615 = arith.index_cast %add3A_1044 : i32 to index
          %get3A_1616 = arith.constant 352 : index
          %get3A_1617 = tpu.vector_load %arg18[%get3A_1615, %get3A_1616] {strides = array<i32>} : memref<32x512xf32, #tpu.memory_space<vmem>>, vector<16xf32>,
          %get3A_1618 = arith.index_cast %add3A_1044 : i32 to index
          %get3A_1619 = arith.constant 480 : index
          %get3A_1620 = tpu.vector_load %arg18[%get3A_1618, %get3A_1619] {strides = array<i32>} : memref<32x512xf32, #tpu.memory_space<vmem>>, vector<16xf32>,
          %get3A_1621 = arith.index_cast %add3A_1057 : i32 to index
          %get3A_1622 = arith.constant 96 : index
          %get3A_1623 = tpu.vector_load %arg18[%get3A_1621, %get3A_1622] {strides = array<i32>} : memref<32x512xf32, #tpu.memory_space<vmem>>, vector<16xf32>,
          %get3A_1624 = arith.index_cast %add3A_1057 : i32 to index
          %get3A_1625 = arith.constant 224 : index
          %get3A_1626 = tpu.vector_load %arg18[%get3A_1624, %get3A_1625] {strides = array<i32>} : memref<32x512xf32, #tpu.memory_space<vmem>>, vector<16xf32>,
          %get3A_1627 = arith.index_cast %add3A_1057 : i32 to index
          %get3A_1628 = arith.constant 352 : index
          %get3A_1629 = tpu.vector_load %arg18[%get3A_1627, %get3A_1628] {strides = array<i32>} : memref<32x512xf32, #tpu.memory_space<vmem>>, vector<16xf32>,
          %get3A_1630 = arith.index_cast %add3A_1057 : i32 to index
          %get3A_1631 = arith.constant 480 : index
          %get3A_1632 = tpu.vector_load %arg18[%get3A_1630, %get3A_1631] {strides = array<i32>} : memref<32x512xf32, #tpu.memory_space<vmem>>, vector<16xf32>,
          %mul3A_1633 = arith.mulf %gather3A_1010, %get3A_1587 : vector<16xf32>
          %mul3A_1634 = arith.mulf %gather3A_1012, %get3A_1590 : vector<16xf32>
          %add3A_1635 = arith.addf %mul3A_1633, %mul3A_1634 : vector<16xf32>
          %mul3A_1636 = arith.mulf %gather3A_1014, %get3A_1593 : vector<16xf32>
          %mul3A_1637 = arith.mulf %gather3A_1016, %get3A_1596 : vector<16xf32>
          %add3A_1638 = arith.addf %mul3A_1636, %mul3A_1637 : vector<16xf32>
          %add3A_1639 = arith.addf %add3A_1635, %add3A_1638 : vector<16xf32>
          %mul3A_1640 = arith.mulf %gather3A_1023, %get3A_1599 : vector<16xf32>
          %mul3A_1641 = arith.mulf %gather3A_1025, %get3A_1602 : vector<16xf32>
          %add3A_1642 = arith.addf %mul3A_1640, %mul3A_1641 : vector<16xf32>
          %mul3A_1643 = arith.mulf %gather3A_1027, %get3A_1605 : vector<16xf32>
          %mul3A_1644 = arith.mulf %gather3A_1029, %get3A_1608 : vector<16xf32>
          %add3A_1645 = arith.addf %mul3A_1643, %mul3A_1644 : vector<16xf32>
          %add3A_1646 = arith.addf %add3A_1642, %add3A_1645 : vector<16xf32>
          %mul3A_1647 = arith.mulf %gather3A_1036, %get3A_1611 : vector<16xf32>
          %mul3A_1648 = arith.mulf %gather3A_1038, %get3A_1614 : vector<16xf32>
          %add3A_1649 = arith.addf %mul3A_1647, %mul3A_1648 : vector<16xf32>
          %mul3A_1650 = arith.mulf %gather3A_1040, %get3A_1617 : vector<16xf32>
          %mul3A_1651 = arith.mulf %gather3A_1042, %get3A_1620 : vector<16xf32>
          %add3A_1652 = arith.addf %mul3A_1650, %mul3A_1651 : vector<16xf32>
          %add3A_1653 = arith.addf %add3A_1649, %add3A_1652 : vector<16xf32>
          %mul3A_1654 = arith.mulf %gather3A_1049, %get3A_1623 : vector<16xf32>
          %mul3A_1655 = arith.mulf %gather3A_1051, %get3A_1626 : vector<16xf32>
          %add3A_1656 = arith.addf %mul3A_1654, %mul3A_1655 : vector<16xf32>
          %mul3A_1657 = arith.mulf %gather3A_1053, %get3A_1629 : vector<16xf32>
          %mul3A_1658 = arith.mulf %gather3A_1055, %get3A_1632 : vector<16xf32>
          %add3A_1659 = arith.addf %mul3A_1657, %mul3A_1658 : vector<16xf32>
          %add3A_1660 = arith.addf %add3A_1656, %add3A_1659 : vector<16xf32>
          %swap3A_1661 = arith.index_cast %add3A_1018 : i32 to index
          %swap3A_1662 = arith.constant 96 : index
          %swap3A_1663 = tpu.vector_load %arg20[%swap3A_1661, %swap3A_1662] {strides = array<i32>} : memref<32x128xf32, #tpu.memory_space<vmem>>, vector<16xf32>,
          tpu.vector_store %arg20[%swap3A_1661, %swap3A_1662], %add3A_1639 {strides = array<i32>} : memref<32x128xf32, #tpu.memory_space<vmem>>, vector<16xf32>,
          %swap3A_1664 = arith.index_cast %add3A_1031 : i32 to index
          %swap3A_1665 = arith.constant 96 : index
          %swap3A_1666 = tpu.vector_load %arg20[%swap3A_1664, %swap3A_1665] {strides = array<i32>} : memref<32x128xf32, #tpu.memory_space<vmem>>, vector<16xf32>,
          tpu.vector_store %arg20[%swap3A_1664, %swap3A_1665], %add3A_1646 {strides = array<i32>} : memref<32x128xf32, #tpu.memory_space<vmem>>, vector<16xf32>,
          %swap3A_1667 = arith.index_cast %add3A_1044 : i32 to index
          %swap3A_1668 = arith.constant 96 : index
          %swap3A_1669 = tpu.vector_load %arg20[%swap3A_1667, %swap3A_1668] {strides = array<i32>} : memref<32x128xf32, #tpu.memory_space<vmem>>, vector<16xf32>,
          tpu.vector_store %arg20[%swap3A_1667, %swap3A_1668], %add3A_1653 {strides = array<i32>} : memref<32x128xf32, #tpu.memory_space<vmem>>, vector<16xf32>,
          %swap3A_1670 = arith.index_cast %add3A_1057 : i32 to index
          %swap3A_1671 = arith.constant 96 : index
          %swap3A_1672 = tpu.vector_load %arg20[%swap3A_1670, %swap3A_1671] {strides = array<i32>} : memref<32x128xf32, #tpu.memory_space<vmem>>, vector<16xf32>,
          tpu.vector_store %arg20[%swap3A_1670, %swap3A_1671], %add3A_1660 {strides = array<i32>} : memref<32x128xf32, #tpu.memory_space<vmem>>, vector<16xf32>,
          %get3A_1673 = arith.index_cast %add3A_1018 : i32 to index
          %get3A_1674 = arith.constant 112 : index
          %get3A_1675 = tpu.vector_load %arg18[%get3A_1673, %get3A_1674] {strides = array<i32>} : memref<32x512xf32, #tpu.memory_space<vmem>>, vector<16xf32>,
          %get3A_1676 = arith.index_cast %add3A_1018 : i32 to index
          %get3A_1677 = arith.constant 240 : index
          %get3A_1678 = tpu.vector_load %arg18[%get3A_1676, %get3A_1677] {strides = array<i32>} : memref<32x512xf32, #tpu.memory_space<vmem>>, vector<16xf32>,
          %get3A_1679 = arith.index_cast %add3A_1018 : i32 to index
          %get3A_1680 = arith.constant 368 : index
          %get3A_1681 = tpu.vector_load %arg18[%get3A_1679, %get3A_1680] {strides = array<i32>} : memref<32x512xf32, #tpu.memory_space<vmem>>, vector<16xf32>,
          %get3A_1682 = arith.index_cast %add3A_1018 : i32 to index
          %get3A_1683 = arith.constant 496 : index
          %get3A_1684 = tpu.vector_load %arg18[%get3A_1682, %get3A_1683] {strides = array<i32>} : memref<32x512xf32, #tpu.memory_space<vmem>>, vector<16xf32>,
          %get3A_1685 = arith.index_cast %add3A_1031 : i32 to index
          %get3A_1686 = arith.constant 112 : index
          %get3A_1687 = tpu.vector_load %arg18[%get3A_1685, %get3A_1686] {strides = array<i32>} : memref<32x512xf32, #tpu.memory_space<vmem>>, vector<16xf32>,
          %get3A_1688 = arith.index_cast %add3A_1031 : i32 to index
          %get3A_1689 = arith.constant 240 : index
          %get3A_1690 = tpu.vector_load %arg18[%get3A_1688, %get3A_1689] {strides = array<i32>} : memref<32x512xf32, #tpu.memory_space<vmem>>, vector<16xf32>,
          %get3A_1691 = arith.index_cast %add3A_1031 : i32 to index
          %get3A_1692 = arith.constant 368 : index
          %get3A_1693 = tpu.vector_load %arg18[%get3A_1691, %get3A_1692] {strides = array<i32>} : memref<32x512xf32, #tpu.memory_space<vmem>>, vector<16xf32>,
          %get3A_1694 = arith.index_cast %add3A_1031 : i32 to index
          %get3A_1695 = arith.constant 496 : index
          %get3A_1696 = tpu.vector_load %arg18[%get3A_1694, %get3A_1695] {strides = array<i32>} : memref<32x512xf32, #tpu.memory_space<vmem>>, vector<16xf32>,
          %get3A_1697 = arith.index_cast %add3A_1044 : i32 to index
          %get3A_1698 = arith.constant 112 : index
          %get3A_1699 = tpu.vector_load %arg18[%get3A_1697, %get3A_1698] {strides = array<i32>} : memref<32x512xf32, #tpu.memory_space<vmem>>, vector<16xf32>,
          %get3A_1700 = arith.index_cast %add3A_1044 : i32 to index
          %get3A_1701 = arith.constant 240 : index
          %get3A_1702 = tpu.vector_load %arg18[%get3A_1700, %get3A_1701] {strides = array<i32>} : memref<32x512xf32, #tpu.memory_space<vmem>>, vector<16xf32>,
          %get3A_1703 = arith.index_cast %add3A_1044 : i32 to index
          %get3A_1704 = arith.constant 368 : index
          %get3A_1705 = tpu.vector_load %arg18[%get3A_1703, %get3A_1704] {strides = array<i32>} : memref<32x512xf32, #tpu.memory_space<vmem>>, vector<16xf32>,
          %get3A_1706 = arith.index_cast %add3A_1044 : i32 to index
          %get3A_1707 = arith.constant 496 : index
          %get3A_1708 = tpu.vector_load %arg18[%get3A_1706, %get3A_1707] {strides = array<i32>} : memref<32x512xf32, #tpu.memory_space<vmem>>, vector<16xf32>,
          %get3A_1709 = arith.index_cast %add3A_1057 : i32 to index
          %get3A_1710 = arith.constant 112 : index
          %get3A_1711 = tpu.vector_load %arg18[%get3A_1709, %get3A_1710] {strides = array<i32>} : memref<32x512xf32, #tpu.memory_space<vmem>>, vector<16xf32>,
          %get3A_1712 = arith.index_cast %add3A_1057 : i32 to index
          %get3A_1713 = arith.constant 240 : index
          %get3A_1714 = tpu.vector_load %arg18[%get3A_1712, %get3A_1713] {strides = array<i32>} : memref<32x512xf32, #tpu.memory_space<vmem>>, vector<16xf32>,
          %get3A_1715 = arith.index_cast %add3A_1057 : i32 to index
          %get3A_1716 = arith.constant 368 : index
          %get3A_1717 = tpu.vector_load %arg18[%get3A_1715, %get3A_1716] {strides = array<i32>} : memref<32x512xf32, #tpu.memory_space<vmem>>, vector<16xf32>,
          %get3A_1718 = arith.index_cast %add3A_1057 : i32 to index
          %get3A_1719 = arith.constant 496 : index
          %get3A_1720 = tpu.vector_load %arg18[%get3A_1718, %get3A_1719] {strides = array<i32>} : memref<32x512xf32, #tpu.memory_space<vmem>>, vector<16xf32>,
          %mul3A_1721 = arith.mulf %gather3A_1010, %get3A_1675 : vector<16xf32>
          %mul3A_1722 = arith.mulf %gather3A_1012, %get3A_1678 : vector<16xf32>
          %add3A_1723 = arith.addf %mul3A_1721, %mul3A_1722 : vector<16xf32>
          %mul3A_1724 = arith.mulf %gather3A_1014, %get3A_1681 : vector<16xf32>
          %mul3A_1725 = arith.mulf %gather3A_1016, %get3A_1684 : vector<16xf32>
          %add3A_1726 = arith.addf %mul3A_1724, %mul3A_1725 : vector<16xf32>
          %add3A_1727 = arith.addf %add3A_1723, %add3A_1726 : vector<16xf32>
          %mul3A_1728 = arith.mulf %gather3A_1023, %get3A_1687 : vector<16xf32>
          %mul3A_1729 = arith.mulf %gather3A_1025, %get3A_1690 : vector<16xf32>
          %add3A_1730 = arith.addf %mul3A_1728, %mul3A_1729 : vector<16xf32>
          %mul3A_1731 = arith.mulf %gather3A_1027, %get3A_1693 : vector<16xf32>
          %mul3A_1732 = arith.mulf %gather3A_1029, %get3A_1696 : vector<16xf32>
          %add3A_1733 = arith.addf %mul3A_1731, %mul3A_1732 : vector<16xf32>
          %add3A_1734 = arith.addf %add3A_1730, %add3A_1733 : vector<16xf32>
          %mul3A_1735 = arith.mulf %gather3A_1036, %get3A_1699 : vector<16xf32>
          %mul3A_1736 = arith.mulf %gather3A_1038, %get3A_1702 : vector<16xf32>
          %add3A_1737 = arith.addf %mul3A_1735, %mul3A_1736 : vector<16xf32>
          %mul3A_1738 = arith.mulf %gather3A_1040, %get3A_1705 : vector<16xf32>
          %mul3A_1739 = arith.mulf %gather3A_1042, %get3A_1708 : vector<16xf32>
          %add3A_1740 = arith.addf %mul3A_1738, %mul3A_1739 : vector<16xf32>
          %add3A_1741 = arith.addf %add3A_1737, %add3A_1740 : vector<16xf32>
          %mul3A_1742 = arith.mulf %gather3A_1049, %get3A_1711 : vector<16xf32>
          %mul3A_1743 = arith.mulf %gather3A_1051, %get3A_1714 : vector<16xf32>
          %add3A_1744 = arith.addf %mul3A_1742, %mul3A_1743 : vector<16xf32>
          %mul3A_1745 = arith.mulf %gather3A_1053, %get3A_1717 : vector<16xf32>
          %mul3A_1746 = arith.mulf %gather3A_1055, %get3A_1720 : vector<16xf32>
          %add3A_1747 = arith.addf %mul3A_1745, %mul3A_1746 : vector<16xf32>
          %add3A_1748 = arith.addf %add3A_1744, %add3A_1747 : vector<16xf32>
          %swap3A_1749 = arith.index_cast %add3A_1018 : i32 to index
          %swap3A_1750 = arith.constant 112 : index
          %swap3A_1751 = tpu.vector_load %arg20[%swap3A_1749, %swap3A_1750] {strides = array<i32>} : memref<32x128xf32, #tpu.memory_space<vmem>>, vector<16xf32>,
          tpu.vector_store %arg20[%swap3A_1749, %swap3A_1750], %add3A_1727 {strides = array<i32>} : memref<32x128xf32, #tpu.memory_space<vmem>>, vector<16xf32>,
          %swap3A_1752 = arith.index_cast %add3A_1031 : i32 to index
          %swap3A_1753 = arith.constant 112 : index
          %swap3A_1754 = tpu.vector_load %arg20[%swap3A_1752, %swap3A_1753] {strides = array<i32>} : memref<32x128xf32, #tpu.memory_space<vmem>>, vector<16xf32>,
          tpu.vector_store %arg20[%swap3A_1752, %swap3A_1753], %add3A_1734 {strides = array<i32>} : memref<32x128xf32, #tpu.memory_space<vmem>>, vector<16xf32>,
          %swap3A_1755 = arith.index_cast %add3A_1044 : i32 to index
          %swap3A_1756 = arith.constant 112 : index
          %swap3A_1757 = tpu.vector_load %arg20[%swap3A_1755, %swap3A_1756] {strides = array<i32>} : memref<32x128xf32, #tpu.memory_space<vmem>>, vector<16xf32>,
          tpu.vector_store %arg20[%swap3A_1755, %swap3A_1756], %add3A_1741 {strides = array<i32>} : memref<32x128xf32, #tpu.memory_space<vmem>>, vector<16xf32>,
          %swap3A_1758 = arith.index_cast %add3A_1057 : i32 to index
          %swap3A_1759 = arith.constant 112 : index
          %swap3A_1760 = tpu.vector_load %arg20[%swap3A_1758, %swap3A_1759] {strides = array<i32>} : memref<32x128xf32, #tpu.memory_space<vmem>>, vector<16xf32>,
          tpu.vector_store %arg20[%swap3A_1758, %swap3A_1759], %add3A_1748 {strides = array<i32>} : memref<32x128xf32, #tpu.memory_space<vmem>>, vector<16xf32>,
        }
        %scan3A_815 = arith.constant 4 : i32
        %mul3A_816 = arith.constant 32 : i32
        %mul3A_817 = arith.muli %add3A_112, %mul3A_816 : i32
        %add3A_818 = arith.constant 16 : i32
        %add3A_819 = arith.addi %mul3A_817, %add3A_818 : i32
        %jit3A_820 = arith.constant 128 : i32
        %div3A_821 = arith.divsi %add3A_819, %jit3A_820 : i32
        %sign3A_822 = arith.constant 0 : i32
        %sign3A_823 = arith.cmpi sgt, %add3A_819, %sign3A_822 : i32
        %sign3A_824 = arith.extui %sign3A_823 : i1 to i32
        %sign3A_825 = arith.constant 0 : i32
        %sign3A_826 = arith.cmpi slt, %add3A_819, %sign3A_825 : i32
        %sign3A_827 = arith.extui %sign3A_826 : i1 to i32
        %sign3A_828 = arith.subi %sign3A_824, %sign3A_827 : i32
        %sign3A_829 = arith.constant 0 : i32
        %sign3A_830 = arith.cmpi sgt, %jit3A_820, %sign3A_829 : i32
        %sign3A_831 = arith.extui %sign3A_830 : i1 to i32
        %sign3A_832 = arith.constant 0 : i32
        %sign3A_833 = arith.cmpi slt, %jit3A_820, %sign3A_832 : i32
        %sign3A_834 = arith.extui %sign3A_833 : i1 to i32
        %sign3A_835 = arith.subi %sign3A_831, %sign3A_834 : i32
        %ne3A_836 = arith.cmpi ne, %sign3A_828, %sign3A_835 : i32
        %rem3A_837 = arith.remsi %add3A_819, %jit3A_820 : i32
        %ne3A_838 = arith.constant 0 : i32
        %ne3A_839 = arith.cmpi ne, %rem3A_837, %ne3A_838 : i32
        %and3A_840 = arith.andi %ne3A_836, %ne3A_839 : i1
        %sub3A_841 = arith.constant 1 : i32
        %sub3A_842 = arith.subi %div3A_821, %sub3A_841 : i32
        %select_n3A_843 = arith.select %and3A_840, %sub3A_842, %div3A_821 : i32
        %jit3A_844 = arith.constant 128 : i32
        %eq3A_845 = arith.constant 0 : i32
        %eq3A_846 = arith.cmpi eq, %jit3A_844, %eq3A_845 : i32
        %jit3A_847 = arith.constant 1 : i32
        %select_n3A_848 = arith.select %eq3A_846, %jit3A_847, %jit3A_844 : i32
        %rem3A_849 = arith.remsi %add3A_819, %select_n3A_848 : i32
        %ne3A_850 = arith.constant 0 : i32
        %ne3A_851 = arith.cmpi ne, %rem3A_849, %ne3A_850 : i32
        %lt3A_852 = arith.constant 0 : i32
        %lt3A_853 = arith.cmpi slt, %rem3A_849, %lt3A_852 : i32
        %lt3A_854 = arith.constant 0 : i32
        %lt3A_855 = arith.cmpi slt, %select_n3A_848, %lt3A_854 : i32
        %ne3A_856 = arith.xori %lt3A_853, %lt3A_855 : i1
        %and3A_857 = arith.andi %ne3A_856, %ne3A_851 : i1
        %add3A_858 = arith.addi %rem3A_849, %select_n3A_848 : i32
        %select_n3A_859 = arith.select %and3A_857, %add3A_858, %rem3A_849 : i32
        %get3A_860 = arith.index_cast %select_n3A_843 : i32 to index
        %get3A_861 = arith.index_cast %select_n3A_859 : i32 to index
        %get3A_862 = tpu.vector_load %arg13[%get3A_860, %get3A_861] {strides = array<i32>} : memref<8x128xf32, #tpu.memory_space<vmem>>, vector<16xf32>,
        %jit3A_863 = arith.constant 128 : i32
        %div3A_864 = arith.divsi %add3A_819, %jit3A_863 : i32
        %sign3A_865 = arith.constant 0 : i32
        %sign3A_866 = arith.cmpi sgt, %add3A_819, %sign3A_865 : i32
        %sign3A_867 = arith.extui %sign3A_866 : i1 to i32
        %sign3A_868 = arith.constant 0 : i32
        %sign3A_869 = arith.cmpi slt, %add3A_819, %sign3A_868 : i32
        %sign3A_870 = arith.extui %sign3A_869 : i1 to i32
        %sign3A_871 = arith.subi %sign3A_867, %sign3A_870 : i32
        %sign3A_872 = arith.constant 0 : i32
        %sign3A_873 = arith.cmpi sgt, %jit3A_863, %sign3A_872 : i32
        %sign3A_874 = arith.extui %sign3A_873 : i1 to i32
        %sign3A_875 = arith.constant 0 : i32
        %sign3A_876 = arith.cmpi slt, %jit3A_863, %sign3A_875 : i32
        %sign3A_877 = arith.extui %sign3A_876 : i1 to i32
        %sign3A_878 = arith.subi %sign3A_874, %sign3A_877 : i32
        %ne3A_879 = arith.cmpi ne, %sign3A_871, %sign3A_878 : i32
        %rem3A_880 = arith.remsi %add3A_819, %jit3A_863 : i32
        %ne3A_881 = arith.constant 0 : i32
        %ne3A_882 = arith.cmpi ne, %rem3A_880, %ne3A_881 : i32
        %and3A_883 = arith.andi %ne3A_879, %ne3A_882 : i1
        %sub3A_884 = arith.constant 1 : i32
        %sub3A_885 = arith.subi %div3A_864, %sub3A_884 : i32
        %select_n3A_886 = arith.select %and3A_883, %sub3A_885, %div3A_864 : i32
        %jit3A_887 = arith.constant 128 : i32
        %eq3A_888 = arith.constant 0 : i32
        %eq3A_889 = arith.cmpi eq, %jit3A_887, %eq3A_888 : i32
        %jit3A_890 = arith.constant 1 : i32
        %select_n3A_891 = arith.select %eq3A_889, %jit3A_890, %jit3A_887 : i32
        %rem3A_892 = arith.remsi %add3A_819, %select_n3A_891 : i32
        %ne3A_893 = arith.constant 0 : i32
        %ne3A_894 = arith.cmpi ne, %rem3A_892, %ne3A_893 : i32
        %lt3A_895 = arith.constant 0 : i32
        %lt3A_896 = arith.cmpi slt, %rem3A_892, %lt3A_895 : i32
        %lt3A_897 = arith.constant 0 : i32
        %lt3A_898 = arith.cmpi slt, %select_n3A_891, %lt3A_897 : i32
        %ne3A_899 = arith.xori %lt3A_896, %lt3A_898 : i1
        %and3A_900 = arith.andi %ne3A_899, %ne3A_894 : i1
        %add3A_901 = arith.addi %rem3A_892, %select_n3A_891 : i32
        %select_n3A_902 = arith.select %and3A_900, %add3A_901, %rem3A_892 : i32
        %get3A_903 = arith.index_cast %select_n3A_886 : i32 to index
        %get3A_904 = arith.index_cast %select_n3A_902 : i32 to index
        %get3A_905 = tpu.vector_load %arg14[%get3A_903, %get3A_904] {strides = array<i32>} : memref<8x128xf32, #tpu.memory_space<vmem>>, vector<16xf32>,
        %jit3A_906 = arith.constant 128 : i32
        %div3A_907 = arith.divsi %add3A_819, %jit3A_906 : i32
        %sign3A_908 = arith.constant 0 : i32
        %sign3A_909 = arith.cmpi sgt, %add3A_819, %sign3A_908 : i32
        %sign3A_910 = arith.extui %sign3A_909 : i1 to i32
        %sign3A_911 = arith.constant 0 : i32
        %sign3A_912 = arith.cmpi slt, %add3A_819, %sign3A_911 : i32
        %sign3A_913 = arith.extui %sign3A_912 : i1 to i32
        %sign3A_914 = arith.subi %sign3A_910, %sign3A_913 : i32
        %sign3A_915 = arith.constant 0 : i32
        %sign3A_916 = arith.cmpi sgt, %jit3A_906, %sign3A_915 : i32
        %sign3A_917 = arith.extui %sign3A_916 : i1 to i32
        %sign3A_918 = arith.constant 0 : i32
        %sign3A_919 = arith.cmpi slt, %jit3A_906, %sign3A_918 : i32
        %sign3A_920 = arith.extui %sign3A_919 : i1 to i32
        %sign3A_921 = arith.subi %sign3A_917, %sign3A_920 : i32
        %ne3A_922 = arith.cmpi ne, %sign3A_914, %sign3A_921 : i32
        %rem3A_923 = arith.remsi %add3A_819, %jit3A_906 : i32
        %ne3A_924 = arith.constant 0 : i32
        %ne3A_925 = arith.cmpi ne, %rem3A_923, %ne3A_924 : i32
        %and3A_926 = arith.andi %ne3A_922, %ne3A_925 : i1
        %sub3A_927 = arith.constant 1 : i32
        %sub3A_928 = arith.subi %div3A_907, %sub3A_927 : i32
        %select_n3A_929 = arith.select %and3A_926, %sub3A_928, %div3A_907 : i32
        %jit3A_930 = arith.constant 128 : i32
        %eq3A_931 = arith.constant 0 : i32
        %eq3A_932 = arith.cmpi eq, %jit3A_930, %eq3A_931 : i32
        %jit3A_933 = arith.constant 1 : i32
        %select_n3A_934 = arith.select %eq3A_932, %jit3A_933, %jit3A_930 : i32
        %rem3A_935 = arith.remsi %add3A_819, %select_n3A_934 : i32
        %ne3A_936 = arith.constant 0 : i32
        %ne3A_937 = arith.cmpi ne, %rem3A_935, %ne3A_936 : i32
        %lt3A_938 = arith.constant 0 : i32
        %lt3A_939 = arith.cmpi slt, %rem3A_935, %lt3A_938 : i32
        %lt3A_940 = arith.constant 0 : i32
        %lt3A_941 = arith.cmpi slt, %select_n3A_934, %lt3A_940 : i32
        %ne3A_942 = arith.xori %lt3A_939, %lt3A_941 : i1
        %and3A_943 = arith.andi %ne3A_942, %ne3A_937 : i1
        %add3A_944 = arith.addi %rem3A_935, %select_n3A_934 : i32
        %select_n3A_945 = arith.select %and3A_943, %add3A_944, %rem3A_935 : i32
        %get3A_946 = arith.index_cast %select_n3A_929 : i32 to index
        %get3A_947 = arith.index_cast %select_n3A_945 : i32 to index
        %get3A_948 = tpu.vector_load %arg15[%get3A_946, %get3A_947] {strides = array<i32>} : memref<8x128xf32, #tpu.memory_space<vmem>>, vector<16xf32>,
        %jit3A_949 = arith.constant 128 : i32
        %div3A_950 = arith.divsi %add3A_819, %jit3A_949 : i32
        %sign3A_951 = arith.constant 0 : i32
        %sign3A_952 = arith.cmpi sgt, %add3A_819, %sign3A_951 : i32
        %sign3A_953 = arith.extui %sign3A_952 : i1 to i32
        %sign3A_954 = arith.constant 0 : i32
        %sign3A_955 = arith.cmpi slt, %add3A_819, %sign3A_954 : i32
        %sign3A_956 = arith.extui %sign3A_955 : i1 to i32
        %sign3A_957 = arith.subi %sign3A_953, %sign3A_956 : i32
        %sign3A_958 = arith.constant 0 : i32
        %sign3A_959 = arith.cmpi sgt, %jit3A_949, %sign3A_958 : i32
        %sign3A_960 = arith.extui %sign3A_959 : i1 to i32
        %sign3A_961 = arith.constant 0 : i32
        %sign3A_962 = arith.cmpi slt, %jit3A_949, %sign3A_961 : i32
        %sign3A_963 = arith.extui %sign3A_962 : i1 to i32
        %sign3A_964 = arith.subi %sign3A_960, %sign3A_963 : i32
        %ne3A_965 = arith.cmpi ne, %sign3A_957, %sign3A_964 : i32
        %rem3A_966 = arith.remsi %add3A_819, %jit3A_949 : i32
        %ne3A_967 = arith.constant 0 : i32
        %ne3A_968 = arith.cmpi ne, %rem3A_966, %ne3A_967 : i32
        %and3A_969 = arith.andi %ne3A_965, %ne3A_968 : i1
        %sub3A_970 = arith.constant 1 : i32
        %sub3A_971 = arith.subi %div3A_950, %sub3A_970 : i32
        %select_n3A_972 = arith.select %and3A_969, %sub3A_971, %div3A_950 : i32
        %jit3A_973 = arith.constant 128 : i32
        %eq3A_974 = arith.constant 0 : i32
        %eq3A_975 = arith.cmpi eq, %jit3A_973, %eq3A_974 : i32
        %jit3A_976 = arith.constant 1 : i32
        %select_n3A_977 = arith.select %eq3A_975, %jit3A_976, %jit3A_973 : i32
        %rem3A_978 = arith.remsi %add3A_819, %select_n3A_977 : i32
        %ne3A_979 = arith.constant 0 : i32
        %ne3A_980 = arith.cmpi ne, %rem3A_978, %ne3A_979 : i32
        %lt3A_981 = arith.constant 0 : i32
        %lt3A_982 = arith.cmpi slt, %rem3A_978, %lt3A_981 : i32
        %lt3A_983 = arith.constant 0 : i32
        %lt3A_984 = arith.cmpi slt, %select_n3A_977, %lt3A_983 : i32
        %ne3A_985 = arith.xori %lt3A_982, %lt3A_984 : i1
        %and3A_986 = arith.andi %ne3A_985, %ne3A_980 : i1
        %add3A_987 = arith.addi %rem3A_978, %select_n3A_977 : i32
        %select_n3A_988 = arith.select %and3A_986, %add3A_987, %rem3A_978 : i32
        %get3A_989 = arith.index_cast %select_n3A_972 : i32 to index
        %get3A_990 = arith.index_cast %select_n3A_988 : i32 to index
        %get3A_991 = tpu.vector_load %arg16[%get3A_989, %get3A_990] {strides = array<i32>} : memref<8x128xf32, #tpu.memory_space<vmem>>, vector<16xf32>,
        %scan3A_992 = arith.constant 0 : i32
        %scan3A_993 = arith.constant 4 : i32
        %scan3A_994 = arith.addi %scan3A_992, %scan3A_993 : i32
        %scan3A_995 = arith.constant 1 : i32
        scf.for %scan3A_1003 = %scan3A_992 to %scan3A_994 step %scan3A_995  : i32 {
          %mul3A_1004 = arith.constant 4 : i32
          %mul3A_1005 = arith.muli %scan3A_1003, %mul3A_1004 : i32
          %add3A_1006 = arith.constant 0 : i32
          %add3A_1007 = arith.addi %add3A_1006, %mul3A_1005 : i32
          %add3A_1008 = arith.constant 0 : i32
          %add3A_1009 = arith.addi %add3A_1007, %add3A_1008 : i32
          %broadcast_in_dim3A = vector.broadcast %add3A_1009 : i32 to vector<16x1xi32>
          %gather3A = vector.shape_cast %broadcast_in_dim3A : vector<16x1xi32> to vector<16xi32>
          %gather3A_1010 = tpu.dynamic_gather %get3A_862[%gather3A] in [0] : vector<16xf32>, vector<16xi32> -> vector<16xf32>
          %gather3A_1011 = vector.shape_cast %broadcast_in_dim3A : vector<16x1xi32> to vector<16xi32>
          %gather3A_1012 = tpu.dynamic_gather %get3A_905[%gather3A_1011] in [0] : vector<16xf32>, vector<16xi32> -> vector<16xf32>
          %gather3A_1013 = vector.shape_cast %broadcast_in_dim3A : vector<16x1xi32> to vector<16xi32>
          %gather3A_1014 = tpu.dynamic_gather %get3A_948[%gather3A_1013] in [0] : vector<16xf32>, vector<16xi32> -> vector<16xf32>
          %gather3A_1015 = vector.shape_cast %broadcast_in_dim3A : vector<16x1xi32> to vector<16xi32>
          %gather3A_1016 = tpu.dynamic_gather %get3A_991[%gather3A_1015] in [0] : vector<16xf32>, vector<16xi32> -> vector<16xf32>
          %add3A_1017 = arith.constant 16 : i32
          %add3A_1018 = arith.addi %add3A_1017, %add3A_1009 : i32
          %add3A_1019 = arith.constant 1 : i32
          %add3A_1020 = arith.addi %add3A_1007, %add3A_1019 : i32
          %broadcast_in_dim3A_1021 = vector.broadcast %add3A_1020 : i32 to vector<16x1xi32>
          %gather3A_1022 = vector.shape_cast %broadcast_in_dim3A_1021 : vector<16x1xi32> to vector<16xi32>
          %gather3A_1023 = tpu.dynamic_gather %get3A_862[%gather3A_1022] in [0] : vector<16xf32>, vector<16xi32> -> vector<16xf32>
          %gather3A_1024 = vector.shape_cast %broadcast_in_dim3A_1021 : vector<16x1xi32> to vector<16xi32>
          %gather3A_1025 = tpu.dynamic_gather %get3A_905[%gather3A_1024] in [0] : vector<16xf32>, vector<16xi32> -> vector<16xf32>
          %gather3A_1026 = vector.shape_cast %broadcast_in_dim3A_1021 : vector<16x1xi32> to vector<16xi32>
          %gather3A_1027 = tpu.dynamic_gather %get3A_948[%gather3A_1026] in [0] : vector<16xf32>, vector<16xi32> -> vector<16xf32>
          %gather3A_1028 = vector.shape_cast %broadcast_in_dim3A_1021 : vector<16x1xi32> to vector<16xi32>
          %gather3A_1029 = tpu.dynamic_gather %get3A_991[%gather3A_1028] in [0] : vector<16xf32>, vector<16xi32> -> vector<16xf32>
          %add3A_1030 = arith.constant 16 : i32
          %add3A_1031 = arith.addi %add3A_1030, %add3A_1020 : i32
          %add3A_1032 = arith.constant 2 : i32
          %add3A_1033 = arith.addi %add3A_1007, %add3A_1032 : i32
          %broadcast_in_dim3A_1034 = vector.broadcast %add3A_1033 : i32 to vector<16x1xi32>
          %gather3A_1035 = vector.shape_cast %broadcast_in_dim3A_1034 : vector<16x1xi32> to vector<16xi32>
          %gather3A_1036 = tpu.dynamic_gather %get3A_862[%gather3A_1035] in [0] : vector<16xf32>, vector<16xi32> -> vector<16xf32>
          %gather3A_1037 = vector.shape_cast %broadcast_in_dim3A_1034 : vector<16x1xi32> to vector<16xi32>
          %gather3A_1038 = tpu.dynamic_gather %get3A_905[%gather3A_1037] in [0] : vector<16xf32>, vector<16xi32> -> vector<16xf32>
          %gather3A_1039 = vector.shape_cast %broadcast_in_dim3A_1034 : vector<16x1xi32> to vector<16xi32>
          %gather3A_1040 = tpu.dynamic_gather %get3A_948[%gather3A_1039] in [0] : vector<16xf32>, vector<16xi32> -> vector<16xf32>
          %gather3A_1041 = vector.shape_cast %broadcast_in_dim3A_1034 : vector<16x1xi32> to vector<16xi32>
          %gather3A_1042 = tpu.dynamic_gather %get3A_991[%gather3A_1041] in [0] : vector<16xf32>, vector<16xi32> -> vector<16xf32>
          %add3A_1043 = arith.constant 16 : i32
          %add3A_1044 = arith.addi %add3A_1043, %add3A_1033 : i32
          %add3A_1045 = arith.constant 3 : i32
          %add3A_1046 = arith.addi %add3A_1007, %add3A_1045 : i32
          %broadcast_in_dim3A_1047 = vector.broadcast %add3A_1046 : i32 to vector<16x1xi32>
          %gather3A_1048 = vector.shape_cast %broadcast_in_dim3A_1047 : vector<16x1xi32> to vector<16xi32>
          %gather3A_1049 = tpu.dynamic_gather %get3A_862[%gather3A_1048] in [0] : vector<16xf32>, vector<16xi32> -> vector<16xf32>
          %gather3A_1050 = vector.shape_cast %broadcast_in_dim3A_1047 : vector<16x1xi32> to vector<16xi32>
          %gather3A_1051 = tpu.dynamic_gather %get3A_905[%gather3A_1050] in [0] : vector<16xf32>, vector<16xi32> -> vector<16xf32>
          %gather3A_1052 = vector.shape_cast %broadcast_in_dim3A_1047 : vector<16x1xi32> to vector<16xi32>
          %gather3A_1053 = tpu.dynamic_gather %get3A_948[%gather3A_1052] in [0] : vector<16xf32>, vector<16xi32> -> vector<16xf32>
          %gather3A_1054 = vector.shape_cast %broadcast_in_dim3A_1047 : vector<16x1xi32> to vector<16xi32>
          %gather3A_1055 = tpu.dynamic_gather %get3A_991[%gather3A_1054] in [0] : vector<16xf32>, vector<16xi32> -> vector<16xf32>
          %add3A_1056 = arith.constant 16 : i32
          %add3A_1057 = arith.addi %add3A_1056, %add3A_1046 : i32
          %get3A_1058 = arith.index_cast %add3A_1018 : i32 to index
          %get3A_1059 = arith.constant 0 : index
          %get3A_1060 = tpu.vector_load %arg18[%get3A_1058, %get3A_1059] {strides = array<i32>} : memref<32x512xf32, #tpu.memory_space<vmem>>, vector<16xf32>,
          %get3A_1061 = arith.index_cast %add3A_1018 : i32 to index
          %get3A_1062 = arith.constant 128 : index
          %get3A_1063 = tpu.vector_load %arg18[%get3A_1061, %get3A_1062] {strides = array<i32>} : memref<32x512xf32, #tpu.memory_space<vmem>>, vector<16xf32>,
          %get3A_1064 = arith.index_cast %add3A_1018 : i32 to index
          %get3A_1065 = arith.constant 256 : index
          %get3A_1066 = tpu.vector_load %arg18[%get3A_1064, %get3A_1065] {strides = array<i32>} : memref<32x512xf32, #tpu.memory_space<vmem>>, vector<16xf32>,
          %get3A_1067 = arith.index_cast %add3A_1018 : i32 to index
          %get3A_1068 = arith.constant 384 : index
          %get3A_1069 = tpu.vector_load %arg18[%get3A_1067, %get3A_1068] {strides = array<i32>} : memref<32x512xf32, #tpu.memory_space<vmem>>, vector<16xf32>,
          %get3A_1070 = arith.index_cast %add3A_1031 : i32 to index
          %get3A_1071 = arith.constant 0 : index
          %get3A_1072 = tpu.vector_load %arg18[%get3A_1070, %get3A_1071] {strides = array<i32>} : memref<32x512xf32, #tpu.memory_space<vmem>>, vector<16xf32>,
          %get3A_1073 = arith.index_cast %add3A_1031 : i32 to index
          %get3A_1074 = arith.constant 128 : index
          %get3A_1075 = tpu.vector_load %arg18[%get3A_1073, %get3A_1074] {strides = array<i32>} : memref<32x512xf32, #tpu.memory_space<vmem>>, vector<16xf32>,
          %get3A_1076 = arith.index_cast %add3A_1031 : i32 to index
          %get3A_1077 = arith.constant 256 : index
          %get3A_1078 = tpu.vector_load %arg18[%get3A_1076, %get3A_1077] {strides = array<i32>} : memref<32x512xf32, #tpu.memory_space<vmem>>, vector<16xf32>,
          %get3A_1079 = arith.index_cast %add3A_1031 : i32 to index
          %get3A_1080 = arith.constant 384 : index
          %get3A_1081 = tpu.vector_load %arg18[%get3A_1079, %get3A_1080] {strides = array<i32>} : memref<32x512xf32, #tpu.memory_space<vmem>>, vector<16xf32>,
          %get3A_1082 = arith.index_cast %add3A_1044 : i32 to index
          %get3A_1083 = arith.constant 0 : index
          %get3A_1084 = tpu.vector_load %arg18[%get3A_1082, %get3A_1083] {strides = array<i32>} : memref<32x512xf32, #tpu.memory_space<vmem>>, vector<16xf32>,
          %get3A_1085 = arith.index_cast %add3A_1044 : i32 to index
          %get3A_1086 = arith.constant 128 : index
          %get3A_1087 = tpu.vector_load %arg18[%get3A_1085, %get3A_1086] {strides = array<i32>} : memref<32x512xf32, #tpu.memory_space<vmem>>, vector<16xf32>,
          %get3A_1088 = arith.index_cast %add3A_1044 : i32 to index
          %get3A_1089 = arith.constant 256 : index
          %get3A_1090 = tpu.vector_load %arg18[%get3A_1088, %get3A_1089] {strides = array<i32>} : memref<32x512xf32, #tpu.memory_space<vmem>>, vector<16xf32>,
          %get3A_1091 = arith.index_cast %add3A_1044 : i32 to index
          %get3A_1092 = arith.constant 384 : index
          %get3A_1093 = tpu.vector_load %arg18[%get3A_1091, %get3A_1092] {strides = array<i32>} : memref<32x512xf32, #tpu.memory_space<vmem>>, vector<16xf32>,
          %get3A_1094 = arith.index_cast %add3A_1057 : i32 to index
          %get3A_1095 = arith.constant 0 : index
          %get3A_1096 = tpu.vector_load %arg18[%get3A_1094, %get3A_1095] {strides = array<i32>} : memref<32x512xf32, #tpu.memory_space<vmem>>, vector<16xf32>,
          %get3A_1097 = arith.index_cast %add3A_1057 : i32 to index
          %get3A_1098 = arith.constant 128 : index
          %get3A_1099 = tpu.vector_load %arg18[%get3A_1097, %get3A_1098] {strides = array<i32>} : memref<32x512xf32, #tpu.memory_space<vmem>>, vector<16xf32>,
          %get3A_1100 = arith.index_cast %add3A_1057 : i32 to index
          %get3A_1101 = arith.constant 256 : index
          %get3A_1102 = tpu.vector_load %arg18[%get3A_1100, %get3A_1101] {strides = array<i32>} : memref<32x512xf32, #tpu.memory_space<vmem>>, vector<16xf32>,
          %get3A_1103 = arith.index_cast %add3A_1057 : i32 to index
          %get3A_1104 = arith.constant 384 : index
          %get3A_1105 = tpu.vector_load %arg18[%get3A_1103, %get3A_1104] {strides = array<i32>} : memref<32x512xf32, #tpu.memory_space<vmem>>, vector<16xf32>,
          %mul3A_1106 = arith.mulf %gather3A_1010, %get3A_1060 : vector<16xf32>
          %mul3A_1107 = arith.mulf %gather3A_1012, %get3A_1063 : vector<16xf32>
          %add3A_1108 = arith.addf %mul3A_1106, %mul3A_1107 : vector<16xf32>
          %mul3A_1109 = arith.mulf %gather3A_1014, %get3A_1066 : vector<16xf32>
          %mul3A_1110 = arith.mulf %gather3A_1016, %get3A_1069 : vector<16xf32>
          %add3A_1111 = arith.addf %mul3A_1109, %mul3A_1110 : vector<16xf32>
          %add3A_1112 = arith.addf %add3A_1108, %add3A_1111 : vector<16xf32>
          %mul3A_1113 = arith.mulf %gather3A_1023, %get3A_1072 : vector<16xf32>
          %mul3A_1114 = arith.mulf %gather3A_1025, %get3A_1075 : vector<16xf32>
          %add3A_1115 = arith.addf %mul3A_1113, %mul3A_1114 : vector<16xf32>
          %mul3A_1116 = arith.mulf %gather3A_1027, %get3A_1078 : vector<16xf32>
          %mul3A_1117 = arith.mulf %gather3A_1029, %get3A_1081 : vector<16xf32>
          %add3A_1118 = arith.addf %mul3A_1116, %mul3A_1117 : vector<16xf32>
          %add3A_1119 = arith.addf %add3A_1115, %add3A_1118 : vector<16xf32>
          %mul3A_1120 = arith.mulf %gather3A_1036, %get3A_1084 : vector<16xf32>
          %mul3A_1121 = arith.mulf %gather3A_1038, %get3A_1087 : vector<16xf32>
          %add3A_1122 = arith.addf %mul3A_1120, %mul3A_1121 : vector<16xf32>
          %mul3A_1123 = arith.mulf %gather3A_1040, %get3A_1090 : vector<16xf32>
          %mul3A_1124 = arith.mulf %gather3A_1042, %get3A_1093 : vector<16xf32>
          %add3A_1125 = arith.addf %mul3A_1123, %mul3A_1124 : vector<16xf32>
          %add3A_1126 = arith.addf %add3A_1122, %add3A_1125 : vector<16xf32>
          %mul3A_1127 = arith.mulf %gather3A_1049, %get3A_1096 : vector<16xf32>
          %mul3A_1128 = arith.mulf %gather3A_1051, %get3A_1099 : vector<16xf32>
          %add3A_1129 = arith.addf %mul3A_1127, %mul3A_1128 : vector<16xf32>
          %mul3A_1130 = arith.mulf %gather3A_1053, %get3A_1102 : vector<16xf32>
          %mul3A_1131 = arith.mulf %gather3A_1055, %get3A_1105 : vector<16xf32>
          %add3A_1132 = arith.addf %mul3A_1130, %mul3A_1131 : vector<16xf32>
          %add3A_1133 = arith.addf %add3A_1129, %add3A_1132 : vector<16xf32>
          %swap3A = arith.index_cast %add3A_1018 : i32 to index
          %swap3A_1134 = arith.constant 0 : index
          %swap3A_1135 = tpu.vector_load %arg20[%swap3A, %swap3A_1134] {strides = array<i32>} : memref<32x128xf32, #tpu.memory_space<vmem>>, vector<16xf32>,
          tpu.vector_store %arg20[%swap3A, %swap3A_1134], %add3A_1112 {strides = array<i32>} : memref<32x128xf32, #tpu.memory_space<vmem>>, vector<16xf32>,
          %swap3A_1136 = arith.index_cast %add3A_1031 : i32 to index
          %swap3A_1137 = arith.constant 0 : index
          %swap3A_1138 = tpu.vector_load %arg20[%swap3A_1136, %swap3A_1137] {strides = array<i32>} : memref<32x128xf32, #tpu.memory_space<vmem>>, vector<16xf32>,
          tpu.vector_store %arg20[%swap3A_1136, %swap3A_1137], %add3A_1119 {strides = array<i32>} : memref<32x128xf32, #tpu.memory_space<vmem>>, vector<16xf32>,
          %swap3A_1139 = arith.index_cast %add3A_1044 : i32 to index
          %swap3A_1140 = arith.constant 0 : index
          %swap3A_1141 = tpu.vector_load %arg20[%swap3A_1139, %swap3A_1140] {strides = array<i32>} : memref<32x128xf32, #tpu.memory_space<vmem>>, vector<16xf32>,
          tpu.vector_store %arg20[%swap3A_1139, %swap3A_1140], %add3A_1126 {strides = array<i32>} : memref<32x128xf32, #tpu.memory_space<vmem>>, vector<16xf32>,
          %swap3A_1142 = arith.index_cast %add3A_1057 : i32 to index
          %swap3A_1143 = arith.constant 0 : index
          %swap3A_1144 = tpu.vector_load %arg20[%swap3A_1142, %swap3A_1143] {strides = array<i32>} : memref<32x128xf32, #tpu.memory_space<vmem>>, vector<16xf32>,
          tpu.vector_store %arg20[%swap3A_1142, %swap3A_1143], %add3A_1133 {strides = array<i32>} : memref<32x128xf32, #tpu.memory_space<vmem>>, vector<16xf32>,
          %get3A_1145 = arith.index_cast %add3A_1018 : i32 to index
          %get3A_1146 = arith.constant 16 : index
          %get3A_1147 = tpu.vector_load %arg18[%get3A_1145, %get3A_1146] {strides = array<i32>} : memref<32x512xf32, #tpu.memory_space<vmem>>, vector<16xf32>,
          %get3A_1148 = arith.index_cast %add3A_1018 : i32 to index
          %get3A_1149 = arith.constant 144 : index
          %get3A_1150 = tpu.vector_load %arg18[%get3A_1148, %get3A_1149] {strides = array<i32>} : memref<32x512xf32, #tpu.memory_space<vmem>>, vector<16xf32>,
          %get3A_1151 = arith.index_cast %add3A_1018 : i32 to index
          %get3A_1152 = arith.constant 272 : index
          %get3A_1153 = tpu.vector_load %arg18[%get3A_1151, %get3A_1152] {strides = array<i32>} : memref<32x512xf32, #tpu.memory_space<vmem>>, vector<16xf32>,
          %get3A_1154 = arith.index_cast %add3A_1018 : i32 to index
          %get3A_1155 = arith.constant 400 : index
          %get3A_1156 = tpu.vector_load %arg18[%get3A_1154, %get3A_1155] {strides = array<i32>} : memref<32x512xf32, #tpu.memory_space<vmem>>, vector<16xf32>,
          %get3A_1157 = arith.index_cast %add3A_1031 : i32 to index
          %get3A_1158 = arith.constant 16 : index
          %get3A_1159 = tpu.vector_load %arg18[%get3A_1157, %get3A_1158] {strides = array<i32>} : memref<32x512xf32, #tpu.memory_space<vmem>>, vector<16xf32>,
          %get3A_1160 = arith.index_cast %add3A_1031 : i32 to index
          %get3A_1161 = arith.constant 144 : index
          %get3A_1162 = tpu.vector_load %arg18[%get3A_1160, %get3A_1161] {strides = array<i32>} : memref<32x512xf32, #tpu.memory_space<vmem>>, vector<16xf32>,
          %get3A_1163 = arith.index_cast %add3A_1031 : i32 to index
          %get3A_1164 = arith.constant 272 : index
          %get3A_1165 = tpu.vector_load %arg18[%get3A_1163, %get3A_1164] {strides = array<i32>} : memref<32x512xf32, #tpu.memory_space<vmem>>, vector<16xf32>,
          %get3A_1166 = arith.index_cast %add3A_1031 : i32 to index
          %get3A_1167 = arith.constant 400 : index
          %get3A_1168 = tpu.vector_load %arg18[%get3A_1166, %get3A_1167] {strides = array<i32>} : memref<32x512xf32, #tpu.memory_space<vmem>>, vector<16xf32>,
          %get3A_1169 = arith.index_cast %add3A_1044 : i32 to index
          %get3A_1170 = arith.constant 16 : index
          %get3A_1171 = tpu.vector_load %arg18[%get3A_1169, %get3A_1170] {strides = array<i32>} : memref<32x512xf32, #tpu.memory_space<vmem>>, vector<16xf32>,
          %get3A_1172 = arith.index_cast %add3A_1044 : i32 to index
          %get3A_1173 = arith.constant 144 : index
          %get3A_1174 = tpu.vector_load %arg18[%get3A_1172, %get3A_1173] {strides = array<i32>} : memref<32x512xf32, #tpu.memory_space<vmem>>, vector<16xf32>,
          %get3A_1175 = arith.index_cast %add3A_1044 : i32 to index
          %get3A_1176 = arith.constant 272 : index
          %get3A_1177 = tpu.vector_load %arg18[%get3A_1175, %get3A_1176] {strides = array<i32>} : memref<32x512xf32, #tpu.memory_space<vmem>>, vector<16xf32>,
          %get3A_1178 = arith.index_cast %add3A_1044 : i32 to index
          %get3A_1179 = arith.constant 400 : index
          %get3A_1180 = tpu.vector_load %arg18[%get3A_1178, %get3A_1179] {strides = array<i32>} : memref<32x512xf32, #tpu.memory_space<vmem>>, vector<16xf32>,
          %get3A_1181 = arith.index_cast %add3A_1057 : i32 to index
          %get3A_1182 = arith.constant 16 : index
          %get3A_1183 = tpu.vector_load %arg18[%get3A_1181, %get3A_1182] {strides = array<i32>} : memref<32x512xf32, #tpu.memory_space<vmem>>, vector<16xf32>,
          %get3A_1184 = arith.index_cast %add3A_1057 : i32 to index
          %get3A_1185 = arith.constant 144 : index
          %get3A_1186 = tpu.vector_load %arg18[%get3A_1184, %get3A_1185] {strides = array<i32>} : memref<32x512xf32, #tpu.memory_space<vmem>>, vector<16xf32>,
          %get3A_1187 = arith.index_cast %add3A_1057 : i32 to index
          %get3A_1188 = arith.constant 272 : index
          %get3A_1189 = tpu.vector_load %arg18[%get3A_1187, %get3A_1188] {strides = array<i32>} : memref<32x512xf32, #tpu.memory_space<vmem>>, vector<16xf32>,
          %get3A_1190 = arith.index_cast %add3A_1057 : i32 to index
          %get3A_1191 = arith.constant 400 : index
          %get3A_1192 = tpu.vector_load %arg18[%get3A_1190, %get3A_1191] {strides = array<i32>} : memref<32x512xf32, #tpu.memory_space<vmem>>, vector<16xf32>,
          %mul3A_1193 = arith.mulf %gather3A_1010, %get3A_1147 : vector<16xf32>
          %mul3A_1194 = arith.mulf %gather3A_1012, %get3A_1150 : vector<16xf32>
          %add3A_1195 = arith.addf %mul3A_1193, %mul3A_1194 : vector<16xf32>
          %mul3A_1196 = arith.mulf %gather3A_1014, %get3A_1153 : vector<16xf32>
          %mul3A_1197 = arith.mulf %gather3A_1016, %get3A_1156 : vector<16xf32>
          %add3A_1198 = arith.addf %mul3A_1196, %mul3A_1197 : vector<16xf32>
          %add3A_1199 = arith.addf %add3A_1195, %add3A_1198 : vector<16xf32>
          %mul3A_1200 = arith.mulf %gather3A_1023, %get3A_1159 : vector<16xf32>
          %mul3A_1201 = arith.mulf %gather3A_1025, %get3A_1162 : vector<16xf32>
          %add3A_1202 = arith.addf %mul3A_1200, %mul3A_1201 : vector<16xf32>
          %mul3A_1203 = arith.mulf %gather3A_1027, %get3A_1165 : vector<16xf32>
          %mul3A_1204 = arith.mulf %gather3A_1029, %get3A_1168 : vector<16xf32>
          %add3A_1205 = arith.addf %mul3A_1203, %mul3A_1204 : vector<16xf32>
          %add3A_1206 = arith.addf %add3A_1202, %add3A_1205 : vector<16xf32>
          %mul3A_1207 = arith.mulf %gather3A_1036, %get3A_1171 : vector<16xf32>
          %mul3A_1208 = arith.mulf %gather3A_1038, %get3A_1174 : vector<16xf32>
          %add3A_1209 = arith.addf %mul3A_1207, %mul3A_1208 : vector<16xf32>
          %mul3A_1210 = arith.mulf %gather3A_1040, %get3A_1177 : vector<16xf32>
          %mul3A_1211 = arith.mulf %gather3A_1042, %get3A_1180 : vector<16xf32>
          %add3A_1212 = arith.addf %mul3A_1210, %mul3A_1211 : vector<16xf32>
          %add3A_1213 = arith.addf %add3A_1209, %add3A_1212 : vector<16xf32>
          %mul3A_1214 = arith.mulf %gather3A_1049, %get3A_1183 : vector<16xf32>
          %mul3A_1215 = arith.mulf %gather3A_1051, %get3A_1186 : vector<16xf32>
          %add3A_1216 = arith.addf %mul3A_1214, %mul3A_1215 : vector<16xf32>
          %mul3A_1217 = arith.mulf %gather3A_1053, %get3A_1189 : vector<16xf32>
          %mul3A_1218 = arith.mulf %gather3A_1055, %get3A_1192 : vector<16xf32>
          %add3A_1219 = arith.addf %mul3A_1217, %mul3A_1218 : vector<16xf32>
          %add3A_1220 = arith.addf %add3A_1216, %add3A_1219 : vector<16xf32>
          %swap3A_1221 = arith.index_cast %add3A_1018 : i32 to index
          %swap3A_1222 = arith.constant 16 : index
          %swap3A_1223 = tpu.vector_load %arg20[%swap3A_1221, %swap3A_1222] {strides = array<i32>} : memref<32x128xf32, #tpu.memory_space<vmem>>, vector<16xf32>,
          tpu.vector_store %arg20[%swap3A_1221, %swap3A_1222], %add3A_1199 {strides = array<i32>} : memref<32x128xf32, #tpu.memory_space<vmem>>, vector<16xf32>,
          %swap3A_1224 = arith.index_cast %add3A_1031 : i32 to index
          %swap3A_1225 = arith.constant 16 : index
          %swap3A_1226 = tpu.vector_load %arg20[%swap3A_1224, %swap3A_1225] {strides = array<i32>} : memref<32x128xf32, #tpu.memory_space<vmem>>, vector<16xf32>,
          tpu.vector_store %arg20[%swap3A_1224, %swap3A_1225], %add3A_1206 {strides = array<i32>} : memref<32x128xf32, #tpu.memory_space<vmem>>, vector<16xf32>,
          %swap3A_1227 = arith.index_cast %add3A_1044 : i32 to index
          %swap3A_1228 = arith.constant 16 : index
          %swap3A_1229 = tpu.vector_load %arg20[%swap3A_1227, %swap3A_1228] {strides = array<i32>} : memref<32x128xf32, #tpu.memory_space<vmem>>, vector<16xf32>,
          tpu.vector_store %arg20[%swap3A_1227, %swap3A_1228], %add3A_1213 {strides = array<i32>} : memref<32x128xf32, #tpu.memory_space<vmem>>, vector<16xf32>,
          %swap3A_1230 = arith.index_cast %add3A_1057 : i32 to index
          %swap3A_1231 = arith.constant 16 : index
          %swap3A_1232 = tpu.vector_load %arg20[%swap3A_1230, %swap3A_1231] {strides = array<i32>} : memref<32x128xf32, #tpu.memory_space<vmem>>, vector<16xf32>,
          tpu.vector_store %arg20[%swap3A_1230, %swap3A_1231], %add3A_1220 {strides = array<i32>} : memref<32x128xf32, #tpu.memory_space<vmem>>, vector<16xf32>,
          %get3A_1233 = arith.index_cast %add3A_1018 : i32 to index
          %get3A_1234 = arith.constant 32 : index
          %get3A_1235 = tpu.vector_load %arg18[%get3A_1233, %get3A_1234] {strides = array<i32>} : memref<32x512xf32, #tpu.memory_space<vmem>>, vector<16xf32>,
          %get3A_1236 = arith.index_cast %add3A_1018 : i32 to index
          %get3A_1237 = arith.constant 160 : index
          %get3A_1238 = tpu.vector_load %arg18[%get3A_1236, %get3A_1237] {strides = array<i32>} : memref<32x512xf32, #tpu.memory_space<vmem>>, vector<16xf32>,
          %get3A_1239 = arith.index_cast %add3A_1018 : i32 to index
          %get3A_1240 = arith.constant 288 : index
          %get3A_1241 = tpu.vector_load %arg18[%get3A_1239, %get3A_1240] {strides = array<i32>} : memref<32x512xf32, #tpu.memory_space<vmem>>, vector<16xf32>,
          %get3A_1242 = arith.index_cast %add3A_1018 : i32 to index
          %get3A_1243 = arith.constant 416 : index
          %get3A_1244 = tpu.vector_load %arg18[%get3A_1242, %get3A_1243] {strides = array<i32>} : memref<32x512xf32, #tpu.memory_space<vmem>>, vector<16xf32>,
          %get3A_1245 = arith.index_cast %add3A_1031 : i32 to index
          %get3A_1246 = arith.constant 32 : index
          %get3A_1247 = tpu.vector_load %arg18[%get3A_1245, %get3A_1246] {strides = array<i32>} : memref<32x512xf32, #tpu.memory_space<vmem>>, vector<16xf32>,
          %get3A_1248 = arith.index_cast %add3A_1031 : i32 to index
          %get3A_1249 = arith.constant 160 : index
          %get3A_1250 = tpu.vector_load %arg18[%get3A_1248, %get3A_1249] {strides = array<i32>} : memref<32x512xf32, #tpu.memory_space<vmem>>, vector<16xf32>,
          %get3A_1251 = arith.index_cast %add3A_1031 : i32 to index
          %get3A_1252 = arith.constant 288 : index
          %get3A_1253 = tpu.vector_load %arg18[%get3A_1251, %get3A_1252] {strides = array<i32>} : memref<32x512xf32, #tpu.memory_space<vmem>>, vector<16xf32>,
          %get3A_1254 = arith.index_cast %add3A_1031 : i32 to index
          %get3A_1255 = arith.constant 416 : index
          %get3A_1256 = tpu.vector_load %arg18[%get3A_1254, %get3A_1255] {strides = array<i32>} : memref<32x512xf32, #tpu.memory_space<vmem>>, vector<16xf32>,
          %get3A_1257 = arith.index_cast %add3A_1044 : i32 to index
          %get3A_1258 = arith.constant 32 : index
          %get3A_1259 = tpu.vector_load %arg18[%get3A_1257, %get3A_1258] {strides = array<i32>} : memref<32x512xf32, #tpu.memory_space<vmem>>, vector<16xf32>,
          %get3A_1260 = arith.index_cast %add3A_1044 : i32 to index
          %get3A_1261 = arith.constant 160 : index
          %get3A_1262 = tpu.vector_load %arg18[%get3A_1260, %get3A_1261] {strides = array<i32>} : memref<32x512xf32, #tpu.memory_space<vmem>>, vector<16xf32>,
          %get3A_1263 = arith.index_cast %add3A_1044 : i32 to index
          %get3A_1264 = arith.constant 288 : index
          %get3A_1265 = tpu.vector_load %arg18[%get3A_1263, %get3A_1264] {strides = array<i32>} : memref<32x512xf32, #tpu.memory_space<vmem>>, vector<16xf32>,
          %get3A_1266 = arith.index_cast %add3A_1044 : i32 to index
          %get3A_1267 = arith.constant 416 : index
          %get3A_1268 = tpu.vector_load %arg18[%get3A_1266, %get3A_1267] {strides = array<i32>} : memref<32x512xf32, #tpu.memory_space<vmem>>, vector<16xf32>,
          %get3A_1269 = arith.index_cast %add3A_1057 : i32 to index
          %get3A_1270 = arith.constant 32 : index
          %get3A_1271 = tpu.vector_load %arg18[%get3A_1269, %get3A_1270] {strides = array<i32>} : memref<32x512xf32, #tpu.memory_space<vmem>>, vector<16xf32>,
          %get3A_1272 = arith.index_cast %add3A_1057 : i32 to index
          %get3A_1273 = arith.constant 160 : index
          %get3A_1274 = tpu.vector_load %arg18[%get3A_1272, %get3A_1273] {strides = array<i32>} : memref<32x512xf32, #tpu.memory_space<vmem>>, vector<16xf32>,
          %get3A_1275 = arith.index_cast %add3A_1057 : i32 to index
          %get3A_1276 = arith.constant 288 : index
          %get3A_1277 = tpu.vector_load %arg18[%get3A_1275, %get3A_1276] {strides = array<i32>} : memref<32x512xf32, #tpu.memory_space<vmem>>, vector<16xf32>,
          %get3A_1278 = arith.index_cast %add3A_1057 : i32 to index
          %get3A_1279 = arith.constant 416 : index
          %get3A_1280 = tpu.vector_load %arg18[%get3A_1278, %get3A_1279] {strides = array<i32>} : memref<32x512xf32, #tpu.memory_space<vmem>>, vector<16xf32>,
          %mul3A_1281 = arith.mulf %gather3A_1010, %get3A_1235 : vector<16xf32>
          %mul3A_1282 = arith.mulf %gather3A_1012, %get3A_1238 : vector<16xf32>
          %add3A_1283 = arith.addf %mul3A_1281, %mul3A_1282 : vector<16xf32>
          %mul3A_1284 = arith.mulf %gather3A_1014, %get3A_1241 : vector<16xf32>
          %mul3A_1285 = arith.mulf %gather3A_1016, %get3A_1244 : vector<16xf32>
          %add3A_1286 = arith.addf %mul3A_1284, %mul3A_1285 : vector<16xf32>
          %add3A_1287 = arith.addf %add3A_1283, %add3A_1286 : vector<16xf32>
          %mul3A_1288 = arith.mulf %gather3A_1023, %get3A_1247 : vector<16xf32>
          %mul3A_1289 = arith.mulf %gather3A_1025, %get3A_1250 : vector<16xf32>
          %add3A_1290 = arith.addf %mul3A_1288, %mul3A_1289 : vector<16xf32>
          %mul3A_1291 = arith.mulf %gather3A_1027, %get3A_1253 : vector<16xf32>
          %mul3A_1292 = arith.mulf %gather3A_1029, %get3A_1256 : vector<16xf32>
          %add3A_1293 = arith.addf %mul3A_1291, %mul3A_1292 : vector<16xf32>
          %add3A_1294 = arith.addf %add3A_1290, %add3A_1293 : vector<16xf32>
          %mul3A_1295 = arith.mulf %gather3A_1036, %get3A_1259 : vector<16xf32>
          %mul3A_1296 = arith.mulf %gather3A_1038, %get3A_1262 : vector<16xf32>
          %add3A_1297 = arith.addf %mul3A_1295, %mul3A_1296 : vector<16xf32>
          %mul3A_1298 = arith.mulf %gather3A_1040, %get3A_1265 : vector<16xf32>
          %mul3A_1299 = arith.mulf %gather3A_1042, %get3A_1268 : vector<16xf32>
          %add3A_1300 = arith.addf %mul3A_1298, %mul3A_1299 : vector<16xf32>
          %add3A_1301 = arith.addf %add3A_1297, %add3A_1300 : vector<16xf32>
          %mul3A_1302 = arith.mulf %gather3A_1049, %get3A_1271 : vector<16xf32>
          %mul3A_1303 = arith.mulf %gather3A_1051, %get3A_1274 : vector<16xf32>
          %add3A_1304 = arith.addf %mul3A_1302, %mul3A_1303 : vector<16xf32>
          %mul3A_1305 = arith.mulf %gather3A_1053, %get3A_1277 : vector<16xf32>
          %mul3A_1306 = arith.mulf %gather3A_1055, %get3A_1280 : vector<16xf32>
          %add3A_1307 = arith.addf %mul3A_1305, %mul3A_1306 : vector<16xf32>
          %add3A_1308 = arith.addf %add3A_1304, %add3A_1307 : vector<16xf32>
          %swap3A_1309 = arith.index_cast %add3A_1018 : i32 to index
          %swap3A_1310 = arith.constant 32 : index
          %swap3A_1311 = tpu.vector_load %arg20[%swap3A_1309, %swap3A_1310] {strides = array<i32>} : memref<32x128xf32, #tpu.memory_space<vmem>>, vector<16xf32>,
          tpu.vector_store %arg20[%swap3A_1309, %swap3A_1310], %add3A_1287 {strides = array<i32>} : memref<32x128xf32, #tpu.memory_space<vmem>>, vector<16xf32>,
          %swap3A_1312 = arith.index_cast %add3A_1031 : i32 to index
          %swap3A_1313 = arith.constant 32 : index
          %swap3A_1314 = tpu.vector_load %arg20[%swap3A_1312, %swap3A_1313] {strides = array<i32>} : memref<32x128xf32, #tpu.memory_space<vmem>>, vector<16xf32>,
          tpu.vector_store %arg20[%swap3A_1312, %swap3A_1313], %add3A_1294 {strides = array<i32>} : memref<32x128xf32, #tpu.memory_space<vmem>>, vector<16xf32>,
          %swap3A_1315 = arith.index_cast %add3A_1044 : i32 to index
          %swap3A_1316 = arith.constant 32 : index
          %swap3A_1317 = tpu.vector_load %arg20[%swap3A_1315, %swap3A_1316] {strides = array<i32>} : memref<32x128xf32, #tpu.memory_space<vmem>>, vector<16xf32>,
          tpu.vector_store %arg20[%swap3A_1315, %swap3A_1316], %add3A_1301 {strides = array<i32>} : memref<32x128xf32, #tpu.memory_space<vmem>>, vector<16xf32>,
          %swap3A_1318 = arith.index_cast %add3A_1057 : i32 to index
          %swap3A_1319 = arith.constant 32 : index
          %swap3A_1320 = tpu.vector_load %arg20[%swap3A_1318, %swap3A_1319] {strides = array<i32>} : memref<32x128xf32, #tpu.memory_space<vmem>>, vector<16xf32>,
          tpu.vector_store %arg20[%swap3A_1318, %swap3A_1319], %add3A_1308 {strides = array<i32>} : memref<32x128xf32, #tpu.memory_space<vmem>>, vector<16xf32>,
          %get3A_1321 = arith.index_cast %add3A_1018 : i32 to index
          %get3A_1322 = arith.constant 48 : index
          %get3A_1323 = tpu.vector_load %arg18[%get3A_1321, %get3A_1322] {strides = array<i32>} : memref<32x512xf32, #tpu.memory_space<vmem>>, vector<16xf32>,
          %get3A_1324 = arith.index_cast %add3A_1018 : i32 to index
          %get3A_1325 = arith.constant 176 : index
          %get3A_1326 = tpu.vector_load %arg18[%get3A_1324, %get3A_1325] {strides = array<i32>} : memref<32x512xf32, #tpu.memory_space<vmem>>, vector<16xf32>,
          %get3A_1327 = arith.index_cast %add3A_1018 : i32 to index
          %get3A_1328 = arith.constant 304 : index
          %get3A_1329 = tpu.vector_load %arg18[%get3A_1327, %get3A_1328] {strides = array<i32>} : memref<32x512xf32, #tpu.memory_space<vmem>>, vector<16xf32>,
          %get3A_1330 = arith.index_cast %add3A_1018 : i32 to index
          %get3A_1331 = arith.constant 432 : index
          %get3A_1332 = tpu.vector_load %arg18[%get3A_1330, %get3A_1331] {strides = array<i32>} : memref<32x512xf32, #tpu.memory_space<vmem>>, vector<16xf32>,
          %get3A_1333 = arith.index_cast %add3A_1031 : i32 to index
          %get3A_1334 = arith.constant 48 : index
          %get3A_1335 = tpu.vector_load %arg18[%get3A_1333, %get3A_1334] {strides = array<i32>} : memref<32x512xf32, #tpu.memory_space<vmem>>, vector<16xf32>,
          %get3A_1336 = arith.index_cast %add3A_1031 : i32 to index
          %get3A_1337 = arith.constant 176 : index
          %get3A_1338 = tpu.vector_load %arg18[%get3A_1336, %get3A_1337] {strides = array<i32>} : memref<32x512xf32, #tpu.memory_space<vmem>>, vector<16xf32>,
          %get3A_1339 = arith.index_cast %add3A_1031 : i32 to index
          %get3A_1340 = arith.constant 304 : index
          %get3A_1341 = tpu.vector_load %arg18[%get3A_1339, %get3A_1340] {strides = array<i32>} : memref<32x512xf32, #tpu.memory_space<vmem>>, vector<16xf32>,
          %get3A_1342 = arith.index_cast %add3A_1031 : i32 to index
          %get3A_1343 = arith.constant 432 : index
          %get3A_1344 = tpu.vector_load %arg18[%get3A_1342, %get3A_1343] {strides = array<i32>} : memref<32x512xf32, #tpu.memory_space<vmem>>, vector<16xf32>,
          %get3A_1345 = arith.index_cast %add3A_1044 : i32 to index
          %get3A_1346 = arith.constant 48 : index
          %get3A_1347 = tpu.vector_load %arg18[%get3A_1345, %get3A_1346] {strides = array<i32>} : memref<32x512xf32, #tpu.memory_space<vmem>>, vector<16xf32>,
          %get3A_1348 = arith.index_cast %add3A_1044 : i32 to index
          %get3A_1349 = arith.constant 176 : index
          %get3A_1350 = tpu.vector_load %arg18[%get3A_1348, %get3A_1349] {strides = array<i32>} : memref<32x512xf32, #tpu.memory_space<vmem>>, vector<16xf32>,
          %get3A_1351 = arith.index_cast %add3A_1044 : i32 to index
          %get3A_1352 = arith.constant 304 : index
          %get3A_1353 = tpu.vector_load %arg18[%get3A_1351, %get3A_1352] {strides = array<i32>} : memref<32x512xf32, #tpu.memory_space<vmem>>, vector<16xf32>,
          %get3A_1354 = arith.index_cast %add3A_1044 : i32 to index
          %get3A_1355 = arith.constant 432 : index
          %get3A_1356 = tpu.vector_load %arg18[%get3A_1354, %get3A_1355] {strides = array<i32>} : memref<32x512xf32, #tpu.memory_space<vmem>>, vector<16xf32>,
          %get3A_1357 = arith.index_cast %add3A_1057 : i32 to index
          %get3A_1358 = arith.constant 48 : index
          %get3A_1359 = tpu.vector_load %arg18[%get3A_1357, %get3A_1358] {strides = array<i32>} : memref<32x512xf32, #tpu.memory_space<vmem>>, vector<16xf32>,
          %get3A_1360 = arith.index_cast %add3A_1057 : i32 to index
          %get3A_1361 = arith.constant 176 : index
          %get3A_1362 = tpu.vector_load %arg18[%get3A_1360, %get3A_1361] {strides = array<i32>} : memref<32x512xf32, #tpu.memory_space<vmem>>, vector<16xf32>,
          %get3A_1363 = arith.index_cast %add3A_1057 : i32 to index
          %get3A_1364 = arith.constant 304 : index
          %get3A_1365 = tpu.vector_load %arg18[%get3A_1363, %get3A_1364] {strides = array<i32>} : memref<32x512xf32, #tpu.memory_space<vmem>>, vector<16xf32>,
          %get3A_1366 = arith.index_cast %add3A_1057 : i32 to index
          %get3A_1367 = arith.constant 432 : index
          %get3A_1368 = tpu.vector_load %arg18[%get3A_1366, %get3A_1367] {strides = array<i32>} : memref<32x512xf32, #tpu.memory_space<vmem>>, vector<16xf32>,
          %mul3A_1369 = arith.mulf %gather3A_1010, %get3A_1323 : vector<16xf32>
          %mul3A_1370 = arith.mulf %gather3A_1012, %get3A_1326 : vector<16xf32>
          %add3A_1371 = arith.addf %mul3A_1369, %mul3A_1370 : vector<16xf32>
          %mul3A_1372 = arith.mulf %gather3A_1014, %get3A_1329 : vector<16xf32>
          %mul3A_1373 = arith.mulf %gather3A_1016, %get3A_1332 : vector<16xf32>
          %add3A_1374 = arith.addf %mul3A_1372, %mul3A_1373 : vector<16xf32>
          %add3A_1375 = arith.addf %add3A_1371, %add3A_1374 : vector<16xf32>
          %mul3A_1376 = arith.mulf %gather3A_1023, %get3A_1335 : vector<16xf32>
          %mul3A_1377 = arith.mulf %gather3A_1025, %get3A_1338 : vector<16xf32>
          %add3A_1378 = arith.addf %mul3A_1376, %mul3A_1377 : vector<16xf32>
          %mul3A_1379 = arith.mulf %gather3A_1027, %get3A_1341 : vector<16xf32>
          %mul3A_1380 = arith.mulf %gather3A_1029, %get3A_1344 : vector<16xf32>
          %add3A_1381 = arith.addf %mul3A_1379, %mul3A_1380 : vector<16xf32>
          %add3A_1382 = arith.addf %add3A_1378, %add3A_1381 : vector<16xf32>
          %mul3A_1383 = arith.mulf %gather3A_1036, %get3A_1347 : vector<16xf32>
          %mul3A_1384 = arith.mulf %gather3A_1038, %get3A_1350 : vector<16xf32>
          %add3A_1385 = arith.addf %mul3A_1383, %mul3A_1384 : vector<16xf32>
          %mul3A_1386 = arith.mulf %gather3A_1040, %get3A_1353 : vector<16xf32>
          %mul3A_1387 = arith.mulf %gather3A_1042, %get3A_1356 : vector<16xf32>
          %add3A_1388 = arith.addf %mul3A_1386, %mul3A_1387 : vector<16xf32>
          %add3A_1389 = arith.addf %add3A_1385, %add3A_1388 : vector<16xf32>
          %mul3A_1390 = arith.mulf %gather3A_1049, %get3A_1359 : vector<16xf32>
          %mul3A_1391 = arith.mulf %gather3A_1051, %get3A_1362 : vector<16xf32>
          %add3A_1392 = arith.addf %mul3A_1390, %mul3A_1391 : vector<16xf32>
          %mul3A_1393 = arith.mulf %gather3A_1053, %get3A_1365 : vector<16xf32>
          %mul3A_1394 = arith.mulf %gather3A_1055, %get3A_1368 : vector<16xf32>
          %add3A_1395 = arith.addf %mul3A_1393, %mul3A_1394 : vector<16xf32>
          %add3A_1396 = arith.addf %add3A_1392, %add3A_1395 : vector<16xf32>
          %swap3A_1397 = arith.index_cast %add3A_1018 : i32 to index
          %swap3A_1398 = arith.constant 48 : index
          %swap3A_1399 = tpu.vector_load %arg20[%swap3A_1397, %swap3A_1398] {strides = array<i32>} : memref<32x128xf32, #tpu.memory_space<vmem>>, vector<16xf32>,
          tpu.vector_store %arg20[%swap3A_1397, %swap3A_1398], %add3A_1375 {strides = array<i32>} : memref<32x128xf32, #tpu.memory_space<vmem>>, vector<16xf32>,
          %swap3A_1400 = arith.index_cast %add3A_1031 : i32 to index
          %swap3A_1401 = arith.constant 48 : index
          %swap3A_1402 = tpu.vector_load %arg20[%swap3A_1400, %swap3A_1401] {strides = array<i32>} : memref<32x128xf32, #tpu.memory_space<vmem>>, vector<16xf32>,
          tpu.vector_store %arg20[%swap3A_1400, %swap3A_1401], %add3A_1382 {strides = array<i32>} : memref<32x128xf32, #tpu.memory_space<vmem>>, vector<16xf32>,
          %swap3A_1403 = arith.index_cast %add3A_1044 : i32 to index
          %swap3A_1404 = arith.constant 48 : index
          %swap3A_1405 = tpu.vector_load %arg20[%swap3A_1403, %swap3A_1404] {strides = array<i32>} : memref<32x128xf32, #tpu.memory_space<vmem>>, vector<16xf32>,
          tpu.vector_store %arg20[%swap3A_1403, %swap3A_1404], %add3A_1389 {strides = array<i32>} : memref<32x128xf32, #tpu.memory_space<vmem>>, vector<16xf32>,
          %swap3A_1406 = arith.index_cast %add3A_1057 : i32 to index
          %swap3A_1407 = arith.constant 48 : index
          %swap3A_1408 = tpu.vector_load %arg20[%swap3A_1406, %swap3A_1407] {strides = array<i32>} : memref<32x128xf32, #tpu.memory_space<vmem>>, vector<16xf32>,
          tpu.vector_store %arg20[%swap3A_1406, %swap3A_1407], %add3A_1396 {strides = array<i32>} : memref<32x128xf32, #tpu.memory_space<vmem>>, vector<16xf32>,
          %get3A_1409 = arith.index_cast %add3A_1018 : i32 to index
          %get3A_1410 = arith.constant 64 : index
          %get3A_1411 = tpu.vector_load %arg18[%get3A_1409, %get3A_1410] {strides = array<i32>} : memref<32x512xf32, #tpu.memory_space<vmem>>, vector<16xf32>,
          %get3A_1412 = arith.index_cast %add3A_1018 : i32 to index
          %get3A_1413 = arith.constant 192 : index
          %get3A_1414 = tpu.vector_load %arg18[%get3A_1412, %get3A_1413] {strides = array<i32>} : memref<32x512xf32, #tpu.memory_space<vmem>>, vector<16xf32>,
          %get3A_1415 = arith.index_cast %add3A_1018 : i32 to index
          %get3A_1416 = arith.constant 320 : index
          %get3A_1417 = tpu.vector_load %arg18[%get3A_1415, %get3A_1416] {strides = array<i32>} : memref<32x512xf32, #tpu.memory_space<vmem>>, vector<16xf32>,
          %get3A_1418 = arith.index_cast %add3A_1018 : i32 to index
          %get3A_1419 = arith.constant 448 : index
          %get3A_1420 = tpu.vector_load %arg18[%get3A_1418, %get3A_1419] {strides = array<i32>} : memref<32x512xf32, #tpu.memory_space<vmem>>, vector<16xf32>,
          %get3A_1421 = arith.index_cast %add3A_1031 : i32 to index
          %get3A_1422 = arith.constant 64 : index
          %get3A_1423 = tpu.vector_load %arg18[%get3A_1421, %get3A_1422] {strides = array<i32>} : memref<32x512xf32, #tpu.memory_space<vmem>>, vector<16xf32>,
          %get3A_1424 = arith.index_cast %add3A_1031 : i32 to index
          %get3A_1425 = arith.constant 192 : index
          %get3A_1426 = tpu.vector_load %arg18[%get3A_1424, %get3A_1425] {strides = array<i32>} : memref<32x512xf32, #tpu.memory_space<vmem>>, vector<16xf32>,
          %get3A_1427 = arith.index_cast %add3A_1031 : i32 to index
          %get3A_1428 = arith.constant 320 : index
          %get3A_1429 = tpu.vector_load %arg18[%get3A_1427, %get3A_1428] {strides = array<i32>} : memref<32x512xf32, #tpu.memory_space<vmem>>, vector<16xf32>,
          %get3A_1430 = arith.index_cast %add3A_1031 : i32 to index
          %get3A_1431 = arith.constant 448 : index
          %get3A_1432 = tpu.vector_load %arg18[%get3A_1430, %get3A_1431] {strides = array<i32>} : memref<32x512xf32, #tpu.memory_space<vmem>>, vector<16xf32>,
          %get3A_1433 = arith.index_cast %add3A_1044 : i32 to index
          %get3A_1434 = arith.constant 64 : index
          %get3A_1435 = tpu.vector_load %arg18[%get3A_1433, %get3A_1434] {strides = array<i32>} : memref<32x512xf32, #tpu.memory_space<vmem>>, vector<16xf32>,
          %get3A_1436 = arith.index_cast %add3A_1044 : i32 to index
          %get3A_1437 = arith.constant 192 : index
          %get3A_1438 = tpu.vector_load %arg18[%get3A_1436, %get3A_1437] {strides = array<i32>} : memref<32x512xf32, #tpu.memory_space<vmem>>, vector<16xf32>,
          %get3A_1439 = arith.index_cast %add3A_1044 : i32 to index
          %get3A_1440 = arith.constant 320 : index
          %get3A_1441 = tpu.vector_load %arg18[%get3A_1439, %get3A_1440] {strides = array<i32>} : memref<32x512xf32, #tpu.memory_space<vmem>>, vector<16xf32>,
          %get3A_1442 = arith.index_cast %add3A_1044 : i32 to index
          %get3A_1443 = arith.constant 448 : index
          %get3A_1444 = tpu.vector_load %arg18[%get3A_1442, %get3A_1443] {strides = array<i32>} : memref<32x512xf32, #tpu.memory_space<vmem>>, vector<16xf32>,
          %get3A_1445 = arith.index_cast %add3A_1057 : i32 to index
          %get3A_1446 = arith.constant 64 : index
          %get3A_1447 = tpu.vector_load %arg18[%get3A_1445, %get3A_1446] {strides = array<i32>} : memref<32x512xf32, #tpu.memory_space<vmem>>, vector<16xf32>,
          %get3A_1448 = arith.index_cast %add3A_1057 : i32 to index
          %get3A_1449 = arith.constant 192 : index
          %get3A_1450 = tpu.vector_load %arg18[%get3A_1448, %get3A_1449] {strides = array<i32>} : memref<32x512xf32, #tpu.memory_space<vmem>>, vector<16xf32>,
          %get3A_1451 = arith.index_cast %add3A_1057 : i32 to index
          %get3A_1452 = arith.constant 320 : index
          %get3A_1453 = tpu.vector_load %arg18[%get3A_1451, %get3A_1452] {strides = array<i32>} : memref<32x512xf32, #tpu.memory_space<vmem>>, vector<16xf32>,
          %get3A_1454 = arith.index_cast %add3A_1057 : i32 to index
          %get3A_1455 = arith.constant 448 : index
          %get3A_1456 = tpu.vector_load %arg18[%get3A_1454, %get3A_1455] {strides = array<i32>} : memref<32x512xf32, #tpu.memory_space<vmem>>, vector<16xf32>,
          %mul3A_1457 = arith.mulf %gather3A_1010, %get3A_1411 : vector<16xf32>
          %mul3A_1458 = arith.mulf %gather3A_1012, %get3A_1414 : vector<16xf32>
          %add3A_1459 = arith.addf %mul3A_1457, %mul3A_1458 : vector<16xf32>
          %mul3A_1460 = arith.mulf %gather3A_1014, %get3A_1417 : vector<16xf32>
          %mul3A_1461 = arith.mulf %gather3A_1016, %get3A_1420 : vector<16xf32>
          %add3A_1462 = arith.addf %mul3A_1460, %mul3A_1461 : vector<16xf32>
          %add3A_1463 = arith.addf %add3A_1459, %add3A_1462 : vector<16xf32>
          %mul3A_1464 = arith.mulf %gather3A_1023, %get3A_1423 : vector<16xf32>
          %mul3A_1465 = arith.mulf %gather3A_1025, %get3A_1426 : vector<16xf32>
          %add3A_1466 = arith.addf %mul3A_1464, %mul3A_1465 : vector<16xf32>
          %mul3A_1467 = arith.mulf %gather3A_1027, %get3A_1429 : vector<16xf32>
          %mul3A_1468 = arith.mulf %gather3A_1029, %get3A_1432 : vector<16xf32>
          %add3A_1469 = arith.addf %mul3A_1467, %mul3A_1468 : vector<16xf32>
          %add3A_1470 = arith.addf %add3A_1466, %add3A_1469 : vector<16xf32>
          %mul3A_1471 = arith.mulf %gather3A_1036, %get3A_1435 : vector<16xf32>
          %mul3A_1472 = arith.mulf %gather3A_1038, %get3A_1438 : vector<16xf32>
          %add3A_1473 = arith.addf %mul3A_1471, %mul3A_1472 : vector<16xf32>
          %mul3A_1474 = arith.mulf %gather3A_1040, %get3A_1441 : vector<16xf32>
          %mul3A_1475 = arith.mulf %gather3A_1042, %get3A_1444 : vector<16xf32>
          %add3A_1476 = arith.addf %mul3A_1474, %mul3A_1475 : vector<16xf32>
          %add3A_1477 = arith.addf %add3A_1473, %add3A_1476 : vector<16xf32>
          %mul3A_1478 = arith.mulf %gather3A_1049, %get3A_1447 : vector<16xf32>
          %mul3A_1479 = arith.mulf %gather3A_1051, %get3A_1450 : vector<16xf32>
          %add3A_1480 = arith.addf %mul3A_1478, %mul3A_1479 : vector<16xf32>
          %mul3A_1481 = arith.mulf %gather3A_1053, %get3A_1453 : vector<16xf32>
          %mul3A_1482 = arith.mulf %gather3A_1055, %get3A_1456 : vector<16xf32>
          %add3A_1483 = arith.addf %mul3A_1481, %mul3A_1482 : vector<16xf32>
          %add3A_1484 = arith.addf %add3A_1480, %add3A_1483 : vector<16xf32>
          %swap3A_1485 = arith.index_cast %add3A_1018 : i32 to index
          %swap3A_1486 = arith.constant 64 : index
          %swap3A_1487 = tpu.vector_load %arg20[%swap3A_1485, %swap3A_1486] {strides = array<i32>} : memref<32x128xf32, #tpu.memory_space<vmem>>, vector<16xf32>,
          tpu.vector_store %arg20[%swap3A_1485, %swap3A_1486], %add3A_1463 {strides = array<i32>} : memref<32x128xf32, #tpu.memory_space<vmem>>, vector<16xf32>,
          %swap3A_1488 = arith.index_cast %add3A_1031 : i32 to index
          %swap3A_1489 = arith.constant 64 : index
          %swap3A_1490 = tpu.vector_load %arg20[%swap3A_1488, %swap3A_1489] {strides = array<i32>} : memref<32x128xf32, #tpu.memory_space<vmem>>, vector<16xf32>,
          tpu.vector_store %arg20[%swap3A_1488, %swap3A_1489], %add3A_1470 {strides = array<i32>} : memref<32x128xf32, #tpu.memory_space<vmem>>, vector<16xf32>,
          %swap3A_1491 = arith.index_cast %add3A_1044 : i32 to index
          %swap3A_1492 = arith.constant 64 : index
          %swap3A_1493 = tpu.vector_load %arg20[%swap3A_1491, %swap3A_1492] {strides = array<i32>} : memref<32x128xf32, #tpu.memory_space<vmem>>, vector<16xf32>,
          tpu.vector_store %arg20[%swap3A_1491, %swap3A_1492], %add3A_1477 {strides = array<i32>} : memref<32x128xf32, #tpu.memory_space<vmem>>, vector<16xf32>,
          %swap3A_1494 = arith.index_cast %add3A_1057 : i32 to index
          %swap3A_1495 = arith.constant 64 : index
          %swap3A_1496 = tpu.vector_load %arg20[%swap3A_1494, %swap3A_1495] {strides = array<i32>} : memref<32x128xf32, #tpu.memory_space<vmem>>, vector<16xf32>,
          tpu.vector_store %arg20[%swap3A_1494, %swap3A_1495], %add3A_1484 {strides = array<i32>} : memref<32x128xf32, #tpu.memory_space<vmem>>, vector<16xf32>,
          %get3A_1497 = arith.index_cast %add3A_1018 : i32 to index
          %get3A_1498 = arith.constant 80 : index
          %get3A_1499 = tpu.vector_load %arg18[%get3A_1497, %get3A_1498] {strides = array<i32>} : memref<32x512xf32, #tpu.memory_space<vmem>>, vector<16xf32>,
          %get3A_1500 = arith.index_cast %add3A_1018 : i32 to index
          %get3A_1501 = arith.constant 208 : index
          %get3A_1502 = tpu.vector_load %arg18[%get3A_1500, %get3A_1501] {strides = array<i32>} : memref<32x512xf32, #tpu.memory_space<vmem>>, vector<16xf32>,
          %get3A_1503 = arith.index_cast %add3A_1018 : i32 to index
          %get3A_1504 = arith.constant 336 : index
          %get3A_1505 = tpu.vector_load %arg18[%get3A_1503, %get3A_1504] {strides = array<i32>} : memref<32x512xf32, #tpu.memory_space<vmem>>, vector<16xf32>,
          %get3A_1506 = arith.index_cast %add3A_1018 : i32 to index
          %get3A_1507 = arith.constant 464 : index
          %get3A_1508 = tpu.vector_load %arg18[%get3A_1506, %get3A_1507] {strides = array<i32>} : memref<32x512xf32, #tpu.memory_space<vmem>>, vector<16xf32>,
          %get3A_1509 = arith.index_cast %add3A_1031 : i32 to index
          %get3A_1510 = arith.constant 80 : index
          %get3A_1511 = tpu.vector_load %arg18[%get3A_1509, %get3A_1510] {strides = array<i32>} : memref<32x512xf32, #tpu.memory_space<vmem>>, vector<16xf32>,
          %get3A_1512 = arith.index_cast %add3A_1031 : i32 to index
          %get3A_1513 = arith.constant 208 : index
          %get3A_1514 = tpu.vector_load %arg18[%get3A_1512, %get3A_1513] {strides = array<i32>} : memref<32x512xf32, #tpu.memory_space<vmem>>, vector<16xf32>,
          %get3A_1515 = arith.index_cast %add3A_1031 : i32 to index
          %get3A_1516 = arith.constant 336 : index
          %get3A_1517 = tpu.vector_load %arg18[%get3A_1515, %get3A_1516] {strides = array<i32>} : memref<32x512xf32, #tpu.memory_space<vmem>>, vector<16xf32>,
          %get3A_1518 = arith.index_cast %add3A_1031 : i32 to index
          %get3A_1519 = arith.constant 464 : index
          %get3A_1520 = tpu.vector_load %arg18[%get3A_1518, %get3A_1519] {strides = array<i32>} : memref<32x512xf32, #tpu.memory_space<vmem>>, vector<16xf32>,
          %get3A_1521 = arith.index_cast %add3A_1044 : i32 to index
          %get3A_1522 = arith.constant 80 : index
          %get3A_1523 = tpu.vector_load %arg18[%get3A_1521, %get3A_1522] {strides = array<i32>} : memref<32x512xf32, #tpu.memory_space<vmem>>, vector<16xf32>,
          %get3A_1524 = arith.index_cast %add3A_1044 : i32 to index
          %get3A_1525 = arith.constant 208 : index
          %get3A_1526 = tpu.vector_load %arg18[%get3A_1524, %get3A_1525] {strides = array<i32>} : memref<32x512xf32, #tpu.memory_space<vmem>>, vector<16xf32>,
          %get3A_1527 = arith.index_cast %add3A_1044 : i32 to index
          %get3A_1528 = arith.constant 336 : index
          %get3A_1529 = tpu.vector_load %arg18[%get3A_1527, %get3A_1528] {strides = array<i32>} : memref<32x512xf32, #tpu.memory_space<vmem>>, vector<16xf32>,
          %get3A_1530 = arith.index_cast %add3A_1044 : i32 to index
          %get3A_1531 = arith.constant 464 : index
          %get3A_1532 = tpu.vector_load %arg18[%get3A_1530, %get3A_1531] {strides = array<i32>} : memref<32x512xf32, #tpu.memory_space<vmem>>, vector<16xf32>,
          %get3A_1533 = arith.index_cast %add3A_1057 : i32 to index
          %get3A_1534 = arith.constant 80 : index
          %get3A_1535 = tpu.vector_load %arg18[%get3A_1533, %get3A_1534] {strides = array<i32>} : memref<32x512xf32, #tpu.memory_space<vmem>>, vector<16xf32>,
          %get3A_1536 = arith.index_cast %add3A_1057 : i32 to index
          %get3A_1537 = arith.constant 208 : index
          %get3A_1538 = tpu.vector_load %arg18[%get3A_1536, %get3A_1537] {strides = array<i32>} : memref<32x512xf32, #tpu.memory_space<vmem>>, vector<16xf32>,
          %get3A_1539 = arith.index_cast %add3A_1057 : i32 to index
          %get3A_1540 = arith.constant 336 : index
          %get3A_1541 = tpu.vector_load %arg18[%get3A_1539, %get3A_1540] {strides = array<i32>} : memref<32x512xf32, #tpu.memory_space<vmem>>, vector<16xf32>,
          %get3A_1542 = arith.index_cast %add3A_1057 : i32 to index
          %get3A_1543 = arith.constant 464 : index
          %get3A_1544 = tpu.vector_load %arg18[%get3A_1542, %get3A_1543] {strides = array<i32>} : memref<32x512xf32, #tpu.memory_space<vmem>>, vector<16xf32>,
          %mul3A_1545 = arith.mulf %gather3A_1010, %get3A_1499 : vector<16xf32>
          %mul3A_1546 = arith.mulf %gather3A_1012, %get3A_1502 : vector<16xf32>
          %add3A_1547 = arith.addf %mul3A_1545, %mul3A_1546 : vector<16xf32>
          %mul3A_1548 = arith.mulf %gather3A_1014, %get3A_1505 : vector<16xf32>
          %mul3A_1549 = arith.mulf %gather3A_1016, %get3A_1508 : vector<16xf32>
          %add3A_1550 = arith.addf %mul3A_1548, %mul3A_1549 : vector<16xf32>
          %add3A_1551 = arith.addf %add3A_1547, %add3A_1550 : vector<16xf32>
          %mul3A_1552 = arith.mulf %gather3A_1023, %get3A_1511 : vector<16xf32>
          %mul3A_1553 = arith.mulf %gather3A_1025, %get3A_1514 : vector<16xf32>
          %add3A_1554 = arith.addf %mul3A_1552, %mul3A_1553 : vector<16xf32>
          %mul3A_1555 = arith.mulf %gather3A_1027, %get3A_1517 : vector<16xf32>
          %mul3A_1556 = arith.mulf %gather3A_1029, %get3A_1520 : vector<16xf32>
          %add3A_1557 = arith.addf %mul3A_1555, %mul3A_1556 : vector<16xf32>
          %add3A_1558 = arith.addf %add3A_1554, %add3A_1557 : vector<16xf32>
          %mul3A_1559 = arith.mulf %gather3A_1036, %get3A_1523 : vector<16xf32>
          %mul3A_1560 = arith.mulf %gather3A_1038, %get3A_1526 : vector<16xf32>
          %add3A_1561 = arith.addf %mul3A_1559, %mul3A_1560 : vector<16xf32>
          %mul3A_1562 = arith.mulf %gather3A_1040, %get3A_1529 : vector<16xf32>
          %mul3A_1563 = arith.mulf %gather3A_1042, %get3A_1532 : vector<16xf32>
          %add3A_1564 = arith.addf %mul3A_1562, %mul3A_1563 : vector<16xf32>
          %add3A_1565 = arith.addf %add3A_1561, %add3A_1564 : vector<16xf32>
          %mul3A_1566 = arith.mulf %gather3A_1049, %get3A_1535 : vector<16xf32>
          %mul3A_1567 = arith.mulf %gather3A_1051, %get3A_1538 : vector<16xf32>
          %add3A_1568 = arith.addf %mul3A_1566, %mul3A_1567 : vector<16xf32>
          %mul3A_1569 = arith.mulf %gather3A_1053, %get3A_1541 : vector<16xf32>
          %mul3A_1570 = arith.mulf %gather3A_1055, %get3A_1544 : vector<16xf32>
          %add3A_1571 = arith.addf %mul3A_1569, %mul3A_1570 : vector<16xf32>
          %add3A_1572 = arith.addf %add3A_1568, %add3A_1571 : vector<16xf32>
          %swap3A_1573 = arith.index_cast %add3A_1018 : i32 to index
          %swap3A_1574 = arith.constant 80 : index
          %swap3A_1575 = tpu.vector_load %arg20[%swap3A_1573, %swap3A_1574] {strides = array<i32>} : memref<32x128xf32, #tpu.memory_space<vmem>>, vector<16xf32>,
          tpu.vector_store %arg20[%swap3A_1573, %swap3A_1574], %add3A_1551 {strides = array<i32>} : memref<32x128xf32, #tpu.memory_space<vmem>>, vector<16xf32>,
          %swap3A_1576 = arith.index_cast %add3A_1031 : i32 to index
          %swap3A_1577 = arith.constant 80 : index
          %swap3A_1578 = tpu.vector_load %arg20[%swap3A_1576, %swap3A_1577] {strides = array<i32>} : memref<32x128xf32, #tpu.memory_space<vmem>>, vector<16xf32>,
          tpu.vector_store %arg20[%swap3A_1576, %swap3A_1577], %add3A_1558 {strides = array<i32>} : memref<32x128xf32, #tpu.memory_space<vmem>>, vector<16xf32>,
          %swap3A_1579 = arith.index_cast %add3A_1044 : i32 to index
          %swap3A_1580 = arith.constant 80 : index
          %swap3A_1581 = tpu.vector_load %arg20[%swap3A_1579, %swap3A_1580] {strides = array<i32>} : memref<32x128xf32, #tpu.memory_space<vmem>>, vector<16xf32>,
          tpu.vector_store %arg20[%swap3A_1579, %swap3A_1580], %add3A_1565 {strides = array<i32>} : memref<32x128xf32, #tpu.memory_space<vmem>>, vector<16xf32>,
          %swap3A_1582 = arith.index_cast %add3A_1057 : i32 to index
          %swap3A_1583 = arith.constant 80 : index
          %swap3A_1584 = tpu.vector_load %arg20[%swap3A_1582, %swap3A_1583] {strides = array<i32>} : memref<32x128xf32, #tpu.memory_space<vmem>>, vector<16xf32>,
          tpu.vector_store %arg20[%swap3A_1582, %swap3A_1583], %add3A_1572 {strides = array<i32>} : memref<32x128xf32, #tpu.memory_space<vmem>>, vector<16xf32>,
          %get3A_1585 = arith.index_cast %add3A_1018 : i32 to index
          %get3A_1586 = arith.constant 96 : index
          %get3A_1587 = tpu.vector_load %arg18[%get3A_1585, %get3A_1586] {strides = array<i32>} : memref<32x512xf32, #tpu.memory_space<vmem>>, vector<16xf32>,
          %get3A_1588 = arith.index_cast %add3A_1018 : i32 to index
          %get3A_1589 = arith.constant 224 : index
          %get3A_1590 = tpu.vector_load %arg18[%get3A_1588, %get3A_1589] {strides = array<i32>} : memref<32x512xf32, #tpu.memory_space<vmem>>, vector<16xf32>,
          %get3A_1591 = arith.index_cast %add3A_1018 : i32 to index
          %get3A_1592 = arith.constant 352 : index
          %get3A_1593 = tpu.vector_load %arg18[%get3A_1591, %get3A_1592] {strides = array<i32>} : memref<32x512xf32, #tpu.memory_space<vmem>>, vector<16xf32>,
          %get3A_1594 = arith.index_cast %add3A_1018 : i32 to index
          %get3A_1595 = arith.constant 480 : index
          %get3A_1596 = tpu.vector_load %arg18[%get3A_1594, %get3A_1595] {strides = array<i32>} : memref<32x512xf32, #tpu.memory_space<vmem>>, vector<16xf32>,
          %get3A_1597 = arith.index_cast %add3A_1031 : i32 to index
          %get3A_1598 = arith.constant 96 : index
          %get3A_1599 = tpu.vector_load %arg18[%get3A_1597, %get3A_1598] {strides = array<i32>} : memref<32x512xf32, #tpu.memory_space<vmem>>, vector<16xf32>,
          %get3A_1600 = arith.index_cast %add3A_1031 : i32 to index
          %get3A_1601 = arith.constant 224 : index
          %get3A_1602 = tpu.vector_load %arg18[%get3A_1600, %get3A_1601] {strides = array<i32>} : memref<32x512xf32, #tpu.memory_space<vmem>>, vector<16xf32>,
          %get3A_1603 = arith.index_cast %add3A_1031 : i32 to index
          %get3A_1604 = arith.constant 352 : index
          %get3A_1605 = tpu.vector_load %arg18[%get3A_1603, %get3A_1604] {strides = array<i32>} : memref<32x512xf32, #tpu.memory_space<vmem>>, vector<16xf32>,
          %get3A_1606 = arith.index_cast %add3A_1031 : i32 to index
          %get3A_1607 = arith.constant 480 : index
          %get3A_1608 = tpu.vector_load %arg18[%get3A_1606, %get3A_1607] {strides = array<i32>} : memref<32x512xf32, #tpu.memory_space<vmem>>, vector<16xf32>,
          %get3A_1609 = arith.index_cast %add3A_1044 : i32 to index
          %get3A_1610 = arith.constant 96 : index
          %get3A_1611 = tpu.vector_load %arg18[%get3A_1609, %get3A_1610] {strides = array<i32>} : memref<32x512xf32, #tpu.memory_space<vmem>>, vector<16xf32>,
          %get3A_1612 = arith.index_cast %add3A_1044 : i32 to index
          %get3A_1613 = arith.constant 224 : index
          %get3A_1614 = tpu.vector_load %arg18[%get3A_1612, %get3A_1613] {strides = array<i32>} : memref<32x512xf32, #tpu.memory_space<vmem>>, vector<16xf32>,
          %get3A_1615 = arith.index_cast %add3A_1044 : i32 to index
          %get3A_1616 = arith.constant 352 : index
          %get3A_1617 = tpu.vector_load %arg18[%get3A_1615, %get3A_1616] {strides = array<i32>} : memref<32x512xf32, #tpu.memory_space<vmem>>, vector<16xf32>,
          %get3A_1618 = arith.index_cast %add3A_1044 : i32 to index
          %get3A_1619 = arith.constant 480 : index
          %get3A_1620 = tpu.vector_load %arg18[%get3A_1618, %get3A_1619] {strides = array<i32>} : memref<32x512xf32, #tpu.memory_space<vmem>>, vector<16xf32>,
          %get3A_1621 = arith.index_cast %add3A_1057 : i32 to index
          %get3A_1622 = arith.constant 96 : index
          %get3A_1623 = tpu.vector_load %arg18[%get3A_1621, %get3A_1622] {strides = array<i32>} : memref<32x512xf32, #tpu.memory_space<vmem>>, vector<16xf32>,
          %get3A_1624 = arith.index_cast %add3A_1057 : i32 to index
          %get3A_1625 = arith.constant 224 : index
          %get3A_1626 = tpu.vector_load %arg18[%get3A_1624, %get3A_1625] {strides = array<i32>} : memref<32x512xf32, #tpu.memory_space<vmem>>, vector<16xf32>,
          %get3A_1627 = arith.index_cast %add3A_1057 : i32 to index
          %get3A_1628 = arith.constant 352 : index
          %get3A_1629 = tpu.vector_load %arg18[%get3A_1627, %get3A_1628] {strides = array<i32>} : memref<32x512xf32, #tpu.memory_space<vmem>>, vector<16xf32>,
          %get3A_1630 = arith.index_cast %add3A_1057 : i32 to index
          %get3A_1631 = arith.constant 480 : index
          %get3A_1632 = tpu.vector_load %arg18[%get3A_1630, %get3A_1631] {strides = array<i32>} : memref<32x512xf32, #tpu.memory_space<vmem>>, vector<16xf32>,
          %mul3A_1633 = arith.mulf %gather3A_1010, %get3A_1587 : vector<16xf32>
          %mul3A_1634 = arith.mulf %gather3A_1012, %get3A_1590 : vector<16xf32>
          %add3A_1635 = arith.addf %mul3A_1633, %mul3A_1634 : vector<16xf32>
          %mul3A_1636 = arith.mulf %gather3A_1014, %get3A_1593 : vector<16xf32>
          %mul3A_1637 = arith.mulf %gather3A_1016, %get3A_1596 : vector<16xf32>
          %add3A_1638 = arith.addf %mul3A_1636, %mul3A_1637 : vector<16xf32>
          %add3A_1639 = arith.addf %add3A_1635, %add3A_1638 : vector<16xf32>
          %mul3A_1640 = arith.mulf %gather3A_1023, %get3A_1599 : vector<16xf32>
          %mul3A_1641 = arith.mulf %gather3A_1025, %get3A_1602 : vector<16xf32>
          %add3A_1642 = arith.addf %mul3A_1640, %mul3A_1641 : vector<16xf32>
          %mul3A_1643 = arith.mulf %gather3A_1027, %get3A_1605 : vector<16xf32>
          %mul3A_1644 = arith.mulf %gather3A_1029, %get3A_1608 : vector<16xf32>
          %add3A_1645 = arith.addf %mul3A_1643, %mul3A_1644 : vector<16xf32>
          %add3A_1646 = arith.addf %add3A_1642, %add3A_1645 : vector<16xf32>
          %mul3A_1647 = arith.mulf %gather3A_1036, %get3A_1611 : vector<16xf32>
          %mul3A_1648 = arith.mulf %gather3A_1038, %get3A_1614 : vector<16xf32>
          %add3A_1649 = arith.addf %mul3A_1647, %mul3A_1648 : vector<16xf32>
          %mul3A_1650 = arith.mulf %gather3A_1040, %get3A_1617 : vector<16xf32>
          %mul3A_1651 = arith.mulf %gather3A_1042, %get3A_1620 : vector<16xf32>
          %add3A_1652 = arith.addf %mul3A_1650, %mul3A_1651 : vector<16xf32>
          %add3A_1653 = arith.addf %add3A_1649, %add3A_1652 : vector<16xf32>
          %mul3A_1654 = arith.mulf %gather3A_1049, %get3A_1623 : vector<16xf32>
          %mul3A_1655 = arith.mulf %gather3A_1051, %get3A_1626 : vector<16xf32>
          %add3A_1656 = arith.addf %mul3A_1654, %mul3A_1655 : vector<16xf32>
          %mul3A_1657 = arith.mulf %gather3A_1053, %get3A_1629 : vector<16xf32>
          %mul3A_1658 = arith.mulf %gather3A_1055, %get3A_1632 : vector<16xf32>
          %add3A_1659 = arith.addf %mul3A_1657, %mul3A_1658 : vector<16xf32>
          %add3A_1660 = arith.addf %add3A_1656, %add3A_1659 : vector<16xf32>
          %swap3A_1661 = arith.index_cast %add3A_1018 : i32 to index
          %swap3A_1662 = arith.constant 96 : index
          %swap3A_1663 = tpu.vector_load %arg20[%swap3A_1661, %swap3A_1662] {strides = array<i32>} : memref<32x128xf32, #tpu.memory_space<vmem>>, vector<16xf32>,
          tpu.vector_store %arg20[%swap3A_1661, %swap3A_1662], %add3A_1639 {strides = array<i32>} : memref<32x128xf32, #tpu.memory_space<vmem>>, vector<16xf32>,
          %swap3A_1664 = arith.index_cast %add3A_1031 : i32 to index
          %swap3A_1665 = arith.constant 96 : index
          %swap3A_1666 = tpu.vector_load %arg20[%swap3A_1664, %swap3A_1665] {strides = array<i32>} : memref<32x128xf32, #tpu.memory_space<vmem>>, vector<16xf32>,
          tpu.vector_store %arg20[%swap3A_1664, %swap3A_1665], %add3A_1646 {strides = array<i32>} : memref<32x128xf32, #tpu.memory_space<vmem>>, vector<16xf32>,
          %swap3A_1667 = arith.index_cast %add3A_1044 : i32 to index
          %swap3A_1668 = arith.constant 96 : index
          %swap3A_1669 = tpu.vector_load %arg20[%swap3A_1667, %swap3A_1668] {strides = array<i32>} : memref<32x128xf32, #tpu.memory_space<vmem>>, vector<16xf32>,
          tpu.vector_store %arg20[%swap3A_1667, %swap3A_1668], %add3A_1653 {strides = array<i32>} : memref<32x128xf32, #tpu.memory_space<vmem>>, vector<16xf32>,
          %swap3A_1670 = arith.index_cast %add3A_1057 : i32 to index
          %swap3A_1671 = arith.constant 96 : index
          %swap3A_1672 = tpu.vector_load %arg20[%swap3A_1670, %swap3A_1671] {strides = array<i32>} : memref<32x128xf32, #tpu.memory_space<vmem>>, vector<16xf32>,
          tpu.vector_store %arg20[%swap3A_1670, %swap3A_1671], %add3A_1660 {strides = array<i32>} : memref<32x128xf32, #tpu.memory_space<vmem>>, vector<16xf32>,
          %get3A_1673 = arith.index_cast %add3A_1018 : i32 to index
          %get3A_1674 = arith.constant 112 : index
          %get3A_1675 = tpu.vector_load %arg18[%get3A_1673, %get3A_1674] {strides = array<i32>} : memref<32x512xf32, #tpu.memory_space<vmem>>, vector<16xf32>,
          %get3A_1676 = arith.index_cast %add3A_1018 : i32 to index
          %get3A_1677 = arith.constant 240 : index
          %get3A_1678 = tpu.vector_load %arg18[%get3A_1676, %get3A_1677] {strides = array<i32>} : memref<32x512xf32, #tpu.memory_space<vmem>>, vector<16xf32>,
          %get3A_1679 = arith.index_cast %add3A_1018 : i32 to index
          %get3A_1680 = arith.constant 368 : index
          %get3A_1681 = tpu.vector_load %arg18[%get3A_1679, %get3A_1680] {strides = array<i32>} : memref<32x512xf32, #tpu.memory_space<vmem>>, vector<16xf32>,
          %get3A_1682 = arith.index_cast %add3A_1018 : i32 to index
          %get3A_1683 = arith.constant 496 : index
          %get3A_1684 = tpu.vector_load %arg18[%get3A_1682, %get3A_1683] {strides = array<i32>} : memref<32x512xf32, #tpu.memory_space<vmem>>, vector<16xf32>,
          %get3A_1685 = arith.index_cast %add3A_1031 : i32 to index
          %get3A_1686 = arith.constant 112 : index
          %get3A_1687 = tpu.vector_load %arg18[%get3A_1685, %get3A_1686] {strides = array<i32>} : memref<32x512xf32, #tpu.memory_space<vmem>>, vector<16xf32>,
          %get3A_1688 = arith.index_cast %add3A_1031 : i32 to index
          %get3A_1689 = arith.constant 240 : index
          %get3A_1690 = tpu.vector_load %arg18[%get3A_1688, %get3A_1689] {strides = array<i32>} : memref<32x512xf32, #tpu.memory_space<vmem>>, vector<16xf32>,
          %get3A_1691 = arith.index_cast %add3A_1031 : i32 to index
          %get3A_1692 = arith.constant 368 : index
          %get3A_1693 = tpu.vector_load %arg18[%get3A_1691, %get3A_1692] {strides = array<i32>} : memref<32x512xf32, #tpu.memory_space<vmem>>, vector<16xf32>,
          %get3A_1694 = arith.index_cast %add3A_1031 : i32 to index
          %get3A_1695 = arith.constant 496 : index
          %get3A_1696 = tpu.vector_load %arg18[%get3A_1694, %get3A_1695] {strides = array<i32>} : memref<32x512xf32, #tpu.memory_space<vmem>>, vector<16xf32>,
          %get3A_1697 = arith.index_cast %add3A_1044 : i32 to index
          %get3A_1698 = arith.constant 112 : index
          %get3A_1699 = tpu.vector_load %arg18[%get3A_1697, %get3A_1698] {strides = array<i32>} : memref<32x512xf32, #tpu.memory_space<vmem>>, vector<16xf32>,
          %get3A_1700 = arith.index_cast %add3A_1044 : i32 to index
          %get3A_1701 = arith.constant 240 : index
          %get3A_1702 = tpu.vector_load %arg18[%get3A_1700, %get3A_1701] {strides = array<i32>} : memref<32x512xf32, #tpu.memory_space<vmem>>, vector<16xf32>,
          %get3A_1703 = arith.index_cast %add3A_1044 : i32 to index
          %get3A_1704 = arith.constant 368 : index
          %get3A_1705 = tpu.vector_load %arg18[%get3A_1703, %get3A_1704] {strides = array<i32>} : memref<32x512xf32, #tpu.memory_space<vmem>>, vector<16xf32>,
          %get3A_1706 = arith.index_cast %add3A_1044 : i32 to index
          %get3A_1707 = arith.constant 496 : index
          %get3A_1708 = tpu.vector_load %arg18[%get3A_1706, %get3A_1707] {strides = array<i32>} : memref<32x512xf32, #tpu.memory_space<vmem>>, vector<16xf32>,
          %get3A_1709 = arith.index_cast %add3A_1057 : i32 to index
          %get3A_1710 = arith.constant 112 : index
          %get3A_1711 = tpu.vector_load %arg18[%get3A_1709, %get3A_1710] {strides = array<i32>} : memref<32x512xf32, #tpu.memory_space<vmem>>, vector<16xf32>,
          %get3A_1712 = arith.index_cast %add3A_1057 : i32 to index
          %get3A_1713 = arith.constant 240 : index
          %get3A_1714 = tpu.vector_load %arg18[%get3A_1712, %get3A_1713] {strides = array<i32>} : memref<32x512xf32, #tpu.memory_space<vmem>>, vector<16xf32>,
          %get3A_1715 = arith.index_cast %add3A_1057 : i32 to index
          %get3A_1716 = arith.constant 368 : index
          %get3A_1717 = tpu.vector_load %arg18[%get3A_1715, %get3A_1716] {strides = array<i32>} : memref<32x512xf32, #tpu.memory_space<vmem>>, vector<16xf32>,
          %get3A_1718 = arith.index_cast %add3A_1057 : i32 to index
          %get3A_1719 = arith.constant 496 : index
          %get3A_1720 = tpu.vector_load %arg18[%get3A_1718, %get3A_1719] {strides = array<i32>} : memref<32x512xf32, #tpu.memory_space<vmem>>, vector<16xf32>,
          %mul3A_1721 = arith.mulf %gather3A_1010, %get3A_1675 : vector<16xf32>
          %mul3A_1722 = arith.mulf %gather3A_1012, %get3A_1678 : vector<16xf32>
          %add3A_1723 = arith.addf %mul3A_1721, %mul3A_1722 : vector<16xf32>
          %mul3A_1724 = arith.mulf %gather3A_1014, %get3A_1681 : vector<16xf32>
          %mul3A_1725 = arith.mulf %gather3A_1016, %get3A_1684 : vector<16xf32>
          %add3A_1726 = arith.addf %mul3A_1724, %mul3A_1725 : vector<16xf32>
          %add3A_1727 = arith.addf %add3A_1723, %add3A_1726 : vector<16xf32>
          %mul3A_1728 = arith.mulf %gather3A_1023, %get3A_1687 : vector<16xf32>
          %mul3A_1729 = arith.mulf %gather3A_1025, %get3A_1690 : vector<16xf32>
          %add3A_1730 = arith.addf %mul3A_1728, %mul3A_1729 : vector<16xf32>
          %mul3A_1731 = arith.mulf %gather3A_1027, %get3A_1693 : vector<16xf32>
          %mul3A_1732 = arith.mulf %gather3A_1029, %get3A_1696 : vector<16xf32>
          %add3A_1733 = arith.addf %mul3A_1731, %mul3A_1732 : vector<16xf32>
          %add3A_1734 = arith.addf %add3A_1730, %add3A_1733 : vector<16xf32>
          %mul3A_1735 = arith.mulf %gather3A_1036, %get3A_1699 : vector<16xf32>
          %mul3A_1736 = arith.mulf %gather3A_1038, %get3A_1702 : vector<16xf32>
          %add3A_1737 = arith.addf %mul3A_1735, %mul3A_1736 : vector<16xf32>
          %mul3A_1738 = arith.mulf %gather3A_1040, %get3A_1705 : vector<16xf32>
          %mul3A_1739 = arith.mulf %gather3A_1042, %get3A_1708 : vector<16xf32>
          %add3A_1740 = arith.addf %mul3A_1738, %mul3A_1739 : vector<16xf32>
          %add3A_1741 = arith.addf %add3A_1737, %add3A_1740 : vector<16xf32>
          %mul3A_1742 = arith.mulf %gather3A_1049, %get3A_1711 : vector<16xf32>
          %mul3A_1743 = arith.mulf %gather3A_1051, %get3A_1714 : vector<16xf32>
          %add3A_1744 = arith.addf %mul3A_1742, %mul3A_1743 : vector<16xf32>
          %mul3A_1745 = arith.mulf %gather3A_1053, %get3A_1717 : vector<16xf32>
          %mul3A_1746 = arith.mulf %gather3A_1055, %get3A_1720 : vector<16xf32>
          %add3A_1747 = arith.addf %mul3A_1745, %mul3A_1746 : vector<16xf32>
          %add3A_1748 = arith.addf %add3A_1744, %add3A_1747 : vector<16xf32>
          %swap3A_1749 = arith.index_cast %add3A_1018 : i32 to index
          %swap3A_1750 = arith.constant 112 : index
          %swap3A_1751 = tpu.vector_load %arg20[%swap3A_1749, %swap3A_1750] {strides = array<i32>} : memref<32x128xf32, #tpu.memory_space<vmem>>, vector<16xf32>,
          tpu.vector_store %arg20[%swap3A_1749, %swap3A_1750], %add3A_1727 {strides = array<i32>} : memref<32x128xf32, #tpu.memory_space<vmem>>, vector<16xf32>,
          %swap3A_1752 = arith.index_cast %add3A_1031 : i32 to index
          %swap3A_1753 = arith.constant 112 : index
          %swap3A_1754 = tpu.vector_load %arg20[%swap3A_1752, %swap3A_1753] {strides = array<i32>} : memref<32x128xf32, #tpu.memory_space<vmem>>, vector<16xf32>,
          tpu.vector_store %arg20[%swap3A_1752, %swap3A_1753], %add3A_1734 {strides = array<i32>} : memref<32x128xf32, #tpu.memory_space<vmem>>, vector<16xf32>,
          %swap3A_1755 = arith.index_cast %add3A_1044 : i32 to index
          %swap3A_1756 = arith.constant 112 : index
          %swap3A_1757 = tpu.vector_load %arg20[%swap3A_1755, %swap3A_1756] {strides = array<i32>} : memref<32x128xf32, #tpu.memory_space<vmem>>, vector<16xf32>,
          tpu.vector_store %arg20[%swap3A_1755, %swap3A_1756], %add3A_1741 {strides = array<i32>} : memref<32x128xf32, #tpu.memory_space<vmem>>, vector<16xf32>,
          %swap3A_1758 = arith.index_cast %add3A_1057 : i32 to index
          %swap3A_1759 = arith.constant 112 : index
          %swap3A_1760 = tpu.vector_load %arg20[%swap3A_1758, %swap3A_1759] {strides = array<i32>} : memref<32x128xf32, #tpu.memory_space<vmem>>, vector<16xf32>,
          tpu.vector_store %arg20[%swap3A_1758, %swap3A_1759], %add3A_1748 {strides = array<i32>} : memref<32x128xf32, #tpu.memory_space<vmem>>, vector<16xf32>,
        }
        %scan3A_996 = arith.constant 4 : i32
        %dma_start3A_997 = arith.constant 0 : i32
        %dma_start3A_998 = tpu.memref_slice %arg12[%add3A_112, %dma_start3A_997] : memref<32x32xi32, #tpu.memory_space<vmem>> -> memref<1x32xi32, #tpu.memory_space<vmem>>
        %dma_start3A_999 = tpu.memref_squeeze %dma_start3A_998 : memref<1x32xi32, #tpu.memory_space<vmem>> -> memref<32xi32, #tpu.memory_space<vmem>>
        %dma_start3A_1000 = arith.constant 0 : i32
        %dma_start3A_1001 = arith.constant 0 : i32
        %dma_start3A_1002 = tpu.memref_slice %arg21[%dma_start3A_1000, %dma_start3A_1001] : memref<10000x128xf32, #tpu.memory_space<vmem_shared>> -> memref<10000x128xf32, #tpu.memory_space<vmem_shared>>
        tpu.enqueue_indirect_dma source(%arg20 : memref<32x128xf32, #tpu.memory_space<vmem>>) target(%dma_start3A_1002 : memref<10000x128xf32, #tpu.memory_space<vmem_shared>>) offsets(%dma_start3A_999 : memref<32xi32, #tpu.memory_space<vmem>>) semaphore(%arg25 : memref<!tpu.dma_semaphore, #tpu.memory_space<semaphore_mem>>) {add = true}
      }
      %scan3A_101 = arith.constant 16 : i32
    }
    %scan3A_24 = arith.constant 10 : i32
    %dma_wait3A = arith.constant 0 : i32
    %dma_wait3A_25 = arith.constant 0 : i32
    %dma_wait3A_26 = tpu.memref_slice %arg12[%dma_wait3A, %dma_wait3A_25] : memref<32x32xi32, #tpu.memory_space<vmem>> -> memref<1x32xi32, #tpu.memory_space<vmem>>
    %dma_wait3A_27 = tpu.memref_squeeze %dma_wait3A_26 : memref<1x32xi32, #tpu.memory_space<vmem>> -> memref<32xi32, #tpu.memory_space<vmem>>
    %dma_wait3A_28 = arith.constant 0 : i32
    %dma_wait3A_29 = arith.constant 0 : i32
    %dma_wait3A_30 = tpu.memref_slice %arg21[%dma_wait3A_28, %dma_wait3A_29] : memref<10000x128xf32, #tpu.memory_space<vmem_shared>> -> memref<10000x128xf32, #tpu.memory_space<vmem_shared>>
    tpu.wait_indirect_dma semaphore(%arg24 : memref<!tpu.dma_semaphore, #tpu.memory_space<semaphore_mem>>) src(%arg19 : memref<32x128xf32, #tpu.memory_space<vmem>>) dst(%dma_wait3A_30 : memref<10000x128xf32, #tpu.memory_space<vmem_shared>>)
    %dma_wait3A_31 = arith.constant 1 : i32
    %dma_wait3A_32 = arith.constant 0 : i32
    %dma_wait3A_33 = tpu.memref_slice %arg12[%dma_wait3A_31, %dma_wait3A_32] : memref<32x32xi32, #tpu.memory_space<vmem>> -> memref<1x32xi32, #tpu.memory_space<vmem>>
    %dma_wait3A_34 = tpu.memref_squeeze %dma_wait3A_33 : memref<1x32xi32, #tpu.memory_space<vmem>> -> memref<32xi32, #tpu.memory_space<vmem>>
    %dma_wait3A_35 = arith.constant 0 : i32
    %dma_wait3A_36 = arith.constant 0 : i32
    %dma_wait3A_37 = tpu.memref_slice %arg21[%dma_wait3A_35, %dma_wait3A_36] : memref<10000x128xf32, #tpu.memory_space<vmem_shared>> -> memref<10000x128xf32, #tpu.memory_space<vmem_shared>>
    tpu.wait_indirect_dma semaphore(%arg25 : memref<!tpu.dma_semaphore, #tpu.memory_space<semaphore_mem>>) src(%arg20 : memref<32x128xf32, #tpu.memory_space<vmem>>) dst(%dma_wait3A_37 : memref<10000x128xf32, #tpu.memory_space<vmem_shared>>)
    %barrier3A_38 = arith.constant 0 : index
    tpu.barrier barrier_id(%barrier3A_38)
    %sub3A_39 = arith.constant 0 : i32
    %sub3A_40 = arith.subi %select_n3A, %sub3A_39 : i32
    %sub3A_41 = arith.constant 1 : i32
    %sub3A_42 = arith.constant 1 : i32
    %sub3A_43 = arith.subi %sub3A_41, %sub3A_42 : i32
    %add3A_44 = arith.addi %sub3A_40, %sub3A_43 : i32
    %div3A_45 = arith.constant 1 : i32
    %div3A_46 = arith.divsi %add3A_44, %div3A_45 : i32
    %while3A_47 = arith.constant 1 : i32
    %while3A_48 = arith.constant 0 : i32
    %while3A_49 = arith.constant 0 : i32
    %while3A_50 = arith.subi %div3A_46, %while3A_49 : i32
    %while3A_51 = arith.addi %while3A_49, %while3A_50 : i32
    %while3A_52 = arith.constant 1 : i32
    %while3A_53 = arith.divsi %while3A_50, %while3A_52 : i32
    %while3A_54 = arith.muli %while3A_53, %while3A_52 : i32
    %while3A_55 = arith.addi %while3A_49, %while3A_54 : i32
    %while3A_56 = arith.constant 1 : i32
    scf.for %while3A_58 = %while3A_49 to %while3A_55 step %while3A_56  : i32 {
      %mul3A_59 = arith.muli %while3A_58, %while3A_47 : i32
      %add3A_60 = arith.addi %while3A_48, %mul3A_59 : i32
      %mul3A_61 = arith.constant 40 : i32
      %mul3A_62 = arith.muli %add3A_60, %mul3A_61 : i32
      %add3A_63 = arith.addi %mul3A_2, %mul3A_62 : i32
      %multiple_of3A = tpu.assume_multiple %add3A_63, 8 : i32
      "tpu.region"() ({
        %run_scoped3A = tpu.sem_alloc : memref<!tpu.dma_semaphore, #tpu.memory_space<semaphore_mem>>
        %dma_start3A = arith.constant 0 : i32
        %dma_start3A_64 = tpu.memref_slice %arg10[%arg0, %multiple_of3A, %dma_start3A] : memref<2x10000x128xf32, #tpu.memory_space<hbm>> -> memref<1x40x128xf32, #tpu.memory_space<hbm>>
        %dma_start3A_65 = tpu.memref_squeeze %dma_start3A_64 : memref<1x40x128xf32, #tpu.memory_space<hbm>> -> memref<40x128xf32, #tpu.memory_space<hbm>>
        %dma_start3A_66 = arith.constant 0 : i32
        %dma_start3A_67 = tpu.memref_slice %arg21[%multiple_of3A, %dma_start3A_66] : memref<10000x128xf32, #tpu.memory_space<vmem_shared>> -> memref<40x128xf32, #tpu.memory_space<vmem_shared>>
        tpu.enqueue_dma source(%dma_start3A_67 : memref<40x128xf32, #tpu.memory_space<vmem_shared>>) target(%dma_start3A_65 : memref<40x128xf32, #tpu.memory_space<hbm>>) target_semaphore(%run_scoped3A : memref<!tpu.dma_semaphore, #tpu.memory_space<semaphore_mem>>)
        %dma_wait3A_68 = arith.constant 0 : i32
        %dma_wait3A_69 = tpu.memref_slice %arg10[%arg0, %multiple_of3A, %dma_wait3A_68] : memref<2x10000x128xf32, #tpu.memory_space<hbm>> -> memref<1x40x128xf32, #tpu.memory_space<hbm>>
        %dma_wait3A_70 = tpu.memref_squeeze %dma_wait3A_69 : memref<1x40x128xf32, #tpu.memory_space<hbm>> -> memref<40x128xf32, #tpu.memory_space<hbm>>
        %dma_wait3A_71 = arith.constant 0 : i32
        %dma_wait3A_72 = tpu.memref_slice %arg21[%multiple_of3A, %dma_wait3A_71] : memref<10000x128xf32, #tpu.memory_space<vmem_shared>> -> memref<40x128xf32, #tpu.memory_space<vmem_shared>>
        tpu.wait_dma2 semaphore(%run_scoped3A : memref<!tpu.dma_semaphore, #tpu.memory_space<semaphore_mem>>) src(%dma_wait3A_72 : memref<40x128xf32, #tpu.memory_space<vmem_shared>>) dst(%dma_wait3A_70 : memref<40x128xf32, #tpu.memory_space<hbm>>)
        tpu.yield
      }) : () -> ()
    }
    %while3A_57 = arith.constant 1 : i32
    scf.for %while3A_58 = %while3A_55 to %while3A_51 step %while3A_57  : i32 {
      %mul3A_59 = arith.muli %while3A_58, %while3A_47 : i32
      %add3A_60 = arith.addi %while3A_48, %mul3A_59 : i32
      %mul3A_61 = arith.constant 40 : i32
      %mul3A_62 = arith.muli %add3A_60, %mul3A_61 : i32
      %add3A_63 = arith.addi %mul3A_2, %mul3A_62 : i32
      %multiple_of3A = tpu.assume_multiple %add3A_63, 8 : i32
      "tpu.region"() ({
        %run_scoped3A = tpu.sem_alloc : memref<!tpu.dma_semaphore, #tpu.memory_space<semaphore_mem>>
        %dma_start3A = arith.constant 0 : i32
        %dma_start3A_64 = tpu.memref_slice %arg10[%arg0, %multiple_of3A, %dma_start3A] : memref<2x10000x128xf32, #tpu.memory_space<hbm>> -> memref<1x40x128xf32, #tpu.memory_space<hbm>>
        %dma_start3A_65 = tpu.memref_squeeze %dma_start3A_64 : memref<1x40x128xf32, #tpu.memory_space<hbm>> -> memref<40x128xf32, #tpu.memory_space<hbm>>
        %dma_start3A_66 = arith.constant 0 : i32
        %dma_start3A_67 = tpu.memref_slice %arg21[%multiple_of3A, %dma_start3A_66] : memref<10000x128xf32, #tpu.memory_space<vmem_shared>> -> memref<40x128xf32, #tpu.memory_space<vmem_shared>>
        tpu.enqueue_dma source(%dma_start3A_67 : memref<40x128xf32, #tpu.memory_space<vmem_shared>>) target(%dma_start3A_65 : memref<40x128xf32, #tpu.memory_space<hbm>>) target_semaphore(%run_scoped3A : memref<!tpu.dma_semaphore, #tpu.memory_space<semaphore_mem>>)
        %dma_wait3A_68 = arith.constant 0 : i32
        %dma_wait3A_69 = tpu.memref_slice %arg10[%arg0, %multiple_of3A, %dma_wait3A_68] : memref<2x10000x128xf32, #tpu.memory_space<hbm>> -> memref<1x40x128xf32, #tpu.memory_space<hbm>>
        %dma_wait3A_70 = tpu.memref_squeeze %dma_wait3A_69 : memref<1x40x128xf32, #tpu.memory_space<hbm>> -> memref<40x128xf32, #tpu.memory_space<hbm>>
        %dma_wait3A_71 = arith.constant 0 : i32
        %dma_wait3A_72 = tpu.memref_slice %arg21[%multiple_of3A, %dma_wait3A_71] : memref<10000x128xf32, #tpu.memory_space<vmem_shared>> -> memref<40x128xf32, #tpu.memory_space<vmem_shared>>
        tpu.wait_dma2 semaphore(%run_scoped3A : memref<!tpu.dma_semaphore, #tpu.memory_space<semaphore_mem>>) src(%dma_wait3A_72 : memref<40x128xf32, #tpu.memory_space<vmem_shared>>) dst(%dma_wait3A_70 : memref<40x128xf32, #tpu.memory_space<hbm>>)
        tpu.yield
      }) : () -> ()
    }
    return
  }
}

module attributes {stable_mosaic.version = 14 : i64} {
  func.func @_matmul_body(%arg0: i32, %arg1: memref<2000x128xf32, #tpu.memory_space<vmem>>, %arg2: memref<128x512xf32, #tpu.memory_space<vmem>>, %arg3: memref<2000x512xf32, #tpu.memory_space<vmem>>) attributes {dimension_semantics = [#tpu.dimension_semantics<arbitrary>], iteration_bounds = array<i64: 5>, scalar_prefetch = 0 : i64, scratch_operands = 0 : i64, tpu.core_type = #tpu.core_type<tc>, window_params = [{transform_indices = @transform_0, window_bounds = array<i64: 2000, 128>}, {pipeline_mode = #tpu.pipeline_mode<synchronous>, transform_indices = @transform_1, window_bounds = array<i64: 128, 512>}, {transform_indices = @transform_2, window_bounds = array<i64: 2000, 512>}]} {
    %get3A = arith.constant 0 : index
    %get3A_0 = arith.constant 0 : index
    %get3A_1 = vector.load %arg1[%get3A, %get3A_0] : memref<2000x128xf32, #tpu.memory_space<vmem>>, vector<2000x128xf32>
    %get3A_2 = arith.constant 0 : index
    %get3A_3 = arith.constant 0 : index
    %get3A_4 = vector.load %arg2[%get3A_2, %get3A_3] : memref<128x512xf32, #tpu.memory_space<vmem>>, vector<128x512xf32>
    %dot_general3A = arith.constant dense<0.000000e+00> : vector<2000x512xf32>
    %dot_general3A_5 = tpu.matmul %get3A_1, %get3A_4, %dot_general3A {dimension_numbers = #tpu.dot_dimension_numbers<[1], [0], [0], [1], [0, 0, 1, 1], [], []>, transpose_lhs_hint = false} : vector<2000x128xf32>, vector<128x512xf32>, vector<2000x512xf32> -> vector<2000x512xf32>
    %swap3A = arith.constant 0 : index
    %swap3A_6 = arith.constant 0 : index
    %swap3A_7 = vector.load %arg3[%swap3A, %swap3A_6] : memref<2000x512xf32, #tpu.memory_space<vmem>>, vector<2000x512xf32>
    tpu.vector_store %arg3[%swap3A, %swap3A_6], %dot_general3A_5 {strides = array<i32>} : memref<2000x512xf32, #tpu.memory_space<vmem>>, vector<2000x512xf32>,
    return
  }
  func.func @transform_0(%arg0: i32) -> (i32, i32) {
    %c0_i32 = arith.constant 0 : i32
    %c0_i32_0 = arith.constant 0 : i32
    return %arg0, %c0_i32 : i32, i32
  }
  func.func @transform_1(%arg0: i32) -> (i32, i32) {
    %c0_i32 = arith.constant 0 : i32
    %c0_i32_0 = arith.constant 0 : i32
    %c0_i32_1 = arith.constant 0 : i32
    return %c0_i32, %c0_i32_0 : i32, i32
  }
  func.func @transform_2(%arg0: i32) -> (i32, i32) {
    %c0_i32 = arith.constant 0 : i32
    %c0_i32_0 = arith.constant 0 : i32
    return %arg0, %c0_i32 : i32, i32
  }
}

module attributes {stable_mosaic.version = 14 : i64} {
  func.func @_addrelu_body(%arg0: i32, %arg1: memref<2000x128xf32, #tpu.memory_space<vmem>>, %arg2: memref<2000x128xf32, #tpu.memory_space<vmem>>, %arg3: memref<2000x128xf32, #tpu.memory_space<vmem>>) attributes {dimension_semantics = [#tpu.dimension_semantics<arbitrary>], iteration_bounds = array<i64: 5>, scalar_prefetch = 0 : i64, scratch_operands = 0 : i64, tpu.core_type = #tpu.core_type<tc>, window_params = [{transform_indices = @transform_0, window_bounds = array<i64: 2000, 128>}, {transform_indices = @transform_1, window_bounds = array<i64: 2000, 128>}, {transform_indices = @transform_2, window_bounds = array<i64: 2000, 128>}]} {
    %get3A = arith.constant 0 : index
    %get3A_0 = arith.constant 0 : index
    %get3A_1 = vector.load %arg1[%get3A, %get3A_0] : memref<2000x128xf32, #tpu.memory_space<vmem>>, vector<2000x128xf32>
    %get3A_2 = arith.constant 0 : index
    %get3A_3 = arith.constant 0 : index
    %get3A_4 = vector.load %arg2[%get3A_2, %get3A_3] : memref<2000x128xf32, #tpu.memory_space<vmem>>, vector<2000x128xf32>
    %add3A = arith.addf %get3A_1, %get3A_4 : vector<2000x128xf32>
    %max3A = arith.constant 0.000000e+00 : f32
    %max3A_5 = vector.broadcast %max3A : f32 to vector<2000x128xf32>
    %max3A_6 = arith.maximumf %add3A, %max3A_5 : vector<2000x128xf32>
    %swap3A = arith.constant 0 : index
    %swap3A_7 = arith.constant 0 : index
    %swap3A_8 = vector.load %arg3[%swap3A, %swap3A_7] : memref<2000x128xf32, #tpu.memory_space<vmem>>, vector<2000x128xf32>
    tpu.vector_store %arg3[%swap3A, %swap3A_7], %max3A_6 {strides = array<i32>} : memref<2000x128xf32, #tpu.memory_space<vmem>>, vector<2000x128xf32>,
    return
  }
  func.func @transform_0(%arg0: i32) -> (i32, i32) {
    %c0_i32 = arith.constant 0 : i32
    %c0_i32_0 = arith.constant 0 : i32
    return %arg0, %c0_i32 : i32, i32
  }
  func.func @transform_1(%arg0: i32) -> (i32, i32) {
    %c0_i32 = arith.constant 0 : i32
    %c0_i32_0 = arith.constant 0 : i32
    return %arg0, %c0_i32 : i32, i32
  }
  func.func @transform_2(%arg0: i32) -> (i32, i32) {
    %c0_i32 = arith.constant 0 : i32
    %c0_i32_0 = arith.constant 0 : i32
    return %arg0, %c0_i32 : i32, i32
  }
}

</mosaic_0001>

<sc_bundles>
// kernel: kernel.5.cloned.1.call-start
scs
__scs_entry_jumppad:
0x0: {  	(pc) =	sbr.rel $0x88, $3  }
0x1: {  	(tag) =	ssettag $0x0;
	lr =	simm.s32 $0x1  }
0x2: {  	[smem:$0x3F9D] =	sst lr;
	_ =	strace $0xD0000000  }
0x3: {  	_ = 	snop  }
0x4: {  	_ = 	snop  }
0x5: {  	_ = 	snop  }
0x6: {  	_ = 	snop  }
0x7: {  	_ = 	snop  }
__scs_overlays_trampoline_lowered:
0x8: {  	[smem:$0x3FAC] =	sst s0  }
0x9: {  	[smem:$0x3FAD] =	sst s1  }
0xa: {  	[smem:$0x3FAE] =	sst s2  }
0xb: {  	[smem:$0x3FAF] =	sst s3  }
0xc: {  	[smem:$0x3FB0] =	sst s4  }
0xd: {  	[smem:$0x3FB1] =	sst s5  }
0xe: {  	[smem:$0x3FB2] =	sst s6  }
0xf: {  	[smem:$0x3FB3] =	sst s7  }
0x10: {  	[smem:$0x3FB4] =	sst s8  }
0x11: {  	[smem:$0x3FB5] =	sst s9;
	s0 =	simm.s32 @!p0 $0x0  }
0x12: {  	s1 =	sld [smem:$0x3F9B];
	s0 =	simm.s32 @p0 $0x1  }
0x13: {  	[smem:$0x3FB6] =	sst s0;
	s0 =	simm.s32 @!p1 $0x0  }
0x14: {  	s2 =	sld [smem:$0x3F9A];
	s0 =	simm.s32 @p1 $0x1  }
0x15: {  	[smem:$0x3FB7] =	sst s0;
	s0 =	simm.s32 @!p2 $0x0  }
0x16: {  	s3 =	sld [smem:$0x3FDB];
	s0 =	simm.s32 @p2 $0x1  }
0x17: {  	s4 =	simm.s32 $0x1BF5;
	[smem:$0x3FB9] =	sst s0  }
0x18: {  	s0 =	sld [smem:$0x3F9C];
	_ =	swait.ge [sflag:s4], $0x0  }
0x19: {  	s7 =	sld [smem:$0x3F9D]  }
0x1a: {  	s8 =	sadd.s32 $0xFFFFE003, lr  }
0x1b: {  	s9 =	sadd.s32 $0xFFFFFEF7, lr;
	s5 =	simm.s32 $0xFFFFFFFF;
	p2 =	slt.u32 s8, $0xFFFFF086  }
0x1c: {  	p1 =	slt.u32 s9, $0xF7A;
	s5 =	simm.s32 @!p2 $0x0  }
0x1d: {  	s5 =	simm.s32 @p1 $0x1;
	p0 =	seq.s32 s7, s2  }
0x1e: {  	s7 =	smul.u32 @!p0 $0xF7A, s2;
	p2 =	seq.s32 @!p0 s5, $0x0  }
0x1f: {  	s9 =	smul.u32 $0xF7A, s1;
	s8 =	simm.s32 @!p0 $0x1BF5;
	p2 =	por !p2, p0  }
0x20: {  	[sflag:s8] =	ssyncset.s32 @!p0 $0xFFFFF086;
	s6 =	sadd.s32 @!p0 s3, s7;
	s7 =	simm.s32 @!p0 $0x108  }
0x21: {  	s3 =	sadd.s32 s3, s9;
	s6 =	sadd.s32 @!p0 $0x88, s6;
	s7 =	simm.s32 @p2 $0x1082  }
0x22: {  	[simem:s7], [sflag:s8] =	dma.local @!p0 [hbm:s6], $0xF7A  }
0x23: {  	s9 =	sor.u32 $0xD0000000, s2;
	s6 =	simm.s32 $0x108;
	_ =	swait.ge @!p0 [sflag:s8], $0x0  }
0x24: {  	s3 =	sadd.s32 $0x88, s3;
	s6 =	simm.s32 @!p1 $0x1082;
	[sflag:s4] =	ssyncset.s32 $0xFFFFF086  }
0x25: {  	[simem:s6], [sflag:s4] =	dma.local [hbm:s3], $0xF7A  }
0x26: {  	[smem:$0x3F9D] =	sst s1;
	(tag) =	ssettag s2;
	_ =	strace s9  }
0x27: {  	s1 =	sld [smem:$0x3FAD]  }
0x28: {  	s2 =	sld [smem:$0x3FAE]  }
0x29: {  	s4 =	sld [smem:$0x3FB0]  }
0x2a: {  	p0 =	seq.s32 s5, $0x0;
	s5 =	sld [smem:$0x3FB1]  }
0x2b: {  	s6 =	sld [smem:$0x3FB2]  }
0x2c: {  	s7 =	sld [smem:$0x3FB3]  }
0x2d: {  	s3 =	simm.s32 $0x108;
	s8 =	sld [smem:$0x3FB4]  }
0x2e: {  	s3 =	simm.s32 @!p0 $0x1082;
	s9 =	sld [smem:$0x3FB5]  }
0x2f: {  	lr =	sadd.s32 s0, s3;
	s0 =	sld [smem:$0x3FAC]  }
0x30: {  	s3 =	sld [smem:$0x3FAF]  }
0x31: {  	[smem:$0x3FB8] =	sst s10  }
0x32: {  	s10 =	sld [smem:$0x3FB6];
	_ =	sdelay $0x3  }
0x33: {  	p0 =	seq.s32 s10, $0x1;
	s10 =	sld [smem:$0x3FB8];
	_ =	sdelay $0x3  }
0x34: {  	[smem:$0x3FB8] =	sst s10  }
0x35: {  	s10 =	sld [smem:$0x3FB7];
	_ =	sdelay $0x3  }
0x36: {  	p1 =	seq.s32 s10, $0x1;
	s10 =	sld [smem:$0x3FB8];
	_ =	sdelay $0x3  }
0x37: {  	[smem:$0x3FB8] =	sst s10  }
0x38: {  	s10 =	sld [smem:$0x3FB9]  }
0x39: {  	_ = 	snop;
	(pc) =	sbr.ind lr, $3  }
0x3a: {  	_ = 	snop  }
0x3b: {  	_ = 	snop  }
0x3c: {  	p2 =	seq.s32 s10, $0x1;
	s10 =	sld [smem:$0x3FB8]  }
0x3d: {  	_ =	shalt  }
0x3e: {  	_ =	shalt  }
0x3f: {  	_ =	shalt  }
0x40: {  	_ =	shalt  }
0x41: {  	_ =	shalt  }
0x42: {  	_ =	shalt  }
0x43: {  	_ =	shalt  }
0x44: {  	_ =	shalt  }
0x45: {  	_ =	shalt  }
0x46: {  	_ =	shalt  }
0x47: {  	_ =	shalt  }
0x48: {  	_ =	shalt  }
0x49: {  	_ =	shalt  }
0x4a: {  	_ =	shalt  }
0x4b: {  	_ =	shalt  }
0x4c: {  	_ =	shalt  }
0x4d: {  	_ =	shalt  }
0x4e: {  	_ =	shalt  }
0x4f: {  	_ =	shalt  }
0x50: {  	_ =	shalt  }
0x51: {  	_ =	shalt  }
0x52: {  	_ =	shalt  }
0x53: {  	_ =	shalt  }
0x54: {  	_ =	shalt  }
0x55: {  	_ =	shalt  }
0x56: {  	_ =	shalt  }
0x57: {  	_ =	shalt  }
0x58: {  	_ =	shalt  }
0x59: {  	_ =	shalt  }
0x5a: {  	_ =	shalt  }
0x5b: {  	_ =	shalt  }
0x5c: {  	_ =	shalt  }
0x5d: {  	_ =	shalt  }
0x5e: {  	_ =	shalt  }
0x5f: {  	_ =	shalt  }
0x60: {  	_ =	shalt  }
0x61: {  	_ =	shalt  }
0x62: {  	_ =	shalt  }
0x63: {  	_ =	shalt  }
0x64: {  	_ =	shalt  }
0x65: {  	_ =	shalt  }
0x66: {  	_ =	shalt  }
0x67: {  	_ =	shalt  }
0x68: {  	_ =	shalt  }
0x69: {  	_ =	shalt  }
0x6a: {  	_ =	shalt  }
0x6b: {  	_ =	shalt  }
0x6c: {  	_ =	shalt  }
0x6d: {  	_ =	shalt  }
0x6e: {  	_ =	shalt  }
0x6f: {  	_ =	shalt  }
0x70: {  	_ =	shalt  }
0x71: {  	_ =	shalt  }
0x72: {  	_ =	shalt  }
0x73: {  	_ =	shalt  }
0x74: {  	_ =	shalt  }
0x75: {  	_ =	shalt  }
0x76: {  	_ =	shalt  }
0x77: {  	_ =	shalt  }
0x78: {  	_ =	shalt  }
0x79: {  	_ =	shalt  }
0x7a: {  	_ =	shalt  }
0x7b: {  	_ =	shalt  }
0x7c: {  	_ =	shalt  }
0x7d: {  	_ =	shalt  }
0x7e: {  	_ =	shalt  }
0x7f: {  	_ =	shalt  }
0x80: {  	_ =	shalt  }
0x81: {  	_ =	shalt  }
0x82: {  	_ =	shalt  }
0x83: {  	_ =	shalt  }
0x84: {  	_ =	shalt  }
0x85: {  	_ =	shalt  }
0x86: {  	_ =	shalt  }
0x87: {  	_ =	shalt  }
.Lfunc_end0:
.L_simem_size_0:
called_computation_lowered:
.L_overlay_start_0:
0x88: {  	s2 =	sld [smem:$0x3FD9]  }
0x89: {  	s3 =	sld [smem:$0x3FFE];
	_ =	sdelay $0x1  }
0x8a: {  	s1 =	srdreg.scid  }
0x8b: {  	s0 =	sand.u32 $0x1, s1  }
0x8c: {  	s17 =	sshll.u32 s0, $0xA;
	s2 =	sadd.s32 s3, s2  }
0x8d: {  	s2 =	sadd.s32 s2, s17  }
0x8e: {  	[smem:$0x3FC4] =	sst s2  }
0x8f: {  	_ = 	snop  }
0x90: {  	s2 =	sld [smem:$0x3FD0];
	(tm) =	ssettm $0x1  }
0x91: {  	s18 =	sld [smem:$0x3FFB];
	_ =	sdelay $0x3  }
0x92: {  	_ =	strace s18  }
0x93: {  	s3 =	sld [smem:$0x3FFC];
	_ =	sdelay $0x3  }
0x94: {  	_ =	strace s3  }
0x95: {  	s3 =	sld [smem:$0x3FFD];
	_ =	sdelay $0x3  }
0x96: {  	_ =	strace s3  }
0x97: {  	_ =	strace $0x8FFFFFFF  }
0x98: {  	s19 =	sld [smem:$0x3FDB];
	_ =	sdelay $0x1  }
0x99: {  	s4 =	simm.s32 $_scs_section_size  }
0x9a: {  	s5 =	simm.s32 $_size__tile_overlayer_lowered;
	s6 =	simm.s32 $_tile_overlayer_lowered  }
0x9b: {  	s22 =	simm.s32 $0x1BFF;
	s21 =	sshll.u32 s6, $0x1;
	s3 =	sadd.s32 s4, s19  }
0x9c: {  	s7 =	simm.s32 $0x0;
	s20 =	sshll.u32 s5, $0x1;
	s5 =	sadd.s32 s21, s3  }
0x9d: {  	[timem:s7], [sflag:s22] =	dma.local [hbm:s5], s20  }
0x9e: {  	_ =	swait.ge [sflag:s22], s20  }
0x9f: {  	s4 =	ssub.s32 $0x0, s20;
	[sflag:s22] =	ssyncset.done $0x0  }
0xa0: {  	[sflag:s22] =	ssyncadd.s32 s4;
	_ =	sdelay $0x1  }
0xa1: {  	s23 =	simm.s32 $0x1B8B  }
0xa2: {  	_ =	swait.ge [sflag:s23], $0x1  }
0xa3: {  	[sflag:s23] =	ssyncset.done $0x0  }
0xa4: {  	s25 =	simm.s32 $0x1B8E;
	s24 =	sld [smem:$0x3FFE];
	[sflag:s23] =	ssyncadd.s32 $0xFFFFFFFF  }
0xa5: {  	s26 =	simm.s32 $execute0_lowered;
	[smem:$0x3FD2] =	sst s25  }
0xa6: {  	s5 =	sshll.u32 s26, $0x1;
	_ =	strace $0x80000046;
	[dreg:$0x1] =	wrdreg $0xFFFFFFFF  }
0xa7: {  	s28 =	simm.s32 $_size_execute0_lowered;
	s3 =	sadd.s32 s3, s5;
	[dreg:$0x0] =	wrdreg $0x0  }
0xa8: {  	s5 =	sshll.u32 s28, $0x1;
	[dreg:$0x2] =	wrdreg s3  }
0xa9: {  	[dreg:$0x3] =	wrdreg s5  }
0xaa: {  	[dreg:$0x4] =	wrdreg $0xC0  }
0xab: {  	_ =	task [dreg:s7], $0x5FFFF  }
0xac: {  	[dreg:$0x1] =	wrdreg $0xFFFFFFFF  }
0xad: {  	[dreg:$0x0] =	wrdreg $0x60  }
0xae: {  	[dreg:$0x2] =	wrdreg s24  }
0xaf: {  	[dreg:$0x3] =	wrdreg s2  }
0xb0: {  	[dreg:$0x4] =	wrdreg $0xC4000  }
0xb1: {  	[dreg:$0x5] =	wrdreg $0x9  }
0xb2: {  	_ =	task.clear_ibuf [dreg:s7], $0x6FFFF;
	_ =	strace $0x90000046  }
0xb3: {  	s29 =	simm.s32 $0x9;
	_ =	strace $0x80000048  }
0xb4: {  	_ =	swait.ge [sflag:s29], $0x1  }
0xb5: {  	[sflag:s29] =	ssyncadd.s32 $0xFFFFFFFF  }
0xb6: {  	_ =	strace $0x90000048  }
0xb7: {  	_ =	sfence  }
0xb8: {  	s30 =	sld [smem:$0x0];
	_ =	sdelay $0x2  }
0xb9: {  	s31 =	sshll.u32 s1, $0xD;
	s1 =	sshrl.u32 s1, $0x2  }
0xba: {  	s3 =	sand.u32 $0x4000, s31;
	s1 =	sadd.s32 s1, s30  }
0xbb: {  	s0 =	sor.u32 s3, s0;
	s1 =	sshll.u32 s1, $0x11  }
0xbc: {  	s0 =	sor.u32 s1, s0  }
0xbd: {  	s0 =	sadd.s32 $0x8F2B, s0  }
0xbe: {  	[sflag:s0] =	ssyncadd.remote.s32 $0x1  }
0xbf: {  	_ =	sfence.sel $0xFFFF  }
0xc0: {  	[dreg:$0x0] =	wrdreg $0xFFFFFFFF;
	(pc) =	sbr.abs _section_cstart, $3  }
0xc1: {  	[dreg:$0x1] =	wrdreg $0xFFFFFFFF  }
0xc2: {  	_ =	task.clear_ibuf [dreg:s7], $0x2FFFF;
	_ =	strace $0x9FFFFFFF  }
0xc3: {  	(tm) =	ssettm $0x7FFFFFFF  }
tec
execute0_lowered:
.L_overlay_start_1:
0x0: {  	(tag) =	ssettag $0x1  }
0x1: {  	s0 =	rddreg [dreg:$0x0]  }
0x2: {  	s2 =	rddreg [dreg:$0x2]  }
0x3: {  	s3 =	simm.s32 $0x0;
	s22 =	srdreg.scid;
	s9 =	stileid.u32  }
0x4: {  	s12 =	simm.s32 $0xA;
	s20 =	simm.s32 $0x5;
	[smem:$0x7FF] =	sst s3  }
0x5: {  	s4 =	sadd.s32 $0x51400, s0;
	s1 =	sadd.s32 $0x1400, s0;
	s5 =	sadd.s32 $0x47400, s0  }
0x6: {  	s23 =	sadd.s32 $0x33400, s0;
	s24 =	sadd.s32 $0x3D400, s0;
	s25 =	sadd.s32 $0x29400, s0  }
0x7: {  	s10 =	sadd.s32 $0xED800, s0;
	_ =	strace $0x80000047;
	[dreg:$0x4] =	wrdreg s1  }
0x8: {  	s11 =	sadd.s32 $0xEDC00, s0;
	p0 =	seq.s32 s9, $0xF;
	[dreg:$0x5] =	wrdreg s5  }
0x9: {  	s7 =	sshll.u32 s9, $0x6;
	s8 =	smul.u32 $0x50000, s9;
	[dreg:$0x6] =	wrdreg s23  }
0xa: {  	s29 =	smul.u32 $0x14000, s9;
	s16 =	sadd.s32 $0x51500, s0;
	[dreg:$0x7] =	wrdreg s24  }
0xb: {  	s1 =	sand.u32 $0x1, s22;
	[dreg:$0x8] =	wrdreg s25;
	s12 =	simm.s32 @!p0 $0x10  }
0xc: {  	s14 =	sor.u32 $0x1C05, s7;
	s25 =	simm.s32 $0x1;
	[dreg:$0x9] =	wrdreg s10  }
0xd: {  	[dreg:$0xa] =	wrdreg s11;
	s26 =	ssub.s32 $0x2, s1;
	s28 =	sshll.u32 s1, $0x4  }
0xe: {  	s1 =	smul.u32 $0x138800, s1;
	s30 =	sshrl.u32 s8, $0x2;
	s6 =	sshrl.u32 s26, $0x1  }
0xf: {  	[dreg:$0xb] =	wrdreg s12;
	s13 =	sadd.s32 s30, s2;
	s5 =	ssub.s32 s26, s6  }
0x10: {  	s6 =	sor.u32 s9, s28;
	s31 =	sadd.s32 s29, s1;
	[dreg:$0xe] =	wrdreg s13  }
0x11: {  	v2 =	vlaneseq.u32;
	s6 =	smul.u32 $0x140, s6;
	s5 =	smax.u32 s5, $0x1;
	[dreg:$0xf] =	wrdreg s31  }
0x12: {  	vm0 =	vmmov $0xffff;
	v1 =	vshrl.u32 v2, $0x3;
	s7 =	simm.s32 $0x2;
	s8 =	simm.s32 $0x4;
	[dreg:$0xd] =	wrdreg s5  }
0x13: {  	v0 =	vand.u32 $0x7, v2;
	v2 =	vor.u32 $0x8, v2;
	v1 =	vmul.u32 $0x8, v1;
	s1 =	simm.s32 $0x0;
	s5 =	simm.s32 $0x20;
	[dreg:$0xc] =	wrdreg s6  }
.LBB2_1:
0x14: {  	p0 =	sne.s32 s12, $0x1  }
.Ltmp0:
0x15: {  	[dreg:$0x10] =	wrdreg s1;
	s0 =	sshrl.u32 s13, $0x3;
	(pc) =	sbr.rel @!p0 .LBB2_3-.Ltmp0, $4  }
0x16: {  	[dreg:$0x11] =	wrdreg s0  }
0x17: {  	[spmem:s0], [sflag:s14] =	dma.local [hbm:s10], $0x280  }
0x18: {  	_ =	swait.ge [sflag:s20], $0x280  }
0x19: {  	s1 =	sadd.s32 $0x1400, s13;
	s0 =	sadd.s32 $0xFFFFFFFF, s12;
	[sflag:s20] =	ssyncset.done $0x0  }
.LBB2_2:
0x1a: {  	s6 =	sshrl.u32 s1, $0x3;
	[sflag:s20] =	ssyncadd.s32 $0xFFFFFD80;
	p1 =	sne.s32 s0, $0x1  }
0x1b: {  	[spmem:s6], [sflag:s14] =	dma.local [hbm:s10], $0x280  }
.Ltmp1:
0x1c: {  	_ = 	snop;
	(pc) =	sbr.rel @p1 .LBB2_2-.Ltmp1, $4  }
0x1d: {  	_ = 	snop  }
0x1e: {  	s0 =	sadd.s32 $0xFFFFFFFF, s0  }
0x1f: {  	_ =	swait.ge [sflag:s20], $0x280  }
0x20: {  	s1 =	sadd.s32 $0x1400, s1;
	[sflag:s20] =	ssyncset.done $0x0  }
.LBB2_3:
0x21: {  	[sflag:s20] =	ssyncadd.s32 $0xFFFFFD80  }
0x22: {  	s1 =	simm.s32 $0x0;
	[bflag:$0x0] =	sbarrier.arrive $0xFFFF  }
.LBB2_4:
0x23: {  	p1 =	seq.s32 s1, $0x0  }
0x24: {  	s0 =	simm.s32 @!p1 $0x3  }
0x25: {  	_ =	swait.ge @!p1 [sflag:s0], $0x1000  }
0x26: {  	[sflag:s0] =	ssyncset.done @!p1 $0x0  }
0x27: {  	[dreg:$0x12] =	wrdreg s1;
	[sflag:s0] =	ssyncadd.s32 @!p1 $0xFFFFF000;
	s0 =	simm.s32 @!p1 $0x4  }
0x28: {  	_ =	swait.ge @!p1 [sflag:s0], $0x1000  }
0x29: {  	s31 =	sshll.u32 s1, $0x5;
	s2 =	rddreg [dreg:$0xc];
	[sflag:s0] =	ssyncset.done @!p1 $0x0  }
0x2a: {  	s1 =	sadd.s32 s2, s31;
	[sflag:s0] =	ssyncadd.s32 @!p1 $0xFFFFF000  }
0x2b: {  	s6 =	sshll.u32 s1, $0x2;
	s0 =	rddreg [dreg:$0x1]  }
0x2c: {  	s2 =	simm.s32 $0x0;
	s0 =	sadd.s32 s0, s6  }
0x2d: {  	[tilespmem:s2], [sflag:$0x5] =	stream.linear.gather [hbm4b:s0+s2], $0x400, $0x38;
	[tilespmem:$0x1FC80] =	vst v63  }
0x2e: {  	_ =	swait.ge [sflag:s20], $0x400  }
0x2f: {  	s1 =	sshll.u32 s1, $0x4;
	[sflag:s20] =	ssyncset.done $0x0;
	s9 =	rddreg [dreg:$0x4]  }
0x30: {  	s10 =	simm.s32 $0x400;
	[sflag:s20] =	ssyncadd.s32 $0xFFFFFC00;
	s0 =	sadd.s32 s9, s1  }
0x31: {  	[tilespmem:s10], [sflag:$0x5] =	stream.linear.gather [hbm4b:s0+s2], $0x1000, $0x38;
	[tilespmem:$0x1FC80] =	vst v63  }
0x32: {  	_ =	swait.ge [sflag:s20], $0x1000  }
0x33: {  	[sflag:s20] =	ssyncset.done $0x0;
	s11 =	rddreg [dreg:$0x5]  }
0x34: {  	s12 =	simm.s32 $0x1400;
	[sflag:s20] =	ssyncadd.s32 $0xFFFFF000;
	s0 =	sadd.s32 s11, s6  }
0x35: {  	[tilespmem:s12], [sflag:$0x5] =	stream.linear.gather [hbm4b:s0+s2], $0x400, $0x38;
	[tilespmem:$0x1FC80] =	vst v63  }
0x36: {  	_ =	swait.ge [sflag:s20], $0x400  }
0x37: {  	[sflag:s20] =	ssyncset.done $0x0;
	s13 =	rddreg [dreg:$0x6]  }
0x38: {  	s15 =	simm.s32 $0x1800;
	[sflag:s20] =	ssyncadd.s32 $0xFFFFFC00;
	s0 =	sadd.s32 s13, s6  }
0x39: {  	[tilespmem:s15], [sflag:$0x5] =	stream.linear.gather [hbm4b:s0+s2], $0x400, $0x38;
	[tilespmem:$0x1FC80] =	vst v63  }
0x3a: {  	_ =	swait.ge [sflag:s20], $0x400  }
0x3b: {  	[sflag:s20] =	ssyncset.done $0x0;
	s17 =	rddreg [dreg:$0x7]  }
0x3c: {  	s18 =	simm.s32 $0x1C00;
	[sflag:s20] =	ssyncadd.s32 $0xFFFFFC00;
	s0 =	sadd.s32 s17, s6  }
0x3d: {  	[tilespmem:s18], [sflag:$0x5] =	stream.linear.gather [hbm4b:s0+s2], $0x400, $0x38;
	[tilespmem:$0x1FC80] =	vst v63  }
0x3e: {  	_ =	swait.ge [sflag:s20], $0x400  }
0x3f: {  	[sflag:s20] =	ssyncset.done $0x0;
	s19 =	rddreg [dreg:$0x8]  }
0x40: {  	s21 =	simm.s32 $0x2000;
	[sflag:s20] =	ssyncadd.s32 $0xFFFFFC00;
	s0 =	sadd.s32 s19, s6  }
0x41: {  	[tilespmem:s21], [sflag:$0x5] =	stream.linear.gather [hbm4b:s0+s2], $0x400, $0x38;
	[tilespmem:$0x1FC80] =	vst v63  }
0x42: {  	_ =	swait.ge [sflag:s20], $0x400  }
0x43: {  	[sflag:s20] =	ssyncset.done $0x0  }
0x44: {  	[sflag:s20] =	ssyncadd.s32 $0xFFFFFC00  }
0x45: {  	v3 =	vld [tilespmem:$0x0];
	_ =	sdelay $0x4  }
0x46: {  	v4 =	vshll.u32 v3, $0x2  }
0x47: {  	v3 =	vand.u32 $0x7, v3;
	v4 =	vand.u32 $0xFFFFFFE0, v4  }
0x48: {  	v3 =	vor.u32 v3, v4  }
0x49: {  	v4 =	vperm.xlane v3, v0;
	_ =	sdelay $0x1  }
0x4a: {  	v4 =	vadd.s32 v1, v4;
	_ =	sdelay $0x1  }
0x4b: {  	v3 =	vperm.xlane v3, v2;
	_ =	sdelay $0x1  }
0x4c: {  	s22 =	simm.s32 $0x2400;
	v3 =	vadd.s32 v1, v3  }
0x4d: {  	[tilespmem:s22], [sflag:$0x1] =	stream.indirect_vreg.gather [hbm4b:s4+s2], $0x80, v4, vm0, $0xb8;
	[tilespmem:$0x1FC80] =	vst v63  }
0x4e: {  	s23 =	simm.s32 $0x2C00  }
0x4f: {  	[tilespmem:s23], [sflag:$0x1] =	stream.indirect_vreg.gather [hbm4b:s16+s2], $0x80, v4, vm0, $0xb8;
	[tilespmem:$0x1FC80] =	vst v63  }
0x50: {  	s24 =	simm.s32 $0x3400  }
0x51: {  	[tilespmem:s24], [sflag:$0x1] =	stream.indirect_vreg.gather [hbm4b:s4+s2], $0x80, v3, vm0, $0xb8;
	[tilespmem:$0x1FC80] =	vst v63  }
0x52: {  	s26 =	simm.s32 $0x3C00  }
0x53: {  	[tilespmem:s26], [sflag:$0x1] =	stream.indirect_vreg.gather [hbm4b:s16+s2], $0x80, v3, vm0, $0xb8;
	[tilespmem:$0x1FC80] =	vst v63  }
0x54: {  	v3 =	vld [tilespmem:$0x10];
	_ =	sdelay $0x4  }
0x55: {  	v63 =	vshll.u32 v3, $0x2  }
0x56: {  	v3 =	vand.u32 $0x7, v3;
	v4 =	vand.u32 $0xFFFFFFE0, v63  }
0x57: {  	v3 =	vor.u32 v3, v4  }
0x58: {  	v4 =	vperm.xlane v3, v0;
	_ =	sdelay $0x1  }
0x59: {  	v4 =	vadd.s32 v1, v4;
	_ =	sdelay $0x1  }
0x5a: {  	v3 =	vperm.xlane v3, v2;
	_ =	sdelay $0x1  }
0x5b: {  	s28 =	simm.s32 $0x4400;
	v3 =	vadd.s32 v1, v3  }
0x5c: {  	[tilespmem:s28], [sflag:$0x1] =	stream.indirect_vreg.gather [hbm4b:s4+s2], $0x80, v4, vm0, $0xb8;
	[tilespmem:$0x1FC80] =	vst v63  }
0x5d: {  	s29 =	simm.s32 $0x4C00  }
0x5e: {  	[tilespmem:s29], [sflag:$0x1] =	stream.indirect_vreg.gather [hbm4b:s16+s2], $0x80, v4, vm0, $0xb8;
	[tilespmem:$0x1FC80] =	vst v63  }
0x5f: {  	s30 =	simm.s32 $0x5400  }
0x60: {  	[tilespmem:s30], [sflag:$0x1] =	stream.indirect_vreg.gather [hbm4b:s4+s2], $0x80, v3, vm0, $0xb8;
	[tilespmem:$0x1FC80] =	vst v63  }
0x61: {  	s31 =	simm.s32 $0x5C00;
	s26 =	simm.s32 $0x0  }
0x62: {  	[tilespmem:s31], [sflag:$0x1] =	stream.indirect_vreg.gather [hbm4b:s16+s2], $0x80, v3, vm0, $0xb8;
	[tilespmem:$0x1FC80] =	vst v63  }
.LBB2_5:
0x63: {  	s28 =	sshllo.u32 s26, $0x1  }
0x64: {  	s0 =	sshll.u32 s26, $0x6;
	s1 =	sshll.u32 s28, $0x5  }
0x65: {  	s30 =	sand.u32 $0x380, s0;
	s29 =	sand.u32 $0x60, s1  }
0x66: {  	s1 =	sor.u32 s29, s30  }
0x67: {  	v3 =	vld [tilespmem:s1+$0x0];
	_ =	sdelay $0x4  }
0x68: {  	v4 =	vshll.u32 v3, $0x2  }
0x69: {  	v3 =	vand.u32 $0x7, v3;
	v4 =	vand.u32 $0xFFFFFFE0, v4  }
0x6a: {  	v3 =	vor.u32 v3, v4  }
0x6b: {  	v4 =	vperm.xlane v3, v0;
	_ =	sdelay $0x1  }
0x6c: {  	v4 =	vadd.s32 v1, v4;
	_ =	sdelay $0x1  }
0x6d: {  	v3 =	vperm.xlane v3, v2;
	_ =	sdelay $0x1  }
0x6e: {  	s2 =	simm.s32 $0x6400;
	v3 =	vadd.s32 v1, v3  }
0x6f: {  	[tilespmem:s2], [sflag:$0x2] =	stream.indirect_vreg.gather [hbm4b:s4+s3], $0x80, v4, vm0, $0xb8;
	[tilespmem:$0x1FC80] =	vst v63  }
0x70: {  	s17 =	simm.s32 $0x6C00  }
0x71: {  	[tilespmem:s17], [sflag:$0x2] =	stream.indirect_vreg.gather [hbm4b:s16+s3], $0x80, v4, vm0, $0xb8;
	[tilespmem:$0x1FC80] =	vst v63  }
0x72: {  	s18 =	simm.s32 $0x7400  }
0x73: {  	[tilespmem:s18], [sflag:$0x2] =	stream.indirect_vreg.gather [hbm4b:s4+s3], $0x80, v3, vm0, $0xb8;
	[tilespmem:$0x1FC80] =	vst v63  }
0x74: {  	s19 =	simm.s32 $0x7C00  }
0x75: {  	[tilespmem:s19], [sflag:$0x2] =	stream.indirect_vreg.gather [hbm4b:s16+s3], $0x80, v3, vm0, $0xb8;
	[tilespmem:$0x1FC80] =	vst v63  }
0x76: {  	v3 =	vld [tilespmem:s1+$0x10];
	_ =	sdelay $0x4  }
0x77: {  	v4 =	vshll.u32 v3, $0x2  }
0x78: {  	v3 =	vand.u32 $0x7, v3;
	v4 =	vand.u32 $0xFFFFFFE0, v4  }
0x79: {  	v3 =	vor.u32 v3, v4  }
0x7a: {  	v4 =	vperm.xlane v3, v0;
	_ =	sdelay $0x1  }
0x7b: {  	v4 =	vadd.s32 v1, v4;
	_ =	sdelay $0x1  }
0x7c: {  	v3 =	vperm.xlane v3, v2;
	_ =	sdelay $0x1  }
0x7d: {  	s21 =	simm.s32 $0x8400;
	v3 =	vadd.s32 v1, v3  }
0x7e: {  	[tilespmem:s21], [sflag:$0x2] =	stream.indirect_vreg.gather [hbm4b:s4+s3], $0x80, v4, vm0, $0xb8;
	[tilespmem:$0x1FC80] =	vst v63  }
0x7f: {  	s22 =	simm.s32 $0x8C00  }
0x80: {  	[tilespmem:s22], [sflag:$0x2] =	stream.indirect_vreg.gather [hbm4b:s16+s3], $0x80, v4, vm0, $0xb8;
	[tilespmem:$0x1FC80] =	vst v63  }
0x81: {  	s23 =	simm.s32 $0x9400  }
0x82: {  	[tilespmem:s23], [sflag:$0x2] =	stream.indirect_vreg.gather [hbm4b:s4+s3], $0x80, v3, vm0, $0xb8;
	[tilespmem:$0x1FC80] =	vst v63  }
0x83: {  	s24 =	simm.s32 $0x9C00  }
0x84: {  	[tilespmem:s24], [sflag:$0x2] =	stream.indirect_vreg.gather [hbm4b:s16+s3], $0x80, v3, vm0, $0xb8;
	[tilespmem:$0x1FC80] =	vst v63  }
0x85: {  	_ =	swait.ge [sflag:s25], $0x4000  }
0x86: {  	p1 =	seq.s32 s26, $0x0;
	[sflag:s25] =	ssyncset.done $0x0  }
0x87: {  	s1 =	simm.s32 @!p1 $0x3;
	[sflag:s25] =	ssyncadd.s32 $0xFFFFC000  }
0x88: {  	_ =	swait.ge @!p1 [sflag:s1], $0x1000  }
0x89: {  	[sflag:s1] =	ssyncset.done @!p1 $0x0  }
0x8a: {  	[sflag:s1] =	ssyncadd.s32 @!p1 $0xFFFFF000  }
0x8b: {  	v3 =	vld [tilespmem:s0+$0x1400]  }
0x8c: {  	s31 =	sshll.u32 s26, $0x1;
	v4 =	vld [tilespmem:s0+$0x1800]  }
0x8d: {  	s10 =	simm.s32 $0x0;
	p2 =	por $0x0, $0x0;
	s15 =	simm.s32 $0x0;
	v5 =	vld [tilespmem:s0+$0x1C00]  }
0x8e: {  	s17 =	simm.s32 $0x0;
	s18 =	simm.s32 $0x0;
	s19 =	simm.s32 $0x0;
	v6 =	vld [tilespmem:s0+$0x2000]  }
.LBB2_6:
0x8f: {  	s1 =	simm.s32 $0x1;
	s6 =	sand.u32 $0x1000, s18  }
0x90: {  	s9 =	sand.u32 $0x200, s15;
	s1 =	simm.s32 @!p2 $0x0;
	s6 =	sor.u32 $0x2400, s6  }
0x91: {  	s21 =	sadd.s32 $0x80, s15;
	s11 =	sshll.u32 s1, $0x9;
	s1 =	sor.u32 s9, s6  }
0x92: {  	s21 =	sand.u32 $0x280, s21;
	v23 =	vld [tilespmem:s1+$0x0]  }
0x93: {  	s23 =	sand.u32 $0x7, s17;
	s12 =	sadd.s32 $0x100, s15;
	s21 =	sor.u32 s21, s6;
	v24 =	vld [tilespmem:s1+$0x400]  }
0x94: {  	s12 =	sand.u32 $0x300, s12;
	s9 =	sshll.u32 s23, $0x7;
	s23 =	sadd.s32 $0x1, s19;
	v27 =	vld [tilespmem:s21+$0x0]  }
0x95: {  	v10 =	vmov s19;
	s13 =	sadd.s32 s11, s18;
	v28 =	vld [tilespmem:s21+$0x400];
	v14 =	vmov s23;
	s23 =	sor.u32 s12, s6  }
0x96: {  	v7 =	vperm.xlane v3, v10;
	s9 =	sadd.s32 s9, s18;
	s11 =	sor.u32 $0x800, s13;
	v31 =	vld [tilespmem:s23+$0x0]  }
0x97: {  	s2 =	sand.u32 $0x3, s10;
	v8 =	vperm.xlane v4, v10;
	v9 =	vperm.xlane v5, v10;
	s24 =	sor.u32 $0xC00, s13;
	s22 =	sadd.s32 $0x80, s9;
	v25 =	vld [tilespmem:s11+$0x2400]  }
0x98: {  	v10 =	vperm.xlane v6, v10;
	v11 =	vperm.xlane v3, v14;
	v26 =	vld [tilespmem:s24+$0x2400];
	s24 =	sor.u32 $0x800, s22;
	s11 =	sshll.u32 s2, $0x8;
	s2 =	sadd.s32 $0x2, s19  }
0x99: {  	v12 =	vperm.xlane v4, v14;
	v13 =	vperm.xlane v5, v14;
	v29 =	vld [tilespmem:s24+$0x2400];
	s24 =	sor.u32 $0xC00, s22;
	s11 =	sadd.s32 s18, s11;
	v18 =	vmov s2  }
0x9a: {  	v14 =	vperm.xlane v6, v14;
	s2 =	sadd.s32 $0x180, s15;
	v30 =	vld [tilespmem:s24+$0x2400];
	s24 =	sadd.s32 $0x100, s11;
	v15 =	vperm.xlane v3, v18  }
0x9b: {  	v32 =	vld [tilespmem:s23+$0x400];
	v16 =	vperm.xlane v4, v18;
	s11 =	sadd.s32 $0x3, s19;
	v17 =	vperm.xlane v5, v18;
	s2 =	sand.u32 $0x380, s2;
	s12 =	sor.u32 $0x800, s24  }
0x9c: {  	v18 =	vperm.xlane v6, v18;
	v22 =	vmov s11;
	s11 =	sor.u32 s2, s6;
	v23 =	vmul.f32 v23, v7;
	v33 =	vld [tilespmem:s12+$0x2400]  }
0x9d: {  	s9 =	sadd.s32 $0x180, s9;
	v24 =	vmul.f32 v24, v8;
	v55 =	vmul.f32 v27, v11;
	v35 =	vld [tilespmem:s11+$0x0]  }
0x9e: {  	s6 =	sor.u32 $0xC00, s9;
	v56 =	vmul.f32 v28, v12;
	v19 =	vperm.xlane v3, v22;
	v36 =	vld [tilespmem:s11+$0x400]  }
0x9f: {  	s12 =	sor.u32 $0xC00, s24;
	v20 =	vperm.xlane v4, v22;
	v21 =	vperm.xlane v5, v22;
	v38 =	vld [tilespmem:s6+$0x2400]  }
0xa0: {  	v22 =	vperm.xlane v6, v22;
	v59 =	vmul.f32 v31, v15;
	v34 =	vld [tilespmem:s12+$0x2400];
	s12 =	sor.u32 $0x800, s9  }
0xa1: {  	v60 =	vmul.f32 v32, v16;
	v25 =	vmul.f32 v25, v9;
	v37 =	vld [tilespmem:s12+$0x2400]  }
0xa2: {  	v26 =	vmul.f32 v26, v10;
	v23 =	vadd.f32 v24, v23;
	v24 =	vadd.f32 v56, v55  }
0xa3: {  	v57 =	vmul.f32 v29, v13;
	v27 =	vadd.f32 v60, v59;
	v58 =	vmul.f32 v30, v14  }
0xa4: {  	v25 =	vadd.f32 v26, v25;
	v61 =	vmul.f32 v33, v17;
	v63 =	vmul.f32 v35, v19  }
0xa5: {  	v26 =	vadd.f32 v58, v57;
	v36 =	vmul.f32 v36, v20;
	v62 =	vmul.f32 v34, v18  }
0xa6: {  	v23 =	vadd.f32 v25, v23;
	v40 =	vmul.f32 v38, v22;
	v39 =	vmul.f32 v37, v21  }
0xa7: {  	v24 =	vadd.f32 v26, v24;
	v28 =	vadd.f32 v62, v61  }
0xa8: {  	s6 =	sshra.s32 s18, $0x2;
	v25 =	vadd.f32 v36, v63;
	v26 =	vadd.f32 v40, v39  }
0xa9: {  	[tilespmem:s6+$0xA400] =	vst v23;
	v27 =	vadd.f32 v28, v27  }
0xaa: {  	[tilespmem:s6+$0xA480] =	vst v24;
	v41 =	vadd.f32 v26, v25  }
0xab: {  	[tilespmem:s6+$0xA500] =	vst v27  }
0xac: {  	[tilespmem:s6+$0xA580] =	vst v41  }
0xad: {  	v23 =	vld [tilespmem:s1+$0x10]  }
0xae: {  	s12 =	sor.u32 $0x810, s13;
	v24 =	vld [tilespmem:s1+$0x410]  }
0xaf: {  	v42 =	vld [tilespmem:s12+$0x2400]  }
0xb0: {  	v27 =	vld [tilespmem:s21+$0x10]  }
0xb1: {  	v44 =	vld [tilespmem:s21+$0x410]  }
0xb2: {  	v47 =	vld [tilespmem:s23+$0x10]  }
0xb3: {  	v48 =	vld [tilespmem:s23+$0x410]  }
0xb4: {  	v51 =	vld [tilespmem:s11+$0x10]  }
0xb5: {  	s12 =	sor.u32 $0xC10, s13;
	v52 =	vld [tilespmem:s11+$0x410]  }
0xb6: {  	v43 =	vld [tilespmem:s12+$0x2400];
	s12 =	sor.u32 $0x810, s22  }
0xb7: {  	v45 =	vld [tilespmem:s12+$0x2400];
	s12 =	sor.u32 $0xC10, s22  }
0xb8: {  	v46 =	vld [tilespmem:s12+$0x2400];
	s12 =	sor.u32 $0x810, s24  }
0xb9: {  	v49 =	vld [tilespmem:s12+$0x2400];
	s12 =	sor.u32 $0xC10, s24;
	v23 =	vmul.f32 v23, v7  }
0xba: {  	v50 =	vld [tilespmem:s12+$0x2400];
	s12 =	sor.u32 $0x810, s9;
	v24 =	vmul.f32 v24, v8;
	v25 =	vmul.f32 v42, v9  }
0xbb: {  	v55 =	vmul.f32 v27, v11;
	v56 =	vmul.f32 v44, v12;
	v53 =	vld [tilespmem:s12+$0x2400];
	s12 =	sor.u32 $0xC10, s9  }
0xbc: {  	v59 =	vmul.f32 v47, v15;
	v60 =	vmul.f32 v48, v16;
	v54 =	vld [tilespmem:s12+$0x2400]  }
0xbd: {  	v63 =	vmul.f32 v51, v19;
	v26 =	vmul.f32 v43, v10;
	v23 =	vadd.f32 v24, v23  }
0xbe: {  	v57 =	vmul.f32 v45, v13;
	v24 =	vadd.f32 v56, v55;
	v58 =	vmul.f32 v46, v14  }
0xbf: {  	v36 =	vmul.f32 v52, v20;
	v27 =	vadd.f32 v60, v59;
	v25 =	vadd.f32 v26, v25  }
0xc0: {  	v61 =	vmul.f32 v49, v17;
	v26 =	vadd.f32 v58, v57;
	v62 =	vmul.f32 v50, v18  }
0xc1: {  	v23 =	vadd.f32 v25, v23;
	v39 =	vmul.f32 v53, v21;
	v40 =	vmul.f32 v54, v22  }
0xc2: {  	v25 =	vadd.f32 v36, v63;
	v28 =	vadd.f32 v62, v61  }
0xc3: {  	v24 =	vadd.f32 v26, v24;
	v26 =	vadd.f32 v40, v39  }
0xc4: {  	[tilespmem:s6+$0xA410] =	vst v23;
	v27 =	vadd.f32 v28, v27  }
0xc5: {  	[tilespmem:s6+$0xA490] =	vst v24;
	v41 =	vadd.f32 v26, v25  }
0xc6: {  	[tilespmem:s6+$0xA510] =	vst v27  }
0xc7: {  	[tilespmem:s6+$0xA590] =	vst v41  }
0xc8: {  	v23 =	vld [tilespmem:s1+$0x20]  }
0xc9: {  	s12 =	sor.u32 $0x820, s13;
	v24 =	vld [tilespmem:s1+$0x420]  }
0xca: {  	v42 =	vld [tilespmem:s12+$0x2400]  }
0xcb: {  	v27 =	vld [tilespmem:s21+$0x20]  }
0xcc: {  	v44 =	vld [tilespmem:s21+$0x420]  }
0xcd: {  	v47 =	vld [tilespmem:s23+$0x20]  }
0xce: {  	v48 =	vld [tilespmem:s23+$0x420]  }
0xcf: {  	v51 =	vld [tilespmem:s11+$0x20]  }
0xd0: {  	s12 =	sor.u32 $0xC20, s13;
	v52 =	vld [tilespmem:s11+$0x420]  }
0xd1: {  	v43 =	vld [tilespmem:s12+$0x2400];
	s12 =	sor.u32 $0x820, s22  }
0xd2: {  	v45 =	vld [tilespmem:s12+$0x2400];
	s12 =	sor.u32 $0xC20, s22  }
0xd3: {  	v46 =	vld [tilespmem:s12+$0x2400];
	s12 =	sor.u32 $0x820, s24  }
0xd4: {  	v49 =	vld [tilespmem:s12+$0x2400];
	s12 =	sor.u32 $0xC20, s24;
	v23 =	vmul.f32 v23, v7  }
0xd5: {  	v50 =	vld [tilespmem:s12+$0x2400];
	s12 =	sor.u32 $0x820, s9;
	v24 =	vmul.f32 v24, v8;
	v25 =	vmul.f32 v42, v9  }
0xd6: {  	v55 =	vmul.f32 v27, v11;
	v56 =	vmul.f32 v44, v12;
	v53 =	vld [tilespmem:s12+$0x2400];
	s12 =	sor.u32 $0xC20, s9  }
0xd7: {  	v59 =	vmul.f32 v47, v15;
	v60 =	vmul.f32 v48, v16;
	v54 =	vld [tilespmem:s12+$0x2400]  }
0xd8: {  	v63 =	vmul.f32 v51, v19;
	v26 =	vmul.f32 v43, v10;
	v23 =	vadd.f32 v24, v23  }
0xd9: {  	v57 =	vmul.f32 v45, v13;
	v24 =	vadd.f32 v56, v55;
	v58 =	vmul.f32 v46, v14  }
0xda: {  	v36 =	vmul.f32 v52, v20;
	v27 =	vadd.f32 v60, v59;
	v25 =	vadd.f32 v26, v25  }
0xdb: {  	v61 =	vmul.f32 v49, v17;
	v26 =	vadd.f32 v58, v57;
	v62 =	vmul.f32 v50, v18  }
0xdc: {  	v23 =	vadd.f32 v25, v23;
	v39 =	vmul.f32 v53, v21;
	v40 =	vmul.f32 v54, v22  }
0xdd: {  	v25 =	vadd.f32 v36, v63;
	v28 =	vadd.f32 v62, v61  }
0xde: {  	v24 =	vadd.f32 v26, v24;
	v26 =	vadd.f32 v40, v39  }
0xdf: {  	[tilespmem:s6+$0xA420] =	vst v23;
	v27 =	vadd.f32 v28, v27  }
0xe0: {  	[tilespmem:s6+$0xA4A0] =	vst v24;
	v41 =	vadd.f32 v26, v25  }
0xe1: {  	[tilespmem:s6+$0xA520] =	vst v27  }
0xe2: {  	[tilespmem:s6+$0xA5A0] =	vst v41  }
0xe3: {  	v23 =	vld [tilespmem:s1+$0x30]  }
0xe4: {  	s12 =	sor.u32 $0x830, s13;
	v24 =	vld [tilespmem:s1+$0x430]  }
0xe5: {  	v42 =	vld [tilespmem:s12+$0x2400]  }
0xe6: {  	v27 =	vld [tilespmem:s21+$0x30]  }
0xe7: {  	v44 =	vld [tilespmem:s21+$0x430]  }
0xe8: {  	v47 =	vld [tilespmem:s23+$0x30]  }
0xe9: {  	v48 =	vld [tilespmem:s23+$0x430]  }
0xea: {  	v51 =	vld [tilespmem:s11+$0x30]  }
0xeb: {  	s12 =	sor.u32 $0xC30, s13;
	v52 =	vld [tilespmem:s11+$0x430]  }
0xec: {  	v43 =	vld [tilespmem:s12+$0x2400];
	s12 =	sor.u32 $0x830, s22  }
0xed: {  	v45 =	vld [tilespmem:s12+$0x2400];
	s12 =	sor.u32 $0xC30, s22  }
0xee: {  	v46 =	vld [tilespmem:s12+$0x2400];
	s12 =	sor.u32 $0x830, s24  }
0xef: {  	v49 =	vld [tilespmem:s12+$0x2400];
	s12 =	sor.u32 $0xC30, s24;
	v23 =	vmul.f32 v23, v7  }
0xf0: {  	v50 =	vld [tilespmem:s12+$0x2400];
	s12 =	sor.u32 $0x830, s9;
	v24 =	vmul.f32 v24, v8;
	v25 =	vmul.f32 v42, v9  }
0xf1: {  	v55 =	vmul.f32 v27, v11;
	v56 =	vmul.f32 v44, v12;
	v53 =	vld [tilespmem:s12+$0x2400];
	s12 =	sor.u32 $0xC30, s9  }
0xf2: {  	v59 =	vmul.f32 v47, v15;
	v60 =	vmul.f32 v48, v16;
	v54 =	vld [tilespmem:s12+$0x2400]  }
0xf3: {  	v63 =	vmul.f32 v51, v19;
	v26 =	vmul.f32 v43, v10;
	v23 =	vadd.f32 v24, v23  }
0xf4: {  	v57 =	vmul.f32 v45, v13;
	v24 =	vadd.f32 v56, v55;
	v58 =	vmul.f32 v46, v14  }
0xf5: {  	v36 =	vmul.f32 v52, v20;
	v27 =	vadd.f32 v60, v59;
	v25 =	vadd.f32 v26, v25  }
0xf6: {  	v61 =	vmul.f32 v49, v17;
	v26 =	vadd.f32 v58, v57;
	v62 =	vmul.f32 v50, v18  }
0xf7: {  	v23 =	vadd.f32 v25, v23;
	v39 =	vmul.f32 v53, v21;
	v40 =	vmul.f32 v54, v22  }
0xf8: {  	v25 =	vadd.f32 v36, v63;
	v28 =	vadd.f32 v62, v61  }
0xf9: {  	v24 =	vadd.f32 v26, v24;
	v26 =	vadd.f32 v40, v39  }
0xfa: {  	[tilespmem:s6+$0xA430] =	vst v23;
	v27 =	vadd.f32 v28, v27  }
0xfb: {  	[tilespmem:s6+$0xA4B0] =	vst v24;
	v41 =	vadd.f32 v26, v25  }
0xfc: {  	[tilespmem:s6+$0xA530] =	vst v27  }
0xfd: {  	[tilespmem:s6+$0xA5B0] =	vst v41  }
0xfe: {  	v23 =	vld [tilespmem:s1+$0x40]  }
0xff: {  	s12 =	sor.u32 $0x840, s13;
	v24 =	vld [tilespmem:s1+$0x440]  }
0x100: {  	v42 =	vld [tilespmem:s12+$0x2400]  }
0x101: {  	v27 =	vld [tilespmem:s21+$0x40]  }
0x102: {  	v44 =	vld [tilespmem:s21+$0x440]  }
0x103: {  	v47 =	vld [tilespmem:s23+$0x40]  }
0x104: {  	v48 =	vld [tilespmem:s23+$0x440]  }
0x105: {  	v51 =	vld [tilespmem:s11+$0x40]  }
0x106: {  	s12 =	sor.u32 $0xC40, s13;
	v52 =	vld [tilespmem:s11+$0x440]  }
0x107: {  	v43 =	vld [tilespmem:s12+$0x2400];
	s12 =	sor.u32 $0x840, s22  }
0x108: {  	v45 =	vld [tilespmem:s12+$0x2400];
	s12 =	sor.u32 $0xC40, s22  }
0x109: {  	v46 =	vld [tilespmem:s12+$0x2400];
	s12 =	sor.u32 $0x840, s24  }
0x10a: {  	v49 =	vld [tilespmem:s12+$0x2400];
	s12 =	sor.u32 $0xC40, s24;
	v23 =	vmul.f32 v23, v7  }
0x10b: {  	v50 =	vld [tilespmem:s12+$0x2400];
	s12 =	sor.u32 $0x840, s9;
	v24 =	vmul.f32 v24, v8;
	v25 =	vmul.f32 v42, v9  }
0x10c: {  	v55 =	vmul.f32 v27, v11;
	v56 =	vmul.f32 v44, v12;
	v53 =	vld [tilespmem:s12+$0x2400];
	s12 =	sor.u32 $0xC40, s9  }
0x10d: {  	v59 =	vmul.f32 v47, v15;
	v60 =	vmul.f32 v48, v16;
	v54 =	vld [tilespmem:s12+$0x2400]  }
0x10e: {  	v63 =	vmul.f32 v51, v19;
	v26 =	vmul.f32 v43, v10;
	v23 =	vadd.f32 v24, v23  }
0x10f: {  	v57 =	vmul.f32 v45, v13;
	v24 =	vadd.f32 v56, v55;
	v58 =	vmul.f32 v46, v14  }
0x110: {  	v36 =	vmul.f32 v52, v20;
	v27 =	vadd.f32 v60, v59;
	v25 =	vadd.f32 v26, v25  }
0x111: {  	v61 =	vmul.f32 v49, v17;
	v26 =	vadd.f32 v58, v57;
	v62 =	vmul.f32 v50, v18  }
0x112: {  	v23 =	vadd.f32 v25, v23;
	v39 =	vmul.f32 v53, v21;
	v40 =	vmul.f32 v54, v22  }
0x113: {  	v25 =	vadd.f32 v36, v63;
	v28 =	vadd.f32 v62, v61  }
0x114: {  	v24 =	vadd.f32 v26, v24;
	v26 =	vadd.f32 v40, v39  }
0x115: {  	[tilespmem:s6+$0xA440] =	vst v23;
	v27 =	vadd.f32 v28, v27  }
0x116: {  	[tilespmem:s6+$0xA4C0] =	vst v24;
	v41 =	vadd.f32 v26, v25  }
0x117: {  	[tilespmem:s6+$0xA540] =	vst v27  }
0x118: {  	[tilespmem:s6+$0xA5C0] =	vst v41  }
0x119: {  	v23 =	vld [tilespmem:s1+$0x50]  }
0x11a: {  	s12 =	sor.u32 $0x850, s13;
	v24 =	vld [tilespmem:s1+$0x450]  }
0x11b: {  	v42 =	vld [tilespmem:s12+$0x2400]  }
0x11c: {  	v27 =	vld [tilespmem:s21+$0x50]  }
0x11d: {  	v44 =	vld [tilespmem:s21+$0x450]  }
0x11e: {  	v47 =	vld [tilespmem:s23+$0x50]  }
0x11f: {  	v48 =	vld [tilespmem:s23+$0x450]  }
0x120: {  	v51 =	vld [tilespmem:s11+$0x50]  }
0x121: {  	s12 =	sor.u32 $0xC50, s13;
	v52 =	vld [tilespmem:s11+$0x450]  }
0x122: {  	v43 =	vld [tilespmem:s12+$0x2400];
	s12 =	sor.u32 $0x850, s22  }
0x123: {  	v45 =	vld [tilespmem:s12+$0x2400];
	s12 =	sor.u32 $0xC50, s22  }
0x124: {  	v46 =	vld [tilespmem:s12+$0x2400];
	s12 =	sor.u32 $0x850, s24  }
0x125: {  	v49 =	vld [tilespmem:s12+$0x2400];
	s12 =	sor.u32 $0xC50, s24;
	v23 =	vmul.f32 v23, v7  }
0x126: {  	v50 =	vld [tilespmem:s12+$0x2400];
	s12 =	sor.u32 $0x850, s9;
	v24 =	vmul.f32 v24, v8;
	v25 =	vmul.f32 v42, v9  }
0x127: {  	v55 =	vmul.f32 v27, v11;
	v56 =	vmul.f32 v44, v12;
	v53 =	vld [tilespmem:s12+$0x2400];
	s12 =	sor.u32 $0xC50, s9  }
0x128: {  	v59 =	vmul.f32 v47, v15;
	v60 =	vmul.f32 v48, v16;
	v54 =	vld [tilespmem:s12+$0x2400]  }
0x129: {  	v63 =	vmul.f32 v51, v19;
	v26 =	vmul.f32 v43, v10;
	v23 =	vadd.f32 v24, v23  }
0x12a: {  	v57 =	vmul.f32 v45, v13;
	v24 =	vadd.f32 v56, v55;
	v58 =	vmul.f32 v46, v14  }
0x12b: {  	v36 =	vmul.f32 v52, v20;
	v27 =	vadd.f32 v60, v59;
	v25 =	vadd.f32 v26, v25  }
0x12c: {  	v61 =	vmul.f32 v49, v17;
	v26 =	vadd.f32 v58, v57;
	v62 =	vmul.f32 v50, v18  }
0x12d: {  	v23 =	vadd.f32 v25, v23;
	v39 =	vmul.f32 v53, v21;
	v40 =	vmul.f32 v54, v22  }
0x12e: {  	v25 =	vadd.f32 v36, v63;
	v28 =	vadd.f32 v62, v61  }
0x12f: {  	v24 =	vadd.f32 v26, v24;
	v26 =	vadd.f32 v40, v39  }
0x130: {  	[tilespmem:s6+$0xA450] =	vst v23;
	v27 =	vadd.f32 v28, v27  }
0x131: {  	[tilespmem:s6+$0xA4D0] =	vst v24;
	v41 =	vadd.f32 v26, v25  }
0x132: {  	[tilespmem:s6+$0xA550] =	vst v27  }
0x133: {  	[tilespmem:s6+$0xA5D0] =	vst v41  }
0x134: {  	v23 =	vld [tilespmem:s1+$0x60]  }
0x135: {  	s12 =	sor.u32 $0x860, s13;
	v24 =	vld [tilespmem:s1+$0x460]  }
0x136: {  	v42 =	vld [tilespmem:s12+$0x2400]  }
0x137: {  	v27 =	vld [tilespmem:s21+$0x60]  }
0x138: {  	v44 =	vld [tilespmem:s21+$0x460]  }
0x139: {  	v47 =	vld [tilespmem:s23+$0x60]  }
0x13a: {  	v48 =	vld [tilespmem:s23+$0x460]  }
0x13b: {  	v51 =	vld [tilespmem:s11+$0x60]  }
0x13c: {  	s12 =	sor.u32 $0xC60, s13;
	v52 =	vld [tilespmem:s11+$0x460]  }
0x13d: {  	v43 =	vld [tilespmem:s12+$0x2400];
	s12 =	sor.u32 $0x860, s22  }
0x13e: {  	v45 =	vld [tilespmem:s12+$0x2400];
	s12 =	sor.u32 $0xC60, s22  }
0x13f: {  	v46 =	vld [tilespmem:s12+$0x2400];
	s12 =	sor.u32 $0x860, s24  }
0x140: {  	v49 =	vld [tilespmem:s12+$0x2400];
	s12 =	sor.u32 $0xC60, s24;
	v23 =	vmul.f32 v23, v7  }
0x141: {  	v50 =	vld [tilespmem:s12+$0x2400];
	s12 =	sor.u32 $0x860, s9;
	v24 =	vmul.f32 v24, v8;
	v25 =	vmul.f32 v42, v9  }
0x142: {  	v55 =	vmul.f32 v27, v11;
	v56 =	vmul.f32 v44, v12;
	v53 =	vld [tilespmem:s12+$0x2400];
	s12 =	sor.u32 $0xC60, s9  }
0x143: {  	v59 =	vmul.f32 v47, v15;
	v60 =	vmul.f32 v48, v16;
	v54 =	vld [tilespmem:s12+$0x2400]  }
0x144: {  	v63 =	vmul.f32 v51, v19;
	v26 =	vmul.f32 v43, v10;
	v23 =	vadd.f32 v24, v23  }
0x145: {  	v57 =	vmul.f32 v45, v13;
	v24 =	vadd.f32 v56, v55;
	v58 =	vmul.f32 v46, v14  }
0x146: {  	v36 =	vmul.f32 v52, v20;
	v27 =	vadd.f32 v60, v59;
	v25 =	vadd.f32 v26, v25  }
0x147: {  	v61 =	vmul.f32 v49, v17;
	v26 =	vadd.f32 v58, v57;
	v62 =	vmul.f32 v50, v18  }
0x148: {  	v23 =	vadd.f32 v25, v23;
	v37 =	vmul.f32 v53, v21;
	v38 =	vmul.f32 v54, v22  }
0x149: {  	v25 =	vadd.f32 v36, v63;
	v28 =	vadd.f32 v62, v61  }
0x14a: {  	v24 =	vadd.f32 v26, v24;
	v26 =	vadd.f32 v38, v37  }
0x14b: {  	[tilespmem:s6+$0xA460] =	vst v23;
	v27 =	vadd.f32 v28, v27  }
0x14c: {  	[tilespmem:s6+$0xA4E0] =	vst v24;
	v39 =	vadd.f32 v26, v25  }
0x14d: {  	[tilespmem:s6+$0xA560] =	vst v27  }
0x14e: {  	[tilespmem:s6+$0xA5E0] =	vst v39  }
0x14f: {  	v23 =	vld [tilespmem:s1+$0x70]  }
0x150: {  	s12 =	sor.u32 $0x870, s13;
	v24 =	vld [tilespmem:s1+$0x470]  }
0x151: {  	s2 =	sor.u32 $0xC70, s13;
	v40 =	vld [tilespmem:s12+$0x2400]  }
0x152: {  	v41 =	vld [tilespmem:s2+$0x2400]  }
0x153: {  	v27 =	vld [tilespmem:s21+$0x70]  }
0x154: {  	s13 =	sor.u32 $0xC70, s22;
	v42 =	vld [tilespmem:s21+$0x470]  }
0x155: {  	v44 =	vld [tilespmem:s13+$0x2400]  }
0x156: {  	v45 =	vld [tilespmem:s23+$0x70]  }
0x157: {  	v46 =	vld [tilespmem:s23+$0x470]  }
0x158: {  	v49 =	vld [tilespmem:s11+$0x70]  }
0x159: {  	s12 =	sor.u32 $0x870, s22;
	v50 =	vld [tilespmem:s11+$0x470]  }
0x15a: {  	s21 =	sor.u32 $0x870, s24;
	v43 =	vld [tilespmem:s12+$0x2400]  }
0x15b: {  	s22 =	sor.u32 $0xC70, s24;
	v47 =	vld [tilespmem:s21+$0x2400];
	v7 =	vmul.f32 v23, v7  }
0x15c: {  	v48 =	vld [tilespmem:s22+$0x2400];
	v8 =	vmul.f32 v24, v8;
	v9 =	vmul.f32 v40, v9  }
0x15d: {  	s23 =	sor.u32 $0x870, s9;
	v10 =	vmul.f32 v41, v10;
	v53 =	vmul.f32 v42, v12  }
0x15e: {  	s24 =	sor.u32 $0xC70, s9;
	v51 =	vld [tilespmem:s23+$0x2400];
	v55 =	vmul.f32 v44, v14;
	v56 =	vmul.f32 v45, v15  }
0x15f: {  	v52 =	vld [tilespmem:s24+$0x2400];
	v57 =	vmul.f32 v46, v16;
	v60 =	vmul.f32 v49, v19  }
0x160: {  	v61 =	vmul.f32 v50, v20;
	v54 =	vmul.f32 v43, v13  }
0x161: {  	v58 =	vmul.f32 v47, v17;
	v59 =	vmul.f32 v48, v18;
	v7 =	vadd.f32 v8, v7  }
0x162: {  	v8 =	vmul.f32 v27, v11;
	v9 =	vadd.f32 v10, v9;
	v11 =	vadd.f32 v57, v56  }
0x163: {  	v62 =	vmul.f32 v51, v21;
	v10 =	vadd.f32 v55, v54;
	v12 =	vadd.f32 v59, v58  }
0x164: {  	v63 =	vmul.f32 v52, v22;
	v8 =	vadd.f32 v53, v8;
	v7 =	vadd.f32 v9, v7  }
0x165: {  	p3 =	sne.s32 s18, $0x1800;
	v9 =	vadd.f32 v61, v60;
	v11 =	vadd.f32 v12, v11  }
.Ltmp2:
0x166: {  	v8 =	vadd.f32 v10, v8;
	v10 =	vadd.f32 v63, v62;
	(pc) =	sbr.rel @p3 .LBB2_6-.Ltmp2, $4  }
0x167: {  	[tilespmem:s6+$0xA470] =	vst v7  }
0x168: {  	[tilespmem:s6+$0xA570] =	vst v11;
	v7 =	vadd.f32 v10, v9  }
0x169: {  	s17 =	sadd.s32 $0x4, s17;
	s10 =	sadd.s32 $0x2, s10;
	p2 =	por !p2, !p2;
	[tilespmem:s6+$0xA4F0] =	vst v8  }
0x16a: {  	s15 =	sadd.s32 $0x200, s15;
	s19 =	sadd.s32 $0x4, s19;
	s18 =	sadd.s32 $0x800, s18;
	[tilespmem:s6+$0xA5F0] =	vst v7  }
0x16b: {  	v3 =	vld [tilespmem:s0+$0x1410]  }
0x16c: {  	v4 =	vld [tilespmem:s0+$0x1810]  }
0x16d: {  	v5 =	vld [tilespmem:s0+$0x1C10];
	s10 =	simm.s32 $0x0  }
0x16e: {  	v6 =	vld [tilespmem:s0+$0x2010];
	s0 =	simm.s32 $0x3;
	s15 =	simm.s32 $0x0;
	s17 =	simm.s32 $0x0  }
.LBB2_8:
0x16f: {  	s19 =	sor.u32 $0x2000, s17  }
0x170: {  	s2 =	sand.u32 $0x200, s15;
	s1 =	sand.u32 $0x3000, s19  }
0x171: {  	s6 =	sadd.s32 $0x2200, s17;
	s9 =	sadd.s32 $0x880, s15;
	s13 =	sor.u32 s2, s1  }
0x172: {  	s6 =	sand.u32 $0x3000, s6;
	s9 =	sand.u32 $0x280, s9;
	v23 =	vld [tilespmem:s13+$0x2400]  }
0x173: {  	s6 =	sor.u32 s9, s6;
	v24 =	vld [tilespmem:s13+$0x2800]  }
0x174: {  	v27 =	vld [tilespmem:s6+$0x2400]  }
0x175: {  	s11 =	sadd.s32 $0xFFFFFFFD, s0;
	v22 =	vmov s0;
	v28 =	vld [tilespmem:s6+$0x2800]  }
0x176: {  	s22 =	sadd.s32 $0xFFFFFFFE, s0;
	s23 =	sadd.s32 $0x2400, s17;
	v19 =	vperm.xlane v3, v22;
	v20 =	vperm.xlane v4, v22;
	s1 =	sor.u32 s2, s19;
	v29 =	vld [tilespmem:s6+$0x2C00]  }
0x177: {  	s24 =	sadd.s32 $0x900, s15;
	s12 =	sand.u32 $0x3, s10;
	v10 =	vmov s11;
	v21 =	vperm.xlane v5, v22;
	v22 =	vperm.xlane v6, v22;
	s2 =	sor.u32 $0x800, s1;
	v30 =	vld [tilespmem:s6+$0x3000]  }
0x178: {  	s11 =	sand.u32 $0x300, s24;
	v7 =	vperm.xlane v3, v10;
	v8 =	vperm.xlane v4, v10;
	s9 =	sand.u32 $0x3000, s23;
	s21 =	sor.u32 $0xC00, s1;
	v25 =	vld [tilespmem:s2+$0x2400]  }
0x179: {  	v14 =	vmov s22;
	s18 =	sshll.u32 s12, $0x8;
	v9 =	vperm.xlane v5, v10;
	v10 =	vperm.xlane v6, v10;
	s9 =	sor.u32 s11, s9;
	v26 =	vld [tilespmem:s21+$0x2400]  }
0x17a: {  	v11 =	vperm.xlane v3, v14;
	v12 =	vperm.xlane v4, v14;
	s22 =	sadd.s32 s17, s18;
	s21 =	sadd.s32 $0xFFFFFFFF, s0;
	v31 =	vld [tilespmem:s9+$0x2400]  }
0x17b: {  	s24 =	sadd.s32 $0x980, s15;
	v13 =	vperm.xlane v5, v14;
	v14 =	vperm.xlane v6, v14;
	s23 =	sadd.s32 $0x2600, s17;
	s11 =	sadd.s32 $0x2500, s22;
	v32 =	vld [tilespmem:s9+$0x2800];
	v18 =	vmov s21  }
0x17c: {  	s12 =	sand.u32 $0x380, s24;
	v33 =	vld [tilespmem:s9+$0x2C00];
	s18 =	sor.u32 $0xC00, s11;
	s2 =	sand.u32 $0x3000, s23;
	v15 =	vperm.xlane v3, v18;
	v16 =	vperm.xlane v4, v18  }
0x17d: {  	v34 =	vld [tilespmem:s18+$0x2400];
	s18 =	sor.u32 s12, s2;
	v17 =	vperm.xlane v5, v18;
	v18 =	vperm.xlane v6, v18  }
0x17e: {  	v35 =	vld [tilespmem:s18+$0x2400];
	v23 =	vmul.f32 v23, v7;
	v24 =	vmul.f32 v24, v8  }
0x17f: {  	v36 =	vld [tilespmem:s18+$0x2800];
	v55 =	vmul.f32 v27, v11;
	v56 =	vmul.f32 v28, v12  }
0x180: {  	v37 =	vld [tilespmem:s18+$0x2C00];
	v57 =	vmul.f32 v29, v13;
	v58 =	vmul.f32 v30, v14  }
0x181: {  	v38 =	vld [tilespmem:s18+$0x3000];
	v25 =	vmul.f32 v25, v9;
	v26 =	vmul.f32 v26, v10  }
0x182: {  	v59 =	vmul.f32 v31, v15;
	v60 =	vmul.f32 v32, v16  }
0x183: {  	v61 =	vmul.f32 v33, v17;
	v23 =	vadd.f32 v24, v23;
	v24 =	vadd.f32 v56, v55  }
0x184: {  	v62 =	vmul.f32 v34, v18;
	v25 =	vadd.f32 v26, v25;
	v63 =	vmul.f32 v35, v19  }
0x185: {  	v26 =	vadd.f32 v58, v57;
	v36 =	vmul.f32 v36, v20;
	v39 =	vmul.f32 v37, v21  }
0x186: {  	v40 =	vmul.f32 v38, v22;
	v27 =	vadd.f32 v60, v59;
	v28 =	vadd.f32 v62, v61  }
0x187: {  	v23 =	vadd.f32 v25, v23;
	v24 =	vadd.f32 v26, v24  }
0x188: {  	s21 =	sshra.s32 s19, $0x2;
	v25 =	vadd.f32 v36, v63;
	v26 =	vadd.f32 v40, v39  }
0x189: {  	s19 =	sshra.s32 s17, $0x2;
	v27 =	vadd.f32 v28, v27;
	[tilespmem:s21+$0xA400] =	vst v23  }
0x18a: {  	v41 =	vadd.f32 v26, v25;
	[tilespmem:s19+$0xAC80] =	vst v24  }
0x18b: {  	[tilespmem:s19+$0xAD00] =	vst v27  }
0x18c: {  	[tilespmem:s19+$0xAD80] =	vst v41  }
0x18d: {  	v23 =	vld [tilespmem:s13+$0x2410]  }
0x18e: {  	s12 =	sor.u32 $0x810, s1;
	v24 =	vld [tilespmem:s13+$0x2810]  }
0x18f: {  	s22 =	sor.u32 $0xC10, s1;
	v42 =	vld [tilespmem:s12+$0x2400]  }
0x190: {  	v43 =	vld [tilespmem:s22+$0x2400]  }
0x191: {  	v27 =	vld [tilespmem:s6+$0x2410]  }
0x192: {  	v44 =	vld [tilespmem:s6+$0x2810]  }
0x193: {  	v45 =	vld [tilespmem:s6+$0x2C10]  }
0x194: {  	v46 =	vld [tilespmem:s6+$0x3010]  }
0x195: {  	v47 =	vld [tilespmem:s9+$0x2410]  }
0x196: {  	v48 =	vld [tilespmem:s9+$0x2810]  }
0x197: {  	s23 =	sor.u32 $0xC10, s11;
	v49 =	vld [tilespmem:s9+$0x2C10]  }
0x198: {  	v50 =	vld [tilespmem:s23+$0x2400];
	v23 =	vmul.f32 v23, v7  }
0x199: {  	v51 =	vld [tilespmem:s18+$0x2410];
	v24 =	vmul.f32 v24, v8;
	v25 =	vmul.f32 v42, v9  }
0x19a: {  	v52 =	vld [tilespmem:s18+$0x2810];
	v26 =	vmul.f32 v43, v10;
	v55 =	vmul.f32 v27, v11  }
0x19b: {  	v53 =	vld [tilespmem:s18+$0x2C10];
	v56 =	vmul.f32 v44, v12;
	v57 =	vmul.f32 v45, v13  }
0x19c: {  	v54 =	vld [tilespmem:s18+$0x3010];
	v58 =	vmul.f32 v46, v14;
	v59 =	vmul.f32 v47, v15  }
0x19d: {  	v60 =	vmul.f32 v48, v16;
	v61 =	vmul.f32 v49, v17  }
0x19e: {  	v62 =	vmul.f32 v50, v18;
	v63 =	vmul.f32 v51, v19  }
0x19f: {  	v36 =	vmul.f32 v52, v20;
	v23 =	vadd.f32 v24, v23;
	v25 =	vadd.f32 v26, v25  }
0x1a0: {  	v39 =	vmul.f32 v53, v21;
	v24 =	vadd.f32 v56, v55;
	v26 =	vadd.f32 v58, v57  }
0x1a1: {  	v40 =	vmul.f32 v54, v22;
	v27 =	vadd.f32 v60, v59;
	v28 =	vadd.f32 v62, v61  }
0x1a2: {  	v23 =	vadd.f32 v25, v23;
	v24 =	vadd.f32 v26, v24  }
0x1a3: {  	v25 =	vadd.f32 v36, v63;
	v26 =	vadd.f32 v40, v39  }
0x1a4: {  	v27 =	vadd.f32 v28, v27;
	[tilespmem:s21+$0xA410] =	vst v23  }
0x1a5: {  	v41 =	vadd.f32 v26, v25;
	[tilespmem:s19+$0xAC90] =	vst v24  }
0x1a6: {  	[tilespmem:s19+$0xAD10] =	vst v27  }
0x1a7: {  	[tilespmem:s19+$0xAD90] =	vst v41  }
0x1a8: {  	v23 =	vld [tilespmem:s13+$0x2420]  }
0x1a9: {  	s24 =	sor.u32 $0x820, s1;
	v24 =	vld [tilespmem:s13+$0x2820]  }
0x1aa: {  	s12 =	sor.u32 $0xC20, s1;
	v42 =	vld [tilespmem:s24+$0x2400]  }
0x1ab: {  	v43 =	vld [tilespmem:s12+$0x2400]  }
0x1ac: {  	v27 =	vld [tilespmem:s6+$0x2420]  }
0x1ad: {  	v44 =	vld [tilespmem:s6+$0x2820]  }
0x1ae: {  	v45 =	vld [tilespmem:s6+$0x2C20]  }
0x1af: {  	v46 =	vld [tilespmem:s6+$0x3020]  }
0x1b0: {  	v47 =	vld [tilespmem:s9+$0x2420]  }
0x1b1: {  	v48 =	vld [tilespmem:s9+$0x2820]  }
0x1b2: {  	s22 =	sor.u32 $0xC20, s11;
	v49 =	vld [tilespmem:s9+$0x2C20]  }
0x1b3: {  	v50 =	vld [tilespmem:s22+$0x2400];
	v23 =	vmul.f32 v23, v7  }
0x1b4: {  	v51 =	vld [tilespmem:s18+$0x2420];
	v24 =	vmul.f32 v24, v8;
	v25 =	vmul.f32 v42, v9  }
0x1b5: {  	v52 =	vld [tilespmem:s18+$0x2820];
	v26 =	vmul.f32 v43, v10;
	v55 =	vmul.f32 v27, v11  }
0x1b6: {  	v53 =	vld [tilespmem:s18+$0x2C20];
	v56 =	vmul.f32 v44, v12;
	v57 =	vmul.f32 v45, v13  }
0x1b7: {  	v54 =	vld [tilespmem:s18+$0x3020];
	v58 =	vmul.f32 v46, v14;
	v59 =	vmul.f32 v47, v15  }
0x1b8: {  	v60 =	vmul.f32 v48, v16;
	v61 =	vmul.f32 v49, v17  }
0x1b9: {  	v62 =	vmul.f32 v50, v18;
	v63 =	vmul.f32 v51, v19  }
0x1ba: {  	v36 =	vmul.f32 v52, v20;
	v23 =	vadd.f32 v24, v23;
	v25 =	vadd.f32 v26, v25  }
0x1bb: {  	v39 =	vmul.f32 v53, v21;
	v24 =	vadd.f32 v56, v55;
	v26 =	vadd.f32 v58, v57  }
0x1bc: {  	v40 =	vmul.f32 v54, v22;
	v27 =	vadd.f32 v60, v59;
	v28 =	vadd.f32 v62, v61  }
0x1bd: {  	v23 =	vadd.f32 v25, v23;
	v24 =	vadd.f32 v26, v24  }
0x1be: {  	v25 =	vadd.f32 v36, v63;
	v26 =	vadd.f32 v40, v39  }
0x1bf: {  	v27 =	vadd.f32 v28, v27;
	[tilespmem:s21+$0xA420] =	vst v23  }
0x1c0: {  	v41 =	vadd.f32 v26, v25;
	[tilespmem:s19+$0xACA0] =	vst v24  }
0x1c1: {  	[tilespmem:s19+$0xAD20] =	vst v27  }
0x1c2: {  	[tilespmem:s19+$0xADA0] =	vst v41  }
0x1c3: {  	v23 =	vld [tilespmem:s13+$0x2430]  }
0x1c4: {  	s23 =	sor.u32 $0x830, s1;
	v24 =	vld [tilespmem:s13+$0x2830]  }
0x1c5: {  	s24 =	sor.u32 $0xC30, s1;
	v42 =	vld [tilespmem:s23+$0x2400]  }
0x1c6: {  	v43 =	vld [tilespmem:s24+$0x2400]  }
0x1c7: {  	v27 =	vld [tilespmem:s6+$0x2430]  }
0x1c8: {  	v44 =	vld [tilespmem:s6+$0x2830]  }
0x1c9: {  	v45 =	vld [tilespmem:s6+$0x2C30]  }
0x1ca: {  	v46 =	vld [tilespmem:s6+$0x3030]  }
0x1cb: {  	v47 =	vld [tilespmem:s9+$0x2430]  }
0x1cc: {  	v48 =	vld [tilespmem:s9+$0x2830]  }
0x1cd: {  	s12 =	sor.u32 $0xC30, s11;
	v49 =	vld [tilespmem:s9+$0x2C30]  }
0x1ce: {  	v50 =	vld [tilespmem:s12+$0x2400];
	v23 =	vmul.f32 v23, v7  }
0x1cf: {  	v51 =	vld [tilespmem:s18+$0x2430];
	v24 =	vmul.f32 v24, v8;
	v25 =	vmul.f32 v42, v9  }
0x1d0: {  	v52 =	vld [tilespmem:s18+$0x2830];
	v26 =	vmul.f32 v43, v10;
	v55 =	vmul.f32 v27, v11  }
0x1d1: {  	v53 =	vld [tilespmem:s18+$0x2C30];
	v56 =	vmul.f32 v44, v12;
	v57 =	vmul.f32 v45, v13  }
0x1d2: {  	v54 =	vld [tilespmem:s18+$0x3030];
	v58 =	vmul.f32 v46, v14;
	v59 =	vmul.f32 v47, v15  }
0x1d3: {  	v60 =	vmul.f32 v48, v16;
	v61 =	vmul.f32 v49, v17  }
0x1d4: {  	v62 =	vmul.f32 v50, v18;
	v63 =	vmul.f32 v51, v19  }
0x1d5: {  	v36 =	vmul.f32 v52, v20;
	v23 =	vadd.f32 v24, v23;
	v25 =	vadd.f32 v26, v25  }
0x1d6: {  	v39 =	vmul.f32 v53, v21;
	v24 =	vadd.f32 v56, v55;
	v26 =	vadd.f32 v58, v57  }
0x1d7: {  	v40 =	vmul.f32 v54, v22;
	v27 =	vadd.f32 v60, v59;
	v28 =	vadd.f32 v62, v61  }
0x1d8: {  	v23 =	vadd.f32 v25, v23;
	v24 =	vadd.f32 v26, v24  }
0x1d9: {  	v25 =	vadd.f32 v36, v63;
	v26 =	vadd.f32 v40, v39  }
0x1da: {  	v27 =	vadd.f32 v28, v27;
	[tilespmem:s21+$0xA430] =	vst v23  }
0x1db: {  	v41 =	vadd.f32 v26, v25;
	[tilespmem:s19+$0xACB0] =	vst v24  }
0x1dc: {  	[tilespmem:s19+$0xAD30] =	vst v27  }
0x1dd: {  	[tilespmem:s19+$0xADB0] =	vst v41  }
0x1de: {  	v23 =	vld [tilespmem:s13+$0x2440]  }
0x1df: {  	s22 =	sor.u32 $0x840, s1;
	v24 =	vld [tilespmem:s13+$0x2840]  }
0x1e0: {  	s23 =	sor.u32 $0xC40, s1;
	v42 =	vld [tilespmem:s22+$0x2400]  }
0x1e1: {  	v43 =	vld [tilespmem:s23+$0x2400]  }
0x1e2: {  	v27 =	vld [tilespmem:s6+$0x2440]  }
0x1e3: {  	v44 =	vld [tilespmem:s6+$0x2840]  }
0x1e4: {  	v45 =	vld [tilespmem:s6+$0x2C40]  }
0x1e5: {  	v46 =	vld [tilespmem:s6+$0x3040]  }
0x1e6: {  	v47 =	vld [tilespmem:s9+$0x2440]  }
0x1e7: {  	v48 =	vld [tilespmem:s9+$0x2840]  }
0x1e8: {  	s24 =	sor.u32 $0xC40, s11;
	v49 =	vld [tilespmem:s9+$0x2C40]  }
0x1e9: {  	v50 =	vld [tilespmem:s24+$0x2400];
	v23 =	vmul.f32 v23, v7  }
0x1ea: {  	v51 =	vld [tilespmem:s18+$0x2440];
	v24 =	vmul.f32 v24, v8;
	v25 =	vmul.f32 v42, v9  }
0x1eb: {  	v52 =	vld [tilespmem:s18+$0x2840];
	v26 =	vmul.f32 v43, v10;
	v55 =	vmul.f32 v27, v11  }
0x1ec: {  	v53 =	vld [tilespmem:s18+$0x2C40];
	v56 =	vmul.f32 v44, v12;
	v57 =	vmul.f32 v45, v13  }
0x1ed: {  	v54 =	vld [tilespmem:s18+$0x3040];
	v58 =	vmul.f32 v46, v14;
	v59 =	vmul.f32 v47, v15  }
0x1ee: {  	v60 =	vmul.f32 v48, v16;
	v61 =	vmul.f32 v49, v17  }
0x1ef: {  	v62 =	vmul.f32 v50, v18;
	v63 =	vmul.f32 v51, v19  }
0x1f0: {  	v36 =	vmul.f32 v52, v20;
	v23 =	vadd.f32 v24, v23;
	v25 =	vadd.f32 v26, v25  }
0x1f1: {  	v39 =	vmul.f32 v53, v21;
	v24 =	vadd.f32 v56, v55;
	v26 =	vadd.f32 v58, v57  }
0x1f2: {  	v40 =	vmul.f32 v54, v22;
	v27 =	vadd.f32 v60, v59;
	v28 =	vadd.f32 v62, v61  }
0x1f3: {  	v23 =	vadd.f32 v25, v23;
	v24 =	vadd.f32 v26, v24  }
0x1f4: {  	v25 =	vadd.f32 v36, v63;
	v26 =	vadd.f32 v40, v39  }
0x1f5: {  	v27 =	vadd.f32 v28, v27;
	[tilespmem:s21+$0xA440] =	vst v23  }
0x1f6: {  	v41 =	vadd.f32 v26, v25;
	[tilespmem:s19+$0xACC0] =	vst v24  }
0x1f7: {  	[tilespmem:s19+$0xAD40] =	vst v27  }
0x1f8: {  	[tilespmem:s19+$0xADC0] =	vst v41  }
0x1f9: {  	v23 =	vld [tilespmem:s13+$0x2450]  }
0x1fa: {  	s12 =	sor.u32 $0x850, s1;
	v24 =	vld [tilespmem:s13+$0x2850]  }
0x1fb: {  	s22 =	sor.u32 $0xC50, s1;
	v42 =	vld [tilespmem:s12+$0x2400]  }
0x1fc: {  	v43 =	vld [tilespmem:s22+$0x2400]  }
0x1fd: {  	v27 =	vld [tilespmem:s6+$0x2450]  }
0x1fe: {  	v44 =	vld [tilespmem:s6+$0x2850]  }
0x1ff: {  	v45 =	vld [tilespmem:s6+$0x2C50]  }
0x200: {  	v46 =	vld [tilespmem:s6+$0x3050]  }
0x201: {  	v47 =	vld [tilespmem:s9+$0x2450]  }
0x202: {  	v48 =	vld [tilespmem:s9+$0x2850]  }
0x203: {  	s23 =	sor.u32 $0xC50, s11;
	v49 =	vld [tilespmem:s9+$0x2C50]  }
0x204: {  	v50 =	vld [tilespmem:s23+$0x2400];
	v23 =	vmul.f32 v23, v7  }
0x205: {  	v51 =	vld [tilespmem:s18+$0x2450];
	v24 =	vmul.f32 v24, v8;
	v25 =	vmul.f32 v42, v9  }
0x206: {  	v52 =	vld [tilespmem:s18+$0x2850];
	v26 =	vmul.f32 v43, v10;
	v55 =	vmul.f32 v27, v11  }
0x207: {  	v53 =	vld [tilespmem:s18+$0x2C50];
	v56 =	vmul.f32 v44, v12;
	v57 =	vmul.f32 v45, v13  }
0x208: {  	v54 =	vld [tilespmem:s18+$0x3050];
	v58 =	vmul.f32 v46, v14;
	v59 =	vmul.f32 v47, v15  }
0x209: {  	v60 =	vmul.f32 v48, v16;
	v61 =	vmul.f32 v49, v17  }
0x20a: {  	v62 =	vmul.f32 v50, v18;
	v63 =	vmul.f32 v51, v19  }
0x20b: {  	v36 =	vmul.f32 v52, v20;
	v23 =	vadd.f32 v24, v23;
	v25 =	vadd.f32 v26, v25  }
0x20c: {  	v39 =	vmul.f32 v53, v21;
	v24 =	vadd.f32 v56, v55;
	v26 =	vadd.f32 v58, v57  }
0x20d: {  	v40 =	vmul.f32 v54, v22;
	v27 =	vadd.f32 v60, v59;
	v28 =	vadd.f32 v62, v61  }
0x20e: {  	v23 =	vadd.f32 v25, v23;
	v24 =	vadd.f32 v26, v24  }
0x20f: {  	v25 =	vadd.f32 v36, v63;
	v26 =	vadd.f32 v40, v39  }
0x210: {  	v27 =	vadd.f32 v28, v27;
	[tilespmem:s21+$0xA450] =	vst v23  }
0x211: {  	v41 =	vadd.f32 v26, v25;
	[tilespmem:s19+$0xACD0] =	vst v24  }
0x212: {  	[tilespmem:s19+$0xAD50] =	vst v27  }
0x213: {  	[tilespmem:s19+$0xADD0] =	vst v41  }
0x214: {  	v23 =	vld [tilespmem:s13+$0x2460]  }
0x215: {  	s24 =	sor.u32 $0x860, s1;
	v24 =	vld [tilespmem:s13+$0x2860]  }
0x216: {  	s12 =	sor.u32 $0xC60, s1;
	v42 =	vld [tilespmem:s24+$0x2400]  }
0x217: {  	v43 =	vld [tilespmem:s12+$0x2400]  }
0x218: {  	v27 =	vld [tilespmem:s6+$0x2460]  }
0x219: {  	v44 =	vld [tilespmem:s6+$0x2860]  }
0x21a: {  	v45 =	vld [tilespmem:s6+$0x2C60]  }
0x21b: {  	v46 =	vld [tilespmem:s6+$0x3060]  }
0x21c: {  	v47 =	vld [tilespmem:s9+$0x2460]  }
0x21d: {  	v48 =	vld [tilespmem:s9+$0x2860]  }
0x21e: {  	s22 =	sor.u32 $0xC60, s11;
	v49 =	vld [tilespmem:s9+$0x2C60]  }
0x21f: {  	v50 =	vld [tilespmem:s22+$0x2400];
	v23 =	vmul.f32 v23, v7  }
0x220: {  	v51 =	vld [tilespmem:s18+$0x2460];
	v24 =	vmul.f32 v24, v8;
	v25 =	vmul.f32 v42, v9  }
0x221: {  	v52 =	vld [tilespmem:s18+$0x2860];
	v26 =	vmul.f32 v43, v10;
	v55 =	vmul.f32 v27, v11  }
0x222: {  	v53 =	vld [tilespmem:s18+$0x2C60];
	v56 =	vmul.f32 v44, v12;
	v57 =	vmul.f32 v45, v13  }
0x223: {  	v54 =	vld [tilespmem:s18+$0x3060];
	v58 =	vmul.f32 v46, v14;
	v59 =	vmul.f32 v47, v15  }
0x224: {  	v60 =	vmul.f32 v48, v16;
	v61 =	vmul.f32 v49, v17  }
0x225: {  	v62 =	vmul.f32 v50, v18;
	v63 =	vmul.f32 v51, v19  }
0x226: {  	v36 =	vmul.f32 v52, v20;
	v23 =	vadd.f32 v24, v23;
	v25 =	vadd.f32 v26, v25  }
0x227: {  	v37 =	vmul.f32 v53, v21;
	v24 =	vadd.f32 v56, v55;
	v26 =	vadd.f32 v58, v57  }
0x228: {  	v38 =	vmul.f32 v54, v22;
	v27 =	vadd.f32 v60, v59;
	v28 =	vadd.f32 v62, v61  }
0x229: {  	v23 =	vadd.f32 v25, v23;
	v24 =	vadd.f32 v26, v24  }
0x22a: {  	v25 =	vadd.f32 v36, v63;
	v26 =	vadd.f32 v38, v37  }
0x22b: {  	v27 =	vadd.f32 v28, v27;
	[tilespmem:s21+$0xA460] =	vst v23  }
0x22c: {  	v39 =	vadd.f32 v26, v25;
	[tilespmem:s19+$0xACE0] =	vst v24  }
0x22d: {  	[tilespmem:s19+$0xAD60] =	vst v27  }
0x22e: {  	[tilespmem:s19+$0xADE0] =	vst v39  }
0x22f: {  	v23 =	vld [tilespmem:s13+$0x2470]  }
0x230: {  	s23 =	sor.u32 $0x870, s1;
	v24 =	vld [tilespmem:s13+$0x2870]  }
0x231: {  	s1 =	sor.u32 $0xC70, s1;
	v40 =	vld [tilespmem:s23+$0x2400]  }
0x232: {  	v41 =	vld [tilespmem:s1+$0x2400]  }
0x233: {  	v42 =	vld [tilespmem:s6+$0x2870]  }
0x234: {  	v43 =	vld [tilespmem:s6+$0x2C70]  }
0x235: {  	v44 =	vld [tilespmem:s6+$0x3070]  }
0x236: {  	v45 =	vld [tilespmem:s9+$0x2470]  }
0x237: {  	v46 =	vld [tilespmem:s9+$0x2870]  }
0x238: {  	s24 =	sor.u32 $0xC70, s11;
	v47 =	vld [tilespmem:s9+$0x2C70]  }
0x239: {  	v48 =	vld [tilespmem:s24+$0x2400]  }
0x23a: {  	v49 =	vld [tilespmem:s18+$0x2470];
	v7 =	vmul.f32 v23, v7  }
0x23b: {  	v50 =	vld [tilespmem:s18+$0x2870];
	v8 =	vmul.f32 v24, v8;
	v9 =	vmul.f32 v40, v9  }
0x23c: {  	v27 =	vld [tilespmem:s6+$0x2470];
	v10 =	vmul.f32 v41, v10;
	v53 =	vmul.f32 v42, v12  }
0x23d: {  	v51 =	vld [tilespmem:s18+$0x2C70];
	v54 =	vmul.f32 v43, v13;
	v55 =	vmul.f32 v44, v14  }
0x23e: {  	v52 =	vld [tilespmem:s18+$0x3070];
	v56 =	vmul.f32 v45, v15;
	v57 =	vmul.f32 v46, v16  }
0x23f: {  	v58 =	vmul.f32 v47, v17;
	v59 =	vmul.f32 v48, v18  }
0x240: {  	v60 =	vmul.f32 v49, v19;
	v61 =	vmul.f32 v50, v20;
	v7 =	vadd.f32 v8, v7  }
0x241: {  	v8 =	vmul.f32 v27, v11;
	v9 =	vadd.f32 v10, v9;
	v10 =	vadd.f32 v55, v54  }
0x242: {  	v62 =	vmul.f32 v51, v21;
	v11 =	vadd.f32 v57, v56;
	v12 =	vadd.f32 v59, v58  }
0x243: {  	v63 =	vmul.f32 v52, v22;
	v8 =	vadd.f32 v53, v8;
	v7 =	vadd.f32 v9, v7  }
0x244: {  	p2 =	sne.s32 s17, $0x1800;
	v9 =	vadd.f32 v61, v60;
	v11 =	vadd.f32 v12, v11  }
.Ltmp3:
0x245: {  	v8 =	vadd.f32 v10, v8;
	v10 =	vadd.f32 v63, v62;
	(pc) =	sbr.rel @p2 .LBB2_8-.Ltmp3, $4  }
0x246: {  	[tilespmem:s21+$0xA470] =	vst v7  }
0x247: {  	[tilespmem:s19+$0xAD70] =	vst v11;
	v7 =	vadd.f32 v10, v9  }
0x248: {  	s10 =	sadd.s32 $0x2, s10;
	[tilespmem:s19+$0xACF0] =	vst v8  }
0x249: {  	s15 =	sadd.s32 $0x200, s15;
	s0 =	sadd.s32 $0x4, s0;
	s17 =	sadd.s32 $0x800, s17;
	[tilespmem:s19+$0xADF0] =	vst v7  }
0x24a: {  	p2 =	sne.s32 s26, $0xF  }
.Ltmp4:
0x24b: {  	_ = 	snop;
	(pc) =	sbr.rel @p2 .LBB2_11-.Ltmp4, $4  }
0x24c: {  	s0 =	sshll.u32 s26, $0x8  }
0x24d: {  	s0 =	sand.u32 $0x3FFFFF00, s0  }
0x24e: {  	s1 =	rddreg [dreg:$0x2];
	s2 =	simm.s32 $0xA400;
	s0 =	sadd.s32 $0x400, s0  }
0x24f: {  	[spmem:s1] =	stream.indirect.scatter.add.f32 [tilespmem:s2], [sflag:$0x3], $0x80, s0, s5, $0xb8;
	[tilespmem:$0x1FC80] =	vst v63  }
.Ltmp5:
0x250: {  	(pc) =	sbr.rel .LBB2_12-.Ltmp5, $4  }
0x251: {  	_ = 	snop  }
0x252: {  	_ =	swait.ge [sflag:s7], $0x4000  }
0x253: {  	[sflag:s7] =	ssyncset.done $0x0  }
0x254: {  	[sflag:s7] =	ssyncadd.s32 $0xFFFFC000  }
.LBB2_11:
0x255: {  	s0 =	sshll.u32 s31, $0x5  }
0x256: {  	s0 =	sadd.s32 $0x40, s0  }
0x257: {  	s0 =	sand.u32 $0x7C0, s0  }
0x258: {  	v3 =	vld [tilespmem:s0+$0x0];
	_ =	sdelay $0x4  }
0x259: {  	v4 =	vshll.u32 v3, $0x2  }
0x25a: {  	v3 =	vand.u32 $0x7, v3;
	v4 =	vand.u32 $0xFFFFFFE0, v4  }
0x25b: {  	v3 =	vor.u32 v3, v4  }
0x25c: {  	v4 =	vperm.xlane v3, v0;
	_ =	sdelay $0x1  }
0x25d: {  	v4 =	vadd.s32 v1, v4;
	_ =	sdelay $0x1  }
0x25e: {  	v3 =	vperm.xlane v3, v2;
	_ =	sdelay $0x1  }
0x25f: {  	s1 =	simm.s32 $0x2400;
	v3 =	vadd.s32 v1, v3  }
0x260: {  	[tilespmem:s1], [sflag:$0x1] =	stream.indirect_vreg.gather [hbm4b:s4+s3], $0x80, v4, vm0, $0xb8;
	[tilespmem:$0x1FC80] =	vst v63  }
0x261: {  	s18 =	simm.s32 $0x2C00  }
0x262: {  	[tilespmem:s18], [sflag:$0x1] =	stream.indirect_vreg.gather [hbm4b:s16+s3], $0x80, v4, vm0, $0xb8;
	[tilespmem:$0x1FC80] =	vst v63  }
0x263: {  	s19 =	simm.s32 $0x3400  }
0x264: {  	[tilespmem:s19], [sflag:$0x1] =	stream.indirect_vreg.gather [hbm4b:s4+s3], $0x80, v3, vm0, $0xb8;
	[tilespmem:$0x1FC80] =	vst v63  }
0x265: {  	s21 =	simm.s32 $0x3C00  }
0x266: {  	[tilespmem:s21], [sflag:$0x1] =	stream.indirect_vreg.gather [hbm4b:s16+s3], $0x80, v3, vm0, $0xb8;
	[tilespmem:$0x1FC80] =	vst v63  }
0x267: {  	v3 =	vld [tilespmem:s0+$0x10];
	_ =	sdelay $0x4  }
0x268: {  	v63 =	vshll.u32 v3, $0x2  }
0x269: {  	v3 =	vand.u32 $0x7, v3;
	v4 =	vand.u32 $0xFFFFFFE0, v63  }
0x26a: {  	v3 =	vor.u32 v3, v4  }
0x26b: {  	v4 =	vperm.xlane v3, v0;
	_ =	sdelay $0x1  }
0x26c: {  	v4 =	vadd.s32 v1, v4;
	_ =	sdelay $0x1  }
0x26d: {  	v3 =	vperm.xlane v3, v2;
	_ =	sdelay $0x1  }
0x26e: {  	s22 =	simm.s32 $0x4400;
	v3 =	vadd.s32 v1, v3  }
0x26f: {  	[tilespmem:s22], [sflag:$0x1] =	stream.indirect_vreg.gather [hbm4b:s4+s3], $0x80, v4, vm0, $0xb8;
	[tilespmem:$0x1FC80] =	vst v63  }
0x270: {  	s23 =	simm.s32 $0x4C00  }
0x271: {  	[tilespmem:s23], [sflag:$0x1] =	stream.indirect_vreg.gather [hbm4b:s16+s3], $0x80, v4, vm0, $0xb8;
	[tilespmem:$0x1FC80] =	vst v63  }
0x272: {  	s24 =	simm.s32 $0x5400  }
0x273: {  	[tilespmem:s24], [sflag:$0x1] =	stream.indirect_vreg.gather [hbm4b:s4+s3], $0x80, v3, vm0, $0xb8;
	[tilespmem:$0x1FC80] =	vst v63  }
.Ltmp6:
0x274: {  	s31 =	simm.s32 $0x5C00;
	(pc) =	sbr.rel @p1 .LBB2_13-.Ltmp6, $4  }
0x275: {  	[tilespmem:s31], [sflag:$0x1] =	stream.indirect_vreg.gather [hbm4b:s16+s3], $0x80, v3, vm0, $0xb8;
	[tilespmem:$0x1FC80] =	vst v63  }
0x276: {  	_ =	swait.ge [sflag:s7], $0x4000  }
0x277: {  	[sflag:s7] =	ssyncset.done $0x0  }
0x278: {  	[sflag:s7] =	ssyncadd.s32 $0xFFFFC000  }
.LBB2_12:
0x279: {  	_ =	swait.ge [sflag:s8], $0x1000  }
0x27a: {  	[sflag:s8] =	ssyncset.done $0x0  }
0x27b: {  	[sflag:s8] =	ssyncadd.s32 $0xFFFFF000  }
.LBB2_13:
0x27c: {  	s0 =	sor.u32 s30, s29  }
0x27d: {  	v3 =	vld [tilespmem:s0+$0x1400]  }
0x27e: {  	v4 =	vld [tilespmem:s0+$0x1800]  }
0x27f: {  	s10 =	simm.s32 $0x0;
	p1 =	por $0x0, $0x0;
	s17 =	simm.s32 $0x0;
	v5 =	vld [tilespmem:s0+$0x1C00]  }
0x280: {  	s15 =	simm.s32 $0x0;
	s19 =	simm.s32 $0x0;
	s18 =	simm.s32 $0x0;
	v6 =	vld [tilespmem:s0+$0x2000]  }
.LBB2_14:
0x281: {  	s1 =	simm.s32 $0x1;
	s2 =	sand.u32 $0x1000, s18  }
0x282: {  	s6 =	sand.u32 $0x200, s15;
	s1 =	simm.s32 @!p1 $0x0;
	s2 =	sor.u32 $0x6400, s2  }
0x283: {  	s11 =	sadd.s32 $0x80, s15;
	s9 =	sshll.u32 s1, $0x9;
	s1 =	sor.u32 s6, s2  }
0x284: {  	s11 =	sand.u32 $0x280, s11;
	v23 =	vld [tilespmem:s1+$0x0]  }
0x285: {  	s23 =	sadd.s32 $0x100, s15;
	s21 =	sor.u32 s11, s2;
	v24 =	vld [tilespmem:s1+$0x400]  }
0x286: {  	s23 =	sand.u32 $0x300, s23;
	v27 =	vld [tilespmem:s21+$0x0]  }
0x287: {  	s24 =	sand.u32 $0x7, s17;
	s30 =	sand.u32 $0x3, s10;
	v10 =	vmov s19;
	s23 =	sor.u32 s23, s2;
	v28 =	vld [tilespmem:s21+$0x400]  }
0x288: {  	s31 =	sadd.s32 $0x1, s19;
	v7 =	vperm.xlane v3, v10;
	s6 =	sshll.u32 s24, $0x7;
	s13 =	sadd.s32 s9, s18;
	v31 =	vld [tilespmem:s23+$0x0]  }
0x289: {  	v8 =	vperm.xlane v4, v10;
	v9 =	vperm.xlane v5, v10;
	v14 =	vmov s31;
	s24 =	sadd.s32 $0x2, s19;
	s6 =	sadd.s32 s6, s18;
	v32 =	vld [tilespmem:s23+$0x400];
	s9 =	sor.u32 $0x800, s13  }
0x28a: {  	v10 =	vperm.xlane v6, v10;
	v11 =	vperm.xlane v3, v14;
	s29 =	sor.u32 $0xC00, s13;
	s22 =	sadd.s32 $0x80, s6;
	v25 =	vld [tilespmem:s9+$0x6400];
	s9 =	sshll.u32 s30, $0x8  }
0x28b: {  	v12 =	vperm.xlane v4, v14;
	v13 =	vperm.xlane v5, v14;
	v18 =	vmov s24;
	v26 =	vld [tilespmem:s29+$0x6400];
	s12 =	sor.u32 $0x800, s22;
	s9 =	sadd.s32 s18, s9  }
0x28c: {  	v14 =	vperm.xlane v6, v14;
	v15 =	vperm.xlane v3, v18;
	s29 =	sadd.s32 $0x3, s19;
	v29 =	vld [tilespmem:s12+$0x6400];
	s12 =	sor.u32 $0xC00, s22;
	s24 =	sadd.s32 $0x100, s9  }
0x28d: {  	v16 =	vperm.xlane v4, v18;
	v17 =	vperm.xlane v5, v18;
	v22 =	vmov s29;
	v30 =	vld [tilespmem:s12+$0x6400];
	s30 =	sor.u32 $0x800, s24  }
0x28e: {  	v18 =	vperm.xlane v6, v18;
	v19 =	vperm.xlane v3, v22;
	s9 =	sadd.s32 $0x180, s6;
	s29 =	sor.u32 $0xC00, s24;
	v33 =	vld [tilespmem:s30+$0x6400]  }
0x28f: {  	s31 =	sadd.s32 $0x180, s15;
	v20 =	vperm.xlane v4, v22;
	v21 =	vperm.xlane v5, v22;
	s6 =	sor.u32 $0xC00, s9;
	v34 =	vld [tilespmem:s29+$0x6400]  }
0x290: {  	v22 =	vperm.xlane v6, v22;
	v23 =	vmul.f32 v23, v7;
	s30 =	sand.u32 $0x380, s31;
	s31 =	sor.u32 $0x800, s9;
	v38 =	vld [tilespmem:s6+$0x6400]  }
0x291: {  	v24 =	vmul.f32 v24, v8;
	v55 =	vmul.f32 v27, v11;
	s11 =	sor.u32 s30, s2;
	v37 =	vld [tilespmem:s31+$0x6400]  }
0x292: {  	v56 =	vmul.f32 v28, v12;
	v59 =	vmul.f32 v31, v15;
	v35 =	vld [tilespmem:s11+$0x0]  }
0x293: {  	v60 =	vmul.f32 v32, v16;
	v25 =	vmul.f32 v25, v9;
	v36 =	vld [tilespmem:s11+$0x400]  }
0x294: {  	v26 =	vmul.f32 v26, v10;
	v23 =	vadd.f32 v24, v23;
	v24 =	vadd.f32 v56, v55  }
0x295: {  	v27 =	vadd.f32 v60, v59;
	v57 =	vmul.f32 v29, v13;
	v58 =	vmul.f32 v30, v14  }
0x296: {  	v25 =	vadd.f32 v26, v25;
	v61 =	vmul.f32 v33, v17;
	v62 =	vmul.f32 v34, v18  }
0x297: {  	v26 =	vadd.f32 v58, v57;
	v40 =	vmul.f32 v38, v22;
	v39 =	vmul.f32 v37, v21  }
0x298: {  	v23 =	vadd.f32 v25, v23;
	v63 =	vmul.f32 v35, v19;
	v36 =	vmul.f32 v36, v20  }
0x299: {  	v24 =	vadd.f32 v26, v24;
	v28 =	vadd.f32 v62, v61  }
0x29a: {  	s6 =	sshra.s32 s18, $0x2;
	v26 =	vadd.f32 v40, v39;
	v25 =	vadd.f32 v36, v63  }
0x29b: {  	[tilespmem:s6+$0xB400] =	vst v23;
	v27 =	vadd.f32 v28, v27  }
0x29c: {  	[tilespmem:s6+$0xB480] =	vst v24;
	v41 =	vadd.f32 v26, v25  }
0x29d: {  	[tilespmem:s6+$0xB500] =	vst v27  }
0x29e: {  	[tilespmem:s6+$0xB580] =	vst v41  }
0x29f: {  	v23 =	vld [tilespmem:s1+$0x10]  }
0x2a0: {  	s12 =	sor.u32 $0x810, s13;
	v24 =	vld [tilespmem:s1+$0x410]  }
0x2a1: {  	s29 =	sor.u32 $0xC10, s13;
	v42 =	vld [tilespmem:s12+$0x6400]  }
0x2a2: {  	v43 =	vld [tilespmem:s29+$0x6400]  }
0x2a3: {  	v27 =	vld [tilespmem:s21+$0x10]  }
0x2a4: {  	s30 =	sor.u32 $0x810, s22;
	v44 =	vld [tilespmem:s21+$0x410]  }
0x2a5: {  	s31 =	sor.u32 $0xC10, s22;
	v45 =	vld [tilespmem:s30+$0x6400]  }
0x2a6: {  	v46 =	vld [tilespmem:s31+$0x6400]  }
0x2a7: {  	v47 =	vld [tilespmem:s23+$0x10]  }
0x2a8: {  	v48 =	vld [tilespmem:s23+$0x410]  }
0x2a9: {  	v51 =	vld [tilespmem:s11+$0x10]  }
0x2aa: {  	s12 =	sor.u32 $0x810, s24;
	v52 =	vld [tilespmem:s11+$0x410];
	v23 =	vmul.f32 v23, v7  }
0x2ab: {  	s29 =	sor.u32 $0xC10, s24;
	v49 =	vld [tilespmem:s12+$0x6400];
	v24 =	vmul.f32 v24, v8;
	v25 =	vmul.f32 v42, v9  }
0x2ac: {  	s30 =	sor.u32 $0x810, s9;
	v50 =	vld [tilespmem:s29+$0x6400];
	v26 =	vmul.f32 v43, v10;
	v55 =	vmul.f32 v27, v11  }
0x2ad: {  	s31 =	sor.u32 $0xC10, s9;
	v53 =	vld [tilespmem:s30+$0x6400];
	v56 =	vmul.f32 v44, v12;
	v57 =	vmul.f32 v45, v13  }
0x2ae: {  	v54 =	vld [tilespmem:s31+$0x6400];
	v58 =	vmul.f32 v46, v14;
	v59 =	vmul.f32 v47, v15  }
0x2af: {  	v60 =	vmul.f32 v48, v16;
	v63 =	vmul.f32 v51, v19  }
0x2b0: {  	v36 =	vmul.f32 v52, v20;
	v61 =	vmul.f32 v49, v17  }
0x2b1: {  	v62 =	vmul.f32 v50, v18;
	v23 =	vadd.f32 v24, v23;
	v25 =	vadd.f32 v26, v25  }
0x2b2: {  	v39 =	vmul.f32 v53, v21;
	v24 =	vadd.f32 v56, v55;
	v26 =	vadd.f32 v58, v57  }
0x2b3: {  	v40 =	vmul.f32 v54, v22;
	v27 =	vadd.f32 v60, v59;
	v28 =	vadd.f32 v62, v61  }
0x2b4: {  	v23 =	vadd.f32 v25, v23;
	v24 =	vadd.f32 v26, v24  }
0x2b5: {  	v25 =	vadd.f32 v36, v63;
	v26 =	vadd.f32 v40, v39  }
0x2b6: {  	v27 =	vadd.f32 v28, v27;
	[tilespmem:s6+$0xB410] =	vst v23  }
0x2b7: {  	v41 =	vadd.f32 v26, v25;
	[tilespmem:s6+$0xB490] =	vst v24  }
0x2b8: {  	[tilespmem:s6+$0xB510] =	vst v27  }
0x2b9: {  	[tilespmem:s6+$0xB590] =	vst v41  }
0x2ba: {  	v23 =	vld [tilespmem:s1+$0x20]  }
0x2bb: {  	s12 =	sor.u32 $0x820, s13;
	v24 =	vld [tilespmem:s1+$0x420]  }
0x2bc: {  	s29 =	sor.u32 $0xC20, s13;
	v42 =	vld [tilespmem:s12+$0x6400]  }
0x2bd: {  	v43 =	vld [tilespmem:s29+$0x6400]  }
0x2be: {  	v27 =	vld [tilespmem:s21+$0x20]  }
0x2bf: {  	s30 =	sor.u32 $0x820, s22;
	v44 =	vld [tilespmem:s21+$0x420]  }
0x2c0: {  	s31 =	sor.u32 $0xC20, s22;
	v45 =	vld [tilespmem:s30+$0x6400]  }
0x2c1: {  	v46 =	vld [tilespmem:s31+$0x6400]  }
0x2c2: {  	v47 =	vld [tilespmem:s23+$0x20]  }
0x2c3: {  	v48 =	vld [tilespmem:s23+$0x420]  }
0x2c4: {  	v51 =	vld [tilespmem:s11+$0x20]  }
0x2c5: {  	s12 =	sor.u32 $0x820, s24;
	v52 =	vld [tilespmem:s11+$0x420];
	v23 =	vmul.f32 v23, v7  }
0x2c6: {  	s29 =	sor.u32 $0xC20, s24;
	v49 =	vld [tilespmem:s12+$0x6400];
	v24 =	vmul.f32 v24, v8;
	v25 =	vmul.f32 v42, v9  }
0x2c7: {  	s30 =	sor.u32 $0x820, s9;
	v50 =	vld [tilespmem:s29+$0x6400];
	v26 =	vmul.f32 v43, v10;
	v55 =	vmul.f32 v27, v11  }
0x2c8: {  	s31 =	sor.u32 $0xC20, s9;
	v53 =	vld [tilespmem:s30+$0x6400];
	v56 =	vmul.f32 v44, v12;
	v57 =	vmul.f32 v45, v13  }
0x2c9: {  	v54 =	vld [tilespmem:s31+$0x6400];
	v58 =	vmul.f32 v46, v14;
	v59 =	vmul.f32 v47, v15  }
0x2ca: {  	v60 =	vmul.f32 v48, v16;
	v63 =	vmul.f32 v51, v19  }
0x2cb: {  	v36 =	vmul.f32 v52, v20;
	v61 =	vmul.f32 v49, v17  }
0x2cc: {  	v62 =	vmul.f32 v50, v18;
	v23 =	vadd.f32 v24, v23;
	v25 =	vadd.f32 v26, v25  }
0x2cd: {  	v39 =	vmul.f32 v53, v21;
	v24 =	vadd.f32 v56, v55;
	v26 =	vadd.f32 v58, v57  }
0x2ce: {  	v40 =	vmul.f32 v54, v22;
	v27 =	vadd.f32 v60, v59;
	v28 =	vadd.f32 v62, v61  }
0x2cf: {  	v23 =	vadd.f32 v25, v23;
	v24 =	vadd.f32 v26, v24  }
0x2d0: {  	v25 =	vadd.f32 v36, v63;
	v26 =	vadd.f32 v40, v39  }
0x2d1: {  	v27 =	vadd.f32 v28, v27;
	[tilespmem:s6+$0xB420] =	vst v23  }
0x2d2: {  	v41 =	vadd.f32 v26, v25;
	[tilespmem:s6+$0xB4A0] =	vst v24  }
0x2d3: {  	[tilespmem:s6+$0xB520] =	vst v27  }
0x2d4: {  	[tilespmem:s6+$0xB5A0] =	vst v41  }
0x2d5: {  	v23 =	vld [tilespmem:s1+$0x30]  }
0x2d6: {  	s12 =	sor.u32 $0x830, s13;
	v24 =	vld [tilespmem:s1+$0x430]  }
0x2d7: {  	s29 =	sor.u32 $0xC30, s13;
	v42 =	vld [tilespmem:s12+$0x6400]  }
0x2d8: {  	v43 =	vld [tilespmem:s29+$0x6400]  }
0x2d9: {  	v27 =	vld [tilespmem:s21+$0x30]  }
0x2da: {  	s30 =	sor.u32 $0x830, s22;
	v44 =	vld [tilespmem:s21+$0x430]  }
0x2db: {  	s31 =	sor.u32 $0xC30, s22;
	v45 =	vld [tilespmem:s30+$0x6400]  }
0x2dc: {  	v46 =	vld [tilespmem:s31+$0x6400]  }
0x2dd: {  	v47 =	vld [tilespmem:s23+$0x30]  }
0x2de: {  	v48 =	vld [tilespmem:s23+$0x430]  }
0x2df: {  	v51 =	vld [tilespmem:s11+$0x30]  }
0x2e0: {  	s12 =	sor.u32 $0x830, s24;
	v52 =	vld [tilespmem:s11+$0x430];
	v23 =	vmul.f32 v23, v7  }
0x2e1: {  	s29 =	sor.u32 $0xC30, s24;
	v49 =	vld [tilespmem:s12+$0x6400];
	v24 =	vmul.f32 v24, v8;
	v25 =	vmul.f32 v42, v9  }
0x2e2: {  	s30 =	sor.u32 $0x830, s9;
	v50 =	vld [tilespmem:s29+$0x6400];
	v26 =	vmul.f32 v43, v10;
	v55 =	vmul.f32 v27, v11  }
0x2e3: {  	s31 =	sor.u32 $0xC30, s9;
	v53 =	vld [tilespmem:s30+$0x6400];
	v56 =	vmul.f32 v44, v12;
	v57 =	vmul.f32 v45, v13  }
0x2e4: {  	v54 =	vld [tilespmem:s31+$0x6400];
	v58 =	vmul.f32 v46, v14;
	v59 =	vmul.f32 v47, v15  }
0x2e5: {  	v60 =	vmul.f32 v48, v16;
	v63 =	vmul.f32 v51, v19  }
0x2e6: {  	v36 =	vmul.f32 v52, v20;
	v61 =	vmul.f32 v49, v17  }
0x2e7: {  	v62 =	vmul.f32 v50, v18;
	v23 =	vadd.f32 v24, v23;
	v25 =	vadd.f32 v26, v25  }
0x2e8: {  	v39 =	vmul.f32 v53, v21;
	v24 =	vadd.f32 v56, v55;
	v26 =	vadd.f32 v58, v57  }
0x2e9: {  	v40 =	vmul.f32 v54, v22;
	v27 =	vadd.f32 v60, v59;
	v28 =	vadd.f32 v62, v61  }
0x2ea: {  	v23 =	vadd.f32 v25, v23;
	v24 =	vadd.f32 v26, v24  }
0x2eb: {  	v25 =	vadd.f32 v36, v63;
	v26 =	vadd.f32 v40, v39  }
0x2ec: {  	v27 =	vadd.f32 v28, v27;
	[tilespmem:s6+$0xB430] =	vst v23  }
0x2ed: {  	v41 =	vadd.f32 v26, v25;
	[tilespmem:s6+$0xB4B0] =	vst v24  }
0x2ee: {  	[tilespmem:s6+$0xB530] =	vst v27  }
0x2ef: {  	[tilespmem:s6+$0xB5B0] =	vst v41  }
0x2f0: {  	v23 =	vld [tilespmem:s1+$0x40]  }
0x2f1: {  	s12 =	sor.u32 $0x840, s13;
	v24 =	vld [tilespmem:s1+$0x440]  }
0x2f2: {  	s29 =	sor.u32 $0xC40, s13;
	v42 =	vld [tilespmem:s12+$0x6400]  }
0x2f3: {  	v43 =	vld [tilespmem:s29+$0x6400]  }
0x2f4: {  	v27 =	vld [tilespmem:s21+$0x40]  }
0x2f5: {  	s30 =	sor.u32 $0x840, s22;
	v44 =	vld [tilespmem:s21+$0x440]  }
0x2f6: {  	s31 =	sor.u32 $0xC40, s22;
	v45 =	vld [tilespmem:s30+$0x6400]  }
0x2f7: {  	v46 =	vld [tilespmem:s31+$0x6400]  }
0x2f8: {  	v47 =	vld [tilespmem:s23+$0x40]  }
0x2f9: {  	v48 =	vld [tilespmem:s23+$0x440]  }
0x2fa: {  	v51 =	vld [tilespmem:s11+$0x40]  }
0x2fb: {  	s12 =	sor.u32 $0x840, s24;
	v52 =	vld [tilespmem:s11+$0x440];
	v23 =	vmul.f32 v23, v7  }
0x2fc: {  	s29 =	sor.u32 $0xC40, s24;
	v49 =	vld [tilespmem:s12+$0x6400];
	v24 =	vmul.f32 v24, v8;
	v25 =	vmul.f32 v42, v9  }
0x2fd: {  	s30 =	sor.u32 $0x840, s9;
	v50 =	vld [tilespmem:s29+$0x6400];
	v26 =	vmul.f32 v43, v10;
	v55 =	vmul.f32 v27, v11  }
0x2fe: {  	s31 =	sor.u32 $0xC40, s9;
	v53 =	vld [tilespmem:s30+$0x6400];
	v56 =	vmul.f32 v44, v12;
	v57 =	vmul.f32 v45, v13  }
0x2ff: {  	v54 =	vld [tilespmem:s31+$0x6400];
	v58 =	vmul.f32 v46, v14;
	v59 =	vmul.f32 v47, v15  }
0x300: {  	v60 =	vmul.f32 v48, v16;
	v63 =	vmul.f32 v51, v19  }
0x301: {  	v36 =	vmul.f32 v52, v20;
	v61 =	vmul.f32 v49, v17  }
0x302: {  	v62 =	vmul.f32 v50, v18;
	v23 =	vadd.f32 v24, v23;
	v25 =	vadd.f32 v26, v25  }
0x303: {  	v39 =	vmul.f32 v53, v21;
	v24 =	vadd.f32 v56, v55;
	v26 =	vadd.f32 v58, v57  }
0x304: {  	v40 =	vmul.f32 v54, v22;
	v27 =	vadd.f32 v60, v59;
	v28 =	vadd.f32 v62, v61  }
0x305: {  	v23 =	vadd.f32 v25, v23;
	v24 =	vadd.f32 v26, v24  }
0x306: {  	v25 =	vadd.f32 v36, v63;
	v26 =	vadd.f32 v40, v39  }
0x307: {  	v27 =	vadd.f32 v28, v27;
	[tilespmem:s6+$0xB440] =	vst v23  }
0x308: {  	v41 =	vadd.f32 v26, v25;
	[tilespmem:s6+$0xB4C0] =	vst v24  }
0x309: {  	[tilespmem:s6+$0xB540] =	vst v27  }
0x30a: {  	[tilespmem:s6+$0xB5C0] =	vst v41  }
0x30b: {  	v23 =	vld [tilespmem:s1+$0x50]  }
0x30c: {  	s12 =	sor.u32 $0x850, s13;
	v24 =	vld [tilespmem:s1+$0x450]  }
0x30d: {  	s29 =	sor.u32 $0xC50, s13;
	v42 =	vld [tilespmem:s12+$0x6400]  }
0x30e: {  	v43 =	vld [tilespmem:s29+$0x6400]  }
0x30f: {  	v27 =	vld [tilespmem:s21+$0x50]  }
0x310: {  	s30 =	sor.u32 $0x850, s22;
	v44 =	vld [tilespmem:s21+$0x450]  }
0x311: {  	s31 =	sor.u32 $0xC50, s22;
	v45 =	vld [tilespmem:s30+$0x6400]  }
0x312: {  	v46 =	vld [tilespmem:s31+$0x6400]  }
0x313: {  	v47 =	vld [tilespmem:s23+$0x50]  }
0x314: {  	v48 =	vld [tilespmem:s23+$0x450]  }
0x315: {  	v51 =	vld [tilespmem:s11+$0x50]  }
0x316: {  	s12 =	sor.u32 $0x850, s24;
	v52 =	vld [tilespmem:s11+$0x450];
	v23 =	vmul.f32 v23, v7  }
0x317: {  	s29 =	sor.u32 $0xC50, s24;
	v49 =	vld [tilespmem:s12+$0x6400];
	v24 =	vmul.f32 v24, v8;
	v25 =	vmul.f32 v42, v9  }
0x318: {  	s30 =	sor.u32 $0x850, s9;
	v50 =	vld [tilespmem:s29+$0x6400];
	v26 =	vmul.f32 v43, v10;
	v55 =	vmul.f32 v27, v11  }
0x319: {  	s31 =	sor.u32 $0xC50, s9;
	v53 =	vld [tilespmem:s30+$0x6400];
	v56 =	vmul.f32 v44, v12;
	v57 =	vmul.f32 v45, v13  }
0x31a: {  	v54 =	vld [tilespmem:s31+$0x6400];
	v58 =	vmul.f32 v46, v14;
	v59 =	vmul.f32 v47, v15  }
0x31b: {  	v60 =	vmul.f32 v48, v16;
	v63 =	vmul.f32 v51, v19  }
0x31c: {  	v36 =	vmul.f32 v52, v20;
	v61 =	vmul.f32 v49, v17  }
0x31d: {  	v62 =	vmul.f32 v50, v18;
	v23 =	vadd.f32 v24, v23;
	v25 =	vadd.f32 v26, v25  }
0x31e: {  	v39 =	vmul.f32 v53, v21;
	v24 =	vadd.f32 v56, v55;
	v26 =	vadd.f32 v58, v57  }
0x31f: {  	v40 =	vmul.f32 v54, v22;
	v27 =	vadd.f32 v60, v59;
	v28 =	vadd.f32 v62, v61  }
0x320: {  	v23 =	vadd.f32 v25, v23;
	v24 =	vadd.f32 v26, v24  }
0x321: {  	v25 =	vadd.f32 v36, v63;
	v26 =	vadd.f32 v40, v39  }
0x322: {  	v27 =	vadd.f32 v28, v27;
	[tilespmem:s6+$0xB450] =	vst v23  }
0x323: {  	v41 =	vadd.f32 v26, v25;
	[tilespmem:s6+$0xB4D0] =	vst v24  }
0x324: {  	[tilespmem:s6+$0xB550] =	vst v27  }
0x325: {  	[tilespmem:s6+$0xB5D0] =	vst v41  }
0x326: {  	v23 =	vld [tilespmem:s1+$0x60]  }
0x327: {  	s12 =	sor.u32 $0x860, s13;
	v24 =	vld [tilespmem:s1+$0x460]  }
0x328: {  	s29 =	sor.u32 $0xC60, s13;
	v42 =	vld [tilespmem:s12+$0x6400]  }
0x329: {  	v43 =	vld [tilespmem:s29+$0x6400]  }
0x32a: {  	v27 =	vld [tilespmem:s21+$0x60]  }
0x32b: {  	s30 =	sor.u32 $0x860, s22;
	v44 =	vld [tilespmem:s21+$0x460]  }
0x32c: {  	s31 =	sor.u32 $0xC60, s22;
	v45 =	vld [tilespmem:s30+$0x6400]  }
0x32d: {  	v46 =	vld [tilespmem:s31+$0x6400]  }
0x32e: {  	v47 =	vld [tilespmem:s23+$0x60]  }
0x32f: {  	v48 =	vld [tilespmem:s23+$0x460]  }
0x330: {  	v51 =	vld [tilespmem:s11+$0x60]  }
0x331: {  	s12 =	sor.u32 $0x860, s24;
	v52 =	vld [tilespmem:s11+$0x460];
	v23 =	vmul.f32 v23, v7  }
0x332: {  	s29 =	sor.u32 $0xC60, s24;
	v49 =	vld [tilespmem:s12+$0x6400];
	v24 =	vmul.f32 v24, v8;
	v25 =	vmul.f32 v42, v9  }
0x333: {  	s30 =	sor.u32 $0x860, s9;
	v50 =	vld [tilespmem:s29+$0x6400];
	v26 =	vmul.f32 v43, v10;
	v55 =	vmul.f32 v27, v11  }
0x334: {  	s31 =	sor.u32 $0xC60, s9;
	v53 =	vld [tilespmem:s30+$0x6400];
	v56 =	vmul.f32 v44, v12;
	v57 =	vmul.f32 v45, v13  }
0x335: {  	v54 =	vld [tilespmem:s31+$0x6400];
	v58 =	vmul.f32 v46, v14;
	v59 =	vmul.f32 v47, v15  }
0x336: {  	v60 =	vmul.f32 v48, v16;
	v63 =	vmul.f32 v51, v19  }
0x337: {  	v36 =	vmul.f32 v52, v20;
	v61 =	vmul.f32 v49, v17  }
0x338: {  	v62 =	vmul.f32 v50, v18;
	v23 =	vadd.f32 v24, v23;
	v25 =	vadd.f32 v26, v25  }
0x339: {  	v37 =	vmul.f32 v53, v21;
	v24 =	vadd.f32 v56, v55;
	v26 =	vadd.f32 v58, v57  }
0x33a: {  	v38 =	vmul.f32 v54, v22;
	v27 =	vadd.f32 v60, v59;
	v28 =	vadd.f32 v62, v61  }
0x33b: {  	v23 =	vadd.f32 v25, v23;
	v24 =	vadd.f32 v26, v24  }
0x33c: {  	v25 =	vadd.f32 v36, v63;
	v26 =	vadd.f32 v38, v37  }
0x33d: {  	v27 =	vadd.f32 v28, v27;
	[tilespmem:s6+$0xB460] =	vst v23  }
0x33e: {  	v39 =	vadd.f32 v26, v25;
	[tilespmem:s6+$0xB4E0] =	vst v24  }
0x33f: {  	[tilespmem:s6+$0xB560] =	vst v27  }
0x340: {  	[tilespmem:s6+$0xB5E0] =	vst v39  }
0x341: {  	v23 =	vld [tilespmem:s1+$0x70]  }
0x342: {  	s12 =	sor.u32 $0x870, s13;
	v24 =	vld [tilespmem:s1+$0x470]  }
0x343: {  	s13 =	sor.u32 $0xC70, s13;
	v40 =	vld [tilespmem:s12+$0x6400]  }
0x344: {  	v41 =	vld [tilespmem:s13+$0x6400]  }
0x345: {  	v27 =	vld [tilespmem:s21+$0x70]  }
0x346: {  	v42 =	vld [tilespmem:s21+$0x470]  }
0x347: {  	v45 =	vld [tilespmem:s23+$0x70]  }
0x348: {  	s29 =	sor.u32 $0xC70, s24;
	v46 =	vld [tilespmem:s23+$0x470]  }
0x349: {  	v48 =	vld [tilespmem:s29+$0x6400]  }
0x34a: {  	v49 =	vld [tilespmem:s11+$0x70]  }
0x34b: {  	s21 =	sor.u32 $0x870, s22;
	v50 =	vld [tilespmem:s11+$0x470]  }
0x34c: {  	s22 =	sor.u32 $0xC70, s22;
	v43 =	vld [tilespmem:s21+$0x6400]  }
0x34d: {  	s23 =	sor.u32 $0x870, s24;
	v44 =	vld [tilespmem:s22+$0x6400];
	v7 =	vmul.f32 v23, v7  }
0x34e: {  	v47 =	vld [tilespmem:s23+$0x6400];
	v8 =	vmul.f32 v24, v8;
	v9 =	vmul.f32 v40, v9  }
0x34f: {  	s30 =	sor.u32 $0x870, s9;
	v10 =	vmul.f32 v41, v10;
	v53 =	vmul.f32 v42, v12  }
0x350: {  	s31 =	sor.u32 $0xC70, s9;
	v51 =	vld [tilespmem:s30+$0x6400];
	v56 =	vmul.f32 v45, v15;
	v57 =	vmul.f32 v46, v16  }
0x351: {  	v52 =	vld [tilespmem:s31+$0x6400];
	v59 =	vmul.f32 v48, v18;
	v60 =	vmul.f32 v49, v19  }
0x352: {  	v61 =	vmul.f32 v50, v20;
	v54 =	vmul.f32 v43, v13  }
0x353: {  	v55 =	vmul.f32 v44, v14;
	v58 =	vmul.f32 v47, v17;
	v7 =	vadd.f32 v8, v7  }
0x354: {  	v8 =	vmul.f32 v27, v11;
	v9 =	vadd.f32 v10, v9;
	v11 =	vadd.f32 v57, v56  }
0x355: {  	v62 =	vmul.f32 v51, v21;
	v10 =	vadd.f32 v55, v54;
	v12 =	vadd.f32 v59, v58  }
0x356: {  	v63 =	vmul.f32 v52, v22;
	v8 =	vadd.f32 v53, v8;
	v7 =	vadd.f32 v9, v7  }
0x357: {  	p2 =	sne.s32 s18, $0x1800;
	v9 =	vadd.f32 v61, v60;
	v11 =	vadd.f32 v12, v11  }
.Ltmp7:
0x358: {  	v8 =	vadd.f32 v10, v8;
	v10 =	vadd.f32 v63, v62;
	(pc) =	sbr.rel @p2 .LBB2_14-.Ltmp7, $4  }
0x359: {  	[tilespmem:s6+$0xB470] =	vst v7  }
0x35a: {  	[tilespmem:s6+$0xB570] =	vst v11;
	v7 =	vadd.f32 v10, v9  }
0x35b: {  	s17 =	sadd.s32 $0x4, s17;
	s10 =	sadd.s32 $0x2, s10;
	s15 =	sadd.s32 $0x200, s15;
	[tilespmem:s6+$0xB4F0] =	vst v8  }
0x35c: {  	p1 =	por !p1, !p1;
	s19 =	sadd.s32 $0x4, s19;
	s18 =	sadd.s32 $0x800, s18;
	[tilespmem:s6+$0xB5F0] =	vst v7  }
0x35d: {  	s1 =	sor.u32 $0x1410, s0  }
0x35e: {  	s29 =	sor.u32 $0x1810, s0;
	v3 =	vld [tilespmem:s1+$0x0]  }
0x35f: {  	s30 =	sor.u32 $0x1C10, s0;
	v4 =	vld [tilespmem:s29+$0x0]  }
0x360: {  	s31 =	sor.u32 $0x2010, s0;
	s0 =	simm.s32 $0x0;
	v5 =	vld [tilespmem:s30+$0x0]  }
0x361: {  	s10 =	simm.s32 $0x3;
	s15 =	simm.s32 $0x0;
	s17 =	simm.s32 $0x0;
	v6 =	vld [tilespmem:s31+$0x0]  }
.LBB2_16:
0x362: {  	s19 =	sor.u32 $0x2000, s17  }
0x363: {  	s2 =	sand.u32 $0x200, s15;
	s1 =	sand.u32 $0x3000, s19  }
0x364: {  	s6 =	sadd.s32 $0x2200, s17;
	s9 =	sadd.s32 $0x880, s15;
	s13 =	sor.u32 s2, s1  }
0x365: {  	s6 =	sand.u32 $0x3000, s6;
	s9 =	sand.u32 $0x280, s9;
	v23 =	vld [tilespmem:s13+$0x6400]  }
0x366: {  	s6 =	sor.u32 s9, s6;
	v24 =	vld [tilespmem:s13+$0x6800]  }
0x367: {  	v27 =	vld [tilespmem:s6+$0x6400]  }
0x368: {  	s22 =	sadd.s32 $0x2400, s17;
	s23 =	sadd.s32 $0x900, s15;
	v22 =	vmov s10;
	v28 =	vld [tilespmem:s6+$0x6800]  }
0x369: {  	s11 =	sadd.s32 $0xFFFFFFFD, s10;
	s24 =	sand.u32 $0x3000, s22;
	s29 =	sand.u32 $0x300, s23;
	v19 =	vperm.xlane v3, v22;
	v20 =	vperm.xlane v4, v22;
	v29 =	vld [tilespmem:s6+$0x6C00]  }
0x36a: {  	v10 =	vmov s11;
	v21 =	vperm.xlane v5, v22;
	v22 =	vperm.xlane v6, v22;
	s9 =	sor.u32 s29, s24;
	v30 =	vld [tilespmem:s6+$0x7000]  }
0x36b: {  	s21 =	sadd.s32 $0xFFFFFFFE, s10;
	s12 =	sand.u32 $0x3, s0;
	v7 =	vperm.xlane v3, v10;
	v8 =	vperm.xlane v4, v10;
	v31 =	vld [tilespmem:s9+$0x6400]  }
0x36c: {  	s31 =	sadd.s32 $0xFFFFFFFF, s10;
	v14 =	vmov s21;
	s30 =	sshll.u32 s12, $0x8;
	s1 =	sor.u32 s2, s19;
	v9 =	vperm.xlane v5, v10;
	v10 =	vperm.xlane v6, v10;
	v32 =	vld [tilespmem:s9+$0x6800]  }
0x36d: {  	s12 =	sadd.s32 $0x2600, s17;
	v11 =	vperm.xlane v3, v14;
	v12 =	vperm.xlane v4, v14;
	s11 =	sadd.s32 s17, s30;
	s2 =	sor.u32 $0x800, s1;
	v33 =	vld [tilespmem:s9+$0x6C00]  }
0x36e: {  	v18 =	vmov s31;
	s21 =	sadd.s32 $0x980, s15;
	v13 =	vperm.xlane v5, v14;
	v14 =	vperm.xlane v6, v14;
	s18 =	sor.u32 $0xC00, s1;
	s11 =	sadd.s32 $0x2500, s11;
	v25 =	vld [tilespmem:s2+$0x6400]  }
0x36f: {  	v15 =	vperm.xlane v3, v18;
	v16 =	vperm.xlane v4, v18;
	v26 =	vld [tilespmem:s18+$0x6400];
	s18 =	sor.u32 $0xC00, s11;
	s2 =	sand.u32 $0x3000, s12;
	s12 =	sand.u32 $0x380, s21  }
0x370: {  	v17 =	vperm.xlane v5, v18;
	v18 =	vperm.xlane v6, v18;
	v34 =	vld [tilespmem:s18+$0x6400];
	s18 =	sor.u32 s12, s2  }
0x371: {  	v35 =	vld [tilespmem:s18+$0x6400];
	v23 =	vmul.f32 v23, v7;
	v24 =	vmul.f32 v24, v8  }
0x372: {  	v36 =	vld [tilespmem:s18+$0x6800];
	v55 =	vmul.f32 v27, v11;
	v56 =	vmul.f32 v28, v12  }
0x373: {  	v37 =	vld [tilespmem:s18+$0x6C00];
	v57 =	vmul.f32 v29, v13;
	v58 =	vmul.f32 v30, v14  }
0x374: {  	v38 =	vld [tilespmem:s18+$0x7000];
	v59 =	vmul.f32 v31, v15;
	v60 =	vmul.f32 v32, v16  }
0x375: {  	v25 =	vmul.f32 v25, v9;
	v26 =	vmul.f32 v26, v10  }
0x376: {  	v61 =	vmul.f32 v33, v17;
	v23 =	vadd.f32 v24, v23;
	v24 =	vadd.f32 v56, v55  }
0x377: {  	v62 =	vmul.f32 v34, v18;
	v27 =	vadd.f32 v60, v59;
	v25 =	vadd.f32 v26, v25  }
0x378: {  	v26 =	vadd.f32 v58, v57;
	v63 =	vmul.f32 v35, v19;
	v36 =	vmul.f32 v36, v20  }
0x379: {  	v39 =	vmul.f32 v37, v21;
	v40 =	vmul.f32 v38, v22;
	v28 =	vadd.f32 v62, v61  }
0x37a: {  	v23 =	vadd.f32 v25, v23;
	v24 =	vadd.f32 v26, v24  }
0x37b: {  	s21 =	sshra.s32 s19, $0x2;
	v25 =	vadd.f32 v36, v63;
	v26 =	vadd.f32 v40, v39  }
0x37c: {  	s19 =	sshra.s32 s17, $0x2;
	v27 =	vadd.f32 v28, v27;
	[tilespmem:s21+$0xB400] =	vst v23  }
0x37d: {  	v41 =	vadd.f32 v26, v25;
	[tilespmem:s19+$0xBC80] =	vst v24  }
0x37e: {  	[tilespmem:s19+$0xBD00] =	vst v27  }
0x37f: {  	[tilespmem:s19+$0xBD80] =	vst v41  }
0x380: {  	v23 =	vld [tilespmem:s13+$0x6410]  }
0x381: {  	s22 =	sor.u32 $0x810, s1;
	v24 =	vld [tilespmem:s13+$0x6810]  }
0x382: {  	s23 =	sor.u32 $0xC10, s1;
	v42 =	vld [tilespmem:s22+$0x6400]  }
0x383: {  	v43 =	vld [tilespmem:s23+$0x6400]  }
0x384: {  	v27 =	vld [tilespmem:s6+$0x6410]  }
0x385: {  	v44 =	vld [tilespmem:s6+$0x6810]  }
0x386: {  	v45 =	vld [tilespmem:s6+$0x6C10]  }
0x387: {  	v46 =	vld [tilespmem:s6+$0x7010]  }
0x388: {  	v47 =	vld [tilespmem:s9+$0x6410]  }
0x389: {  	v48 =	vld [tilespmem:s9+$0x6810]  }
0x38a: {  	s24 =	sor.u32 $0xC10, s11;
	v49 =	vld [tilespmem:s9+$0x6C10]  }
0x38b: {  	v50 =	vld [tilespmem:s24+$0x6400];
	v23 =	vmul.f32 v23, v7  }
0x38c: {  	v51 =	vld [tilespmem:s18+$0x6410];
	v24 =	vmul.f32 v24, v8;
	v25 =	vmul.f32 v42, v9  }
0x38d: {  	v52 =	vld [tilespmem:s18+$0x6810];
	v26 =	vmul.f32 v43, v10;
	v55 =	vmul.f32 v27, v11  }
0x38e: {  	v53 =	vld [tilespmem:s18+$0x6C10];
	v56 =	vmul.f32 v44, v12;
	v57 =	vmul.f32 v45, v13  }
0x38f: {  	v54 =	vld [tilespmem:s18+$0x7010];
	v58 =	vmul.f32 v46, v14;
	v59 =	vmul.f32 v47, v15  }
0x390: {  	v60 =	vmul.f32 v48, v16;
	v61 =	vmul.f32 v49, v17  }
0x391: {  	v62 =	vmul.f32 v50, v18;
	v63 =	vmul.f32 v51, v19  }
0x392: {  	v36 =	vmul.f32 v52, v20;
	v23 =	vadd.f32 v24, v23;
	v25 =	vadd.f32 v26, v25  }
0x393: {  	v39 =	vmul.f32 v53, v21;
	v24 =	vadd.f32 v56, v55;
	v26 =	vadd.f32 v58, v57  }
0x394: {  	v40 =	vmul.f32 v54, v22;
	v27 =	vadd.f32 v60, v59;
	v28 =	vadd.f32 v62, v61  }
0x395: {  	v23 =	vadd.f32 v25, v23;
	v24 =	vadd.f32 v26, v24  }
0x396: {  	v25 =	vadd.f32 v36, v63;
	v26 =	vadd.f32 v40, v39  }
0x397: {  	v27 =	vadd.f32 v28, v27;
	[tilespmem:s21+$0xB410] =	vst v23  }
0x398: {  	v41 =	vadd.f32 v26, v25;
	[tilespmem:s19+$0xBC90] =	vst v24  }
0x399: {  	[tilespmem:s19+$0xBD10] =	vst v27  }
0x39a: {  	[tilespmem:s19+$0xBD90] =	vst v41  }
0x39b: {  	v23 =	vld [tilespmem:s13+$0x6420]  }
0x39c: {  	s29 =	sor.u32 $0x820, s1;
	v24 =	vld [tilespmem:s13+$0x6820]  }
0x39d: {  	s30 =	sor.u32 $0xC20, s1;
	v42 =	vld [tilespmem:s29+$0x6400]  }
0x39e: {  	v43 =	vld [tilespmem:s30+$0x6400]  }
0x39f: {  	v27 =	vld [tilespmem:s6+$0x6420]  }
0x3a0: {  	v44 =	vld [tilespmem:s6+$0x6820]  }
0x3a1: {  	v45 =	vld [tilespmem:s6+$0x6C20]  }
0x3a2: {  	v46 =	vld [tilespmem:s6+$0x7020]  }
0x3a3: {  	v47 =	vld [tilespmem:s9+$0x6420]  }
0x3a4: {  	v48 =	vld [tilespmem:s9+$0x6820]  }
0x3a5: {  	s31 =	sor.u32 $0xC20, s11;
	v49 =	vld [tilespmem:s9+$0x6C20]  }
0x3a6: {  	v50 =	vld [tilespmem:s31+$0x6400];
	v23 =	vmul.f32 v23, v7  }
0x3a7: {  	v51 =	vld [tilespmem:s18+$0x6420];
	v24 =	vmul.f32 v24, v8;
	v25 =	vmul.f32 v42, v9  }
0x3a8: {  	v52 =	vld [tilespmem:s18+$0x6820];
	v26 =	vmul.f32 v43, v10;
	v55 =	vmul.f32 v27, v11  }
0x3a9: {  	v53 =	vld [tilespmem:s18+$0x6C20];
	v56 =	vmul.f32 v44, v12;
	v57 =	vmul.f32 v45, v13  }
0x3aa: {  	v54 =	vld [tilespmem:s18+$0x7020];
	v58 =	vmul.f32 v46, v14;
	v59 =	vmul.f32 v47, v15  }
0x3ab: {  	v60 =	vmul.f32 v48, v16;
	v61 =	vmul.f32 v49, v17  }
0x3ac: {  	v62 =	vmul.f32 v50, v18;
	v63 =	vmul.f32 v51, v19  }
0x3ad: {  	v36 =	vmul.f32 v52, v20;
	v23 =	vadd.f32 v24, v23;
	v25 =	vadd.f32 v26, v25  }
0x3ae: {  	v39 =	vmul.f32 v53, v21;
	v24 =	vadd.f32 v56, v55;
	v26 =	vadd.f32 v58, v57  }
0x3af: {  	v40 =	vmul.f32 v54, v22;
	v27 =	vadd.f32 v60, v59;
	v28 =	vadd.f32 v62, v61  }
0x3b0: {  	v23 =	vadd.f32 v25, v23;
	v24 =	vadd.f32 v26, v24  }
0x3b1: {  	v25 =	vadd.f32 v36, v63;
	v26 =	vadd.f32 v40, v39  }
0x3b2: {  	v27 =	vadd.f32 v28, v27;
	[tilespmem:s21+$0xB420] =	vst v23  }
0x3b3: {  	v41 =	vadd.f32 v26, v25;
	[tilespmem:s19+$0xBCA0] =	vst v24  }
0x3b4: {  	[tilespmem:s19+$0xBD20] =	vst v27  }
0x3b5: {  	[tilespmem:s19+$0xBDA0] =	vst v41  }
0x3b6: {  	v23 =	vld [tilespmem:s13+$0x6430]  }
0x3b7: {  	s12 =	sor.u32 $0x830, s1;
	v24 =	vld [tilespmem:s13+$0x6830]  }
0x3b8: {  	s22 =	sor.u32 $0xC30, s1;
	v42 =	vld [tilespmem:s12+$0x6400]  }
0x3b9: {  	v43 =	vld [tilespmem:s22+$0x6400]  }
0x3ba: {  	v27 =	vld [tilespmem:s6+$0x6430]  }
0x3bb: {  	v44 =	vld [tilespmem:s6+$0x6830]  }
0x3bc: {  	v45 =	vld [tilespmem:s6+$0x6C30]  }
0x3bd: {  	v46 =	vld [tilespmem:s6+$0x7030]  }
0x3be: {  	v47 =	vld [tilespmem:s9+$0x6430]  }
0x3bf: {  	v48 =	vld [tilespmem:s9+$0x6830]  }
0x3c0: {  	s23 =	sor.u32 $0xC30, s11;
	v49 =	vld [tilespmem:s9+$0x6C30]  }
0x3c1: {  	v50 =	vld [tilespmem:s23+$0x6400];
	v23 =	vmul.f32 v23, v7  }
0x3c2: {  	v51 =	vld [tilespmem:s18+$0x6430];
	v24 =	vmul.f32 v24, v8;
	v25 =	vmul.f32 v42, v9  }
0x3c3: {  	v52 =	vld [tilespmem:s18+$0x6830];
	v26 =	vmul.f32 v43, v10;
	v55 =	vmul.f32 v27, v11  }
0x3c4: {  	v53 =	vld [tilespmem:s18+$0x6C30];
	v56 =	vmul.f32 v44, v12;
	v57 =	vmul.f32 v45, v13  }
0x3c5: {  	v54 =	vld [tilespmem:s18+$0x7030];
	v58 =	vmul.f32 v46, v14;
	v59 =	vmul.f32 v47, v15  }
0x3c6: {  	v60 =	vmul.f32 v48, v16;
	v61 =	vmul.f32 v49, v17  }
0x3c7: {  	v62 =	vmul.f32 v50, v18;
	v63 =	vmul.f32 v51, v19  }
0x3c8: {  	v36 =	vmul.f32 v52, v20;
	v23 =	vadd.f32 v24, v23;
	v25 =	vadd.f32 v26, v25  }
0x3c9: {  	v39 =	vmul.f32 v53, v21;
	v24 =	vadd.f32 v56, v55;
	v26 =	vadd.f32 v58, v57  }
0x3ca: {  	v40 =	vmul.f32 v54, v22;
	v27 =	vadd.f32 v60, v59;
	v28 =	vadd.f32 v62, v61  }
0x3cb: {  	v23 =	vadd.f32 v25, v23;
	v24 =	vadd.f32 v26, v24  }
0x3cc: {  	v25 =	vadd.f32 v36, v63;
	v26 =	vadd.f32 v40, v39  }
0x3cd: {  	v27 =	vadd.f32 v28, v27;
	[tilespmem:s21+$0xB430] =	vst v23  }
0x3ce: {  	v41 =	vadd.f32 v26, v25;
	[tilespmem:s19+$0xBCB0] =	vst v24  }
0x3cf: {  	[tilespmem:s19+$0xBD30] =	vst v27  }
0x3d0: {  	[tilespmem:s19+$0xBDB0] =	vst v41  }
0x3d1: {  	v23 =	vld [tilespmem:s13+$0x6440]  }
0x3d2: {  	s24 =	sor.u32 $0x840, s1;
	v24 =	vld [tilespmem:s13+$0x6840]  }
0x3d3: {  	s29 =	sor.u32 $0xC40, s1;
	v42 =	vld [tilespmem:s24+$0x6400]  }
0x3d4: {  	v43 =	vld [tilespmem:s29+$0x6400]  }
0x3d5: {  	v27 =	vld [tilespmem:s6+$0x6440]  }
0x3d6: {  	v44 =	vld [tilespmem:s6+$0x6840]  }
0x3d7: {  	v45 =	vld [tilespmem:s6+$0x6C40]  }
0x3d8: {  	v46 =	vld [tilespmem:s6+$0x7040]  }
0x3d9: {  	v47 =	vld [tilespmem:s9+$0x6440]  }
0x3da: {  	v48 =	vld [tilespmem:s9+$0x6840]  }
0x3db: {  	s30 =	sor.u32 $0xC40, s11;
	v49 =	vld [tilespmem:s9+$0x6C40]  }
0x3dc: {  	v50 =	vld [tilespmem:s30+$0x6400];
	v23 =	vmul.f32 v23, v7  }
0x3dd: {  	v51 =	vld [tilespmem:s18+$0x6440];
	v24 =	vmul.f32 v24, v8;
	v25 =	vmul.f32 v42, v9  }
0x3de: {  	v52 =	vld [tilespmem:s18+$0x6840];
	v26 =	vmul.f32 v43, v10;
	v55 =	vmul.f32 v27, v11  }
0x3df: {  	v53 =	vld [tilespmem:s18+$0x6C40];
	v56 =	vmul.f32 v44, v12;
	v57 =	vmul.f32 v45, v13  }
0x3e0: {  	v54 =	vld [tilespmem:s18+$0x7040];
	v58 =	vmul.f32 v46, v14;
	v59 =	vmul.f32 v47, v15  }
0x3e1: {  	v60 =	vmul.f32 v48, v16;
	v61 =	vmul.f32 v49, v17  }
0x3e2: {  	v62 =	vmul.f32 v50, v18;
	v63 =	vmul.f32 v51, v19  }
0x3e3: {  	v36 =	vmul.f32 v52, v20;
	v23 =	vadd.f32 v24, v23;
	v25 =	vadd.f32 v26, v25  }
0x3e4: {  	v39 =	vmul.f32 v53, v21;
	v24 =	vadd.f32 v56, v55;
	v26 =	vadd.f32 v58, v57  }
0x3e5: {  	v40 =	vmul.f32 v54, v22;
	v27 =	vadd.f32 v60, v59;
	v28 =	vadd.f32 v62, v61  }
0x3e6: {  	v23 =	vadd.f32 v25, v23;
	v24 =	vadd.f32 v26, v24  }
0x3e7: {  	v25 =	vadd.f32 v36, v63;
	v26 =	vadd.f32 v40, v39  }
0x3e8: {  	v27 =	vadd.f32 v28, v27;
	[tilespmem:s21+$0xB440] =	vst v23  }
0x3e9: {  	v41 =	vadd.f32 v26, v25;
	[tilespmem:s19+$0xBCC0] =	vst v24  }
0x3ea: {  	[tilespmem:s19+$0xBD40] =	vst v27  }
0x3eb: {  	[tilespmem:s19+$0xBDC0] =	vst v41  }
0x3ec: {  	v23 =	vld [tilespmem:s13+$0x6450]  }
0x3ed: {  	s31 =	sor.u32 $0x850, s1;
	v24 =	vld [tilespmem:s13+$0x6850]  }
0x3ee: {  	s12 =	sor.u32 $0xC50, s1;
	v42 =	vld [tilespmem:s31+$0x6400]  }
0x3ef: {  	v43 =	vld [tilespmem:s12+$0x6400]  }
0x3f0: {  	v27 =	vld [tilespmem:s6+$0x6450]  }
0x3f1: {  	v44 =	vld [tilespmem:s6+$0x6850]  }
0x3f2: {  	v45 =	vld [tilespmem:s6+$0x6C50]  }
0x3f3: {  	v46 =	vld [tilespmem:s6+$0x7050]  }
0x3f4: {  	v47 =	vld [tilespmem:s9+$0x6450]  }
0x3f5: {  	v48 =	vld [tilespmem:s9+$0x6850]  }
0x3f6: {  	s22 =	sor.u32 $0xC50, s11;
	v49 =	vld [tilespmem:s9+$0x6C50]  }
0x3f7: {  	v50 =	vld [tilespmem:s22+$0x6400];
	v23 =	vmul.f32 v23, v7  }
0x3f8: {  	v51 =	vld [tilespmem:s18+$0x6450];
	v24 =	vmul.f32 v24, v8;
	v25 =	vmul.f32 v42, v9  }
0x3f9: {  	v52 =	vld [tilespmem:s18+$0x6850];
	v26 =	vmul.f32 v43, v10;
	v55 =	vmul.f32 v27, v11  }
0x3fa: {  	v53 =	vld [tilespmem:s18+$0x6C50];
	v56 =	vmul.f32 v44, v12;
	v57 =	vmul.f32 v45, v13  }
0x3fb: {  	v54 =	vld [tilespmem:s18+$0x7050];
	v58 =	vmul.f32 v46, v14;
	v59 =	vmul.f32 v47, v15  }
0x3fc: {  	v60 =	vmul.f32 v48, v16;
	v61 =	vmul.f32 v49, v17  }
0x3fd: {  	v62 =	vmul.f32 v50, v18;
	v63 =	vmul.f32 v51, v19  }
0x3fe: {  	v36 =	vmul.f32 v52, v20;
	v23 =	vadd.f32 v24, v23;
	v25 =	vadd.f32 v26, v25  }
0x3ff: {  	v39 =	vmul.f32 v53, v21;
	v24 =	vadd.f32 v56, v55;
	v26 =	vadd.f32 v58, v57  }
0x400: {  	v40 =	vmul.f32 v54, v22;
	v27 =	vadd.f32 v60, v59;
	v28 =	vadd.f32 v62, v61  }
0x401: {  	v23 =	vadd.f32 v25, v23;
	v24 =	vadd.f32 v26, v24  }
0x402: {  	v25 =	vadd.f32 v36, v63;
	v26 =	vadd.f32 v40, v39  }
0x403: {  	v27 =	vadd.f32 v28, v27;
	[tilespmem:s21+$0xB450] =	vst v23  }
0x404: {  	v41 =	vadd.f32 v26, v25;
	[tilespmem:s19+$0xBCD0] =	vst v24  }
0x405: {  	[tilespmem:s19+$0xBD50] =	vst v27  }
0x406: {  	[tilespmem:s19+$0xBDD0] =	vst v41  }
0x407: {  	v23 =	vld [tilespmem:s13+$0x6460]  }
0x408: {  	s23 =	sor.u32 $0x860, s1;
	v24 =	vld [tilespmem:s13+$0x6860]  }
0x409: {  	s24 =	sor.u32 $0xC60, s1;
	v42 =	vld [tilespmem:s23+$0x6400]  }
0x40a: {  	v43 =	vld [tilespmem:s24+$0x6400]  }
0x40b: {  	v27 =	vld [tilespmem:s6+$0x6460]  }
0x40c: {  	v44 =	vld [tilespmem:s6+$0x6860]  }
0x40d: {  	v45 =	vld [tilespmem:s6+$0x6C60]  }
0x40e: {  	v46 =	vld [tilespmem:s6+$0x7060]  }
0x40f: {  	v47 =	vld [tilespmem:s9+$0x6460]  }
0x410: {  	v48 =	vld [tilespmem:s9+$0x6860]  }
0x411: {  	s29 =	sor.u32 $0xC60, s11;
	v49 =	vld [tilespmem:s9+$0x6C60]  }
0x412: {  	v50 =	vld [tilespmem:s29+$0x6400];
	v23 =	vmul.f32 v23, v7  }
0x413: {  	v51 =	vld [tilespmem:s18+$0x6460];
	v24 =	vmul.f32 v24, v8;
	v25 =	vmul.f32 v42, v9  }
0x414: {  	v52 =	vld [tilespmem:s18+$0x6860];
	v26 =	vmul.f32 v43, v10;
	v55 =	vmul.f32 v27, v11  }
0x415: {  	v53 =	vld [tilespmem:s18+$0x6C60];
	v56 =	vmul.f32 v44, v12;
	v57 =	vmul.f32 v45, v13  }
0x416: {  	v54 =	vld [tilespmem:s18+$0x7060];
	v58 =	vmul.f32 v46, v14;
	v59 =	vmul.f32 v47, v15  }
0x417: {  	v60 =	vmul.f32 v48, v16;
	v61 =	vmul.f32 v49, v17  }
0x418: {  	v62 =	vmul.f32 v50, v18;
	v63 =	vmul.f32 v51, v19  }
0x419: {  	v36 =	vmul.f32 v52, v20;
	v23 =	vadd.f32 v24, v23;
	v25 =	vadd.f32 v26, v25  }
0x41a: {  	v37 =	vmul.f32 v53, v21;
	v24 =	vadd.f32 v56, v55;
	v26 =	vadd.f32 v58, v57  }
0x41b: {  	v38 =	vmul.f32 v54, v22;
	v27 =	vadd.f32 v60, v59;
	v28 =	vadd.f32 v62, v61  }
0x41c: {  	v23 =	vadd.f32 v25, v23;
	v24 =	vadd.f32 v26, v24  }
0x41d: {  	v25 =	vadd.f32 v36, v63;
	v26 =	vadd.f32 v38, v37  }
0x41e: {  	v27 =	vadd.f32 v28, v27;
	[tilespmem:s21+$0xB460] =	vst v23  }
0x41f: {  	v39 =	vadd.f32 v26, v25;
	[tilespmem:s19+$0xBCE0] =	vst v24  }
0x420: {  	[tilespmem:s19+$0xBD60] =	vst v27  }
0x421: {  	[tilespmem:s19+$0xBDE0] =	vst v39  }
0x422: {  	v23 =	vld [tilespmem:s13+$0x6470]  }
0x423: {  	s30 =	sor.u32 $0x870, s1;
	v24 =	vld [tilespmem:s13+$0x6870]  }
0x424: {  	s1 =	sor.u32 $0xC70, s1;
	v40 =	vld [tilespmem:s30+$0x6400]  }
0x425: {  	v41 =	vld [tilespmem:s1+$0x6400]  }
0x426: {  	v42 =	vld [tilespmem:s6+$0x6870]  }
0x427: {  	v43 =	vld [tilespmem:s6+$0x6C70]  }
0x428: {  	v44 =	vld [tilespmem:s6+$0x7070]  }
0x429: {  	v45 =	vld [tilespmem:s9+$0x6470]  }
0x42a: {  	v46 =	vld [tilespmem:s9+$0x6870]  }
0x42b: {  	s31 =	sor.u32 $0xC70, s11;
	v47 =	vld [tilespmem:s9+$0x6C70]  }
0x42c: {  	v48 =	vld [tilespmem:s31+$0x6400]  }
0x42d: {  	v49 =	vld [tilespmem:s18+$0x6470];
	v7 =	vmul.f32 v23, v7  }
0x42e: {  	v50 =	vld [tilespmem:s18+$0x6870];
	v8 =	vmul.f32 v24, v8;
	v9 =	vmul.f32 v40, v9  }
0x42f: {  	v27 =	vld [tilespmem:s6+$0x6470];
	v10 =	vmul.f32 v41, v10;
	v53 =	vmul.f32 v42, v12  }
0x430: {  	v51 =	vld [tilespmem:s18+$0x6C70];
	v54 =	vmul.f32 v43, v13;
	v55 =	vmul.f32 v44, v14  }
0x431: {  	v52 =	vld [tilespmem:s18+$0x7070];
	v56 =	vmul.f32 v45, v15;
	v57 =	vmul.f32 v46, v16  }
0x432: {  	v58 =	vmul.f32 v47, v17;
	v59 =	vmul.f32 v48, v18  }
0x433: {  	v60 =	vmul.f32 v49, v19;
	v61 =	vmul.f32 v50, v20;
	v7 =	vadd.f32 v8, v7  }
0x434: {  	v8 =	vmul.f32 v27, v11;
	v9 =	vadd.f32 v10, v9;
	v10 =	vadd.f32 v55, v54  }
0x435: {  	v62 =	vmul.f32 v51, v21;
	v11 =	vadd.f32 v57, v56;
	v12 =	vadd.f32 v59, v58  }
0x436: {  	v63 =	vmul.f32 v52, v22;
	v8 =	vadd.f32 v53, v8;
	v7 =	vadd.f32 v9, v7  }
0x437: {  	p1 =	sne.s32 s17, $0x1800;
	v9 =	vadd.f32 v61, v60;
	v11 =	vadd.f32 v12, v11  }
.Ltmp8:
0x438: {  	v8 =	vadd.f32 v10, v8;
	v10 =	vadd.f32 v63, v62;
	(pc) =	sbr.rel @p1 .LBB2_16-.Ltmp8, $4  }
0x439: {  	[tilespmem:s21+$0xB470] =	vst v7  }
0x43a: {  	[tilespmem:s19+$0xBD70] =	vst v11;
	v7 =	vadd.f32 v10, v9  }
0x43b: {  	s0 =	sadd.s32 $0x2, s0;
	[tilespmem:s19+$0xBCF0] =	vst v8  }
0x43c: {  	s10 =	sadd.s32 $0x4, s10;
	s15 =	sadd.s32 $0x200, s15;
	s17 =	sadd.s32 $0x800, s17;
	[tilespmem:s19+$0xBDF0] =	vst v7  }
0x43d: {  	s26 =	sadd.s32 $0x1, s26  }
0x43e: {  	p1 =	sne.s32 s26, $0x10  }
.Ltmp9:
0x43f: {  	_ = 	snop;
	(pc) =	sbr.rel @p1 .LBB2_5-.Ltmp9, $4  }
0x440: {  	s0 =	sshll.u32 s28, $0x7  }
0x441: {  	s0 =	sand.u32 $0x3FFFFF80, s0  }
0x442: {  	s1 =	rddreg [dreg:$0x2];
	s2 =	simm.s32 $0xB400;
	s0 =	sadd.s32 $0x400, s0  }
0x443: {  	[spmem:s1] =	stream.indirect.scatter.add.f32 [tilespmem:s2], [sflag:$0x4], $0x80, s0, s5, $0xb8;
	[tilespmem:$0x1FC80] =	vst v63  }
0x444: {  	s1 =	rddreg [dreg:$0x12]  }
0x445: {  	s1 =	sadd.s32 $0x1, s1  }
0x446: {  	p1 =	sne.s32 s1, $0xA  }
.Ltmp10:
0x447: {  	_ = 	snop;
	(pc) =	sbr.rel @p1 .LBB2_4-.Ltmp10, $1  }
0x448: {  	_ =	sdelay $0x3  }
0x449: {  	s0 =	simm.s32 $0x3  }
0x44a: {  	_ =	swait.ge [sflag:s0], $0x1000  }
0x44b: {  	[sflag:s0] =	ssyncset.done $0x0  }
0x44c: {  	[sflag:s0] =	ssyncadd.s32 $0xFFFFF000  }
0x44d: {  	_ =	swait.ge [sflag:s8], $0x1000  }
0x44e: {  	[sflag:s8] =	ssyncset.done $0x0  }
0x44f: {  	[sflag:s8] =	ssyncadd.s32 $0xFFFFF000  }
0x450: {  	s1 =	rddreg [dreg:$0xf];
	[bflag:$0x0] =	sbarrier.arrive $0xFFFF  }
0x451: {  	s31 =	sshrl.u32 s1, $0x3;
	s11 =	rddreg [dreg:$0xa]  }
.Ltmp11:
0x452: {  	s2 =	rddreg [dreg:$0x11];
	s0 =	sadd.s32 s11, s31;
	(pc) =	sbr.rel @!p0 .LBB2_21-.Ltmp11, $4  }
0x453: {  	[hbm:s0], [sflag:s14] =	dma.local [spmem:s2], $0x280  }
0x454: {  	s12 =	rddreg [dreg:$0xb];
	_ =	swait.ge [sflag:s20], $0x280  }
0x455: {  	s13 =	rddreg [dreg:$0xe]  }
0x456: {  	s1 =	sadd.s32 $0x1400, s1;
	s0 =	sadd.s32 $0xFFFFFFFF, s12;
	s6 =	smov.u32 s13  }
.LBB2_20:
0x457: {  	s2 =	sshrl.u32 s1, $0x3;
	[sflag:s20] =	ssyncset.done $0x0  }
0x458: {  	s6 =	sadd.s32 $0x1400, s6;
	p0 =	sne.s32 s0, $0x1;
	s2 =	sadd.s32 s11, s2  }
.Ltmp12:
0x459: {  	s9 =	sshrl.u32 s6, $0x3;
	[sflag:s20] =	ssyncadd.s32 $0xFFFFFD80;
	(pc) =	sbr.rel @p0 .LBB2_20-.Ltmp12, $3  }
0x45a: {  	[hbm:s2], [sflag:s14] =	dma.local [spmem:s9], $0x280  }
0x45b: {  	s0 =	sadd.s32 $0xFFFFFFFF, s0;
	_ =	sdelay $0x1  }
0x45c: {  	s1 =	sadd.s32 $0x1400, s1;
	_ =	swait.ge [sflag:s20], $0x280  }
.LBB2_21:
0x45d: {  	s1 =	rddreg [dreg:$0x10]  }
0x45e: {  	s0 =	rddreg [dreg:$0xd];
	s1 =	sadd.s32 $0x1, s1  }
0x45f: {  	p0 =	sne.s32 s1, s0  }
.Ltmp13:
0x460: {  	_ = 	snop;
	(pc) =	sbr.rel @p0 .LBB2_1-.Ltmp13, $3  }
0x461: {  	_ =	sdelay $0x1  }
0x462: {  	[sflag:s20] =	ssyncset.done $0x0  }
0x463: {  	s10 =	rddreg [dreg:$0x9];
	[sflag:s20] =	ssyncadd.s32 $0xFFFFFD80  }
0x464: {  	_ =	sfence.sel $0x180000  }
0x465: {  	[bflag:$0x0] =	sbarrier.arrive $0xFFFF  }
0x466: {  	_ =	strace $0x90000047  }
0x467: {  	s0 =	stileid.u32;
	[bflag:$0x2] =	sbarrier.arrive $0xFFFF  }
0x468: {  	p0 =	sne.s32 s0, $0x0;
	s0 =	rddreg [dreg:$0x3]  }
0x469: {  	s0 =	sadd.s32 @!p0 $0x100000, s0  }
0x46a: {  	[sflag:s0] =	ssyncadd.tile.s32 @!p0 $0x1;
	_ =	shalt  }
.Lfunc_end2:
_tile_overlayer_lowered:
.L_overlay_start_2:
0x46b: {  	(tag) =	ssettag $0x2  }
0x46c: {  	s0 =	rddreg [dreg:$0x0];
	s2 =	stileid.u32  }
0x46d: {  	s1 =	rddreg [dreg:$0x1];
	p0 =	sne.s32 s2, $0x0  }
0x46e: {  	s3 =	rddreg [dreg:$0x2];
	[bflag:$0x3] =	sbarrier.arrive $0xFFFF;
	s2 =	simm.s32 @!p0 $0x1C05  }
0x46f: {  	[timem:s3], [sflag:s2] =	dma.local @!p0 [hbm:s0], s1  }
0x470: {  	s0 =	simm.s32 @!p0 $0x5  }
0x471: {  	_ =	swait.ge @!p0 [sflag:s0], s1  }
0x472: {  	s1 =	ssub.s32 @!p0 $0x0, s1;
	[sflag:s0] =	ssyncset.done @!p0 $0x0  }
0x473: {  	[sflag:s0] =	ssyncadd.s32 @!p0 s1  }
0x474: {  	[bflag:$0x3] =	sbarrier.arrive $0xFFFF  }
0x475: {  	_ =	shalt  }

</sc_bundles>
